<compile_context>
chip_gen: v7x
topology: tpu7x:2x2x1
jax: 0.10.2.dev20260603
libtpu: 0.0.44.dev20260713+nightly
codegen_flags: <defaults>
</compile_context>

<pallas_src>
import jax
import jax.numpy as jnp
from jax import lax
from jax.experimental import pallas as pl
from jax.experimental.pallas import tpu as pltpu
from jax.experimental.pallas import tpu_sc as plsc

N_NODES = 50000
D = 64
E = 800000
CH = 512
GRP = 1024
NW = 32
E_PAD = 819200
E_PAD2 = E_PAD // 2
W_GRPS = E_PAD // NW // GRP
T_GRPS = E_PAD // 16 // GRP
N_HALF = 25000
HALF_PAD = 25088
ROWS_PER_TILE = HALF_PAD // 16
NP_OUT = 2 * HALF_PAD
CNT_ROWS = 2 * HALF_PAD
IDX_ROWS = E_PAD // NW // 128
HB = 128


def _zero16():
    return jnp.zeros((16,), jnp.float32)


def _pq_body(f_ref, p_ref, w1a, w1b, w1c, b1, P_ref, Q_ref):
    f = f_ref[...]
    pc = jnp.dot(p_ref[...], w1c[...], preferred_element_type=jnp.float32)
    P_ref[...] = jnp.dot(f, w1a[...], preferred_element_type=jnp.float32) + pc + b1[...]
    Q_ref[...] = jnp.dot(f, w1b[...], preferred_element_type=jnp.float32) - pc


def _gather_body(p_hbm, q_hbm, src_hbm, dst_hbm, e_hbm,
                 idxs, idxd, buf1, buf2, sem):
    c = lax.axis_index("c")
    s = lax.axis_index("s")
    w = s * 2 + c
    wbase = w * (E_PAD // NW)
    rbase = pl.multiple_of(w * IDX_ROWS, 8)
    pltpu.sync_copy(src_hbm.at[pl.ds(rbase, IDX_ROWS)], idxs)
    pltpu.sync_copy(dst_hbm.at[pl.ds(rbase, IDX_ROWS)], idxd)

    def half(hf, _):
        e0 = pl.multiple_of(wbase + hf * CH, 512)
        r0 = hf * 4
        cps = []
        for j in range(4):
            cps.append(pltpu.async_copy(
                p_hbm.at[idxs.at[r0 + j]], buf1.at[pl.ds(j * 128, 128)], sem))
            cps.append(pltpu.async_copy(
                q_hbm.at[idxd.at[r0 + j]], buf2.at[pl.ds(j * 128, 128)], sem))
        for cp in cps:
            cp.wait()

        def rowop(j, _):
            for k in range(4):
                sl = pl.ds(k * 16, 16)
                buf1[j, sl] = jnp.maximum(buf1[j, sl] + buf2[j, sl], 0.0)
            return 0
        lax.fori_loop(0, CH, rowop, 0)
        pltpu.sync_copy(buf1, e_hbm.at[pl.ds(e0, CH)])
        return 0

    lax.fori_loop(0, 2 * W_GRPS, half, 0)


def _edge_mlp_body(e_ref, w2, b2, h_ref):
    h = jnp.dot(e_ref[...], w2[...], preferred_element_type=jnp.float32) + b2[...]
    h_ref[...] = jnp.maximum(h, 0.0)


def _segsum_body(h_hbm, dst_hbm, ones_hbm, zeros_hbm, sums_hbm, cnt_hbm,
                 hbuf, dstb, locb, onesv, shs, shc, sem):
    c = lax.axis_index("c")
    s = lax.axis_index("s")
    nbase = c * N_HALF

    pltpu.sync_copy(ones_hbm, onesv)

    def z_h(r, _):
        for k in range(4):
            hbuf[r, pl.ds(k * 16, 16)] = _zero16()
        return 0
    lax.fori_loop(0, HB, z_h, 0)

    rb = pl.multiple_of(s * ROWS_PER_TILE, 32)
    for t in range(12):
        pltpu.sync_copy(hbuf, shs.at[pl.ds(rb + t * HB, HB)])
        pltpu.sync_copy(zeros_hbm, shc.at[pl.ds(rb + t * HB, HB)])
    pltpu.sync_copy(hbuf.at[pl.ds(0, 32)], shs.at[pl.ds(rb + 1536, 32)])
    pltpu.sync_copy(zeros_hbm.at[pl.ds(0, 32)], shc.at[pl.ds(rb + 1536, 32)])
    plsc.subcore_barrier()

    tbase = s * (E_PAD // 16)

    def group(i, _):
        e0 = pl.multiple_of(tbase + i * GRP, 512)
        r0 = pl.multiple_of(tbase // 128 + i * 8, 8)
        pltpu.sync_copy(dst_hbm.at[pl.ds(r0, 8)], dstb)
        for j in range(8):
            for k in range(8):
                v = dstb[j, pl.ds(k * 16, 16)] - nbase
                inr = (v >= 0) & (v < N_HALF)
                locb[j, pl.ds(k * 16, 16)] = jnp.where(inr, v, N_HALF)
        for j in range(8):
            pltpu.sync_copy(h_hbm.at[pl.ds(e0 + j * HB, HB)], hbuf)
            pltpu.sync_copy(hbuf, shs.at[locb.at[j]], add=True)
            pltpu.sync_copy(onesv, shc.at[locb.at[j]], add=True)
        return 0

    lax.fori_loop(0, T_GRPS, group, 0)
    plsc.subcore_barrier()

    ob = pl.multiple_of(c * HALF_PAD + rb, 32)
    for t in range(12):
        pltpu.sync_copy(shs.at[pl.ds(rb + t * HB, HB)],
                        sums_hbm.at[pl.ds(ob + t * HB, HB)])
    pltpu.sync_copy(shs.at[pl.ds(rb + 1536, 32)],
                    sums_hbm.at[pl.ds(ob + 1536, 32)])

    @pl.when(s == 0)
    def _():
        cb = pl.multiple_of(c * HALF_PAD, 32)
        pltpu.sync_copy(shc, cnt_hbm.at[pl.ds(cb, HALF_PAD)])


def _out_body(sums_ref, cnt_ref, f_ref, w3, b3, w4, b4, o_ref):
    sc = sums_ref[...]
    cnt = cnt_ref[...]
    cl = jnp.maximum(cnt[:, 0:1], 1.0)
    cr = jnp.maximum(cnt[:, 8:9], 1.0)
    div = jnp.concatenate([jnp.broadcast_to(cl, (cl.shape[0], D)),
                           jnp.broadcast_to(cr, (cr.shape[0], D))], axis=-1)
    agg = sc / div
    u = jnp.maximum(jnp.dot(agg, w3[...], preferred_element_type=jnp.float32) + b3[...], 0.0)
    u = jnp.maximum(jnp.dot(u, w4[...], preferred_element_type=jnp.float32) + b4[...], 0.0)
    o_ref[...] = u + f_ref[...]


def _bdiag(w):
    z = jnp.zeros_like(w)
    return jnp.concatenate([jnp.concatenate([w, z], axis=1),
                            jnp.concatenate([z, w], axis=1)], axis=0)


def kernel(features, points, l0_edges, W1, b1, W2, b2, W3, b3, W4, b4):
    src = l0_edges[:, 0].astype(jnp.int32)
    dst = l0_edges[:, 1].astype(jnp.int32)
    src_p = jnp.concatenate([src, jnp.zeros((E_PAD + GRP - E,), jnp.int32)])
    dst_p = jnp.concatenate([dst, jnp.full((E_PAD + GRP - E,), N_NODES, jnp.int32)])
    src2d = src_p.reshape((E_PAD + GRP) // 128, 128)
    dst2d = dst_p.reshape((E_PAD + GRP) // 128, 128)

    feat128 = features.reshape(N_NODES // 2, 2 * D)
    pts64 = jnp.pad(points, ((0, 0), (0, D - points.shape[1])))
    pts128 = pts64.reshape(N_NODES // 2, 2 * D)
    w1a = _bdiag(W1[:D])
    w1b = _bdiag(W1[D:2 * D])
    w1c = _bdiag(jnp.pad(W1[2 * D:], ((0, D - (W1.shape[0] - 2 * D)), (0, 0))))
    w2d = _bdiag(W2)
    w3d = _bdiag(W3)
    w4d = _bdiag(W4)
    b1p = jnp.concatenate([b1, b1]).reshape(1, 2 * D)
    b2p = jnp.concatenate([b2, b2]).reshape(1, 2 * D)
    b3p = jnp.concatenate([b3, b3]).reshape(1, 2 * D)
    b4p = jnp.concatenate([b4, b4]).reshape(1, 2 * D)

    NB = 1000
    const = pl.BlockSpec((2 * D, 2 * D), lambda i: (0, 0))
    bias = pl.BlockSpec((1, 2 * D), lambda i: (0, 0))
    row = pl.BlockSpec((NB, 2 * D), lambda i: (i, 0))

    P2, Q2 = pl.pallas_call(
        _pq_body,
        grid=(N_NODES // 2 // NB,),
        in_specs=[row, row, const, const, const, bias],
        out_specs=[row, row],
        out_shape=[jax.ShapeDtypeStruct((HALF_PAD, 2 * D), jnp.float32)] * 2,
        compiler_params=pltpu.CompilerParams(
            dimension_semantics=("arbitrary",)),
    )(feat128, pts128, w1a, w1b, w1c, b1p)
    P = P2.reshape(2 * HALF_PAD, D)
    Q = Q2.reshape(2 * HALF_PAD, D)

    mesh = plsc.VectorSubcoreMesh(core_axis_name="c", subcore_axis_name="s")
    e_arr = pl.kernel(
        _gather_body,
        out_type=jax.ShapeDtypeStruct((E_PAD, D), jnp.float32),
        mesh=mesh,
        scratch_types=[
            pltpu.VMEM((IDX_ROWS, 128), jnp.int32),
            pltpu.VMEM((IDX_ROWS, 128), jnp.int32),
            pltpu.VMEM((CH, D), jnp.float32),
            pltpu.VMEM((CH, D), jnp.float32),
            pltpu.SemaphoreType.DMA,
        ],
        compiler_params=pltpu.CompilerParams(use_tc_tiling_on_sc=False),
    )(P, Q, src2d, dst2d)

    EB = 1024
    e128 = e_arr.reshape(E_PAD2, 2 * D)
    h128 = pl.pallas_call(
        _edge_mlp_body,
        grid=(E_PAD2 // EB,),
        in_specs=[pl.BlockSpec((EB, 2 * D), lambda i: (i, 0)),
                  const, bias],
        out_specs=pl.BlockSpec((EB, 2 * D), lambda i: (i, 0)),
        out_shape=jax.ShapeDtypeStruct((E_PAD2, 2 * D), jnp.float32),
        compiler_params=pltpu.CompilerParams(
            dimension_semantics=("arbitrary",)),
    )(e128, w2d, b2p)
    h64 = h128.reshape(E_PAD, D)

    ones8 = jnp.ones((HB, 8), jnp.float32)
    zeros8 = jnp.zeros((HB, 8), jnp.float32)
    sums_raw, cnt_raw = pl.kernel(
        _segsum_body,
        out_type=[jax.ShapeDtypeStruct((NP_OUT, D), jnp.float32),
                  jax.ShapeDtypeStruct((CNT_ROWS, 8), jnp.float32)],
        mesh=mesh,
        scratch_types=[
            pltpu.VMEM((HB, D), jnp.float32),
            pltpu.VMEM((8, 128), jnp.int32),
            pltpu.VMEM((8, 128), jnp.int32),
            pltpu.VMEM((HB, 8), jnp.float32),
            pltpu.VMEM_SHARED((HALF_PAD, D), jnp.float32),
            pltpu.VMEM_SHARED((HALF_PAD, 8), jnp.float32),
            pltpu.SemaphoreType.DMA,
        ],
        compiler_params=pltpu.CompilerParams(use_tc_tiling_on_sc=False,
                                             needs_layout_passes=False),
    )(h64, dst2d, ones8, zeros8)

    SR = sums_raw.reshape(HALF_PAD, 2 * D)
    sums128 = jnp.concatenate([SR[:N_HALF // 2],
                               SR[HALF_PAD // 2:HALF_PAD // 2 + N_HALF // 2]])
    CR = cnt_raw.reshape(HALF_PAD, 16)
    cnt16 = jnp.concatenate([CR[:N_HALF // 2],
                             CR[HALF_PAD // 2:HALF_PAD // 2 + N_HALF // 2]])

    out128 = pl.pallas_call(
        _out_body,
        grid=(N_NODES // 2 // NB,),
        in_specs=[row, pl.BlockSpec((NB, 16), lambda i: (i, 0)), row,
                  const, bias, const, bias],
        out_specs=row,
        out_shape=jax.ShapeDtypeStruct((N_NODES // 2, 2 * D), jnp.float32),
        compiler_params=pltpu.CompilerParams(
            dimension_semantics=("arbitrary",)),
    )(sums128, cnt16, feat128, w3d, b3p, w4d, b4p)
    return out128.reshape(N_NODES, D)

# --- scband reference (transcript-rebuilt; emitter-appended) ---
"""Pipeline reference for scband-mini-gnn-46961172414966 (READ-ONLY COPY).

The authoritative reference and input builder live on the scoring server;
editing this copy changes nothing except your own understanding.
"""

import jax, jax.numpy as jnp
import numpy as np

N_NODES = 50000
N_EDGES = 800000
D_FEAT = 64
D_COORD = 3
D_EDGE_IN = D_FEAT * 2 + D_COORD  # 131


def _glorot(key, shape):
    fan_in, fan_out = shape[0], shape[1]
    limit = np.sqrt(6.0 / (fan_in + fan_out))
    return jax.random.uniform(key, shape, dtype=jnp.float32, minval=-limit, maxval=limit)


def setup_inputs(seed: int = 0) -> dict:
    key = jax.random.key(seed)
    ks = jax.random.split(key, 12)
    features = jax.random.normal(ks[0], (N_NODES, D_FEAT), dtype=jnp.float32)
    points = jax.random.normal(ks[1], (N_NODES, D_COORD), dtype=jnp.float32)
    l0_edges = jax.random.randint(ks[2], (N_EDGES, 2), 0, N_NODES, dtype=jnp.int64)
    # edge_feature_fn MLP_64_64 params
    W1 = _glorot(ks[3], (D_EDGE_IN, 64))
    b1 = jnp.zeros((64,), dtype=jnp.float32)
    W2 = _glorot(ks[4], (64, 64))
    b2 = jnp.zeros((64,), dtype=jnp.float32)
    # output_fn MLP_64_64 params
    W3 = _glorot(ks[5], (64, 64))
    b3 = jnp.zeros((64,), dtype=jnp.float32)
    W4 = _glorot(ks[6], (64, 64))
    b4 = jnp.zeros((64,), dtype=jnp.float32)
    return {"features": features, "points": points, "l0_edges": l0_edges,
            "W1": W1, "b1": b1, "W2": W2, "b2": b2,
            "W3": W3, "b3": b3, "W4": W4, "b4": b4}


def reference(features, points, l0_edges, W1, b1, W2, b2, W3, b3, W4, b4):
    src = l0_edges[:, 0]
    dst = l0_edges[:, 1]
    point_features = jnp.take(features, src, axis=0)
    dest_features = jnp.take(features, dst, axis=0)
    source_coords = jnp.take(points, src, axis=0)
    dest_coords = jnp.take(points, dst, axis=0)
    edge_features = jnp.concatenate([point_features, dest_features, source_coords - dest_coords], axis=-1)
    # edge_feature_fn (MLP_64_64)
    h = jax.nn.relu(edge_features @ W1 + b1)
    h = jax.nn.relu(h @ W2 + b2)
    # unsorted_segment_mean over destination nodes
    num_centers = points.shape[0]
    sums = jax.ops.segment_sum(h, dst, num_segments=num_centers)
    counts = jax.ops.segment_sum(jnp.ones((h.shape[0],), dtype=h.dtype), dst, num_segments=num_centers)
    aggregated = sums / jnp.maximum(counts, 1.0)[:, None]
    # output_fn (MLP_64_64)
    u = jax.nn.relu(aggregated @ W3 + b3)
    u = jax.nn.relu(u @ W4 + b4)
    return u + features

if __name__ == "__main__":
    import jax
    _d = setup_inputs()
    print(jax.jit(kernel)(*tuple(_d.values())))

</pallas_src>

<mosaic_0001>
#map = affine_map<(d0, d1) -> (0, 0)>
module attributes {stable_mosaic.version = 14 : i64} {
  func.func @_gather_body(%arg0: i32, %arg1: i32, %arg2: memref<50176x64xf32, #tpu.memory_space<hbm>>, %arg3: memref<50176x64xf32, #tpu.memory_space<hbm>>, %arg4: memref<6408x128xi32, #tpu.memory_space<hbm>>, %arg5: memref<6408x128xi32, #tpu.memory_space<hbm>>, %arg6: memref<819200x64xf32, #tpu.memory_space<hbm>>, %arg7: memref<200x128xi32, #tpu.memory_space<vmem>>, %arg8: memref<200x128xi32, #tpu.memory_space<vmem>>, %arg9: memref<512x64xf32, #tpu.memory_space<vmem>>, %arg10: memref<512x64xf32, #tpu.memory_space<vmem>>, %arg11: memref<!tpu.dma_semaphore, #tpu.memory_space<semaphore_mem>>) attributes {dimension_semantics = [#tpu.dimension_semantics<core_parallel>, #tpu.dimension_semantics<subcore_parallel>], iteration_bounds = array<i64: 2, 16>, scalar_prefetch = 0 : i64, scratch_operands = 5 : i64, tpu.core_type = #tpu.core_type<sc_vector_subcore>, window_params = [{transform_indices = #map}, {transform_indices = #map}, {transform_indices = #map}, {transform_indices = #map}, {transform_indices = #map}]} {
    %mul3A = arith.constant 2 : i32
    %mul3A_0 = arith.muli %arg1, %mul3A : i32
    %add3A = arith.addi %mul3A_0, %arg0 : i32
    %mul3A_1 = arith.constant 25600 : i32
    %mul3A_2 = arith.muli %add3A, %mul3A_1 : i32
    %mul3A_3 = arith.constant 200 : i32
    %mul3A_4 = arith.muli %add3A, %mul3A_3 : i32
    %multiple_of3A = tpu.assume_multiple %mul3A_4, 8 : i32
    "tpu.region"() ({
      %run_scoped3A = tpu.sem_alloc : memref<!tpu.dma_semaphore, #tpu.memory_space<semaphore_mem>>
      %dma_start3A = arith.constant 0 : i32
      %dma_start3A_11 = tpu.memref_slice %arg4[%multiple_of3A, %dma_start3A] : memref<6408x128xi32, #tpu.memory_space<hbm>> -> memref<200x128xi32, #tpu.memory_space<hbm>>
      %dma_start3A_12 = arith.constant 0 : i32
      %dma_start3A_13 = tpu.memref_slice %arg4[%multiple_of3A, %dma_start3A_12] : memref<6408x128xi32, #tpu.memory_space<hbm>> -> memref<200x128xi32, #tpu.memory_space<hbm>>
      tpu.enqueue_dma source(%dma_start3A_13 : memref<200x128xi32, #tpu.memory_space<hbm>>) target(%arg7 : memref<200x128xi32, #tpu.memory_space<vmem>>) target_semaphore(%run_scoped3A : memref<!tpu.dma_semaphore, #tpu.memory_space<semaphore_mem>>)
      %dma_wait3A = arith.constant 0 : i32
      %dma_wait3A_14 = tpu.memref_slice %arg4[%multiple_of3A, %dma_wait3A] : memref<6408x128xi32, #tpu.memory_space<hbm>> -> memref<200x128xi32, #tpu.memory_space<hbm>>
      %dma_wait3A_15 = arith.constant 0 : i32
      %dma_wait3A_16 = tpu.memref_slice %arg4[%multiple_of3A, %dma_wait3A_15] : memref<6408x128xi32, #tpu.memory_space<hbm>> -> memref<200x128xi32, #tpu.memory_space<hbm>>
      tpu.wait_dma2 semaphore(%run_scoped3A : memref<!tpu.dma_semaphore, #tpu.memory_space<semaphore_mem>>) src(%dma_wait3A_16 : memref<200x128xi32, #tpu.memory_space<hbm>>) dst(%arg7 : memref<200x128xi32, #tpu.memory_space<vmem>>)
      tpu.yield
    }) : () -> ()
    "tpu.region"() ({
      %run_scoped3A = tpu.sem_alloc : memref<!tpu.dma_semaphore, #tpu.memory_space<semaphore_mem>>
      %dma_start3A = arith.constant 0 : i32
      %dma_start3A_11 = tpu.memref_slice %arg5[%multiple_of3A, %dma_start3A] : memref<6408x128xi32, #tpu.memory_space<hbm>> -> memref<200x128xi32, #tpu.memory_space<hbm>>
      %dma_start3A_12 = arith.constant 0 : i32
      %dma_start3A_13 = tpu.memref_slice %arg5[%multiple_of3A, %dma_start3A_12] : memref<6408x128xi32, #tpu.memory_space<hbm>> -> memref<200x128xi32, #tpu.memory_space<hbm>>
      tpu.enqueue_dma source(%dma_start3A_13 : memref<200x128xi32, #tpu.memory_space<hbm>>) target(%arg8 : memref<200x128xi32, #tpu.memory_space<vmem>>) target_semaphore(%run_scoped3A : memref<!tpu.dma_semaphore, #tpu.memory_space<semaphore_mem>>)
      %dma_wait3A = arith.constant 0 : i32
      %dma_wait3A_14 = tpu.memref_slice %arg5[%multiple_of3A, %dma_wait3A] : memref<6408x128xi32, #tpu.memory_space<hbm>> -> memref<200x128xi32, #tpu.memory_space<hbm>>
      %dma_wait3A_15 = arith.constant 0 : i32
      %dma_wait3A_16 = tpu.memref_slice %arg5[%multiple_of3A, %dma_wait3A_15] : memref<6408x128xi32, #tpu.memory_space<hbm>> -> memref<200x128xi32, #tpu.memory_space<hbm>>
      tpu.wait_dma2 semaphore(%run_scoped3A : memref<!tpu.dma_semaphore, #tpu.memory_space<semaphore_mem>>) src(%dma_wait3A_16 : memref<200x128xi32, #tpu.memory_space<hbm>>) dst(%arg8 : memref<200x128xi32, #tpu.memory_space<vmem>>)
      tpu.yield
    }) : () -> ()
    %scan3A = arith.constant 0 : i32
    %scan3A_5 = arith.constant 0 : i32
    %scan3A_6 = arith.constant 50 : i32
    %scan3A_7 = arith.addi %scan3A_5, %scan3A_6 : i32
    %scan3A_8 = arith.constant 1 : i32
    %scan3A_9 = scf.for %scan3A_11 = %scan3A_5 to %scan3A_7 step %scan3A_8 iter_args(%scan3A_12 = %scan3A) -> (i32)  : i32 {
      %mul3A_13 = arith.constant 512 : i32
      %mul3A_14 = arith.muli %scan3A_11, %mul3A_13 : i32
      %add3A_15 = arith.addi %mul3A_2, %mul3A_14 : i32
      %multiple_of3A_16 = tpu.assume_multiple %add3A_15, 512 : i32
      %mul3A_17 = arith.constant 4 : i32
      %mul3A_18 = arith.muli %scan3A_11, %mul3A_17 : i32
      %add3A_19 = arith.constant 0 : i32
      %add3A_20 = arith.addi %mul3A_18, %add3A_19 : i32
      %dma_start3A = arith.constant 0 : i32
      %dma_start3A_21 = arith.constant 0 : i32
      %dma_start3A_22 = tpu.memref_slice %arg9[%dma_start3A, %dma_start3A_21] : memref<512x64xf32, #tpu.memory_space<vmem>> -> memref<128x64xf32, #tpu.memory_space<vmem>>
      %dma_start3A_23 = arith.constant 0 : i32
      %dma_start3A_24 = tpu.memref_slice %arg7[%add3A_20, %dma_start3A_23] : memref<200x128xi32, #tpu.memory_space<vmem>> -> memref<1x128xi32, #tpu.memory_space<vmem>>
      %dma_start3A_25 = tpu.memref_squeeze %dma_start3A_24 : memref<1x128xi32, #tpu.memory_space<vmem>> -> memref<128xi32, #tpu.memory_space<vmem>>
      %dma_start3A_26 = arith.constant 0 : i32
      %dma_start3A_27 = arith.constant 0 : i32
      %dma_start3A_28 = tpu.memref_slice %arg2[%dma_start3A_26, %dma_start3A_27] : memref<50176x64xf32, #tpu.memory_space<hbm>> -> memref<50176x64xf32, #tpu.memory_space<hbm>>
      tpu.enqueue_indirect_dma source(%dma_start3A_28 : memref<50176x64xf32, #tpu.memory_space<hbm>>) target(%dma_start3A_22 : memref<128x64xf32, #tpu.memory_space<vmem>>) offsets(%dma_start3A_25 : memref<128xi32, #tpu.memory_space<vmem>>) semaphore(%arg11 : memref<!tpu.dma_semaphore, #tpu.memory_space<semaphore_mem>>)
      %add3A_29 = arith.constant 0 : i32
      %add3A_30 = arith.addi %mul3A_18, %add3A_29 : i32
      %dma_start3A_31 = arith.constant 0 : i32
      %dma_start3A_32 = arith.constant 0 : i32
      %dma_start3A_33 = tpu.memref_slice %arg10[%dma_start3A_31, %dma_start3A_32] : memref<512x64xf32, #tpu.memory_space<vmem>> -> memref<128x64xf32, #tpu.memory_space<vmem>>
      %dma_start3A_34 = arith.constant 0 : i32
      %dma_start3A_35 = tpu.memref_slice %arg8[%add3A_30, %dma_start3A_34] : memref<200x128xi32, #tpu.memory_space<vmem>> -> memref<1x128xi32, #tpu.memory_space<vmem>>
      %dma_start3A_36 = tpu.memref_squeeze %dma_start3A_35 : memref<1x128xi32, #tpu.memory_space<vmem>> -> memref<128xi32, #tpu.memory_space<vmem>>
      %dma_start3A_37 = arith.constant 0 : i32
      %dma_start3A_38 = arith.constant 0 : i32
      %dma_start3A_39 = tpu.memref_slice %arg3[%dma_start3A_37, %dma_start3A_38] : memref<50176x64xf32, #tpu.memory_space<hbm>> -> memref<50176x64xf32, #tpu.memory_space<hbm>>
      tpu.enqueue_indirect_dma source(%dma_start3A_39 : memref<50176x64xf32, #tpu.memory_space<hbm>>) target(%dma_start3A_33 : memref<128x64xf32, #tpu.memory_space<vmem>>) offsets(%dma_start3A_36 : memref<128xi32, #tpu.memory_space<vmem>>) semaphore(%arg11 : memref<!tpu.dma_semaphore, #tpu.memory_space<semaphore_mem>>)
      %add3A_40 = arith.constant 1 : i32
      %add3A_41 = arith.addi %mul3A_18, %add3A_40 : i32
      %dma_start3A_42 = arith.constant 128 : i32
      %dma_start3A_43 = arith.constant 0 : i32
      %dma_start3A_44 = tpu.memref_slice %arg9[%dma_start3A_42, %dma_start3A_43] : memref<512x64xf32, #tpu.memory_space<vmem>> -> memref<128x64xf32, #tpu.memory_space<vmem>>
      %dma_start3A_45 = arith.constant 0 : i32
      %dma_start3A_46 = tpu.memref_slice %arg7[%add3A_41, %dma_start3A_45] : memref<200x128xi32, #tpu.memory_space<vmem>> -> memref<1x128xi32, #tpu.memory_space<vmem>>
      %dma_start3A_47 = tpu.memref_squeeze %dma_start3A_46 : memref<1x128xi32, #tpu.memory_space<vmem>> -> memref<128xi32, #tpu.memory_space<vmem>>
      %dma_start3A_48 = arith.constant 0 : i32
      %dma_start3A_49 = arith.constant 0 : i32
      %dma_start3A_50 = tpu.memref_slice %arg2[%dma_start3A_48, %dma_start3A_49] : memref<50176x64xf32, #tpu.memory_space<hbm>> -> memref<50176x64xf32, #tpu.memory_space<hbm>>
      tpu.enqueue_indirect_dma source(%dma_start3A_50 : memref<50176x64xf32, #tpu.memory_space<hbm>>) target(%dma_start3A_44 : memref<128x64xf32, #tpu.memory_space<vmem>>) offsets(%dma_start3A_47 : memref<128xi32, #tpu.memory_space<vmem>>) semaphore(%arg11 : memref<!tpu.dma_semaphore, #tpu.memory_space<semaphore_mem>>)
      %add3A_51 = arith.constant 1 : i32
      %add3A_52 = arith.addi %mul3A_18, %add3A_51 : i32
      %dma_start3A_53 = arith.constant 128 : i32
      %dma_start3A_54 = arith.constant 0 : i32
      %dma_start3A_55 = tpu.memref_slice %arg10[%dma_start3A_53, %dma_start3A_54] : memref<512x64xf32, #tpu.memory_space<vmem>> -> memref<128x64xf32, #tpu.memory_space<vmem>>
      %dma_start3A_56 = arith.constant 0 : i32
      %dma_start3A_57 = tpu.memref_slice %arg8[%add3A_52, %dma_start3A_56] : memref<200x128xi32, #tpu.memory_space<vmem>> -> memref<1x128xi32, #tpu.memory_space<vmem>>
      %dma_start3A_58 = tpu.memref_squeeze %dma_start3A_57 : memref<1x128xi32, #tpu.memory_space<vmem>> -> memref<128xi32, #tpu.memory_space<vmem>>
      %dma_start3A_59 = arith.constant 0 : i32
      %dma_start3A_60 = arith.constant 0 : i32
      %dma_start3A_61 = tpu.memref_slice %arg3[%dma_start3A_59, %dma_start3A_60] : memref<50176x64xf32, #tpu.memory_space<hbm>> -> memref<50176x64xf32, #tpu.memory_space<hbm>>
      tpu.enqueue_indirect_dma source(%dma_start3A_61 : memref<50176x64xf32, #tpu.memory_space<hbm>>) target(%dma_start3A_55 : memref<128x64xf32, #tpu.memory_space<vmem>>) offsets(%dma_start3A_58 : memref<128xi32, #tpu.memory_space<vmem>>) semaphore(%arg11 : memref<!tpu.dma_semaphore, #tpu.memory_space<semaphore_mem>>)
      %add3A_62 = arith.constant 2 : i32
      %add3A_63 = arith.addi %mul3A_18, %add3A_62 : i32
      %dma_start3A_64 = arith.constant 256 : i32
      %dma_start3A_65 = arith.constant 0 : i32
      %dma_start3A_66 = tpu.memref_slice %arg9[%dma_start3A_64, %dma_start3A_65] : memref<512x64xf32, #tpu.memory_space<vmem>> -> memref<128x64xf32, #tpu.memory_space<vmem>>
      %dma_start3A_67 = arith.constant 0 : i32
      %dma_start3A_68 = tpu.memref_slice %arg7[%add3A_63, %dma_start3A_67] : memref<200x128xi32, #tpu.memory_space<vmem>> -> memref<1x128xi32, #tpu.memory_space<vmem>>
      %dma_start3A_69 = tpu.memref_squeeze %dma_start3A_68 : memref<1x128xi32, #tpu.memory_space<vmem>> -> memref<128xi32, #tpu.memory_space<vmem>>
      %dma_start3A_70 = arith.constant 0 : i32
      %dma_start3A_71 = arith.constant 0 : i32
      %dma_start3A_72 = tpu.memref_slice %arg2[%dma_start3A_70, %dma_start3A_71] : memref<50176x64xf32, #tpu.memory_space<hbm>> -> memref<50176x64xf32, #tpu.memory_space<hbm>>
      tpu.enqueue_indirect_dma source(%dma_start3A_72 : memref<50176x64xf32, #tpu.memory_space<hbm>>) target(%dma_start3A_66 : memref<128x64xf32, #tpu.memory_space<vmem>>) offsets(%dma_start3A_69 : memref<128xi32, #tpu.memory_space<vmem>>) semaphore(%arg11 : memref<!tpu.dma_semaphore, #tpu.memory_space<semaphore_mem>>)
      %add3A_73 = arith.constant 2 : i32
      %add3A_74 = arith.addi %mul3A_18, %add3A_73 : i32
      %dma_start3A_75 = arith.constant 256 : i32
      %dma_start3A_76 = arith.constant 0 : i32
      %dma_start3A_77 = tpu.memref_slice %arg10[%dma_start3A_75, %dma_start3A_76] : memref<512x64xf32, #tpu.memory_space<vmem>> -> memref<128x64xf32, #tpu.memory_space<vmem>>
      %dma_start3A_78 = arith.constant 0 : i32
      %dma_start3A_79 = tpu.memref_slice %arg8[%add3A_74, %dma_start3A_78] : memref<200x128xi32, #tpu.memory_space<vmem>> -> memref<1x128xi32, #tpu.memory_space<vmem>>
      %dma_start3A_80 = tpu.memref_squeeze %dma_start3A_79 : memref<1x128xi32, #tpu.memory_space<vmem>> -> memref<128xi32, #tpu.memory_space<vmem>>
      %dma_start3A_81 = arith.constant 0 : i32
      %dma_start3A_82 = arith.constant 0 : i32
      %dma_start3A_83 = tpu.memref_slice %arg3[%dma_start3A_81, %dma_start3A_82] : memref<50176x64xf32, #tpu.memory_space<hbm>> -> memref<50176x64xf32, #tpu.memory_space<hbm>>
      tpu.enqueue_indirect_dma source(%dma_start3A_83 : memref<50176x64xf32, #tpu.memory_space<hbm>>) target(%dma_start3A_77 : memref<128x64xf32, #tpu.memory_space<vmem>>) offsets(%dma_start3A_80 : memref<128xi32, #tpu.memory_space<vmem>>) semaphore(%arg11 : memref<!tpu.dma_semaphore, #tpu.memory_space<semaphore_mem>>)
      %add3A_84 = arith.constant 3 : i32
      %add3A_85 = arith.addi %mul3A_18, %add3A_84 : i32
      %dma_start3A_86 = arith.constant 384 : i32
      %dma_start3A_87 = arith.constant 0 : i32
      %dma_start3A_88 = tpu.memref_slice %arg9[%dma_start3A_86, %dma_start3A_87] : memref<512x64xf32, #tpu.memory_space<vmem>> -> memref<128x64xf32, #tpu.memory_space<vmem>>
      %dma_start3A_89 = arith.constant 0 : i32
      %dma_start3A_90 = tpu.memref_slice %arg7[%add3A_85, %dma_start3A_89] : memref<200x128xi32, #tpu.memory_space<vmem>> -> memref<1x128xi32, #tpu.memory_space<vmem>>
      %dma_start3A_91 = tpu.memref_squeeze %dma_start3A_90 : memref<1x128xi32, #tpu.memory_space<vmem>> -> memref<128xi32, #tpu.memory_space<vmem>>
      %dma_start3A_92 = arith.constant 0 : i32
      %dma_start3A_93 = arith.constant 0 : i32
      %dma_start3A_94 = tpu.memref_slice %arg2[%dma_start3A_92, %dma_start3A_93] : memref<50176x64xf32, #tpu.memory_space<hbm>> -> memref<50176x64xf32, #tpu.memory_space<hbm>>
      tpu.enqueue_indirect_dma source(%dma_start3A_94 : memref<50176x64xf32, #tpu.memory_space<hbm>>) target(%dma_start3A_88 : memref<128x64xf32, #tpu.memory_space<vmem>>) offsets(%dma_start3A_91 : memref<128xi32, #tpu.memory_space<vmem>>) semaphore(%arg11 : memref<!tpu.dma_semaphore, #tpu.memory_space<semaphore_mem>>)
      %add3A_95 = arith.constant 3 : i32
      %add3A_96 = arith.addi %mul3A_18, %add3A_95 : i32
      %dma_start3A_97 = arith.constant 384 : i32
      %dma_start3A_98 = arith.constant 0 : i32
      %dma_start3A_99 = tpu.memref_slice %arg10[%dma_start3A_97, %dma_start3A_98] : memref<512x64xf32, #tpu.memory_space<vmem>> -> memref<128x64xf32, #tpu.memory_space<vmem>>
      %dma_start3A_100 = arith.constant 0 : i32
      %dma_start3A_101 = tpu.memref_slice %arg8[%add3A_96, %dma_start3A_100] : memref<200x128xi32, #tpu.memory_space<vmem>> -> memref<1x128xi32, #tpu.memory_space<vmem>>
      %dma_start3A_102 = tpu.memref_squeeze %dma_start3A_101 : memref<1x128xi32, #tpu.memory_space<vmem>> -> memref<128xi32, #tpu.memory_space<vmem>>
      %dma_start3A_103 = arith.constant 0 : i32
      %dma_start3A_104 = arith.constant 0 : i32
      %dma_start3A_105 = tpu.memref_slice %arg3[%dma_start3A_103, %dma_start3A_104] : memref<50176x64xf32, #tpu.memory_space<hbm>> -> memref<50176x64xf32, #tpu.memory_space<hbm>>
      tpu.enqueue_indirect_dma source(%dma_start3A_105 : memref<50176x64xf32, #tpu.memory_space<hbm>>) target(%dma_start3A_99 : memref<128x64xf32, #tpu.memory_space<vmem>>) offsets(%dma_start3A_102 : memref<128xi32, #tpu.memory_space<vmem>>) semaphore(%arg11 : memref<!tpu.dma_semaphore, #tpu.memory_space<semaphore_mem>>)
      %dma_wait3A = arith.constant 0 : i32
      %dma_wait3A_106 = arith.constant 0 : i32
      %dma_wait3A_107 = tpu.memref_slice %arg9[%dma_wait3A, %dma_wait3A_106] : memref<512x64xf32, #tpu.memory_space<vmem>> -> memref<128x64xf32, #tpu.memory_space<vmem>>
      %dma_wait3A_108 = arith.constant 0 : i32
      %dma_wait3A_109 = tpu.memref_slice %arg7[%add3A_20, %dma_wait3A_108] : memref<200x128xi32, #tpu.memory_space<vmem>> -> memref<1x128xi32, #tpu.memory_space<vmem>>
      %dma_wait3A_110 = tpu.memref_squeeze %dma_wait3A_109 : memref<1x128xi32, #tpu.memory_space<vmem>> -> memref<128xi32, #tpu.memory_space<vmem>>
      %dma_wait3A_111 = arith.constant 0 : i32
      %dma_wait3A_112 = arith.constant 0 : i32
      %dma_wait3A_113 = tpu.memref_slice %arg2[%dma_wait3A_111, %dma_wait3A_112] : memref<50176x64xf32, #tpu.memory_space<hbm>> -> memref<50176x64xf32, #tpu.memory_space<hbm>>
      tpu.wait_indirect_dma semaphore(%arg11 : memref<!tpu.dma_semaphore, #tpu.memory_space<semaphore_mem>>) src(%dma_wait3A_113 : memref<50176x64xf32, #tpu.memory_space<hbm>>) dst(%dma_wait3A_107 : memref<128x64xf32, #tpu.memory_space<vmem>>)
      %dma_wait3A_114 = arith.constant 0 : i32
      %dma_wait3A_115 = arith.constant 0 : i32
      %dma_wait3A_116 = tpu.memref_slice %arg10[%dma_wait3A_114, %dma_wait3A_115] : memref<512x64xf32, #tpu.memory_space<vmem>> -> memref<128x64xf32, #tpu.memory_space<vmem>>
      %dma_wait3A_117 = arith.constant 0 : i32
      %dma_wait3A_118 = tpu.memref_slice %arg8[%add3A_30, %dma_wait3A_117] : memref<200x128xi32, #tpu.memory_space<vmem>> -> memref<1x128xi32, #tpu.memory_space<vmem>>
      %dma_wait3A_119 = tpu.memref_squeeze %dma_wait3A_118 : memref<1x128xi32, #tpu.memory_space<vmem>> -> memref<128xi32, #tpu.memory_space<vmem>>
      %dma_wait3A_120 = arith.constant 0 : i32
      %dma_wait3A_121 = arith.constant 0 : i32
      %dma_wait3A_122 = tpu.memref_slice %arg3[%dma_wait3A_120, %dma_wait3A_121] : memref<50176x64xf32, #tpu.memory_space<hbm>> -> memref<50176x64xf32, #tpu.memory_space<hbm>>
      tpu.wait_indirect_dma semaphore(%arg11 : memref<!tpu.dma_semaphore, #tpu.memory_space<semaphore_mem>>) src(%dma_wait3A_122 : memref<50176x64xf32, #tpu.memory_space<hbm>>) dst(%dma_wait3A_116 : memref<128x64xf32, #tpu.memory_space<vmem>>)
      %dma_wait3A_123 = arith.constant 128 : i32
      %dma_wait3A_124 = arith.constant 0 : i32
      %dma_wait3A_125 = tpu.memref_slice %arg9[%dma_wait3A_123, %dma_wait3A_124] : memref<512x64xf32, #tpu.memory_space<vmem>> -> memref<128x64xf32, #tpu.memory_space<vmem>>
      %dma_wait3A_126 = arith.constant 0 : i32
      %dma_wait3A_127 = tpu.memref_slice %arg7[%add3A_41, %dma_wait3A_126] : memref<200x128xi32, #tpu.memory_space<vmem>> -> memref<1x128xi32, #tpu.memory_space<vmem>>
      %dma_wait3A_128 = tpu.memref_squeeze %dma_wait3A_127 : memref<1x128xi32, #tpu.memory_space<vmem>> -> memref<128xi32, #tpu.memory_space<vmem>>
      %dma_wait3A_129 = arith.constant 0 : i32
      %dma_wait3A_130 = arith.constant 0 : i32
      %dma_wait3A_131 = tpu.memref_slice %arg2[%dma_wait3A_129, %dma_wait3A_130] : memref<50176x64xf32, #tpu.memory_space<hbm>> -> memref<50176x64xf32, #tpu.memory_space<hbm>>
      tpu.wait_indirect_dma semaphore(%arg11 : memref<!tpu.dma_semaphore, #tpu.memory_space<semaphore_mem>>) src(%dma_wait3A_131 : memref<50176x64xf32, #tpu.memory_space<hbm>>) dst(%dma_wait3A_125 : memref<128x64xf32, #tpu.memory_space<vmem>>)
      %dma_wait3A_132 = arith.constant 128 : i32
      %dma_wait3A_133 = arith.constant 0 : i32
      %dma_wait3A_134 = tpu.memref_slice %arg10[%dma_wait3A_132, %dma_wait3A_133] : memref<512x64xf32, #tpu.memory_space<vmem>> -> memref<128x64xf32, #tpu.memory_space<vmem>>
      %dma_wait3A_135 = arith.constant 0 : i32
      %dma_wait3A_136 = tpu.memref_slice %arg8[%add3A_52, %dma_wait3A_135] : memref<200x128xi32, #tpu.memory_space<vmem>> -> memref<1x128xi32, #tpu.memory_space<vmem>>
      %dma_wait3A_137 = tpu.memref_squeeze %dma_wait3A_136 : memref<1x128xi32, #tpu.memory_space<vmem>> -> memref<128xi32, #tpu.memory_space<vmem>>
      %dma_wait3A_138 = arith.constant 0 : i32
      %dma_wait3A_139 = arith.constant 0 : i32
      %dma_wait3A_140 = tpu.memref_slice %arg3[%dma_wait3A_138, %dma_wait3A_139] : memref<50176x64xf32, #tpu.memory_space<hbm>> -> memref<50176x64xf32, #tpu.memory_space<hbm>>
      tpu.wait_indirect_dma semaphore(%arg11 : memref<!tpu.dma_semaphore, #tpu.memory_space<semaphore_mem>>) src(%dma_wait3A_140 : memref<50176x64xf32, #tpu.memory_space<hbm>>) dst(%dma_wait3A_134 : memref<128x64xf32, #tpu.memory_space<vmem>>)
      %dma_wait3A_141 = arith.constant 256 : i32
      %dma_wait3A_142 = arith.constant 0 : i32
      %dma_wait3A_143 = tpu.memref_slice %arg9[%dma_wait3A_141, %dma_wait3A_142] : memref<512x64xf32, #tpu.memory_space<vmem>> -> memref<128x64xf32, #tpu.memory_space<vmem>>
      %dma_wait3A_144 = arith.constant 0 : i32
      %dma_wait3A_145 = tpu.memref_slice %arg7[%add3A_63, %dma_wait3A_144] : memref<200x128xi32, #tpu.memory_space<vmem>> -> memref<1x128xi32, #tpu.memory_space<vmem>>
      %dma_wait3A_146 = tpu.memref_squeeze %dma_wait3A_145 : memref<1x128xi32, #tpu.memory_space<vmem>> -> memref<128xi32, #tpu.memory_space<vmem>>
      %dma_wait3A_147 = arith.constant 0 : i32
      %dma_wait3A_148 = arith.constant 0 : i32
      %dma_wait3A_149 = tpu.memref_slice %arg2[%dma_wait3A_147, %dma_wait3A_148] : memref<50176x64xf32, #tpu.memory_space<hbm>> -> memref<50176x64xf32, #tpu.memory_space<hbm>>
      tpu.wait_indirect_dma semaphore(%arg11 : memref<!tpu.dma_semaphore, #tpu.memory_space<semaphore_mem>>) src(%dma_wait3A_149 : memref<50176x64xf32, #tpu.memory_space<hbm>>) dst(%dma_wait3A_143 : memref<128x64xf32, #tpu.memory_space<vmem>>)
      %dma_wait3A_150 = arith.constant 256 : i32
      %dma_wait3A_151 = arith.constant 0 : i32
      %dma_wait3A_152 = tpu.memref_slice %arg10[%dma_wait3A_150, %dma_wait3A_151] : memref<512x64xf32, #tpu.memory_space<vmem>> -> memref<128x64xf32, #tpu.memory_space<vmem>>
      %dma_wait3A_153 = arith.constant 0 : i32
      %dma_wait3A_154 = tpu.memref_slice %arg8[%add3A_74, %dma_wait3A_153] : memref<200x128xi32, #tpu.memory_space<vmem>> -> memref<1x128xi32, #tpu.memory_space<vmem>>
      %dma_wait3A_155 = tpu.memref_squeeze %dma_wait3A_154 : memref<1x128xi32, #tpu.memory_space<vmem>> -> memref<128xi32, #tpu.memory_space<vmem>>
      %dma_wait3A_156 = arith.constant 0 : i32
      %dma_wait3A_157 = arith.constant 0 : i32
      %dma_wait3A_158 = tpu.memref_slice %arg3[%dma_wait3A_156, %dma_wait3A_157] : memref<50176x64xf32, #tpu.memory_space<hbm>> -> memref<50176x64xf32, #tpu.memory_space<hbm>>
      tpu.wait_indirect_dma semaphore(%arg11 : memref<!tpu.dma_semaphore, #tpu.memory_space<semaphore_mem>>) src(%dma_wait3A_158 : memref<50176x64xf32, #tpu.memory_space<hbm>>) dst(%dma_wait3A_152 : memref<128x64xf32, #tpu.memory_space<vmem>>)
      %dma_wait3A_159 = arith.constant 384 : i32
      %dma_wait3A_160 = arith.constant 0 : i32
      %dma_wait3A_161 = tpu.memref_slice %arg9[%dma_wait3A_159, %dma_wait3A_160] : memref<512x64xf32, #tpu.memory_space<vmem>> -> memref<128x64xf32, #tpu.memory_space<vmem>>
      %dma_wait3A_162 = arith.constant 0 : i32
      %dma_wait3A_163 = tpu.memref_slice %arg7[%add3A_85, %dma_wait3A_162] : memref<200x128xi32, #tpu.memory_space<vmem>> -> memref<1x128xi32, #tpu.memory_space<vmem>>
      %dma_wait3A_164 = tpu.memref_squeeze %dma_wait3A_163 : memref<1x128xi32, #tpu.memory_space<vmem>> -> memref<128xi32, #tpu.memory_space<vmem>>
      %dma_wait3A_165 = arith.constant 0 : i32
      %dma_wait3A_166 = arith.constant 0 : i32
      %dma_wait3A_167 = tpu.memref_slice %arg2[%dma_wait3A_165, %dma_wait3A_166] : memref<50176x64xf32, #tpu.memory_space<hbm>> -> memref<50176x64xf32, #tpu.memory_space<hbm>>
      tpu.wait_indirect_dma semaphore(%arg11 : memref<!tpu.dma_semaphore, #tpu.memory_space<semaphore_mem>>) src(%dma_wait3A_167 : memref<50176x64xf32, #tpu.memory_space<hbm>>) dst(%dma_wait3A_161 : memref<128x64xf32, #tpu.memory_space<vmem>>)
      %dma_wait3A_168 = arith.constant 384 : i32
      %dma_wait3A_169 = arith.constant 0 : i32
      %dma_wait3A_170 = tpu.memref_slice %arg10[%dma_wait3A_168, %dma_wait3A_169] : memref<512x64xf32, #tpu.memory_space<vmem>> -> memref<128x64xf32, #tpu.memory_space<vmem>>
      %dma_wait3A_171 = arith.constant 0 : i32
      %dma_wait3A_172 = tpu.memref_slice %arg8[%add3A_96, %dma_wait3A_171] : memref<200x128xi32, #tpu.memory_space<vmem>> -> memref<1x128xi32, #tpu.memory_space<vmem>>
      %dma_wait3A_173 = tpu.memref_squeeze %dma_wait3A_172 : memref<1x128xi32, #tpu.memory_space<vmem>> -> memref<128xi32, #tpu.memory_space<vmem>>
      %dma_wait3A_174 = arith.constant 0 : i32
      %dma_wait3A_175 = arith.constant 0 : i32
      %dma_wait3A_176 = tpu.memref_slice %arg3[%dma_wait3A_174, %dma_wait3A_175] : memref<50176x64xf32, #tpu.memory_space<hbm>> -> memref<50176x64xf32, #tpu.memory_space<hbm>>
      tpu.wait_indirect_dma semaphore(%arg11 : memref<!tpu.dma_semaphore, #tpu.memory_space<semaphore_mem>>) src(%dma_wait3A_176 : memref<50176x64xf32, #tpu.memory_space<hbm>>) dst(%dma_wait3A_170 : memref<128x64xf32, #tpu.memory_space<vmem>>)
      %scan3A_177 = arith.constant 0 : i32
      %scan3A_178 = arith.constant 0 : i32
      %scan3A_179 = arith.constant 512 : i32
      %scan3A_180 = arith.addi %scan3A_178, %scan3A_179 : i32
      %scan3A_181 = arith.constant 1 : i32
      %scan3A_182 = scf.for %scan3A_185 = %scan3A_178 to %scan3A_180 step %scan3A_181 iter_args(%scan3A_186 = %scan3A_177) -> (i32)  : i32 {
        %get3A = arith.index_cast %scan3A_185 : i32 to index
        %get3A_187 = arith.constant 0 : index
        %get3A_188 = tpu.vector_load %arg9[%get3A, %get3A_187] {strides = array<i32>} : memref<512x64xf32, #tpu.memory_space<vmem>>, vector<1x16xf32>,
        %get3A_189 = vector.shape_cast %get3A_188 : vector<1x16xf32> to vector<16xf32>
        %get3A_190 = arith.index_cast %scan3A_185 : i32 to index
        %get3A_191 = arith.constant 0 : index
        %get3A_192 = tpu.vector_load %arg10[%get3A_190, %get3A_191] {strides = array<i32>} : memref<512x64xf32, #tpu.memory_space<vmem>>, vector<1x16xf32>,
        %get3A_193 = vector.shape_cast %get3A_192 : vector<1x16xf32> to vector<16xf32>
        %add3A_194 = arith.addf %get3A_189, %get3A_193 : vector<16xf32>
        %max3A = arith.constant 0.000000e+00 : f32
        %max3A_195 = vector.broadcast %max3A : f32 to vector<16xf32>
        %max3A_196 = arith.maximumf %add3A_194, %max3A_195 : vector<16xf32>
        %swap3A = arith.index_cast %scan3A_185 : i32 to index
        %swap3A_197 = arith.constant 0 : index
        %swap3A_198 = tpu.vector_load %arg9[%swap3A, %swap3A_197] {strides = array<i32>} : memref<512x64xf32, #tpu.memory_space<vmem>>, vector<1x16xf32>,
        %swap3A_199 = vector.shape_cast %swap3A_198 : vector<1x16xf32> to vector<16xf32>
        %swap3A_200 = vector.shape_cast %max3A_196 : vector<16xf32> to vector<1x16xf32>
        tpu.vector_store %arg9[%swap3A, %swap3A_197], %swap3A_200 {strides = array<i32>} : memref<512x64xf32, #tpu.memory_space<vmem>>, vector<1x16xf32>,
        %get3A_201 = arith.index_cast %scan3A_185 : i32 to index
        %get3A_202 = arith.constant 16 : index
        %get3A_203 = tpu.vector_load %arg9[%get3A_201, %get3A_202] {strides = array<i32>} : memref<512x64xf32, #tpu.memory_space<vmem>>, vector<1x16xf32>,
        %get3A_204 = vector.shape_cast %get3A_203 : vector<1x16xf32> to vector<16xf32>
        %get3A_205 = arith.index_cast %scan3A_185 : i32 to index
        %get3A_206 = arith.constant 16 : index
        %get3A_207 = tpu.vector_load %arg10[%get3A_205, %get3A_206] {strides = array<i32>} : memref<512x64xf32, #tpu.memory_space<vmem>>, vector<1x16xf32>,
        %get3A_208 = vector.shape_cast %get3A_207 : vector<1x16xf32> to vector<16xf32>
        %add3A_209 = arith.addf %get3A_204, %get3A_208 : vector<16xf32>
        %max3A_210 = arith.constant 0.000000e+00 : f32
        %max3A_211 = vector.broadcast %max3A_210 : f32 to vector<16xf32>
        %max3A_212 = arith.maximumf %add3A_209, %max3A_211 : vector<16xf32>
        %swap3A_213 = arith.index_cast %scan3A_185 : i32 to index
        %swap3A_214 = arith.constant 16 : index
        %swap3A_215 = tpu.vector_load %arg9[%swap3A_213, %swap3A_214] {strides = array<i32>} : memref<512x64xf32, #tpu.memory_space<vmem>>, vector<1x16xf32>,
        %swap3A_216 = vector.shape_cast %swap3A_215 : vector<1x16xf32> to vector<16xf32>
        %swap3A_217 = vector.shape_cast %max3A_212 : vector<16xf32> to vector<1x16xf32>
        tpu.vector_store %arg9[%swap3A_213, %swap3A_214], %swap3A_217 {strides = array<i32>} : memref<512x64xf32, #tpu.memory_space<vmem>>, vector<1x16xf32>,
        %get3A_218 = arith.index_cast %scan3A_185 : i32 to index
        %get3A_219 = arith.constant 32 : index
        %get3A_220 = tpu.vector_load %arg9[%get3A_218, %get3A_219] {strides = array<i32>} : memref<512x64xf32, #tpu.memory_space<vmem>>, vector<1x16xf32>,
        %get3A_221 = vector.shape_cast %get3A_220 : vector<1x16xf32> to vector<16xf32>
        %get3A_222 = arith.index_cast %scan3A_185 : i32 to index
        %get3A_223 = arith.constant 32 : index
        %get3A_224 = tpu.vector_load %arg10[%get3A_222, %get3A_223] {strides = array<i32>} : memref<512x64xf32, #tpu.memory_space<vmem>>, vector<1x16xf32>,
        %get3A_225 = vector.shape_cast %get3A_224 : vector<1x16xf32> to vector<16xf32>
        %add3A_226 = arith.addf %get3A_221, %get3A_225 : vector<16xf32>
        %max3A_227 = arith.constant 0.000000e+00 : f32
        %max3A_228 = vector.broadcast %max3A_227 : f32 to vector<16xf32>
        %max3A_229 = arith.maximumf %add3A_226, %max3A_228 : vector<16xf32>
        %swap3A_230 = arith.index_cast %scan3A_185 : i32 to index
        %swap3A_231 = arith.constant 32 : index
        %swap3A_232 = tpu.vector_load %arg9[%swap3A_230, %swap3A_231] {strides = array<i32>} : memref<512x64xf32, #tpu.memory_space<vmem>>, vector<1x16xf32>,
        %swap3A_233 = vector.shape_cast %swap3A_232 : vector<1x16xf32> to vector<16xf32>
        %swap3A_234 = vector.shape_cast %max3A_229 : vector<16xf32> to vector<1x16xf32>
        tpu.vector_store %arg9[%swap3A_230, %swap3A_231], %swap3A_234 {strides = array<i32>} : memref<512x64xf32, #tpu.memory_space<vmem>>, vector<1x16xf32>,
        %get3A_235 = arith.index_cast %scan3A_185 : i32 to index
        %get3A_236 = arith.constant 48 : index
        %get3A_237 = tpu.vector_load %arg9[%get3A_235, %get3A_236] {strides = array<i32>} : memref<512x64xf32, #tpu.memory_space<vmem>>, vector<1x16xf32>,
        %get3A_238 = vector.shape_cast %get3A_237 : vector<1x16xf32> to vector<16xf32>
        %get3A_239 = arith.index_cast %scan3A_185 : i32 to index
        %get3A_240 = arith.constant 48 : index
        %get3A_241 = tpu.vector_load %arg10[%get3A_239, %get3A_240] {strides = array<i32>} : memref<512x64xf32, #tpu.memory_space<vmem>>, vector<1x16xf32>,
        %get3A_242 = vector.shape_cast %get3A_241 : vector<1x16xf32> to vector<16xf32>
        %add3A_243 = arith.addf %get3A_238, %get3A_242 : vector<16xf32>
        %max3A_244 = arith.constant 0.000000e+00 : f32
        %max3A_245 = vector.broadcast %max3A_244 : f32 to vector<16xf32>
        %max3A_246 = arith.maximumf %add3A_243, %max3A_245 : vector<16xf32>
        %swap3A_247 = arith.index_cast %scan3A_185 : i32 to index
        %swap3A_248 = arith.constant 48 : index
        %swap3A_249 = tpu.vector_load %arg9[%swap3A_247, %swap3A_248] {strides = array<i32>} : memref<512x64xf32, #tpu.memory_space<vmem>>, vector<1x16xf32>,
        %swap3A_250 = vector.shape_cast %swap3A_249 : vector<1x16xf32> to vector<16xf32>
        %swap3A_251 = vector.shape_cast %max3A_246 : vector<16xf32> to vector<1x16xf32>
        tpu.vector_store %arg9[%swap3A_247, %swap3A_248], %swap3A_251 {strides = array<i32>} : memref<512x64xf32, #tpu.memory_space<vmem>>, vector<1x16xf32>,
        %scan3A_252 = arith.constant 0 : i32
        scf.yield %scan3A_252 : i32
      }
      %scan3A_183 = arith.constant 512 : i32
      "tpu.region"() ({
        %run_scoped3A = tpu.sem_alloc : memref<!tpu.dma_semaphore, #tpu.memory_space<semaphore_mem>>
        %dma_start3A_185 = arith.constant 0 : i32
        %dma_start3A_186 = tpu.memref_slice %arg6[%multiple_of3A_16, %dma_start3A_185] : memref<819200x64xf32, #tpu.memory_space<hbm>> -> memref<512x64xf32, #tpu.memory_space<hbm>>
        %dma_start3A_187 = arith.constant 0 : i32
        %dma_start3A_188 = tpu.memref_slice %arg6[%multiple_of3A_16, %dma_start3A_187] : memref<819200x64xf32, #tpu.memory_space<hbm>> -> memref<512x64xf32, #tpu.memory_space<hbm>>
        tpu.enqueue_dma source(%arg9 : memref<512x64xf32, #tpu.memory_space<vmem>>) target(%dma_start3A_188 : memref<512x64xf32, #tpu.memory_space<hbm>>) target_semaphore(%run_scoped3A : memref<!tpu.dma_semaphore, #tpu.memory_space<semaphore_mem>>)
        %dma_wait3A_189 = arith.constant 0 : i32
        %dma_wait3A_190 = tpu.memref_slice %arg6[%multiple_of3A_16, %dma_wait3A_189] : memref<819200x64xf32, #tpu.memory_space<hbm>> -> memref<512x64xf32, #tpu.memory_space<hbm>>
        %dma_wait3A_191 = arith.constant 0 : i32
        %dma_wait3A_192 = tpu.memref_slice %arg6[%multiple_of3A_16, %dma_wait3A_191] : memref<819200x64xf32, #tpu.memory_space<hbm>> -> memref<512x64xf32, #tpu.memory_space<hbm>>
        tpu.wait_dma2 semaphore(%run_scoped3A : memref<!tpu.dma_semaphore, #tpu.memory_space<semaphore_mem>>) src(%arg9 : memref<512x64xf32, #tpu.memory_space<vmem>>) dst(%dma_wait3A_192 : memref<512x64xf32, #tpu.memory_space<hbm>>)
        tpu.yield
      }) : () -> ()
      %scan3A_184 = arith.constant 0 : i32
      scf.yield %scan3A_184 : i32
    }
    %scan3A_10 = arith.constant 50 : i32
    return
  }
}

#map = affine_map<(d0, d1) -> (0, 0)>
module attributes {stable_mosaic.version = 14 : i64} {
  func.func @_segsum_body(%arg0: i32, %arg1: i32, %arg2: memref<819200x64xf32, #tpu.memory_space<hbm>>, %arg3: memref<6408x128xi32, #tpu.memory_space<hbm>>, %arg4: memref<128x8xf32, #tpu.memory_space<hbm>>, %arg5: memref<128x8xf32, #tpu.memory_space<hbm>>, %arg6: memref<50176x64xf32, #tpu.memory_space<hbm>>, %arg7: memref<50176x8xf32, #tpu.memory_space<hbm>>, %arg8: memref<128x64xf32, #tpu.memory_space<vmem>>, %arg9: memref<8x128xi32, #tpu.memory_space<vmem>>, %arg10: memref<8x128xi32, #tpu.memory_space<vmem>>, %arg11: memref<128x8xf32, #tpu.memory_space<vmem>>, %arg12: memref<25088x64xf32, #tpu.memory_space<vmem_shared>>, %arg13: memref<25088x8xf32, #tpu.memory_space<vmem_shared>>, %arg14: memref<!tpu.dma_semaphore, #tpu.memory_space<semaphore_mem>>) attributes {dimension_semantics = [#tpu.dimension_semantics<core_parallel>, #tpu.dimension_semantics<subcore_parallel>], iteration_bounds = array<i64: 2, 16>, scalar_prefetch = 0 : i64, scratch_operands = 7 : i64, tpu.core_type = #tpu.core_type<sc_vector_subcore>, window_params = [{transform_indices = #map}, {transform_indices = #map}, {transform_indices = #map}, {transform_indices = #map}, {transform_indices = #map}, {transform_indices = #map}]} {
    %mul3A = arith.constant 25000 : i32
    %mul3A_0 = arith.muli %arg0, %mul3A : i32
    "tpu.region"() ({
      %run_scoped3A = tpu.sem_alloc : memref<!tpu.dma_semaphore, #tpu.memory_space<semaphore_mem>>
      tpu.enqueue_dma source(%arg4 : memref<128x8xf32, #tpu.memory_space<hbm>>) target(%arg11 : memref<128x8xf32, #tpu.memory_space<vmem>>) target_semaphore(%run_scoped3A : memref<!tpu.dma_semaphore, #tpu.memory_space<semaphore_mem>>)
      tpu.wait_dma2 semaphore(%run_scoped3A : memref<!tpu.dma_semaphore, #tpu.memory_space<semaphore_mem>>) src(%arg4 : memref<128x8xf32, #tpu.memory_space<hbm>>) dst(%arg11 : memref<128x8xf32, #tpu.memory_space<vmem>>)
      tpu.yield
    }) : () -> ()
    %scan3A = arith.constant 0 : i32
    %scan3A_1 = arith.constant 0 : i32
    %scan3A_2 = arith.constant 128 : i32
    %scan3A_3 = arith.addi %scan3A_1, %scan3A_2 : i32
    %scan3A_4 = arith.constant 1 : i32
    %scan3A_5 = scf.for %scan3A_128 = %scan3A_1 to %scan3A_3 step %scan3A_4 iter_args(%scan3A_129 = %scan3A) -> (i32)  : i32 {
      %broadcast_in_dim3A = arith.constant 0.000000e+00 : f32
      %broadcast_in_dim3A_130 = vector.broadcast %broadcast_in_dim3A : f32 to vector<16xf32>
      %swap3A = arith.index_cast %scan3A_128 : i32 to index
      %swap3A_131 = arith.constant 0 : index
      %swap3A_132 = tpu.vector_load %arg8[%swap3A, %swap3A_131] {strides = array<i32>} : memref<128x64xf32, #tpu.memory_space<vmem>>, vector<16xf32>,
      tpu.vector_store %arg8[%swap3A, %swap3A_131], %broadcast_in_dim3A_130 {strides = array<i32>} : memref<128x64xf32, #tpu.memory_space<vmem>>, vector<16xf32>,
      %broadcast_in_dim3A_133 = arith.constant 0.000000e+00 : f32
      %broadcast_in_dim3A_134 = vector.broadcast %broadcast_in_dim3A_133 : f32 to vector<16xf32>
      %swap3A_135 = arith.index_cast %scan3A_128 : i32 to index
      %swap3A_136 = arith.constant 16 : index
      %swap3A_137 = tpu.vector_load %arg8[%swap3A_135, %swap3A_136] {strides = array<i32>} : memref<128x64xf32, #tpu.memory_space<vmem>>, vector<16xf32>,
      tpu.vector_store %arg8[%swap3A_135, %swap3A_136], %broadcast_in_dim3A_134 {strides = array<i32>} : memref<128x64xf32, #tpu.memory_space<vmem>>, vector<16xf32>,
      %broadcast_in_dim3A_138 = arith.constant 0.000000e+00 : f32
      %broadcast_in_dim3A_139 = vector.broadcast %broadcast_in_dim3A_138 : f32 to vector<16xf32>
      %swap3A_140 = arith.index_cast %scan3A_128 : i32 to index
      %swap3A_141 = arith.constant 32 : index
      %swap3A_142 = tpu.vector_load %arg8[%swap3A_140, %swap3A_141] {strides = array<i32>} : memref<128x64xf32, #tpu.memory_space<vmem>>, vector<16xf32>,
      tpu.vector_store %arg8[%swap3A_140, %swap3A_141], %broadcast_in_dim3A_139 {strides = array<i32>} : memref<128x64xf32, #tpu.memory_space<vmem>>, vector<16xf32>,
      %broadcast_in_dim3A_143 = arith.constant 0.000000e+00 : f32
      %broadcast_in_dim3A_144 = vector.broadcast %broadcast_in_dim3A_143 : f32 to vector<16xf32>
      %swap3A_145 = arith.index_cast %scan3A_128 : i32 to index
      %swap3A_146 = arith.constant 48 : index
      %swap3A_147 = tpu.vector_load %arg8[%swap3A_145, %swap3A_146] {strides = array<i32>} : memref<128x64xf32, #tpu.memory_space<vmem>>, vector<16xf32>,
      tpu.vector_store %arg8[%swap3A_145, %swap3A_146], %broadcast_in_dim3A_144 {strides = array<i32>} : memref<128x64xf32, #tpu.memory_space<vmem>>, vector<16xf32>,
      %scan3A_148 = arith.constant 0 : i32
      scf.yield %scan3A_148 : i32
    }
    %scan3A_6 = arith.constant 128 : i32
    %mul3A_7 = arith.constant 1568 : i32
    %mul3A_8 = arith.muli %arg1, %mul3A_7 : i32
    %multiple_of3A = tpu.assume_multiple %mul3A_8, 32 : i32
    %add3A = arith.constant 0 : i32
    %add3A_9 = arith.addi %multiple_of3A, %add3A : i32
    "tpu.region"() ({
      %run_scoped3A = tpu.sem_alloc : memref<!tpu.dma_semaphore, #tpu.memory_space<semaphore_mem>>
      %dma_start3A = arith.constant 0 : i32
      %dma_start3A_128 = tpu.memref_slice %arg12[%add3A_9, %dma_start3A] : memref<25088x64xf32, #tpu.memory_space<vmem_shared>> -> memref<128x64xf32, #tpu.memory_space<vmem_shared>>
      %dma_start3A_129 = arith.constant 0 : i32
      %dma_start3A_130 = tpu.memref_slice %arg12[%add3A_9, %dma_start3A_129] : memref<25088x64xf32, #tpu.memory_space<vmem_shared>> -> memref<128x64xf32, #tpu.memory_space<vmem_shared>>
      tpu.enqueue_dma source(%arg8 : memref<128x64xf32, #tpu.memory_space<vmem>>) target(%dma_start3A_130 : memref<128x64xf32, #tpu.memory_space<vmem_shared>>) target_semaphore(%run_scoped3A : memref<!tpu.dma_semaphore, #tpu.memory_space<semaphore_mem>>)
      %dma_wait3A = arith.constant 0 : i32
      %dma_wait3A_131 = tpu.memref_slice %arg12[%add3A_9, %dma_wait3A] : memref<25088x64xf32, #tpu.memory_space<vmem_shared>> -> memref<128x64xf32, #tpu.memory_space<vmem_shared>>
      %dma_wait3A_132 = arith.constant 0 : i32
      %dma_wait3A_133 = tpu.memref_slice %arg12[%add3A_9, %dma_wait3A_132] : memref<25088x64xf32, #tpu.memory_space<vmem_shared>> -> memref<128x64xf32, #tpu.memory_space<vmem_shared>>
      tpu.wait_dma2 semaphore(%run_scoped3A : memref<!tpu.dma_semaphore, #tpu.memory_space<semaphore_mem>>) src(%arg8 : memref<128x64xf32, #tpu.memory_space<vmem>>) dst(%dma_wait3A_133 : memref<128x64xf32, #tpu.memory_space<vmem_shared>>)
      tpu.yield
    }) : () -> ()
    %add3A_10 = arith.constant 0 : i32
    %add3A_11 = arith.addi %multiple_of3A, %add3A_10 : i32
    "tpu.region"() ({
      %run_scoped3A = tpu.sem_alloc : memref<!tpu.dma_semaphore, #tpu.memory_space<semaphore_mem>>
      %dma_start3A = arith.constant 0 : i32
      %dma_start3A_128 = tpu.memref_slice %arg13[%add3A_11, %dma_start3A] : memref<25088x8xf32, #tpu.memory_space<vmem_shared>> -> memref<128x8xf32, #tpu.memory_space<vmem_shared>>
      tpu.enqueue_dma source(%arg5 : memref<128x8xf32, #tpu.memory_space<hbm>>) target(%dma_start3A_128 : memref<128x8xf32, #tpu.memory_space<vmem_shared>>) target_semaphore(%run_scoped3A : memref<!tpu.dma_semaphore, #tpu.memory_space<semaphore_mem>>)
      %dma_wait3A = arith.constant 0 : i32
      %dma_wait3A_129 = tpu.memref_slice %arg13[%add3A_11, %dma_wait3A] : memref<25088x8xf32, #tpu.memory_space<vmem_shared>> -> memref<128x8xf32, #tpu.memory_space<vmem_shared>>
      tpu.wait_dma2 semaphore(%run_scoped3A : memref<!tpu.dma_semaphore, #tpu.memory_space<semaphore_mem>>) src(%arg5 : memref<128x8xf32, #tpu.memory_space<hbm>>) dst(%dma_wait3A_129 : memref<128x8xf32, #tpu.memory_space<vmem_shared>>)
      tpu.yield
    }) : () -> ()
    %add3A_12 = arith.constant 128 : i32
    %add3A_13 = arith.addi %multiple_of3A, %add3A_12 : i32
    "tpu.region"() ({
      %run_scoped3A = tpu.sem_alloc : memref<!tpu.dma_semaphore, #tpu.memory_space<semaphore_mem>>
      %dma_start3A = arith.constant 0 : i32
      %dma_start3A_128 = tpu.memref_slice %arg12[%add3A_13, %dma_start3A] : memref<25088x64xf32, #tpu.memory_space<vmem_shared>> -> memref<128x64xf32, #tpu.memory_space<vmem_shared>>
      %dma_start3A_129 = arith.constant 0 : i32
      %dma_start3A_130 = tpu.memref_slice %arg12[%add3A_13, %dma_start3A_129] : memref<25088x64xf32, #tpu.memory_space<vmem_shared>> -> memref<128x64xf32, #tpu.memory_space<vmem_shared>>
      tpu.enqueue_dma source(%arg8 : memref<128x64xf32, #tpu.memory_space<vmem>>) target(%dma_start3A_130 : memref<128x64xf32, #tpu.memory_space<vmem_shared>>) target_semaphore(%run_scoped3A : memref<!tpu.dma_semaphore, #tpu.memory_space<semaphore_mem>>)
      %dma_wait3A = arith.constant 0 : i32
      %dma_wait3A_131 = tpu.memref_slice %arg12[%add3A_13, %dma_wait3A] : memref<25088x64xf32, #tpu.memory_space<vmem_shared>> -> memref<128x64xf32, #tpu.memory_space<vmem_shared>>
      %dma_wait3A_132 = arith.constant 0 : i32
      %dma_wait3A_133 = tpu.memref_slice %arg12[%add3A_13, %dma_wait3A_132] : memref<25088x64xf32, #tpu.memory_space<vmem_shared>> -> memref<128x64xf32, #tpu.memory_space<vmem_shared>>
      tpu.wait_dma2 semaphore(%run_scoped3A : memref<!tpu.dma_semaphore, #tpu.memory_space<semaphore_mem>>) src(%arg8 : memref<128x64xf32, #tpu.memory_space<vmem>>) dst(%dma_wait3A_133 : memref<128x64xf32, #tpu.memory_space<vmem_shared>>)
      tpu.yield
    }) : () -> ()
    %add3A_14 = arith.constant 128 : i32
    %add3A_15 = arith.addi %multiple_of3A, %add3A_14 : i32
    "tpu.region"() ({
      %run_scoped3A = tpu.sem_alloc : memref<!tpu.dma_semaphore, #tpu.memory_space<semaphore_mem>>
      %dma_start3A = arith.constant 0 : i32
      %dma_start3A_128 = tpu.memref_slice %arg13[%add3A_15, %dma_start3A] : memref<25088x8xf32, #tpu.memory_space<vmem_shared>> -> memref<128x8xf32, #tpu.memory_space<vmem_shared>>
      tpu.enqueue_dma source(%arg5 : memref<128x8xf32, #tpu.memory_space<hbm>>) target(%dma_start3A_128 : memref<128x8xf32, #tpu.memory_space<vmem_shared>>) target_semaphore(%run_scoped3A : memref<!tpu.dma_semaphore, #tpu.memory_space<semaphore_mem>>)
      %dma_wait3A = arith.constant 0 : i32
      %dma_wait3A_129 = tpu.memref_slice %arg13[%add3A_15, %dma_wait3A] : memref<25088x8xf32, #tpu.memory_space<vmem_shared>> -> memref<128x8xf32, #tpu.memory_space<vmem_shared>>
      tpu.wait_dma2 semaphore(%run_scoped3A : memref<!tpu.dma_semaphore, #tpu.memory_space<semaphore_mem>>) src(%arg5 : memref<128x8xf32, #tpu.memory_space<hbm>>) dst(%dma_wait3A_129 : memref<128x8xf32, #tpu.memory_space<vmem_shared>>)
      tpu.yield
    }) : () -> ()
    %add3A_16 = arith.constant 256 : i32
    %add3A_17 = arith.addi %multiple_of3A, %add3A_16 : i32
    "tpu.region"() ({
      %run_scoped3A = tpu.sem_alloc : memref<!tpu.dma_semaphore, #tpu.memory_space<semaphore_mem>>
      %dma_start3A = arith.constant 0 : i32
      %dma_start3A_128 = tpu.memref_slice %arg12[%add3A_17, %dma_start3A] : memref<25088x64xf32, #tpu.memory_space<vmem_shared>> -> memref<128x64xf32, #tpu.memory_space<vmem_shared>>
      %dma_start3A_129 = arith.constant 0 : i32
      %dma_start3A_130 = tpu.memref_slice %arg12[%add3A_17, %dma_start3A_129] : memref<25088x64xf32, #tpu.memory_space<vmem_shared>> -> memref<128x64xf32, #tpu.memory_space<vmem_shared>>
      tpu.enqueue_dma source(%arg8 : memref<128x64xf32, #tpu.memory_space<vmem>>) target(%dma_start3A_130 : memref<128x64xf32, #tpu.memory_space<vmem_shared>>) target_semaphore(%run_scoped3A : memref<!tpu.dma_semaphore, #tpu.memory_space<semaphore_mem>>)
      %dma_wait3A = arith.constant 0 : i32
      %dma_wait3A_131 = tpu.memref_slice %arg12[%add3A_17, %dma_wait3A] : memref<25088x64xf32, #tpu.memory_space<vmem_shared>> -> memref<128x64xf32, #tpu.memory_space<vmem_shared>>
      %dma_wait3A_132 = arith.constant 0 : i32
      %dma_wait3A_133 = tpu.memref_slice %arg12[%add3A_17, %dma_wait3A_132] : memref<25088x64xf32, #tpu.memory_space<vmem_shared>> -> memref<128x64xf32, #tpu.memory_space<vmem_shared>>
      tpu.wait_dma2 semaphore(%run_scoped3A : memref<!tpu.dma_semaphore, #tpu.memory_space<semaphore_mem>>) src(%arg8 : memref<128x64xf32, #tpu.memory_space<vmem>>) dst(%dma_wait3A_133 : memref<128x64xf32, #tpu.memory_space<vmem_shared>>)
      tpu.yield
    }) : () -> ()
    %add3A_18 = arith.constant 256 : i32
    %add3A_19 = arith.addi %multiple_of3A, %add3A_18 : i32
    "tpu.region"() ({
      %run_scoped3A = tpu.sem_alloc : memref<!tpu.dma_semaphore, #tpu.memory_space<semaphore_mem>>
      %dma_start3A = arith.constant 0 : i32
      %dma_start3A_128 = tpu.memref_slice %arg13[%add3A_19, %dma_start3A] : memref<25088x8xf32, #tpu.memory_space<vmem_shared>> -> memref<128x8xf32, #tpu.memory_space<vmem_shared>>
      tpu.enqueue_dma source(%arg5 : memref<128x8xf32, #tpu.memory_space<hbm>>) target(%dma_start3A_128 : memref<128x8xf32, #tpu.memory_space<vmem_shared>>) target_semaphore(%run_scoped3A : memref<!tpu.dma_semaphore, #tpu.memory_space<semaphore_mem>>)
      %dma_wait3A = arith.constant 0 : i32
      %dma_wait3A_129 = tpu.memref_slice %arg13[%add3A_19, %dma_wait3A] : memref<25088x8xf32, #tpu.memory_space<vmem_shared>> -> memref<128x8xf32, #tpu.memory_space<vmem_shared>>
      tpu.wait_dma2 semaphore(%run_scoped3A : memref<!tpu.dma_semaphore, #tpu.memory_space<semaphore_mem>>) src(%arg5 : memref<128x8xf32, #tpu.memory_space<hbm>>) dst(%dma_wait3A_129 : memref<128x8xf32, #tpu.memory_space<vmem_shared>>)
      tpu.yield
    }) : () -> ()
    %add3A_20 = arith.constant 384 : i32
    %add3A_21 = arith.addi %multiple_of3A, %add3A_20 : i32
    "tpu.region"() ({
      %run_scoped3A = tpu.sem_alloc : memref<!tpu.dma_semaphore, #tpu.memory_space<semaphore_mem>>
      %dma_start3A = arith.constant 0 : i32
      %dma_start3A_128 = tpu.memref_slice %arg12[%add3A_21, %dma_start3A] : memref<25088x64xf32, #tpu.memory_space<vmem_shared>> -> memref<128x64xf32, #tpu.memory_space<vmem_shared>>
      %dma_start3A_129 = arith.constant 0 : i32
      %dma_start3A_130 = tpu.memref_slice %arg12[%add3A_21, %dma_start3A_129] : memref<25088x64xf32, #tpu.memory_space<vmem_shared>> -> memref<128x64xf32, #tpu.memory_space<vmem_shared>>
      tpu.enqueue_dma source(%arg8 : memref<128x64xf32, #tpu.memory_space<vmem>>) target(%dma_start3A_130 : memref<128x64xf32, #tpu.memory_space<vmem_shared>>) target_semaphore(%run_scoped3A : memref<!tpu.dma_semaphore, #tpu.memory_space<semaphore_mem>>)
      %dma_wait3A = arith.constant 0 : i32
      %dma_wait3A_131 = tpu.memref_slice %arg12[%add3A_21, %dma_wait3A] : memref<25088x64xf32, #tpu.memory_space<vmem_shared>> -> memref<128x64xf32, #tpu.memory_space<vmem_shared>>
      %dma_wait3A_132 = arith.constant 0 : i32
      %dma_wait3A_133 = tpu.memref_slice %arg12[%add3A_21, %dma_wait3A_132] : memref<25088x64xf32, #tpu.memory_space<vmem_shared>> -> memref<128x64xf32, #tpu.memory_space<vmem_shared>>
      tpu.wait_dma2 semaphore(%run_scoped3A : memref<!tpu.dma_semaphore, #tpu.memory_space<semaphore_mem>>) src(%arg8 : memref<128x64xf32, #tpu.memory_space<vmem>>) dst(%dma_wait3A_133 : memref<128x64xf32, #tpu.memory_space<vmem_shared>>)
      tpu.yield
    }) : () -> ()
    %add3A_22 = arith.constant 384 : i32
    %add3A_23 = arith.addi %multiple_of3A, %add3A_22 : i32
    "tpu.region"() ({
      %run_scoped3A = tpu.sem_alloc : memref<!tpu.dma_semaphore, #tpu.memory_space<semaphore_mem>>
      %dma_start3A = arith.constant 0 : i32
      %dma_start3A_128 = tpu.memref_slice %arg13[%add3A_23, %dma_start3A] : memref<25088x8xf32, #tpu.memory_space<vmem_shared>> -> memref<128x8xf32, #tpu.memory_space<vmem_shared>>
      tpu.enqueue_dma source(%arg5 : memref<128x8xf32, #tpu.memory_space<hbm>>) target(%dma_start3A_128 : memref<128x8xf32, #tpu.memory_space<vmem_shared>>) target_semaphore(%run_scoped3A : memref<!tpu.dma_semaphore, #tpu.memory_space<semaphore_mem>>)
      %dma_wait3A = arith.constant 0 : i32
      %dma_wait3A_129 = tpu.memref_slice %arg13[%add3A_23, %dma_wait3A] : memref<25088x8xf32, #tpu.memory_space<vmem_shared>> -> memref<128x8xf32, #tpu.memory_space<vmem_shared>>
      tpu.wait_dma2 semaphore(%run_scoped3A : memref<!tpu.dma_semaphore, #tpu.memory_space<semaphore_mem>>) src(%arg5 : memref<128x8xf32, #tpu.memory_space<hbm>>) dst(%dma_wait3A_129 : memref<128x8xf32, #tpu.memory_space<vmem_shared>>)
      tpu.yield
    }) : () -> ()
    %add3A_24 = arith.constant 512 : i32
    %add3A_25 = arith.addi %multiple_of3A, %add3A_24 : i32
    "tpu.region"() ({
      %run_scoped3A = tpu.sem_alloc : memref<!tpu.dma_semaphore, #tpu.memory_space<semaphore_mem>>
      %dma_start3A = arith.constant 0 : i32
      %dma_start3A_128 = tpu.memref_slice %arg12[%add3A_25, %dma_start3A] : memref<25088x64xf32, #tpu.memory_space<vmem_shared>> -> memref<128x64xf32, #tpu.memory_space<vmem_shared>>
      %dma_start3A_129 = arith.constant 0 : i32
      %dma_start3A_130 = tpu.memref_slice %arg12[%add3A_25, %dma_start3A_129] : memref<25088x64xf32, #tpu.memory_space<vmem_shared>> -> memref<128x64xf32, #tpu.memory_space<vmem_shared>>
      tpu.enqueue_dma source(%arg8 : memref<128x64xf32, #tpu.memory_space<vmem>>) target(%dma_start3A_130 : memref<128x64xf32, #tpu.memory_space<vmem_shared>>) target_semaphore(%run_scoped3A : memref<!tpu.dma_semaphore, #tpu.memory_space<semaphore_mem>>)
      %dma_wait3A = arith.constant 0 : i32
      %dma_wait3A_131 = tpu.memref_slice %arg12[%add3A_25, %dma_wait3A] : memref<25088x64xf32, #tpu.memory_space<vmem_shared>> -> memref<128x64xf32, #tpu.memory_space<vmem_shared>>
      %dma_wait3A_132 = arith.constant 0 : i32
      %dma_wait3A_133 = tpu.memref_slice %arg12[%add3A_25, %dma_wait3A_132] : memref<25088x64xf32, #tpu.memory_space<vmem_shared>> -> memref<128x64xf32, #tpu.memory_space<vmem_shared>>
      tpu.wait_dma2 semaphore(%run_scoped3A : memref<!tpu.dma_semaphore, #tpu.memory_space<semaphore_mem>>) src(%arg8 : memref<128x64xf32, #tpu.memory_space<vmem>>) dst(%dma_wait3A_133 : memref<128x64xf32, #tpu.memory_space<vmem_shared>>)
      tpu.yield
    }) : () -> ()
    %add3A_26 = arith.constant 512 : i32
    %add3A_27 = arith.addi %multiple_of3A, %add3A_26 : i32
    "tpu.region"() ({
      %run_scoped3A = tpu.sem_alloc : memref<!tpu.dma_semaphore, #tpu.memory_space<semaphore_mem>>
      %dma_start3A = arith.constant 0 : i32
      %dma_start3A_128 = tpu.memref_slice %arg13[%add3A_27, %dma_start3A] : memref<25088x8xf32, #tpu.memory_space<vmem_shared>> -> memref<128x8xf32, #tpu.memory_space<vmem_shared>>
      tpu.enqueue_dma source(%arg5 : memref<128x8xf32, #tpu.memory_space<hbm>>) target(%dma_start3A_128 : memref<128x8xf32, #tpu.memory_space<vmem_shared>>) target_semaphore(%run_scoped3A : memref<!tpu.dma_semaphore, #tpu.memory_space<semaphore_mem>>)
      %dma_wait3A = arith.constant 0 : i32
      %dma_wait3A_129 = tpu.memref_slice %arg13[%add3A_27, %dma_wait3A] : memref<25088x8xf32, #tpu.memory_space<vmem_shared>> -> memref<128x8xf32, #tpu.memory_space<vmem_shared>>
      tpu.wait_dma2 semaphore(%run_scoped3A : memref<!tpu.dma_semaphore, #tpu.memory_space<semaphore_mem>>) src(%arg5 : memref<128x8xf32, #tpu.memory_space<hbm>>) dst(%dma_wait3A_129 : memref<128x8xf32, #tpu.memory_space<vmem_shared>>)
      tpu.yield
    }) : () -> ()
    %add3A_28 = arith.constant 640 : i32
    %add3A_29 = arith.addi %multiple_of3A, %add3A_28 : i32
    "tpu.region"() ({
      %run_scoped3A = tpu.sem_alloc : memref<!tpu.dma_semaphore, #tpu.memory_space<semaphore_mem>>
      %dma_start3A = arith.constant 0 : i32
      %dma_start3A_128 = tpu.memref_slice %arg12[%add3A_29, %dma_start3A] : memref<25088x64xf32, #tpu.memory_space<vmem_shared>> -> memref<128x64xf32, #tpu.memory_space<vmem_shared>>
      %dma_start3A_129 = arith.constant 0 : i32
      %dma_start3A_130 = tpu.memref_slice %arg12[%add3A_29, %dma_start3A_129] : memref<25088x64xf32, #tpu.memory_space<vmem_shared>> -> memref<128x64xf32, #tpu.memory_space<vmem_shared>>
      tpu.enqueue_dma source(%arg8 : memref<128x64xf32, #tpu.memory_space<vmem>>) target(%dma_start3A_130 : memref<128x64xf32, #tpu.memory_space<vmem_shared>>) target_semaphore(%run_scoped3A : memref<!tpu.dma_semaphore, #tpu.memory_space<semaphore_mem>>)
      %dma_wait3A = arith.constant 0 : i32
      %dma_wait3A_131 = tpu.memref_slice %arg12[%add3A_29, %dma_wait3A] : memref<25088x64xf32, #tpu.memory_space<vmem_shared>> -> memref<128x64xf32, #tpu.memory_space<vmem_shared>>
      %dma_wait3A_132 = arith.constant 0 : i32
      %dma_wait3A_133 = tpu.memref_slice %arg12[%add3A_29, %dma_wait3A_132] : memref<25088x64xf32, #tpu.memory_space<vmem_shared>> -> memref<128x64xf32, #tpu.memory_space<vmem_shared>>
      tpu.wait_dma2 semaphore(%run_scoped3A : memref<!tpu.dma_semaphore, #tpu.memory_space<semaphore_mem>>) src(%arg8 : memref<128x64xf32, #tpu.memory_space<vmem>>) dst(%dma_wait3A_133 : memref<128x64xf32, #tpu.memory_space<vmem_shared>>)
      tpu.yield
    }) : () -> ()
    %add3A_30 = arith.constant 640 : i32
    %add3A_31 = arith.addi %multiple_of3A, %add3A_30 : i32
    "tpu.region"() ({
      %run_scoped3A = tpu.sem_alloc : memref<!tpu.dma_semaphore, #tpu.memory_space<semaphore_mem>>
      %dma_start3A = arith.constant 0 : i32
      %dma_start3A_128 = tpu.memref_slice %arg13[%add3A_31, %dma_start3A] : memref<25088x8xf32, #tpu.memory_space<vmem_shared>> -> memref<128x8xf32, #tpu.memory_space<vmem_shared>>
      tpu.enqueue_dma source(%arg5 : memref<128x8xf32, #tpu.memory_space<hbm>>) target(%dma_start3A_128 : memref<128x8xf32, #tpu.memory_space<vmem_shared>>) target_semaphore(%run_scoped3A : memref<!tpu.dma_semaphore, #tpu.memory_space<semaphore_mem>>)
      %dma_wait3A = arith.constant 0 : i32
      %dma_wait3A_129 = tpu.memref_slice %arg13[%add3A_31, %dma_wait3A] : memref<25088x8xf32, #tpu.memory_space<vmem_shared>> -> memref<128x8xf32, #tpu.memory_space<vmem_shared>>
      tpu.wait_dma2 semaphore(%run_scoped3A : memref<!tpu.dma_semaphore, #tpu.memory_space<semaphore_mem>>) src(%arg5 : memref<128x8xf32, #tpu.memory_space<hbm>>) dst(%dma_wait3A_129 : memref<128x8xf32, #tpu.memory_space<vmem_shared>>)
      tpu.yield
    }) : () -> ()
    %add3A_32 = arith.constant 768 : i32
    %add3A_33 = arith.addi %multiple_of3A, %add3A_32 : i32
    "tpu.region"() ({
      %run_scoped3A = tpu.sem_alloc : memref<!tpu.dma_semaphore, #tpu.memory_space<semaphore_mem>>
      %dma_start3A = arith.constant 0 : i32
      %dma_start3A_128 = tpu.memref_slice %arg12[%add3A_33, %dma_start3A] : memref<25088x64xf32, #tpu.memory_space<vmem_shared>> -> memref<128x64xf32, #tpu.memory_space<vmem_shared>>
      %dma_start3A_129 = arith.constant 0 : i32
      %dma_start3A_130 = tpu.memref_slice %arg12[%add3A_33, %dma_start3A_129] : memref<25088x64xf32, #tpu.memory_space<vmem_shared>> -> memref<128x64xf32, #tpu.memory_space<vmem_shared>>
      tpu.enqueue_dma source(%arg8 : memref<128x64xf32, #tpu.memory_space<vmem>>) target(%dma_start3A_130 : memref<128x64xf32, #tpu.memory_space<vmem_shared>>) target_semaphore(%run_scoped3A : memref<!tpu.dma_semaphore, #tpu.memory_space<semaphore_mem>>)
      %dma_wait3A = arith.constant 0 : i32
      %dma_wait3A_131 = tpu.memref_slice %arg12[%add3A_33, %dma_wait3A] : memref<25088x64xf32, #tpu.memory_space<vmem_shared>> -> memref<128x64xf32, #tpu.memory_space<vmem_shared>>
      %dma_wait3A_132 = arith.constant 0 : i32
      %dma_wait3A_133 = tpu.memref_slice %arg12[%add3A_33, %dma_wait3A_132] : memref<25088x64xf32, #tpu.memory_space<vmem_shared>> -> memref<128x64xf32, #tpu.memory_space<vmem_shared>>
      tpu.wait_dma2 semaphore(%run_scoped3A : memref<!tpu.dma_semaphore, #tpu.memory_space<semaphore_mem>>) src(%arg8 : memref<128x64xf32, #tpu.memory_space<vmem>>) dst(%dma_wait3A_133 : memref<128x64xf32, #tpu.memory_space<vmem_shared>>)
      tpu.yield
    }) : () -> ()
    %add3A_34 = arith.constant 768 : i32
    %add3A_35 = arith.addi %multiple_of3A, %add3A_34 : i32
    "tpu.region"() ({
      %run_scoped3A = tpu.sem_alloc : memref<!tpu.dma_semaphore, #tpu.memory_space<semaphore_mem>>
      %dma_start3A = arith.constant 0 : i32
      %dma_start3A_128 = tpu.memref_slice %arg13[%add3A_35, %dma_start3A] : memref<25088x8xf32, #tpu.memory_space<vmem_shared>> -> memref<128x8xf32, #tpu.memory_space<vmem_shared>>
      tpu.enqueue_dma source(%arg5 : memref<128x8xf32, #tpu.memory_space<hbm>>) target(%dma_start3A_128 : memref<128x8xf32, #tpu.memory_space<vmem_shared>>) target_semaphore(%run_scoped3A : memref<!tpu.dma_semaphore, #tpu.memory_space<semaphore_mem>>)
      %dma_wait3A = arith.constant 0 : i32
      %dma_wait3A_129 = tpu.memref_slice %arg13[%add3A_35, %dma_wait3A] : memref<25088x8xf32, #tpu.memory_space<vmem_shared>> -> memref<128x8xf32, #tpu.memory_space<vmem_shared>>
      tpu.wait_dma2 semaphore(%run_scoped3A : memref<!tpu.dma_semaphore, #tpu.memory_space<semaphore_mem>>) src(%arg5 : memref<128x8xf32, #tpu.memory_space<hbm>>) dst(%dma_wait3A_129 : memref<128x8xf32, #tpu.memory_space<vmem_shared>>)
      tpu.yield
    }) : () -> ()
    %add3A_36 = arith.constant 896 : i32
    %add3A_37 = arith.addi %multiple_of3A, %add3A_36 : i32
    "tpu.region"() ({
      %run_scoped3A = tpu.sem_alloc : memref<!tpu.dma_semaphore, #tpu.memory_space<semaphore_mem>>
      %dma_start3A = arith.constant 0 : i32
      %dma_start3A_128 = tpu.memref_slice %arg12[%add3A_37, %dma_start3A] : memref<25088x64xf32, #tpu.memory_space<vmem_shared>> -> memref<128x64xf32, #tpu.memory_space<vmem_shared>>
      %dma_start3A_129 = arith.constant 0 : i32
      %dma_start3A_130 = tpu.memref_slice %arg12[%add3A_37, %dma_start3A_129] : memref<25088x64xf32, #tpu.memory_space<vmem_shared>> -> memref<128x64xf32, #tpu.memory_space<vmem_shared>>
      tpu.enqueue_dma source(%arg8 : memref<128x64xf32, #tpu.memory_space<vmem>>) target(%dma_start3A_130 : memref<128x64xf32, #tpu.memory_space<vmem_shared>>) target_semaphore(%run_scoped3A : memref<!tpu.dma_semaphore, #tpu.memory_space<semaphore_mem>>)
      %dma_wait3A = arith.constant 0 : i32
      %dma_wait3A_131 = tpu.memref_slice %arg12[%add3A_37, %dma_wait3A] : memref<25088x64xf32, #tpu.memory_space<vmem_shared>> -> memref<128x64xf32, #tpu.memory_space<vmem_shared>>
      %dma_wait3A_132 = arith.constant 0 : i32
      %dma_wait3A_133 = tpu.memref_slice %arg12[%add3A_37, %dma_wait3A_132] : memref<25088x64xf32, #tpu.memory_space<vmem_shared>> -> memref<128x64xf32, #tpu.memory_space<vmem_shared>>
      tpu.wait_dma2 semaphore(%run_scoped3A : memref<!tpu.dma_semaphore, #tpu.memory_space<semaphore_mem>>) src(%arg8 : memref<128x64xf32, #tpu.memory_space<vmem>>) dst(%dma_wait3A_133 : memref<128x64xf32, #tpu.memory_space<vmem_shared>>)
      tpu.yield
    }) : () -> ()
    %add3A_38 = arith.constant 896 : i32
    %add3A_39 = arith.addi %multiple_of3A, %add3A_38 : i32
    "tpu.region"() ({
      %run_scoped3A = tpu.sem_alloc : memref<!tpu.dma_semaphore, #tpu.memory_space<semaphore_mem>>
      %dma_start3A = arith.constant 0 : i32
      %dma_start3A_128 = tpu.memref_slice %arg13[%add3A_39, %dma_start3A] : memref<25088x8xf32, #tpu.memory_space<vmem_shared>> -> memref<128x8xf32, #tpu.memory_space<vmem_shared>>
      tpu.enqueue_dma source(%arg5 : memref<128x8xf32, #tpu.memory_space<hbm>>) target(%dma_start3A_128 : memref<128x8xf32, #tpu.memory_space<vmem_shared>>) target_semaphore(%run_scoped3A : memref<!tpu.dma_semaphore, #tpu.memory_space<semaphore_mem>>)
      %dma_wait3A = arith.constant 0 : i32
      %dma_wait3A_129 = tpu.memref_slice %arg13[%add3A_39, %dma_wait3A] : memref<25088x8xf32, #tpu.memory_space<vmem_shared>> -> memref<128x8xf32, #tpu.memory_space<vmem_shared>>
      tpu.wait_dma2 semaphore(%run_scoped3A : memref<!tpu.dma_semaphore, #tpu.memory_space<semaphore_mem>>) src(%arg5 : memref<128x8xf32, #tpu.memory_space<hbm>>) dst(%dma_wait3A_129 : memref<128x8xf32, #tpu.memory_space<vmem_shared>>)
      tpu.yield
    }) : () -> ()
    %add3A_40 = arith.constant 1024 : i32
    %add3A_41 = arith.addi %multiple_of3A, %add3A_40 : i32
    "tpu.region"() ({
      %run_scoped3A = tpu.sem_alloc : memref<!tpu.dma_semaphore, #tpu.memory_space<semaphore_mem>>
      %dma_start3A = arith.constant 0 : i32
      %dma_start3A_128 = tpu.memref_slice %arg12[%add3A_41, %dma_start3A] : memref<25088x64xf32, #tpu.memory_space<vmem_shared>> -> memref<128x64xf32, #tpu.memory_space<vmem_shared>>
      %dma_start3A_129 = arith.constant 0 : i32
      %dma_start3A_130 = tpu.memref_slice %arg12[%add3A_41, %dma_start3A_129] : memref<25088x64xf32, #tpu.memory_space<vmem_shared>> -> memref<128x64xf32, #tpu.memory_space<vmem_shared>>
      tpu.enqueue_dma source(%arg8 : memref<128x64xf32, #tpu.memory_space<vmem>>) target(%dma_start3A_130 : memref<128x64xf32, #tpu.memory_space<vmem_shared>>) target_semaphore(%run_scoped3A : memref<!tpu.dma_semaphore, #tpu.memory_space<semaphore_mem>>)
      %dma_wait3A = arith.constant 0 : i32
      %dma_wait3A_131 = tpu.memref_slice %arg12[%add3A_41, %dma_wait3A] : memref<25088x64xf32, #tpu.memory_space<vmem_shared>> -> memref<128x64xf32, #tpu.memory_space<vmem_shared>>
      %dma_wait3A_132 = arith.constant 0 : i32
      %dma_wait3A_133 = tpu.memref_slice %arg12[%add3A_41, %dma_wait3A_132] : memref<25088x64xf32, #tpu.memory_space<vmem_shared>> -> memref<128x64xf32, #tpu.memory_space<vmem_shared>>
      tpu.wait_dma2 semaphore(%run_scoped3A : memref<!tpu.dma_semaphore, #tpu.memory_space<semaphore_mem>>) src(%arg8 : memref<128x64xf32, #tpu.memory_space<vmem>>) dst(%dma_wait3A_133 : memref<128x64xf32, #tpu.memory_space<vmem_shared>>)
      tpu.yield
    }) : () -> ()
    %add3A_42 = arith.constant 1024 : i32
    %add3A_43 = arith.addi %multiple_of3A, %add3A_42 : i32
    "tpu.region"() ({
      %run_scoped3A = tpu.sem_alloc : memref<!tpu.dma_semaphore, #tpu.memory_space<semaphore_mem>>
      %dma_start3A = arith.constant 0 : i32
      %dma_start3A_128 = tpu.memref_slice %arg13[%add3A_43, %dma_start3A] : memref<25088x8xf32, #tpu.memory_space<vmem_shared>> -> memref<128x8xf32, #tpu.memory_space<vmem_shared>>
      tpu.enqueue_dma source(%arg5 : memref<128x8xf32, #tpu.memory_space<hbm>>) target(%dma_start3A_128 : memref<128x8xf32, #tpu.memory_space<vmem_shared>>) target_semaphore(%run_scoped3A : memref<!tpu.dma_semaphore, #tpu.memory_space<semaphore_mem>>)
      %dma_wait3A = arith.constant 0 : i32
      %dma_wait3A_129 = tpu.memref_slice %arg13[%add3A_43, %dma_wait3A] : memref<25088x8xf32, #tpu.memory_space<vmem_shared>> -> memref<128x8xf32, #tpu.memory_space<vmem_shared>>
      tpu.wait_dma2 semaphore(%run_scoped3A : memref<!tpu.dma_semaphore, #tpu.memory_space<semaphore_mem>>) src(%arg5 : memref<128x8xf32, #tpu.memory_space<hbm>>) dst(%dma_wait3A_129 : memref<128x8xf32, #tpu.memory_space<vmem_shared>>)
      tpu.yield
    }) : () -> ()
    %add3A_44 = arith.constant 1152 : i32
    %add3A_45 = arith.addi %multiple_of3A, %add3A_44 : i32
    "tpu.region"() ({
      %run_scoped3A = tpu.sem_alloc : memref<!tpu.dma_semaphore, #tpu.memory_space<semaphore_mem>>
      %dma_start3A = arith.constant 0 : i32
      %dma_start3A_128 = tpu.memref_slice %arg12[%add3A_45, %dma_start3A] : memref<25088x64xf32, #tpu.memory_space<vmem_shared>> -> memref<128x64xf32, #tpu.memory_space<vmem_shared>>
      %dma_start3A_129 = arith.constant 0 : i32
      %dma_start3A_130 = tpu.memref_slice %arg12[%add3A_45, %dma_start3A_129] : memref<25088x64xf32, #tpu.memory_space<vmem_shared>> -> memref<128x64xf32, #tpu.memory_space<vmem_shared>>
      tpu.enqueue_dma source(%arg8 : memref<128x64xf32, #tpu.memory_space<vmem>>) target(%dma_start3A_130 : memref<128x64xf32, #tpu.memory_space<vmem_shared>>) target_semaphore(%run_scoped3A : memref<!tpu.dma_semaphore, #tpu.memory_space<semaphore_mem>>)
      %dma_wait3A = arith.constant 0 : i32
      %dma_wait3A_131 = tpu.memref_slice %arg12[%add3A_45, %dma_wait3A] : memref<25088x64xf32, #tpu.memory_space<vmem_shared>> -> memref<128x64xf32, #tpu.memory_space<vmem_shared>>
      %dma_wait3A_132 = arith.constant 0 : i32
      %dma_wait3A_133 = tpu.memref_slice %arg12[%add3A_45, %dma_wait3A_132] : memref<25088x64xf32, #tpu.memory_space<vmem_shared>> -> memref<128x64xf32, #tpu.memory_space<vmem_shared>>
      tpu.wait_dma2 semaphore(%run_scoped3A : memref<!tpu.dma_semaphore, #tpu.memory_space<semaphore_mem>>) src(%arg8 : memref<128x64xf32, #tpu.memory_space<vmem>>) dst(%dma_wait3A_133 : memref<128x64xf32, #tpu.memory_space<vmem_shared>>)
      tpu.yield
    }) : () -> ()
    %add3A_46 = arith.constant 1152 : i32
    %add3A_47 = arith.addi %multiple_of3A, %add3A_46 : i32
    "tpu.region"() ({
      %run_scoped3A = tpu.sem_alloc : memref<!tpu.dma_semaphore, #tpu.memory_space<semaphore_mem>>
      %dma_start3A = arith.constant 0 : i32
      %dma_start3A_128 = tpu.memref_slice %arg13[%add3A_47, %dma_start3A] : memref<25088x8xf32, #tpu.memory_space<vmem_shared>> -> memref<128x8xf32, #tpu.memory_space<vmem_shared>>
      tpu.enqueue_dma source(%arg5 : memref<128x8xf32, #tpu.memory_space<hbm>>) target(%dma_start3A_128 : memref<128x8xf32, #tpu.memory_space<vmem_shared>>) target_semaphore(%run_scoped3A : memref<!tpu.dma_semaphore, #tpu.memory_space<semaphore_mem>>)
      %dma_wait3A = arith.constant 0 : i32
      %dma_wait3A_129 = tpu.memref_slice %arg13[%add3A_47, %dma_wait3A] : memref<25088x8xf32, #tpu.memory_space<vmem_shared>> -> memref<128x8xf32, #tpu.memory_space<vmem_shared>>
      tpu.wait_dma2 semaphore(%run_scoped3A : memref<!tpu.dma_semaphore, #tpu.memory_space<semaphore_mem>>) src(%arg5 : memref<128x8xf32, #tpu.memory_space<hbm>>) dst(%dma_wait3A_129 : memref<128x8xf32, #tpu.memory_space<vmem_shared>>)
      tpu.yield
    }) : () -> ()
    %add3A_48 = arith.constant 1280 : i32
    %add3A_49 = arith.addi %multiple_of3A, %add3A_48 : i32
    "tpu.region"() ({
      %run_scoped3A = tpu.sem_alloc : memref<!tpu.dma_semaphore, #tpu.memory_space<semaphore_mem>>
      %dma_start3A = arith.constant 0 : i32
      %dma_start3A_128 = tpu.memref_slice %arg12[%add3A_49, %dma_start3A] : memref<25088x64xf32, #tpu.memory_space<vmem_shared>> -> memref<128x64xf32, #tpu.memory_space<vmem_shared>>
      %dma_start3A_129 = arith.constant 0 : i32
      %dma_start3A_130 = tpu.memref_slice %arg12[%add3A_49, %dma_start3A_129] : memref<25088x64xf32, #tpu.memory_space<vmem_shared>> -> memref<128x64xf32, #tpu.memory_space<vmem_shared>>
      tpu.enqueue_dma source(%arg8 : memref<128x64xf32, #tpu.memory_space<vmem>>) target(%dma_start3A_130 : memref<128x64xf32, #tpu.memory_space<vmem_shared>>) target_semaphore(%run_scoped3A : memref<!tpu.dma_semaphore, #tpu.memory_space<semaphore_mem>>)
      %dma_wait3A = arith.constant 0 : i32
      %dma_wait3A_131 = tpu.memref_slice %arg12[%add3A_49, %dma_wait3A] : memref<25088x64xf32, #tpu.memory_space<vmem_shared>> -> memref<128x64xf32, #tpu.memory_space<vmem_shared>>
      %dma_wait3A_132 = arith.constant 0 : i32
      %dma_wait3A_133 = tpu.memref_slice %arg12[%add3A_49, %dma_wait3A_132] : memref<25088x64xf32, #tpu.memory_space<vmem_shared>> -> memref<128x64xf32, #tpu.memory_space<vmem_shared>>
      tpu.wait_dma2 semaphore(%run_scoped3A : memref<!tpu.dma_semaphore, #tpu.memory_space<semaphore_mem>>) src(%arg8 : memref<128x64xf32, #tpu.memory_space<vmem>>) dst(%dma_wait3A_133 : memref<128x64xf32, #tpu.memory_space<vmem_shared>>)
      tpu.yield
    }) : () -> ()
    %add3A_50 = arith.constant 1280 : i32
    %add3A_51 = arith.addi %multiple_of3A, %add3A_50 : i32
    "tpu.region"() ({
      %run_scoped3A = tpu.sem_alloc : memref<!tpu.dma_semaphore, #tpu.memory_space<semaphore_mem>>
      %dma_start3A = arith.constant 0 : i32
      %dma_start3A_128 = tpu.memref_slice %arg13[%add3A_51, %dma_start3A] : memref<25088x8xf32, #tpu.memory_space<vmem_shared>> -> memref<128x8xf32, #tpu.memory_space<vmem_shared>>
      tpu.enqueue_dma source(%arg5 : memref<128x8xf32, #tpu.memory_space<hbm>>) target(%dma_start3A_128 : memref<128x8xf32, #tpu.memory_space<vmem_shared>>) target_semaphore(%run_scoped3A : memref<!tpu.dma_semaphore, #tpu.memory_space<semaphore_mem>>)
      %dma_wait3A = arith.constant 0 : i32
      %dma_wait3A_129 = tpu.memref_slice %arg13[%add3A_51, %dma_wait3A] : memref<25088x8xf32, #tpu.memory_space<vmem_shared>> -> memref<128x8xf32, #tpu.memory_space<vmem_shared>>
      tpu.wait_dma2 semaphore(%run_scoped3A : memref<!tpu.dma_semaphore, #tpu.memory_space<semaphore_mem>>) src(%arg5 : memref<128x8xf32, #tpu.memory_space<hbm>>) dst(%dma_wait3A_129 : memref<128x8xf32, #tpu.memory_space<vmem_shared>>)
      tpu.yield
    }) : () -> ()
    %add3A_52 = arith.constant 1408 : i32
    %add3A_53 = arith.addi %multiple_of3A, %add3A_52 : i32
    "tpu.region"() ({
      %run_scoped3A = tpu.sem_alloc : memref<!tpu.dma_semaphore, #tpu.memory_space<semaphore_mem>>
      %dma_start3A = arith.constant 0 : i32
      %dma_start3A_128 = tpu.memref_slice %arg12[%add3A_53, %dma_start3A] : memref<25088x64xf32, #tpu.memory_space<vmem_shared>> -> memref<128x64xf32, #tpu.memory_space<vmem_shared>>
      %dma_start3A_129 = arith.constant 0 : i32
      %dma_start3A_130 = tpu.memref_slice %arg12[%add3A_53, %dma_start3A_129] : memref<25088x64xf32, #tpu.memory_space<vmem_shared>> -> memref<128x64xf32, #tpu.memory_space<vmem_shared>>
      tpu.enqueue_dma source(%arg8 : memref<128x64xf32, #tpu.memory_space<vmem>>) target(%dma_start3A_130 : memref<128x64xf32, #tpu.memory_space<vmem_shared>>) target_semaphore(%run_scoped3A : memref<!tpu.dma_semaphore, #tpu.memory_space<semaphore_mem>>)
      %dma_wait3A = arith.constant 0 : i32
      %dma_wait3A_131 = tpu.memref_slice %arg12[%add3A_53, %dma_wait3A] : memref<25088x64xf32, #tpu.memory_space<vmem_shared>> -> memref<128x64xf32, #tpu.memory_space<vmem_shared>>
      %dma_wait3A_132 = arith.constant 0 : i32
      %dma_wait3A_133 = tpu.memref_slice %arg12[%add3A_53, %dma_wait3A_132] : memref<25088x64xf32, #tpu.memory_space<vmem_shared>> -> memref<128x64xf32, #tpu.memory_space<vmem_shared>>
      tpu.wait_dma2 semaphore(%run_scoped3A : memref<!tpu.dma_semaphore, #tpu.memory_space<semaphore_mem>>) src(%arg8 : memref<128x64xf32, #tpu.memory_space<vmem>>) dst(%dma_wait3A_133 : memref<128x64xf32, #tpu.memory_space<vmem_shared>>)
      tpu.yield
    }) : () -> ()
    %add3A_54 = arith.constant 1408 : i32
    %add3A_55 = arith.addi %multiple_of3A, %add3A_54 : i32
    "tpu.region"() ({
      %run_scoped3A = tpu.sem_alloc : memref<!tpu.dma_semaphore, #tpu.memory_space<semaphore_mem>>
      %dma_start3A = arith.constant 0 : i32
      %dma_start3A_128 = tpu.memref_slice %arg13[%add3A_55, %dma_start3A] : memref<25088x8xf32, #tpu.memory_space<vmem_shared>> -> memref<128x8xf32, #tpu.memory_space<vmem_shared>>
      tpu.enqueue_dma source(%arg5 : memref<128x8xf32, #tpu.memory_space<hbm>>) target(%dma_start3A_128 : memref<128x8xf32, #tpu.memory_space<vmem_shared>>) target_semaphore(%run_scoped3A : memref<!tpu.dma_semaphore, #tpu.memory_space<semaphore_mem>>)
      %dma_wait3A = arith.constant 0 : i32
      %dma_wait3A_129 = tpu.memref_slice %arg13[%add3A_55, %dma_wait3A] : memref<25088x8xf32, #tpu.memory_space<vmem_shared>> -> memref<128x8xf32, #tpu.memory_space<vmem_shared>>
      tpu.wait_dma2 semaphore(%run_scoped3A : memref<!tpu.dma_semaphore, #tpu.memory_space<semaphore_mem>>) src(%arg5 : memref<128x8xf32, #tpu.memory_space<hbm>>) dst(%dma_wait3A_129 : memref<128x8xf32, #tpu.memory_space<vmem_shared>>)
      tpu.yield
    }) : () -> ()
    %add3A_56 = arith.constant 1536 : i32
    %add3A_57 = arith.addi %multiple_of3A, %add3A_56 : i32
    "tpu.region"() ({
      %run_scoped3A = tpu.sem_alloc : memref<!tpu.dma_semaphore, #tpu.memory_space<semaphore_mem>>
      %dma_start3A = arith.constant 0 : i32
      %dma_start3A_128 = arith.constant 0 : i32
      %dma_start3A_129 = tpu.memref_slice %arg8[%dma_start3A, %dma_start3A_128] : memref<128x64xf32, #tpu.memory_space<vmem>> -> memref<32x64xf32, #tpu.memory_space<vmem>>
      %dma_start3A_130 = arith.constant 0 : i32
      %dma_start3A_131 = tpu.memref_slice %arg12[%add3A_57, %dma_start3A_130] : memref<25088x64xf32, #tpu.memory_space<vmem_shared>> -> memref<32x64xf32, #tpu.memory_space<vmem_shared>>
      %dma_start3A_132 = arith.constant 0 : i32
      %dma_start3A_133 = tpu.memref_slice %arg12[%add3A_57, %dma_start3A_132] : memref<25088x64xf32, #tpu.memory_space<vmem_shared>> -> memref<32x64xf32, #tpu.memory_space<vmem_shared>>
      %dma_start3A_134 = arith.constant 0 : i32
      %dma_start3A_135 = arith.constant 0 : i32
      %dma_start3A_136 = tpu.memref_slice %arg8[%dma_start3A_134, %dma_start3A_135] : memref<128x64xf32, #tpu.memory_space<vmem>> -> memref<32x64xf32, #tpu.memory_space<vmem>>
      tpu.enqueue_dma source(%dma_start3A_136 : memref<32x64xf32, #tpu.memory_space<vmem>>) target(%dma_start3A_133 : memref<32x64xf32, #tpu.memory_space<vmem_shared>>) target_semaphore(%run_scoped3A : memref<!tpu.dma_semaphore, #tpu.memory_space<semaphore_mem>>)
      %dma_wait3A = arith.constant 0 : i32
      %dma_wait3A_137 = arith.constant 0 : i32
      %dma_wait3A_138 = tpu.memref_slice %arg8[%dma_wait3A, %dma_wait3A_137] : memref<128x64xf32, #tpu.memory_space<vmem>> -> memref<32x64xf32, #tpu.memory_space<vmem>>
      %dma_wait3A_139 = arith.constant 0 : i32
      %dma_wait3A_140 = tpu.memref_slice %arg12[%add3A_57, %dma_wait3A_139] : memref<25088x64xf32, #tpu.memory_space<vmem_shared>> -> memref<32x64xf32, #tpu.memory_space<vmem_shared>>
      %dma_wait3A_141 = arith.constant 0 : i32
      %dma_wait3A_142 = tpu.memref_slice %arg12[%add3A_57, %dma_wait3A_141] : memref<25088x64xf32, #tpu.memory_space<vmem_shared>> -> memref<32x64xf32, #tpu.memory_space<vmem_shared>>
      %dma_wait3A_143 = arith.constant 0 : i32
      %dma_wait3A_144 = arith.constant 0 : i32
      %dma_wait3A_145 = tpu.memref_slice %arg8[%dma_wait3A_143, %dma_wait3A_144] : memref<128x64xf32, #tpu.memory_space<vmem>> -> memref<32x64xf32, #tpu.memory_space<vmem>>
      tpu.wait_dma2 semaphore(%run_scoped3A : memref<!tpu.dma_semaphore, #tpu.memory_space<semaphore_mem>>) src(%dma_wait3A_145 : memref<32x64xf32, #tpu.memory_space<vmem>>) dst(%dma_wait3A_142 : memref<32x64xf32, #tpu.memory_space<vmem_shared>>)
      tpu.yield
    }) : () -> ()
    %add3A_58 = arith.constant 1536 : i32
    %add3A_59 = arith.addi %multiple_of3A, %add3A_58 : i32
    "tpu.region"() ({
      %run_scoped3A = tpu.sem_alloc : memref<!tpu.dma_semaphore, #tpu.memory_space<semaphore_mem>>
      %dma_start3A = arith.constant 0 : i32
      %dma_start3A_128 = tpu.memref_slice %arg13[%add3A_59, %dma_start3A] : memref<25088x8xf32, #tpu.memory_space<vmem_shared>> -> memref<32x8xf32, #tpu.memory_space<vmem_shared>>
      %dma_start3A_129 = arith.constant 0 : i32
      %dma_start3A_130 = arith.constant 0 : i32
      %dma_start3A_131 = tpu.memref_slice %arg5[%dma_start3A_129, %dma_start3A_130] : memref<128x8xf32, #tpu.memory_space<hbm>> -> memref<32x8xf32, #tpu.memory_space<hbm>>
      tpu.enqueue_dma source(%dma_start3A_131 : memref<32x8xf32, #tpu.memory_space<hbm>>) target(%dma_start3A_128 : memref<32x8xf32, #tpu.memory_space<vmem_shared>>) target_semaphore(%run_scoped3A : memref<!tpu.dma_semaphore, #tpu.memory_space<semaphore_mem>>)
      %dma_wait3A = arith.constant 0 : i32
      %dma_wait3A_132 = tpu.memref_slice %arg13[%add3A_59, %dma_wait3A] : memref<25088x8xf32, #tpu.memory_space<vmem_shared>> -> memref<32x8xf32, #tpu.memory_space<vmem_shared>>
      %dma_wait3A_133 = arith.constant 0 : i32
      %dma_wait3A_134 = arith.constant 0 : i32
      %dma_wait3A_135 = tpu.memref_slice %arg5[%dma_wait3A_133, %dma_wait3A_134] : memref<128x8xf32, #tpu.memory_space<hbm>> -> memref<32x8xf32, #tpu.memory_space<hbm>>
      tpu.wait_dma2 semaphore(%run_scoped3A : memref<!tpu.dma_semaphore, #tpu.memory_space<semaphore_mem>>) src(%dma_wait3A_135 : memref<32x8xf32, #tpu.memory_space<hbm>>) dst(%dma_wait3A_132 : memref<32x8xf32, #tpu.memory_space<vmem_shared>>)
      tpu.yield
    }) : () -> ()
    %barrier3A = arith.constant 0 : index
    tpu.barrier barrier_id(%barrier3A)
    %mul3A_60 = arith.constant 51200 : i32
    %mul3A_61 = arith.muli %arg1, %mul3A_60 : i32
    %scan3A_62 = arith.constant 0 : i32
    %scan3A_63 = arith.constant 0 : i32
    %scan3A_64 = arith.constant 50 : i32
    %scan3A_65 = arith.addi %scan3A_63, %scan3A_64 : i32
    %scan3A_66 = arith.constant 1 : i32
    %scan3A_67 = scf.for %scan3A_128 = %scan3A_63 to %scan3A_65 step %scan3A_66 iter_args(%scan3A_129 = %scan3A_62) -> (i32)  : i32 {
      %mul3A_130 = arith.constant 1024 : i32
      %mul3A_131 = arith.muli %scan3A_128, %mul3A_130 : i32
      %add3A_132 = arith.addi %mul3A_61, %mul3A_131 : i32
      %multiple_of3A_133 = tpu.assume_multiple %add3A_132, 512 : i32
      %jit3A = arith.constant 128 : i32
      %div3A = arith.divsi %mul3A_61, %jit3A : i32
      %sign3A = arith.constant 0 : i32
      %sign3A_134 = arith.cmpi sgt, %mul3A_61, %sign3A : i32
      %sign3A_135 = arith.extui %sign3A_134 : i1 to i32
      %sign3A_136 = arith.constant 0 : i32
      %sign3A_137 = arith.cmpi slt, %mul3A_61, %sign3A_136 : i32
      %sign3A_138 = arith.extui %sign3A_137 : i1 to i32
      %sign3A_139 = arith.subi %sign3A_135, %sign3A_138 : i32
      %sign3A_140 = arith.constant 0 : i32
      %sign3A_141 = arith.cmpi sgt, %jit3A, %sign3A_140 : i32
      %sign3A_142 = arith.extui %sign3A_141 : i1 to i32
      %sign3A_143 = arith.constant 0 : i32
      %sign3A_144 = arith.cmpi slt, %jit3A, %sign3A_143 : i32
      %sign3A_145 = arith.extui %sign3A_144 : i1 to i32
      %sign3A_146 = arith.subi %sign3A_142, %sign3A_145 : i32
      %ne3A = arith.cmpi ne, %sign3A_139, %sign3A_146 : i32
      %rem3A = arith.remsi %mul3A_61, %jit3A : i32
      %ne3A_147 = arith.constant 0 : i32
      %ne3A_148 = arith.cmpi ne, %rem3A, %ne3A_147 : i32
      %and3A = arith.andi %ne3A, %ne3A_148 : i1
      %sub3A = arith.constant 1 : i32
      %sub3A_149 = arith.subi %div3A, %sub3A : i32
      %select_n3A = arith.select %and3A, %sub3A_149, %div3A : i32
      %mul3A_150 = arith.constant 8 : i32
      %mul3A_151 = arith.muli %scan3A_128, %mul3A_150 : i32
      %add3A_152 = arith.addi %select_n3A, %mul3A_151 : i32
      %multiple_of3A_153 = tpu.assume_multiple %add3A_152, 8 : i32
      "tpu.region"() ({
        %run_scoped3A_1461 = tpu.sem_alloc : memref<!tpu.dma_semaphore, #tpu.memory_space<semaphore_mem>>
        %dma_start3A = arith.constant 0 : i32
        %dma_start3A_1462 = tpu.memref_slice %arg3[%multiple_of3A_153, %dma_start3A] : memref<6408x128xi32, #tpu.memory_space<hbm>> -> memref<8x128xi32, #tpu.memory_space<hbm>>
        %dma_start3A_1463 = arith.constant 0 : i32
        %dma_start3A_1464 = tpu.memref_slice %arg3[%multiple_of3A_153, %dma_start3A_1463] : memref<6408x128xi32, #tpu.memory_space<hbm>> -> memref<8x128xi32, #tpu.memory_space<hbm>>
        tpu.enqueue_dma source(%dma_start3A_1464 : memref<8x128xi32, #tpu.memory_space<hbm>>) target(%arg9 : memref<8x128xi32, #tpu.memory_space<vmem>>) target_semaphore(%run_scoped3A_1461 : memref<!tpu.dma_semaphore, #tpu.memory_space<semaphore_mem>>)
        %dma_wait3A = arith.constant 0 : i32
        %dma_wait3A_1465 = tpu.memref_slice %arg3[%multiple_of3A_153, %dma_wait3A] : memref<6408x128xi32, #tpu.memory_space<hbm>> -> memref<8x128xi32, #tpu.memory_space<hbm>>
        %dma_wait3A_1466 = arith.constant 0 : i32
        %dma_wait3A_1467 = tpu.memref_slice %arg3[%multiple_of3A_153, %dma_wait3A_1466] : memref<6408x128xi32, #tpu.memory_space<hbm>> -> memref<8x128xi32, #tpu.memory_space<hbm>>
        tpu.wait_dma2 semaphore(%run_scoped3A_1461 : memref<!tpu.dma_semaphore, #tpu.memory_space<semaphore_mem>>) src(%dma_wait3A_1467 : memref<8x128xi32, #tpu.memory_space<hbm>>) dst(%arg9 : memref<8x128xi32, #tpu.memory_space<vmem>>)
        tpu.yield
      }) : () -> ()
      %get3A = arith.constant 0 : i32
      %get3A_154 = arith.index_cast %get3A : i32 to index
      %get3A_155 = arith.constant 0 : index
      %get3A_156 = tpu.vector_load %arg9[%get3A_154, %get3A_155] {strides = array<i32>} : memref<8x128xi32, #tpu.memory_space<vmem>>, vector<16xi32>,
      %sub3A_157 = vector.broadcast %mul3A_0 : i32 to vector<16xi32>
      %sub3A_158 = arith.subi %get3A_156, %sub3A_157 : vector<16xi32>
      %ge3A = arith.constant 0 : i32
      %ge3A_159 = vector.broadcast %ge3A : i32 to vector<16xi32>
      %ge3A_160 = arith.cmpi sge, %sub3A_158, %ge3A_159 : vector<16xi32>
      %lt3A = arith.constant 25000 : i32
      %lt3A_161 = vector.broadcast %lt3A : i32 to vector<16xi32>
      %lt3A_162 = arith.cmpi slt, %sub3A_158, %lt3A_161 : vector<16xi32>
      %and3A_163 = arith.andi %ge3A_160, %lt3A_162 : vector<16xi1>
      %jit3A_164 = arith.constant 25000 : i32
      %broadcast_in_dim3A = vector.broadcast %jit3A_164 : i32 to vector<16xi32>
      %select_n3A_165 = arith.select %and3A_163, %sub3A_158, %broadcast_in_dim3A : vector<16xi1>, vector<16xi32>
      %swap3A = arith.constant 0 : i32
      %swap3A_166 = arith.index_cast %swap3A : i32 to index
      %swap3A_167 = arith.constant 0 : index
      %swap3A_168 = tpu.vector_load %arg10[%swap3A_166, %swap3A_167] {strides = array<i32>} : memref<8x128xi32, #tpu.memory_space<vmem>>, vector<16xi32>,
      tpu.vector_store %arg10[%swap3A_166, %swap3A_167], %select_n3A_165 {strides = array<i32>} : memref<8x128xi32, #tpu.memory_space<vmem>>, vector<16xi32>,
      %get3A_169 = arith.constant 0 : i32
      %get3A_170 = arith.index_cast %get3A_169 : i32 to index
      %get3A_171 = arith.constant 16 : index
      %get3A_172 = tpu.vector_load %arg9[%get3A_170, %get3A_171] {strides = array<i32>} : memref<8x128xi32, #tpu.memory_space<vmem>>, vector<16xi32>,
      %sub3A_173 = vector.broadcast %mul3A_0 : i32 to vector<16xi32>
      %sub3A_174 = arith.subi %get3A_172, %sub3A_173 : vector<16xi32>
      %ge3A_175 = arith.constant 0 : i32
      %ge3A_176 = vector.broadcast %ge3A_175 : i32 to vector<16xi32>
      %ge3A_177 = arith.cmpi sge, %sub3A_174, %ge3A_176 : vector<16xi32>
      %lt3A_178 = arith.constant 25000 : i32
      %lt3A_179 = vector.broadcast %lt3A_178 : i32 to vector<16xi32>
      %lt3A_180 = arith.cmpi slt, %sub3A_174, %lt3A_179 : vector<16xi32>
      %and3A_181 = arith.andi %ge3A_177, %lt3A_180 : vector<16xi1>
      %jit3A_182 = arith.constant 25000 : i32
      %broadcast_in_dim3A_183 = vector.broadcast %jit3A_182 : i32 to vector<16xi32>
      %select_n3A_184 = arith.select %and3A_181, %sub3A_174, %broadcast_in_dim3A_183 : vector<16xi1>, vector<16xi32>
      %swap3A_185 = arith.constant 0 : i32
      %swap3A_186 = arith.index_cast %swap3A_185 : i32 to index
      %swap3A_187 = arith.constant 16 : index
      %swap3A_188 = tpu.vector_load %arg10[%swap3A_186, %swap3A_187] {strides = array<i32>} : memref<8x128xi32, #tpu.memory_space<vmem>>, vector<16xi32>,
      tpu.vector_store %arg10[%swap3A_186, %swap3A_187], %select_n3A_184 {strides = array<i32>} : memref<8x128xi32, #tpu.memory_space<vmem>>, vector<16xi32>,
      %get3A_189 = arith.constant 0 : i32
      %get3A_190 = arith.index_cast %get3A_189 : i32 to index
      %get3A_191 = arith.constant 32 : index
      %get3A_192 = tpu.vector_load %arg9[%get3A_190, %get3A_191] {strides = array<i32>} : memref<8x128xi32, #tpu.memory_space<vmem>>, vector<16xi32>,
      %sub3A_193 = vector.broadcast %mul3A_0 : i32 to vector<16xi32>
      %sub3A_194 = arith.subi %get3A_192, %sub3A_193 : vector<16xi32>
      %ge3A_195 = arith.constant 0 : i32
      %ge3A_196 = vector.broadcast %ge3A_195 : i32 to vector<16xi32>
      %ge3A_197 = arith.cmpi sge, %sub3A_194, %ge3A_196 : vector<16xi32>
      %lt3A_198 = arith.constant 25000 : i32
      %lt3A_199 = vector.broadcast %lt3A_198 : i32 to vector<16xi32>
      %lt3A_200 = arith.cmpi slt, %sub3A_194, %lt3A_199 : vector<16xi32>
      %and3A_201 = arith.andi %ge3A_197, %lt3A_200 : vector<16xi1>
      %jit3A_202 = arith.constant 25000 : i32
      %broadcast_in_dim3A_203 = vector.broadcast %jit3A_202 : i32 to vector<16xi32>
      %select_n3A_204 = arith.select %and3A_201, %sub3A_194, %broadcast_in_dim3A_203 : vector<16xi1>, vector<16xi32>
      %swap3A_205 = arith.constant 0 : i32
      %swap3A_206 = arith.index_cast %swap3A_205 : i32 to index
      %swap3A_207 = arith.constant 32 : index
      %swap3A_208 = tpu.vector_load %arg10[%swap3A_206, %swap3A_207] {strides = array<i32>} : memref<8x128xi32, #tpu.memory_space<vmem>>, vector<16xi32>,
      tpu.vector_store %arg10[%swap3A_206, %swap3A_207], %select_n3A_204 {strides = array<i32>} : memref<8x128xi32, #tpu.memory_space<vmem>>, vector<16xi32>,
      %get3A_209 = arith.constant 0 : i32
      %get3A_210 = arith.index_cast %get3A_209 : i32 to index
      %get3A_211 = arith.constant 48 : index
      %get3A_212 = tpu.vector_load %arg9[%get3A_210, %get3A_211] {strides = array<i32>} : memref<8x128xi32, #tpu.memory_space<vmem>>, vector<16xi32>,
      %sub3A_213 = vector.broadcast %mul3A_0 : i32 to vector<16xi32>
      %sub3A_214 = arith.subi %get3A_212, %sub3A_213 : vector<16xi32>
      %ge3A_215 = arith.constant 0 : i32
      %ge3A_216 = vector.broadcast %ge3A_215 : i32 to vector<16xi32>
      %ge3A_217 = arith.cmpi sge, %sub3A_214, %ge3A_216 : vector<16xi32>
      %lt3A_218 = arith.constant 25000 : i32
      %lt3A_219 = vector.broadcast %lt3A_218 : i32 to vector<16xi32>
      %lt3A_220 = arith.cmpi slt, %sub3A_214, %lt3A_219 : vector<16xi32>
      %and3A_221 = arith.andi %ge3A_217, %lt3A_220 : vector<16xi1>
      %jit3A_222 = arith.constant 25000 : i32
      %broadcast_in_dim3A_223 = vector.broadcast %jit3A_222 : i32 to vector<16xi32>
      %select_n3A_224 = arith.select %and3A_221, %sub3A_214, %broadcast_in_dim3A_223 : vector<16xi1>, vector<16xi32>
      %swap3A_225 = arith.constant 0 : i32
      %swap3A_226 = arith.index_cast %swap3A_225 : i32 to index
      %swap3A_227 = arith.constant 48 : index
      %swap3A_228 = tpu.vector_load %arg10[%swap3A_226, %swap3A_227] {strides = array<i32>} : memref<8x128xi32, #tpu.memory_space<vmem>>, vector<16xi32>,
      tpu.vector_store %arg10[%swap3A_226, %swap3A_227], %select_n3A_224 {strides = array<i32>} : memref<8x128xi32, #tpu.memory_space<vmem>>, vector<16xi32>,
      %get3A_229 = arith.constant 0 : i32
      %get3A_230 = arith.index_cast %get3A_229 : i32 to index
      %get3A_231 = arith.constant 64 : index
      %get3A_232 = tpu.vector_load %arg9[%get3A_230, %get3A_231] {strides = array<i32>} : memref<8x128xi32, #tpu.memory_space<vmem>>, vector<16xi32>,
      %sub3A_233 = vector.broadcast %mul3A_0 : i32 to vector<16xi32>
      %sub3A_234 = arith.subi %get3A_232, %sub3A_233 : vector<16xi32>
      %ge3A_235 = arith.constant 0 : i32
      %ge3A_236 = vector.broadcast %ge3A_235 : i32 to vector<16xi32>
      %ge3A_237 = arith.cmpi sge, %sub3A_234, %ge3A_236 : vector<16xi32>
      %lt3A_238 = arith.constant 25000 : i32
      %lt3A_239 = vector.broadcast %lt3A_238 : i32 to vector<16xi32>
      %lt3A_240 = arith.cmpi slt, %sub3A_234, %lt3A_239 : vector<16xi32>
      %and3A_241 = arith.andi %ge3A_237, %lt3A_240 : vector<16xi1>
      %jit3A_242 = arith.constant 25000 : i32
      %broadcast_in_dim3A_243 = vector.broadcast %jit3A_242 : i32 to vector<16xi32>
      %select_n3A_244 = arith.select %and3A_241, %sub3A_234, %broadcast_in_dim3A_243 : vector<16xi1>, vector<16xi32>
      %swap3A_245 = arith.constant 0 : i32
      %swap3A_246 = arith.index_cast %swap3A_245 : i32 to index
      %swap3A_247 = arith.constant 64 : index
      %swap3A_248 = tpu.vector_load %arg10[%swap3A_246, %swap3A_247] {strides = array<i32>} : memref<8x128xi32, #tpu.memory_space<vmem>>, vector<16xi32>,
      tpu.vector_store %arg10[%swap3A_246, %swap3A_247], %select_n3A_244 {strides = array<i32>} : memref<8x128xi32, #tpu.memory_space<vmem>>, vector<16xi32>,
      %get3A_249 = arith.constant 0 : i32
      %get3A_250 = arith.index_cast %get3A_249 : i32 to index
      %get3A_251 = arith.constant 80 : index
      %get3A_252 = tpu.vector_load %arg9[%get3A_250, %get3A_251] {strides = array<i32>} : memref<8x128xi32, #tpu.memory_space<vmem>>, vector<16xi32>,
      %sub3A_253 = vector.broadcast %mul3A_0 : i32 to vector<16xi32>
      %sub3A_254 = arith.subi %get3A_252, %sub3A_253 : vector<16xi32>
      %ge3A_255 = arith.constant 0 : i32
      %ge3A_256 = vector.broadcast %ge3A_255 : i32 to vector<16xi32>
      %ge3A_257 = arith.cmpi sge, %sub3A_254, %ge3A_256 : vector<16xi32>
      %lt3A_258 = arith.constant 25000 : i32
      %lt3A_259 = vector.broadcast %lt3A_258 : i32 to vector<16xi32>
      %lt3A_260 = arith.cmpi slt, %sub3A_254, %lt3A_259 : vector<16xi32>
      %and3A_261 = arith.andi %ge3A_257, %lt3A_260 : vector<16xi1>
      %jit3A_262 = arith.constant 25000 : i32
      %broadcast_in_dim3A_263 = vector.broadcast %jit3A_262 : i32 to vector<16xi32>
      %select_n3A_264 = arith.select %and3A_261, %sub3A_254, %broadcast_in_dim3A_263 : vector<16xi1>, vector<16xi32>
      %swap3A_265 = arith.constant 0 : i32
      %swap3A_266 = arith.index_cast %swap3A_265 : i32 to index
      %swap3A_267 = arith.constant 80 : index
      %swap3A_268 = tpu.vector_load %arg10[%swap3A_266, %swap3A_267] {strides = array<i32>} : memref<8x128xi32, #tpu.memory_space<vmem>>, vector<16xi32>,
      tpu.vector_store %arg10[%swap3A_266, %swap3A_267], %select_n3A_264 {strides = array<i32>} : memref<8x128xi32, #tpu.memory_space<vmem>>, vector<16xi32>,
      %get3A_269 = arith.constant 0 : i32
      %get3A_270 = arith.index_cast %get3A_269 : i32 to index
      %get3A_271 = arith.constant 96 : index
      %get3A_272 = tpu.vector_load %arg9[%get3A_270, %get3A_271] {strides = array<i32>} : memref<8x128xi32, #tpu.memory_space<vmem>>, vector<16xi32>,
      %sub3A_273 = vector.broadcast %mul3A_0 : i32 to vector<16xi32>
      %sub3A_274 = arith.subi %get3A_272, %sub3A_273 : vector<16xi32>
      %ge3A_275 = arith.constant 0 : i32
      %ge3A_276 = vector.broadcast %ge3A_275 : i32 to vector<16xi32>
      %ge3A_277 = arith.cmpi sge, %sub3A_274, %ge3A_276 : vector<16xi32>
      %lt3A_278 = arith.constant 25000 : i32
      %lt3A_279 = vector.broadcast %lt3A_278 : i32 to vector<16xi32>
      %lt3A_280 = arith.cmpi slt, %sub3A_274, %lt3A_279 : vector<16xi32>
      %and3A_281 = arith.andi %ge3A_277, %lt3A_280 : vector<16xi1>
      %jit3A_282 = arith.constant 25000 : i32
      %broadcast_in_dim3A_283 = vector.broadcast %jit3A_282 : i32 to vector<16xi32>
      %select_n3A_284 = arith.select %and3A_281, %sub3A_274, %broadcast_in_dim3A_283 : vector<16xi1>, vector<16xi32>
      %swap3A_285 = arith.constant 0 : i32
      %swap3A_286 = arith.index_cast %swap3A_285 : i32 to index
      %swap3A_287 = arith.constant 96 : index
      %swap3A_288 = tpu.vector_load %arg10[%swap3A_286, %swap3A_287] {strides = array<i32>} : memref<8x128xi32, #tpu.memory_space<vmem>>, vector<16xi32>,
      tpu.vector_store %arg10[%swap3A_286, %swap3A_287], %select_n3A_284 {strides = array<i32>} : memref<8x128xi32, #tpu.memory_space<vmem>>, vector<16xi32>,
      %get3A_289 = arith.constant 0 : i32
      %get3A_290 = arith.index_cast %get3A_289 : i32 to index
      %get3A_291 = arith.constant 112 : index
      %get3A_292 = tpu.vector_load %arg9[%get3A_290, %get3A_291] {strides = array<i32>} : memref<8x128xi32, #tpu.memory_space<vmem>>, vector<16xi32>,
      %sub3A_293 = vector.broadcast %mul3A_0 : i32 to vector<16xi32>
      %sub3A_294 = arith.subi %get3A_292, %sub3A_293 : vector<16xi32>
      %ge3A_295 = arith.constant 0 : i32
      %ge3A_296 = vector.broadcast %ge3A_295 : i32 to vector<16xi32>
      %ge3A_297 = arith.cmpi sge, %sub3A_294, %ge3A_296 : vector<16xi32>
      %lt3A_298 = arith.constant 25000 : i32
      %lt3A_299 = vector.broadcast %lt3A_298 : i32 to vector<16xi32>
      %lt3A_300 = arith.cmpi slt, %sub3A_294, %lt3A_299 : vector<16xi32>
      %and3A_301 = arith.andi %ge3A_297, %lt3A_300 : vector<16xi1>
      %jit3A_302 = arith.constant 25000 : i32
      %broadcast_in_dim3A_303 = vector.broadcast %jit3A_302 : i32 to vector<16xi32>
      %select_n3A_304 = arith.select %and3A_301, %sub3A_294, %broadcast_in_dim3A_303 : vector<16xi1>, vector<16xi32>
      %swap3A_305 = arith.constant 0 : i32
      %swap3A_306 = arith.index_cast %swap3A_305 : i32 to index
      %swap3A_307 = arith.constant 112 : index
      %swap3A_308 = tpu.vector_load %arg10[%swap3A_306, %swap3A_307] {strides = array<i32>} : memref<8x128xi32, #tpu.memory_space<vmem>>, vector<16xi32>,
      tpu.vector_store %arg10[%swap3A_306, %swap3A_307], %select_n3A_304 {strides = array<i32>} : memref<8x128xi32, #tpu.memory_space<vmem>>, vector<16xi32>,
      %get3A_309 = arith.constant 1 : i32
      %get3A_310 = arith.index_cast %get3A_309 : i32 to index
      %get3A_311 = arith.constant 0 : index
      %get3A_312 = tpu.vector_load %arg9[%get3A_310, %get3A_311] {strides = array<i32>} : memref<8x128xi32, #tpu.memory_space<vmem>>, vector<16xi32>,
      %sub3A_313 = vector.broadcast %mul3A_0 : i32 to vector<16xi32>
      %sub3A_314 = arith.subi %get3A_312, %sub3A_313 : vector<16xi32>
      %ge3A_315 = arith.constant 0 : i32
      %ge3A_316 = vector.broadcast %ge3A_315 : i32 to vector<16xi32>
      %ge3A_317 = arith.cmpi sge, %sub3A_314, %ge3A_316 : vector<16xi32>
      %lt3A_318 = arith.constant 25000 : i32
      %lt3A_319 = vector.broadcast %lt3A_318 : i32 to vector<16xi32>
      %lt3A_320 = arith.cmpi slt, %sub3A_314, %lt3A_319 : vector<16xi32>
      %and3A_321 = arith.andi %ge3A_317, %lt3A_320 : vector<16xi1>
      %jit3A_322 = arith.constant 25000 : i32
      %broadcast_in_dim3A_323 = vector.broadcast %jit3A_322 : i32 to vector<16xi32>
      %select_n3A_324 = arith.select %and3A_321, %sub3A_314, %broadcast_in_dim3A_323 : vector<16xi1>, vector<16xi32>
      %swap3A_325 = arith.constant 1 : i32
      %swap3A_326 = arith.index_cast %swap3A_325 : i32 to index
      %swap3A_327 = arith.constant 0 : index
      %swap3A_328 = tpu.vector_load %arg10[%swap3A_326, %swap3A_327] {strides = array<i32>} : memref<8x128xi32, #tpu.memory_space<vmem>>, vector<16xi32>,
      tpu.vector_store %arg10[%swap3A_326, %swap3A_327], %select_n3A_324 {strides = array<i32>} : memref<8x128xi32, #tpu.memory_space<vmem>>, vector<16xi32>,
      %get3A_329 = arith.constant 1 : i32
      %get3A_330 = arith.index_cast %get3A_329 : i32 to index
      %get3A_331 = arith.constant 16 : index
      %get3A_332 = tpu.vector_load %arg9[%get3A_330, %get3A_331] {strides = array<i32>} : memref<8x128xi32, #tpu.memory_space<vmem>>, vector<16xi32>,
      %sub3A_333 = vector.broadcast %mul3A_0 : i32 to vector<16xi32>
      %sub3A_334 = arith.subi %get3A_332, %sub3A_333 : vector<16xi32>
      %ge3A_335 = arith.constant 0 : i32
      %ge3A_336 = vector.broadcast %ge3A_335 : i32 to vector<16xi32>
      %ge3A_337 = arith.cmpi sge, %sub3A_334, %ge3A_336 : vector<16xi32>
      %lt3A_338 = arith.constant 25000 : i32
      %lt3A_339 = vector.broadcast %lt3A_338 : i32 to vector<16xi32>
      %lt3A_340 = arith.cmpi slt, %sub3A_334, %lt3A_339 : vector<16xi32>
      %and3A_341 = arith.andi %ge3A_337, %lt3A_340 : vector<16xi1>
      %jit3A_342 = arith.constant 25000 : i32
      %broadcast_in_dim3A_343 = vector.broadcast %jit3A_342 : i32 to vector<16xi32>
      %select_n3A_344 = arith.select %and3A_341, %sub3A_334, %broadcast_in_dim3A_343 : vector<16xi1>, vector<16xi32>
      %swap3A_345 = arith.constant 1 : i32
      %swap3A_346 = arith.index_cast %swap3A_345 : i32 to index
      %swap3A_347 = arith.constant 16 : index
      %swap3A_348 = tpu.vector_load %arg10[%swap3A_346, %swap3A_347] {strides = array<i32>} : memref<8x128xi32, #tpu.memory_space<vmem>>, vector<16xi32>,
      tpu.vector_store %arg10[%swap3A_346, %swap3A_347], %select_n3A_344 {strides = array<i32>} : memref<8x128xi32, #tpu.memory_space<vmem>>, vector<16xi32>,
      %get3A_349 = arith.constant 1 : i32
      %get3A_350 = arith.index_cast %get3A_349 : i32 to index
      %get3A_351 = arith.constant 32 : index
      %get3A_352 = tpu.vector_load %arg9[%get3A_350, %get3A_351] {strides = array<i32>} : memref<8x128xi32, #tpu.memory_space<vmem>>, vector<16xi32>,
      %sub3A_353 = vector.broadcast %mul3A_0 : i32 to vector<16xi32>
      %sub3A_354 = arith.subi %get3A_352, %sub3A_353 : vector<16xi32>
      %ge3A_355 = arith.constant 0 : i32
      %ge3A_356 = vector.broadcast %ge3A_355 : i32 to vector<16xi32>
      %ge3A_357 = arith.cmpi sge, %sub3A_354, %ge3A_356 : vector<16xi32>
      %lt3A_358 = arith.constant 25000 : i32
      %lt3A_359 = vector.broadcast %lt3A_358 : i32 to vector<16xi32>
      %lt3A_360 = arith.cmpi slt, %sub3A_354, %lt3A_359 : vector<16xi32>
      %and3A_361 = arith.andi %ge3A_357, %lt3A_360 : vector<16xi1>
      %jit3A_362 = arith.constant 25000 : i32
      %broadcast_in_dim3A_363 = vector.broadcast %jit3A_362 : i32 to vector<16xi32>
      %select_n3A_364 = arith.select %and3A_361, %sub3A_354, %broadcast_in_dim3A_363 : vector<16xi1>, vector<16xi32>
      %swap3A_365 = arith.constant 1 : i32
      %swap3A_366 = arith.index_cast %swap3A_365 : i32 to index
      %swap3A_367 = arith.constant 32 : index
      %swap3A_368 = tpu.vector_load %arg10[%swap3A_366, %swap3A_367] {strides = array<i32>} : memref<8x128xi32, #tpu.memory_space<vmem>>, vector<16xi32>,
      tpu.vector_store %arg10[%swap3A_366, %swap3A_367], %select_n3A_364 {strides = array<i32>} : memref<8x128xi32, #tpu.memory_space<vmem>>, vector<16xi32>,
      %get3A_369 = arith.constant 1 : i32
      %get3A_370 = arith.index_cast %get3A_369 : i32 to index
      %get3A_371 = arith.constant 48 : index
      %get3A_372 = tpu.vector_load %arg9[%get3A_370, %get3A_371] {strides = array<i32>} : memref<8x128xi32, #tpu.memory_space<vmem>>, vector<16xi32>,
      %sub3A_373 = vector.broadcast %mul3A_0 : i32 to vector<16xi32>
      %sub3A_374 = arith.subi %get3A_372, %sub3A_373 : vector<16xi32>
      %ge3A_375 = arith.constant 0 : i32
      %ge3A_376 = vector.broadcast %ge3A_375 : i32 to vector<16xi32>
      %ge3A_377 = arith.cmpi sge, %sub3A_374, %ge3A_376 : vector<16xi32>
      %lt3A_378 = arith.constant 25000 : i32
      %lt3A_379 = vector.broadcast %lt3A_378 : i32 to vector<16xi32>
      %lt3A_380 = arith.cmpi slt, %sub3A_374, %lt3A_379 : vector<16xi32>
      %and3A_381 = arith.andi %ge3A_377, %lt3A_380 : vector<16xi1>
      %jit3A_382 = arith.constant 25000 : i32
      %broadcast_in_dim3A_383 = vector.broadcast %jit3A_382 : i32 to vector<16xi32>
      %select_n3A_384 = arith.select %and3A_381, %sub3A_374, %broadcast_in_dim3A_383 : vector<16xi1>, vector<16xi32>
      %swap3A_385 = arith.constant 1 : i32
      %swap3A_386 = arith.index_cast %swap3A_385 : i32 to index
      %swap3A_387 = arith.constant 48 : index
      %swap3A_388 = tpu.vector_load %arg10[%swap3A_386, %swap3A_387] {strides = array<i32>} : memref<8x128xi32, #tpu.memory_space<vmem>>, vector<16xi32>,
      tpu.vector_store %arg10[%swap3A_386, %swap3A_387], %select_n3A_384 {strides = array<i32>} : memref<8x128xi32, #tpu.memory_space<vmem>>, vector<16xi32>,
      %get3A_389 = arith.constant 1 : i32
      %get3A_390 = arith.index_cast %get3A_389 : i32 to index
      %get3A_391 = arith.constant 64 : index
      %get3A_392 = tpu.vector_load %arg9[%get3A_390, %get3A_391] {strides = array<i32>} : memref<8x128xi32, #tpu.memory_space<vmem>>, vector<16xi32>,
      %sub3A_393 = vector.broadcast %mul3A_0 : i32 to vector<16xi32>
      %sub3A_394 = arith.subi %get3A_392, %sub3A_393 : vector<16xi32>
      %ge3A_395 = arith.constant 0 : i32
      %ge3A_396 = vector.broadcast %ge3A_395 : i32 to vector<16xi32>
      %ge3A_397 = arith.cmpi sge, %sub3A_394, %ge3A_396 : vector<16xi32>
      %lt3A_398 = arith.constant 25000 : i32
      %lt3A_399 = vector.broadcast %lt3A_398 : i32 to vector<16xi32>
      %lt3A_400 = arith.cmpi slt, %sub3A_394, %lt3A_399 : vector<16xi32>
      %and3A_401 = arith.andi %ge3A_397, %lt3A_400 : vector<16xi1>
      %jit3A_402 = arith.constant 25000 : i32
      %broadcast_in_dim3A_403 = vector.broadcast %jit3A_402 : i32 to vector<16xi32>
      %select_n3A_404 = arith.select %and3A_401, %sub3A_394, %broadcast_in_dim3A_403 : vector<16xi1>, vector<16xi32>
      %swap3A_405 = arith.constant 1 : i32
      %swap3A_406 = arith.index_cast %swap3A_405 : i32 to index
      %swap3A_407 = arith.constant 64 : index
      %swap3A_408 = tpu.vector_load %arg10[%swap3A_406, %swap3A_407] {strides = array<i32>} : memref<8x128xi32, #tpu.memory_space<vmem>>, vector<16xi32>,
      tpu.vector_store %arg10[%swap3A_406, %swap3A_407], %select_n3A_404 {strides = array<i32>} : memref<8x128xi32, #tpu.memory_space<vmem>>, vector<16xi32>,
      %get3A_409 = arith.constant 1 : i32
      %get3A_410 = arith.index_cast %get3A_409 : i32 to index
      %get3A_411 = arith.constant 80 : index
      %get3A_412 = tpu.vector_load %arg9[%get3A_410, %get3A_411] {strides = array<i32>} : memref<8x128xi32, #tpu.memory_space<vmem>>, vector<16xi32>,
      %sub3A_413 = vector.broadcast %mul3A_0 : i32 to vector<16xi32>
      %sub3A_414 = arith.subi %get3A_412, %sub3A_413 : vector<16xi32>
      %ge3A_415 = arith.constant 0 : i32
      %ge3A_416 = vector.broadcast %ge3A_415 : i32 to vector<16xi32>
      %ge3A_417 = arith.cmpi sge, %sub3A_414, %ge3A_416 : vector<16xi32>
      %lt3A_418 = arith.constant 25000 : i32
      %lt3A_419 = vector.broadcast %lt3A_418 : i32 to vector<16xi32>
      %lt3A_420 = arith.cmpi slt, %sub3A_414, %lt3A_419 : vector<16xi32>
      %and3A_421 = arith.andi %ge3A_417, %lt3A_420 : vector<16xi1>
      %jit3A_422 = arith.constant 25000 : i32
      %broadcast_in_dim3A_423 = vector.broadcast %jit3A_422 : i32 to vector<16xi32>
      %select_n3A_424 = arith.select %and3A_421, %sub3A_414, %broadcast_in_dim3A_423 : vector<16xi1>, vector<16xi32>
      %swap3A_425 = arith.constant 1 : i32
      %swap3A_426 = arith.index_cast %swap3A_425 : i32 to index
      %swap3A_427 = arith.constant 80 : index
      %swap3A_428 = tpu.vector_load %arg10[%swap3A_426, %swap3A_427] {strides = array<i32>} : memref<8x128xi32, #tpu.memory_space<vmem>>, vector<16xi32>,
      tpu.vector_store %arg10[%swap3A_426, %swap3A_427], %select_n3A_424 {strides = array<i32>} : memref<8x128xi32, #tpu.memory_space<vmem>>, vector<16xi32>,
      %get3A_429 = arith.constant 1 : i32
      %get3A_430 = arith.index_cast %get3A_429 : i32 to index
      %get3A_431 = arith.constant 96 : index
      %get3A_432 = tpu.vector_load %arg9[%get3A_430, %get3A_431] {strides = array<i32>} : memref<8x128xi32, #tpu.memory_space<vmem>>, vector<16xi32>,
      %sub3A_433 = vector.broadcast %mul3A_0 : i32 to vector<16xi32>
      %sub3A_434 = arith.subi %get3A_432, %sub3A_433 : vector<16xi32>
      %ge3A_435 = arith.constant 0 : i32
      %ge3A_436 = vector.broadcast %ge3A_435 : i32 to vector<16xi32>
      %ge3A_437 = arith.cmpi sge, %sub3A_434, %ge3A_436 : vector<16xi32>
      %lt3A_438 = arith.constant 25000 : i32
      %lt3A_439 = vector.broadcast %lt3A_438 : i32 to vector<16xi32>
      %lt3A_440 = arith.cmpi slt, %sub3A_434, %lt3A_439 : vector<16xi32>
      %and3A_441 = arith.andi %ge3A_437, %lt3A_440 : vector<16xi1>
      %jit3A_442 = arith.constant 25000 : i32
      %broadcast_in_dim3A_443 = vector.broadcast %jit3A_442 : i32 to vector<16xi32>
      %select_n3A_444 = arith.select %and3A_441, %sub3A_434, %broadcast_in_dim3A_443 : vector<16xi1>, vector<16xi32>
      %swap3A_445 = arith.constant 1 : i32
      %swap3A_446 = arith.index_cast %swap3A_445 : i32 to index
      %swap3A_447 = arith.constant 96 : index
      %swap3A_448 = tpu.vector_load %arg10[%swap3A_446, %swap3A_447] {strides = array<i32>} : memref<8x128xi32, #tpu.memory_space<vmem>>, vector<16xi32>,
      tpu.vector_store %arg10[%swap3A_446, %swap3A_447], %select_n3A_444 {strides = array<i32>} : memref<8x128xi32, #tpu.memory_space<vmem>>, vector<16xi32>,
      %get3A_449 = arith.constant 1 : i32
      %get3A_450 = arith.index_cast %get3A_449 : i32 to index
      %get3A_451 = arith.constant 112 : index
      %get3A_452 = tpu.vector_load %arg9[%get3A_450, %get3A_451] {strides = array<i32>} : memref<8x128xi32, #tpu.memory_space<vmem>>, vector<16xi32>,
      %sub3A_453 = vector.broadcast %mul3A_0 : i32 to vector<16xi32>
      %sub3A_454 = arith.subi %get3A_452, %sub3A_453 : vector<16xi32>
      %ge3A_455 = arith.constant 0 : i32
      %ge3A_456 = vector.broadcast %ge3A_455 : i32 to vector<16xi32>
      %ge3A_457 = arith.cmpi sge, %sub3A_454, %ge3A_456 : vector<16xi32>
      %lt3A_458 = arith.constant 25000 : i32
      %lt3A_459 = vector.broadcast %lt3A_458 : i32 to vector<16xi32>
      %lt3A_460 = arith.cmpi slt, %sub3A_454, %lt3A_459 : vector<16xi32>
      %and3A_461 = arith.andi %ge3A_457, %lt3A_460 : vector<16xi1>
      %jit3A_462 = arith.constant 25000 : i32
      %broadcast_in_dim3A_463 = vector.broadcast %jit3A_462 : i32 to vector<16xi32>
      %select_n3A_464 = arith.select %and3A_461, %sub3A_454, %broadcast_in_dim3A_463 : vector<16xi1>, vector<16xi32>
      %swap3A_465 = arith.constant 1 : i32
      %swap3A_466 = arith.index_cast %swap3A_465 : i32 to index
      %swap3A_467 = arith.constant 112 : index
      %swap3A_468 = tpu.vector_load %arg10[%swap3A_466, %swap3A_467] {strides = array<i32>} : memref<8x128xi32, #tpu.memory_space<vmem>>, vector<16xi32>,
      tpu.vector_store %arg10[%swap3A_466, %swap3A_467], %select_n3A_464 {strides = array<i32>} : memref<8x128xi32, #tpu.memory_space<vmem>>, vector<16xi32>,
      %get3A_469 = arith.constant 2 : i32
      %get3A_470 = arith.index_cast %get3A_469 : i32 to index
      %get3A_471 = arith.constant 0 : index
      %get3A_472 = tpu.vector_load %arg9[%get3A_470, %get3A_471] {strides = array<i32>} : memref<8x128xi32, #tpu.memory_space<vmem>>, vector<16xi32>,
      %sub3A_473 = vector.broadcast %mul3A_0 : i32 to vector<16xi32>
      %sub3A_474 = arith.subi %get3A_472, %sub3A_473 : vector<16xi32>
      %ge3A_475 = arith.constant 0 : i32
      %ge3A_476 = vector.broadcast %ge3A_475 : i32 to vector<16xi32>
      %ge3A_477 = arith.cmpi sge, %sub3A_474, %ge3A_476 : vector<16xi32>
      %lt3A_478 = arith.constant 25000 : i32
      %lt3A_479 = vector.broadcast %lt3A_478 : i32 to vector<16xi32>
      %lt3A_480 = arith.cmpi slt, %sub3A_474, %lt3A_479 : vector<16xi32>
      %and3A_481 = arith.andi %ge3A_477, %lt3A_480 : vector<16xi1>
      %jit3A_482 = arith.constant 25000 : i32
      %broadcast_in_dim3A_483 = vector.broadcast %jit3A_482 : i32 to vector<16xi32>
      %select_n3A_484 = arith.select %and3A_481, %sub3A_474, %broadcast_in_dim3A_483 : vector<16xi1>, vector<16xi32>
      %swap3A_485 = arith.constant 2 : i32
      %swap3A_486 = arith.index_cast %swap3A_485 : i32 to index
      %swap3A_487 = arith.constant 0 : index
      %swap3A_488 = tpu.vector_load %arg10[%swap3A_486, %swap3A_487] {strides = array<i32>} : memref<8x128xi32, #tpu.memory_space<vmem>>, vector<16xi32>,
      tpu.vector_store %arg10[%swap3A_486, %swap3A_487], %select_n3A_484 {strides = array<i32>} : memref<8x128xi32, #tpu.memory_space<vmem>>, vector<16xi32>,
      %get3A_489 = arith.constant 2 : i32
      %get3A_490 = arith.index_cast %get3A_489 : i32 to index
      %get3A_491 = arith.constant 16 : index
      %get3A_492 = tpu.vector_load %arg9[%get3A_490, %get3A_491] {strides = array<i32>} : memref<8x128xi32, #tpu.memory_space<vmem>>, vector<16xi32>,
      %sub3A_493 = vector.broadcast %mul3A_0 : i32 to vector<16xi32>
      %sub3A_494 = arith.subi %get3A_492, %sub3A_493 : vector<16xi32>
      %ge3A_495 = arith.constant 0 : i32
      %ge3A_496 = vector.broadcast %ge3A_495 : i32 to vector<16xi32>
      %ge3A_497 = arith.cmpi sge, %sub3A_494, %ge3A_496 : vector<16xi32>
      %lt3A_498 = arith.constant 25000 : i32
      %lt3A_499 = vector.broadcast %lt3A_498 : i32 to vector<16xi32>
      %lt3A_500 = arith.cmpi slt, %sub3A_494, %lt3A_499 : vector<16xi32>
      %and3A_501 = arith.andi %ge3A_497, %lt3A_500 : vector<16xi1>
      %jit3A_502 = arith.constant 25000 : i32
      %broadcast_in_dim3A_503 = vector.broadcast %jit3A_502 : i32 to vector<16xi32>
      %select_n3A_504 = arith.select %and3A_501, %sub3A_494, %broadcast_in_dim3A_503 : vector<16xi1>, vector<16xi32>
      %swap3A_505 = arith.constant 2 : i32
      %swap3A_506 = arith.index_cast %swap3A_505 : i32 to index
      %swap3A_507 = arith.constant 16 : index
      %swap3A_508 = tpu.vector_load %arg10[%swap3A_506, %swap3A_507] {strides = array<i32>} : memref<8x128xi32, #tpu.memory_space<vmem>>, vector<16xi32>,
      tpu.vector_store %arg10[%swap3A_506, %swap3A_507], %select_n3A_504 {strides = array<i32>} : memref<8x128xi32, #tpu.memory_space<vmem>>, vector<16xi32>,
      %get3A_509 = arith.constant 2 : i32
      %get3A_510 = arith.index_cast %get3A_509 : i32 to index
      %get3A_511 = arith.constant 32 : index
      %get3A_512 = tpu.vector_load %arg9[%get3A_510, %get3A_511] {strides = array<i32>} : memref<8x128xi32, #tpu.memory_space<vmem>>, vector<16xi32>,
      %sub3A_513 = vector.broadcast %mul3A_0 : i32 to vector<16xi32>
      %sub3A_514 = arith.subi %get3A_512, %sub3A_513 : vector<16xi32>
      %ge3A_515 = arith.constant 0 : i32
      %ge3A_516 = vector.broadcast %ge3A_515 : i32 to vector<16xi32>
      %ge3A_517 = arith.cmpi sge, %sub3A_514, %ge3A_516 : vector<16xi32>
      %lt3A_518 = arith.constant 25000 : i32
      %lt3A_519 = vector.broadcast %lt3A_518 : i32 to vector<16xi32>
      %lt3A_520 = arith.cmpi slt, %sub3A_514, %lt3A_519 : vector<16xi32>
      %and3A_521 = arith.andi %ge3A_517, %lt3A_520 : vector<16xi1>
      %jit3A_522 = arith.constant 25000 : i32
      %broadcast_in_dim3A_523 = vector.broadcast %jit3A_522 : i32 to vector<16xi32>
      %select_n3A_524 = arith.select %and3A_521, %sub3A_514, %broadcast_in_dim3A_523 : vector<16xi1>, vector<16xi32>
      %swap3A_525 = arith.constant 2 : i32
      %swap3A_526 = arith.index_cast %swap3A_525 : i32 to index
      %swap3A_527 = arith.constant 32 : index
      %swap3A_528 = tpu.vector_load %arg10[%swap3A_526, %swap3A_527] {strides = array<i32>} : memref<8x128xi32, #tpu.memory_space<vmem>>, vector<16xi32>,
      tpu.vector_store %arg10[%swap3A_526, %swap3A_527], %select_n3A_524 {strides = array<i32>} : memref<8x128xi32, #tpu.memory_space<vmem>>, vector<16xi32>,
      %get3A_529 = arith.constant 2 : i32
      %get3A_530 = arith.index_cast %get3A_529 : i32 to index
      %get3A_531 = arith.constant 48 : index
      %get3A_532 = tpu.vector_load %arg9[%get3A_530, %get3A_531] {strides = array<i32>} : memref<8x128xi32, #tpu.memory_space<vmem>>, vector<16xi32>,
      %sub3A_533 = vector.broadcast %mul3A_0 : i32 to vector<16xi32>
      %sub3A_534 = arith.subi %get3A_532, %sub3A_533 : vector<16xi32>
      %ge3A_535 = arith.constant 0 : i32
      %ge3A_536 = vector.broadcast %ge3A_535 : i32 to vector<16xi32>
      %ge3A_537 = arith.cmpi sge, %sub3A_534, %ge3A_536 : vector<16xi32>
      %lt3A_538 = arith.constant 25000 : i32
      %lt3A_539 = vector.broadcast %lt3A_538 : i32 to vector<16xi32>
      %lt3A_540 = arith.cmpi slt, %sub3A_534, %lt3A_539 : vector<16xi32>
      %and3A_541 = arith.andi %ge3A_537, %lt3A_540 : vector<16xi1>
      %jit3A_542 = arith.constant 25000 : i32
      %broadcast_in_dim3A_543 = vector.broadcast %jit3A_542 : i32 to vector<16xi32>
      %select_n3A_544 = arith.select %and3A_541, %sub3A_534, %broadcast_in_dim3A_543 : vector<16xi1>, vector<16xi32>
      %swap3A_545 = arith.constant 2 : i32
      %swap3A_546 = arith.index_cast %swap3A_545 : i32 to index
      %swap3A_547 = arith.constant 48 : index
      %swap3A_548 = tpu.vector_load %arg10[%swap3A_546, %swap3A_547] {strides = array<i32>} : memref<8x128xi32, #tpu.memory_space<vmem>>, vector<16xi32>,
      tpu.vector_store %arg10[%swap3A_546, %swap3A_547], %select_n3A_544 {strides = array<i32>} : memref<8x128xi32, #tpu.memory_space<vmem>>, vector<16xi32>,
      %get3A_549 = arith.constant 2 : i32
      %get3A_550 = arith.index_cast %get3A_549 : i32 to index
      %get3A_551 = arith.constant 64 : index
      %get3A_552 = tpu.vector_load %arg9[%get3A_550, %get3A_551] {strides = array<i32>} : memref<8x128xi32, #tpu.memory_space<vmem>>, vector<16xi32>,
      %sub3A_553 = vector.broadcast %mul3A_0 : i32 to vector<16xi32>
      %sub3A_554 = arith.subi %get3A_552, %sub3A_553 : vector<16xi32>
      %ge3A_555 = arith.constant 0 : i32
      %ge3A_556 = vector.broadcast %ge3A_555 : i32 to vector<16xi32>
      %ge3A_557 = arith.cmpi sge, %sub3A_554, %ge3A_556 : vector<16xi32>
      %lt3A_558 = arith.constant 25000 : i32
      %lt3A_559 = vector.broadcast %lt3A_558 : i32 to vector<16xi32>
      %lt3A_560 = arith.cmpi slt, %sub3A_554, %lt3A_559 : vector<16xi32>
      %and3A_561 = arith.andi %ge3A_557, %lt3A_560 : vector<16xi1>
      %jit3A_562 = arith.constant 25000 : i32
      %broadcast_in_dim3A_563 = vector.broadcast %jit3A_562 : i32 to vector<16xi32>
      %select_n3A_564 = arith.select %and3A_561, %sub3A_554, %broadcast_in_dim3A_563 : vector<16xi1>, vector<16xi32>
      %swap3A_565 = arith.constant 2 : i32
      %swap3A_566 = arith.index_cast %swap3A_565 : i32 to index
      %swap3A_567 = arith.constant 64 : index
      %swap3A_568 = tpu.vector_load %arg10[%swap3A_566, %swap3A_567] {strides = array<i32>} : memref<8x128xi32, #tpu.memory_space<vmem>>, vector<16xi32>,
      tpu.vector_store %arg10[%swap3A_566, %swap3A_567], %select_n3A_564 {strides = array<i32>} : memref<8x128xi32, #tpu.memory_space<vmem>>, vector<16xi32>,
      %get3A_569 = arith.constant 2 : i32
      %get3A_570 = arith.index_cast %get3A_569 : i32 to index
      %get3A_571 = arith.constant 80 : index
      %get3A_572 = tpu.vector_load %arg9[%get3A_570, %get3A_571] {strides = array<i32>} : memref<8x128xi32, #tpu.memory_space<vmem>>, vector<16xi32>,
      %sub3A_573 = vector.broadcast %mul3A_0 : i32 to vector<16xi32>
      %sub3A_574 = arith.subi %get3A_572, %sub3A_573 : vector<16xi32>
      %ge3A_575 = arith.constant 0 : i32
      %ge3A_576 = vector.broadcast %ge3A_575 : i32 to vector<16xi32>
      %ge3A_577 = arith.cmpi sge, %sub3A_574, %ge3A_576 : vector<16xi32>
      %lt3A_578 = arith.constant 25000 : i32
      %lt3A_579 = vector.broadcast %lt3A_578 : i32 to vector<16xi32>
      %lt3A_580 = arith.cmpi slt, %sub3A_574, %lt3A_579 : vector<16xi32>
      %and3A_581 = arith.andi %ge3A_577, %lt3A_580 : vector<16xi1>
      %jit3A_582 = arith.constant 25000 : i32
      %broadcast_in_dim3A_583 = vector.broadcast %jit3A_582 : i32 to vector<16xi32>
      %select_n3A_584 = arith.select %and3A_581, %sub3A_574, %broadcast_in_dim3A_583 : vector<16xi1>, vector<16xi32>
      %swap3A_585 = arith.constant 2 : i32
      %swap3A_586 = arith.index_cast %swap3A_585 : i32 to index
      %swap3A_587 = arith.constant 80 : index
      %swap3A_588 = tpu.vector_load %arg10[%swap3A_586, %swap3A_587] {strides = array<i32>} : memref<8x128xi32, #tpu.memory_space<vmem>>, vector<16xi32>,
      tpu.vector_store %arg10[%swap3A_586, %swap3A_587], %select_n3A_584 {strides = array<i32>} : memref<8x128xi32, #tpu.memory_space<vmem>>, vector<16xi32>,
      %get3A_589 = arith.constant 2 : i32
      %get3A_590 = arith.index_cast %get3A_589 : i32 to index
      %get3A_591 = arith.constant 96 : index
      %get3A_592 = tpu.vector_load %arg9[%get3A_590, %get3A_591] {strides = array<i32>} : memref<8x128xi32, #tpu.memory_space<vmem>>, vector<16xi32>,
      %sub3A_593 = vector.broadcast %mul3A_0 : i32 to vector<16xi32>
      %sub3A_594 = arith.subi %get3A_592, %sub3A_593 : vector<16xi32>
      %ge3A_595 = arith.constant 0 : i32
      %ge3A_596 = vector.broadcast %ge3A_595 : i32 to vector<16xi32>
      %ge3A_597 = arith.cmpi sge, %sub3A_594, %ge3A_596 : vector<16xi32>
      %lt3A_598 = arith.constant 25000 : i32
      %lt3A_599 = vector.broadcast %lt3A_598 : i32 to vector<16xi32>
      %lt3A_600 = arith.cmpi slt, %sub3A_594, %lt3A_599 : vector<16xi32>
      %and3A_601 = arith.andi %ge3A_597, %lt3A_600 : vector<16xi1>
      %jit3A_602 = arith.constant 25000 : i32
      %broadcast_in_dim3A_603 = vector.broadcast %jit3A_602 : i32 to vector<16xi32>
      %select_n3A_604 = arith.select %and3A_601, %sub3A_594, %broadcast_in_dim3A_603 : vector<16xi1>, vector<16xi32>
      %swap3A_605 = arith.constant 2 : i32
      %swap3A_606 = arith.index_cast %swap3A_605 : i32 to index
      %swap3A_607 = arith.constant 96 : index
      %swap3A_608 = tpu.vector_load %arg10[%swap3A_606, %swap3A_607] {strides = array<i32>} : memref<8x128xi32, #tpu.memory_space<vmem>>, vector<16xi32>,
      tpu.vector_store %arg10[%swap3A_606, %swap3A_607], %select_n3A_604 {strides = array<i32>} : memref<8x128xi32, #tpu.memory_space<vmem>>, vector<16xi32>,
      %get3A_609 = arith.constant 2 : i32
      %get3A_610 = arith.index_cast %get3A_609 : i32 to index
      %get3A_611 = arith.constant 112 : index
      %get3A_612 = tpu.vector_load %arg9[%get3A_610, %get3A_611] {strides = array<i32>} : memref<8x128xi32, #tpu.memory_space<vmem>>, vector<16xi32>,
      %sub3A_613 = vector.broadcast %mul3A_0 : i32 to vector<16xi32>
      %sub3A_614 = arith.subi %get3A_612, %sub3A_613 : vector<16xi32>
      %ge3A_615 = arith.constant 0 : i32
      %ge3A_616 = vector.broadcast %ge3A_615 : i32 to vector<16xi32>
      %ge3A_617 = arith.cmpi sge, %sub3A_614, %ge3A_616 : vector<16xi32>
      %lt3A_618 = arith.constant 25000 : i32
      %lt3A_619 = vector.broadcast %lt3A_618 : i32 to vector<16xi32>
      %lt3A_620 = arith.cmpi slt, %sub3A_614, %lt3A_619 : vector<16xi32>
      %and3A_621 = arith.andi %ge3A_617, %lt3A_620 : vector<16xi1>
      %jit3A_622 = arith.constant 25000 : i32
      %broadcast_in_dim3A_623 = vector.broadcast %jit3A_622 : i32 to vector<16xi32>
      %select_n3A_624 = arith.select %and3A_621, %sub3A_614, %broadcast_in_dim3A_623 : vector<16xi1>, vector<16xi32>
      %swap3A_625 = arith.constant 2 : i32
      %swap3A_626 = arith.index_cast %swap3A_625 : i32 to index
      %swap3A_627 = arith.constant 112 : index
      %swap3A_628 = tpu.vector_load %arg10[%swap3A_626, %swap3A_627] {strides = array<i32>} : memref<8x128xi32, #tpu.memory_space<vmem>>, vector<16xi32>,
      tpu.vector_store %arg10[%swap3A_626, %swap3A_627], %select_n3A_624 {strides = array<i32>} : memref<8x128xi32, #tpu.memory_space<vmem>>, vector<16xi32>,
      %get3A_629 = arith.constant 3 : i32
      %get3A_630 = arith.index_cast %get3A_629 : i32 to index
      %get3A_631 = arith.constant 0 : index
      %get3A_632 = tpu.vector_load %arg9[%get3A_630, %get3A_631] {strides = array<i32>} : memref<8x128xi32, #tpu.memory_space<vmem>>, vector<16xi32>,
      %sub3A_633 = vector.broadcast %mul3A_0 : i32 to vector<16xi32>
      %sub3A_634 = arith.subi %get3A_632, %sub3A_633 : vector<16xi32>
      %ge3A_635 = arith.constant 0 : i32
      %ge3A_636 = vector.broadcast %ge3A_635 : i32 to vector<16xi32>
      %ge3A_637 = arith.cmpi sge, %sub3A_634, %ge3A_636 : vector<16xi32>
      %lt3A_638 = arith.constant 25000 : i32
      %lt3A_639 = vector.broadcast %lt3A_638 : i32 to vector<16xi32>
      %lt3A_640 = arith.cmpi slt, %sub3A_634, %lt3A_639 : vector<16xi32>
      %and3A_641 = arith.andi %ge3A_637, %lt3A_640 : vector<16xi1>
      %jit3A_642 = arith.constant 25000 : i32
      %broadcast_in_dim3A_643 = vector.broadcast %jit3A_642 : i32 to vector<16xi32>
      %select_n3A_644 = arith.select %and3A_641, %sub3A_634, %broadcast_in_dim3A_643 : vector<16xi1>, vector<16xi32>
      %swap3A_645 = arith.constant 3 : i32
      %swap3A_646 = arith.index_cast %swap3A_645 : i32 to index
      %swap3A_647 = arith.constant 0 : index
      %swap3A_648 = tpu.vector_load %arg10[%swap3A_646, %swap3A_647] {strides = array<i32>} : memref<8x128xi32, #tpu.memory_space<vmem>>, vector<16xi32>,
      tpu.vector_store %arg10[%swap3A_646, %swap3A_647], %select_n3A_644 {strides = array<i32>} : memref<8x128xi32, #tpu.memory_space<vmem>>, vector<16xi32>,
      %get3A_649 = arith.constant 3 : i32
      %get3A_650 = arith.index_cast %get3A_649 : i32 to index
      %get3A_651 = arith.constant 16 : index
      %get3A_652 = tpu.vector_load %arg9[%get3A_650, %get3A_651] {strides = array<i32>} : memref<8x128xi32, #tpu.memory_space<vmem>>, vector<16xi32>,
      %sub3A_653 = vector.broadcast %mul3A_0 : i32 to vector<16xi32>
      %sub3A_654 = arith.subi %get3A_652, %sub3A_653 : vector<16xi32>
      %ge3A_655 = arith.constant 0 : i32
      %ge3A_656 = vector.broadcast %ge3A_655 : i32 to vector<16xi32>
      %ge3A_657 = arith.cmpi sge, %sub3A_654, %ge3A_656 : vector<16xi32>
      %lt3A_658 = arith.constant 25000 : i32
      %lt3A_659 = vector.broadcast %lt3A_658 : i32 to vector<16xi32>
      %lt3A_660 = arith.cmpi slt, %sub3A_654, %lt3A_659 : vector<16xi32>
      %and3A_661 = arith.andi %ge3A_657, %lt3A_660 : vector<16xi1>
      %jit3A_662 = arith.constant 25000 : i32
      %broadcast_in_dim3A_663 = vector.broadcast %jit3A_662 : i32 to vector<16xi32>
      %select_n3A_664 = arith.select %and3A_661, %sub3A_654, %broadcast_in_dim3A_663 : vector<16xi1>, vector<16xi32>
      %swap3A_665 = arith.constant 3 : i32
      %swap3A_666 = arith.index_cast %swap3A_665 : i32 to index
      %swap3A_667 = arith.constant 16 : index
      %swap3A_668 = tpu.vector_load %arg10[%swap3A_666, %swap3A_667] {strides = array<i32>} : memref<8x128xi32, #tpu.memory_space<vmem>>, vector<16xi32>,
      tpu.vector_store %arg10[%swap3A_666, %swap3A_667], %select_n3A_664 {strides = array<i32>} : memref<8x128xi32, #tpu.memory_space<vmem>>, vector<16xi32>,
      %get3A_669 = arith.constant 3 : i32
      %get3A_670 = arith.index_cast %get3A_669 : i32 to index
      %get3A_671 = arith.constant 32 : index
      %get3A_672 = tpu.vector_load %arg9[%get3A_670, %get3A_671] {strides = array<i32>} : memref<8x128xi32, #tpu.memory_space<vmem>>, vector<16xi32>,
      %sub3A_673 = vector.broadcast %mul3A_0 : i32 to vector<16xi32>
      %sub3A_674 = arith.subi %get3A_672, %sub3A_673 : vector<16xi32>
      %ge3A_675 = arith.constant 0 : i32
      %ge3A_676 = vector.broadcast %ge3A_675 : i32 to vector<16xi32>
      %ge3A_677 = arith.cmpi sge, %sub3A_674, %ge3A_676 : vector<16xi32>
      %lt3A_678 = arith.constant 25000 : i32
      %lt3A_679 = vector.broadcast %lt3A_678 : i32 to vector<16xi32>
      %lt3A_680 = arith.cmpi slt, %sub3A_674, %lt3A_679 : vector<16xi32>
      %and3A_681 = arith.andi %ge3A_677, %lt3A_680 : vector<16xi1>
      %jit3A_682 = arith.constant 25000 : i32
      %broadcast_in_dim3A_683 = vector.broadcast %jit3A_682 : i32 to vector<16xi32>
      %select_n3A_684 = arith.select %and3A_681, %sub3A_674, %broadcast_in_dim3A_683 : vector<16xi1>, vector<16xi32>
      %swap3A_685 = arith.constant 3 : i32
      %swap3A_686 = arith.index_cast %swap3A_685 : i32 to index
      %swap3A_687 = arith.constant 32 : index
      %swap3A_688 = tpu.vector_load %arg10[%swap3A_686, %swap3A_687] {strides = array<i32>} : memref<8x128xi32, #tpu.memory_space<vmem>>, vector<16xi32>,
      tpu.vector_store %arg10[%swap3A_686, %swap3A_687], %select_n3A_684 {strides = array<i32>} : memref<8x128xi32, #tpu.memory_space<vmem>>, vector<16xi32>,
      %get3A_689 = arith.constant 3 : i32
      %get3A_690 = arith.index_cast %get3A_689 : i32 to index
      %get3A_691 = arith.constant 48 : index
      %get3A_692 = tpu.vector_load %arg9[%get3A_690, %get3A_691] {strides = array<i32>} : memref<8x128xi32, #tpu.memory_space<vmem>>, vector<16xi32>,
      %sub3A_693 = vector.broadcast %mul3A_0 : i32 to vector<16xi32>
      %sub3A_694 = arith.subi %get3A_692, %sub3A_693 : vector<16xi32>
      %ge3A_695 = arith.constant 0 : i32
      %ge3A_696 = vector.broadcast %ge3A_695 : i32 to vector<16xi32>
      %ge3A_697 = arith.cmpi sge, %sub3A_694, %ge3A_696 : vector<16xi32>
      %lt3A_698 = arith.constant 25000 : i32
      %lt3A_699 = vector.broadcast %lt3A_698 : i32 to vector<16xi32>
      %lt3A_700 = arith.cmpi slt, %sub3A_694, %lt3A_699 : vector<16xi32>
      %and3A_701 = arith.andi %ge3A_697, %lt3A_700 : vector<16xi1>
      %jit3A_702 = arith.constant 25000 : i32
      %broadcast_in_dim3A_703 = vector.broadcast %jit3A_702 : i32 to vector<16xi32>
      %select_n3A_704 = arith.select %and3A_701, %sub3A_694, %broadcast_in_dim3A_703 : vector<16xi1>, vector<16xi32>
      %swap3A_705 = arith.constant 3 : i32
      %swap3A_706 = arith.index_cast %swap3A_705 : i32 to index
      %swap3A_707 = arith.constant 48 : index
      %swap3A_708 = tpu.vector_load %arg10[%swap3A_706, %swap3A_707] {strides = array<i32>} : memref<8x128xi32, #tpu.memory_space<vmem>>, vector<16xi32>,
      tpu.vector_store %arg10[%swap3A_706, %swap3A_707], %select_n3A_704 {strides = array<i32>} : memref<8x128xi32, #tpu.memory_space<vmem>>, vector<16xi32>,
      %get3A_709 = arith.constant 3 : i32
      %get3A_710 = arith.index_cast %get3A_709 : i32 to index
      %get3A_711 = arith.constant 64 : index
      %get3A_712 = tpu.vector_load %arg9[%get3A_710, %get3A_711] {strides = array<i32>} : memref<8x128xi32, #tpu.memory_space<vmem>>, vector<16xi32>,
      %sub3A_713 = vector.broadcast %mul3A_0 : i32 to vector<16xi32>
      %sub3A_714 = arith.subi %get3A_712, %sub3A_713 : vector<16xi32>
      %ge3A_715 = arith.constant 0 : i32
      %ge3A_716 = vector.broadcast %ge3A_715 : i32 to vector<16xi32>
      %ge3A_717 = arith.cmpi sge, %sub3A_714, %ge3A_716 : vector<16xi32>
      %lt3A_718 = arith.constant 25000 : i32
      %lt3A_719 = vector.broadcast %lt3A_718 : i32 to vector<16xi32>
      %lt3A_720 = arith.cmpi slt, %sub3A_714, %lt3A_719 : vector<16xi32>
      %and3A_721 = arith.andi %ge3A_717, %lt3A_720 : vector<16xi1>
      %jit3A_722 = arith.constant 25000 : i32
      %broadcast_in_dim3A_723 = vector.broadcast %jit3A_722 : i32 to vector<16xi32>
      %select_n3A_724 = arith.select %and3A_721, %sub3A_714, %broadcast_in_dim3A_723 : vector<16xi1>, vector<16xi32>
      %swap3A_725 = arith.constant 3 : i32
      %swap3A_726 = arith.index_cast %swap3A_725 : i32 to index
      %swap3A_727 = arith.constant 64 : index
      %swap3A_728 = tpu.vector_load %arg10[%swap3A_726, %swap3A_727] {strides = array<i32>} : memref<8x128xi32, #tpu.memory_space<vmem>>, vector<16xi32>,
      tpu.vector_store %arg10[%swap3A_726, %swap3A_727], %select_n3A_724 {strides = array<i32>} : memref<8x128xi32, #tpu.memory_space<vmem>>, vector<16xi32>,
      %get3A_729 = arith.constant 3 : i32
      %get3A_730 = arith.index_cast %get3A_729 : i32 to index
      %get3A_731 = arith.constant 80 : index
      %get3A_732 = tpu.vector_load %arg9[%get3A_730, %get3A_731] {strides = array<i32>} : memref<8x128xi32, #tpu.memory_space<vmem>>, vector<16xi32>,
      %sub3A_733 = vector.broadcast %mul3A_0 : i32 to vector<16xi32>
      %sub3A_734 = arith.subi %get3A_732, %sub3A_733 : vector<16xi32>
      %ge3A_735 = arith.constant 0 : i32
      %ge3A_736 = vector.broadcast %ge3A_735 : i32 to vector<16xi32>
      %ge3A_737 = arith.cmpi sge, %sub3A_734, %ge3A_736 : vector<16xi32>
      %lt3A_738 = arith.constant 25000 : i32
      %lt3A_739 = vector.broadcast %lt3A_738 : i32 to vector<16xi32>
      %lt3A_740 = arith.cmpi slt, %sub3A_734, %lt3A_739 : vector<16xi32>
      %and3A_741 = arith.andi %ge3A_737, %lt3A_740 : vector<16xi1>
      %jit3A_742 = arith.constant 25000 : i32
      %broadcast_in_dim3A_743 = vector.broadcast %jit3A_742 : i32 to vector<16xi32>
      %select_n3A_744 = arith.select %and3A_741, %sub3A_734, %broadcast_in_dim3A_743 : vector<16xi1>, vector<16xi32>
      %swap3A_745 = arith.constant 3 : i32
      %swap3A_746 = arith.index_cast %swap3A_745 : i32 to index
      %swap3A_747 = arith.constant 80 : index
      %swap3A_748 = tpu.vector_load %arg10[%swap3A_746, %swap3A_747] {strides = array<i32>} : memref<8x128xi32, #tpu.memory_space<vmem>>, vector<16xi32>,
      tpu.vector_store %arg10[%swap3A_746, %swap3A_747], %select_n3A_744 {strides = array<i32>} : memref<8x128xi32, #tpu.memory_space<vmem>>, vector<16xi32>,
      %get3A_749 = arith.constant 3 : i32
      %get3A_750 = arith.index_cast %get3A_749 : i32 to index
      %get3A_751 = arith.constant 96 : index
      %get3A_752 = tpu.vector_load %arg9[%get3A_750, %get3A_751] {strides = array<i32>} : memref<8x128xi32, #tpu.memory_space<vmem>>, vector<16xi32>,
      %sub3A_753 = vector.broadcast %mul3A_0 : i32 to vector<16xi32>
      %sub3A_754 = arith.subi %get3A_752, %sub3A_753 : vector<16xi32>
      %ge3A_755 = arith.constant 0 : i32
      %ge3A_756 = vector.broadcast %ge3A_755 : i32 to vector<16xi32>
      %ge3A_757 = arith.cmpi sge, %sub3A_754, %ge3A_756 : vector<16xi32>
      %lt3A_758 = arith.constant 25000 : i32
      %lt3A_759 = vector.broadcast %lt3A_758 : i32 to vector<16xi32>
      %lt3A_760 = arith.cmpi slt, %sub3A_754, %lt3A_759 : vector<16xi32>
      %and3A_761 = arith.andi %ge3A_757, %lt3A_760 : vector<16xi1>
      %jit3A_762 = arith.constant 25000 : i32
      %broadcast_in_dim3A_763 = vector.broadcast %jit3A_762 : i32 to vector<16xi32>
      %select_n3A_764 = arith.select %and3A_761, %sub3A_754, %broadcast_in_dim3A_763 : vector<16xi1>, vector<16xi32>
      %swap3A_765 = arith.constant 3 : i32
      %swap3A_766 = arith.index_cast %swap3A_765 : i32 to index
      %swap3A_767 = arith.constant 96 : index
      %swap3A_768 = tpu.vector_load %arg10[%swap3A_766, %swap3A_767] {strides = array<i32>} : memref<8x128xi32, #tpu.memory_space<vmem>>, vector<16xi32>,
      tpu.vector_store %arg10[%swap3A_766, %swap3A_767], %select_n3A_764 {strides = array<i32>} : memref<8x128xi32, #tpu.memory_space<vmem>>, vector<16xi32>,
      %get3A_769 = arith.constant 3 : i32
      %get3A_770 = arith.index_cast %get3A_769 : i32 to index
      %get3A_771 = arith.constant 112 : index
      %get3A_772 = tpu.vector_load %arg9[%get3A_770, %get3A_771] {strides = array<i32>} : memref<8x128xi32, #tpu.memory_space<vmem>>, vector<16xi32>,
      %sub3A_773 = vector.broadcast %mul3A_0 : i32 to vector<16xi32>
      %sub3A_774 = arith.subi %get3A_772, %sub3A_773 : vector<16xi32>
      %ge3A_775 = arith.constant 0 : i32
      %ge3A_776 = vector.broadcast %ge3A_775 : i32 to vector<16xi32>
      %ge3A_777 = arith.cmpi sge, %sub3A_774, %ge3A_776 : vector<16xi32>
      %lt3A_778 = arith.constant 25000 : i32
      %lt3A_779 = vector.broadcast %lt3A_778 : i32 to vector<16xi32>
      %lt3A_780 = arith.cmpi slt, %sub3A_774, %lt3A_779 : vector<16xi32>
      %and3A_781 = arith.andi %ge3A_777, %lt3A_780 : vector<16xi1>
      %jit3A_782 = arith.constant 25000 : i32
      %broadcast_in_dim3A_783 = vector.broadcast %jit3A_782 : i32 to vector<16xi32>
      %select_n3A_784 = arith.select %and3A_781, %sub3A_774, %broadcast_in_dim3A_783 : vector<16xi1>, vector<16xi32>
      %swap3A_785 = arith.constant 3 : i32
      %swap3A_786 = arith.index_cast %swap3A_785 : i32 to index
      %swap3A_787 = arith.constant 112 : index
      %swap3A_788 = tpu.vector_load %arg10[%swap3A_786, %swap3A_787] {strides = array<i32>} : memref<8x128xi32, #tpu.memory_space<vmem>>, vector<16xi32>,
      tpu.vector_store %arg10[%swap3A_786, %swap3A_787], %select_n3A_784 {strides = array<i32>} : memref<8x128xi32, #tpu.memory_space<vmem>>, vector<16xi32>,
      %get3A_789 = arith.constant 4 : i32
      %get3A_790 = arith.index_cast %get3A_789 : i32 to index
      %get3A_791 = arith.constant 0 : index
      %get3A_792 = tpu.vector_load %arg9[%get3A_790, %get3A_791] {strides = array<i32>} : memref<8x128xi32, #tpu.memory_space<vmem>>, vector<16xi32>,
      %sub3A_793 = vector.broadcast %mul3A_0 : i32 to vector<16xi32>
      %sub3A_794 = arith.subi %get3A_792, %sub3A_793 : vector<16xi32>
      %ge3A_795 = arith.constant 0 : i32
      %ge3A_796 = vector.broadcast %ge3A_795 : i32 to vector<16xi32>
      %ge3A_797 = arith.cmpi sge, %sub3A_794, %ge3A_796 : vector<16xi32>
      %lt3A_798 = arith.constant 25000 : i32
      %lt3A_799 = vector.broadcast %lt3A_798 : i32 to vector<16xi32>
      %lt3A_800 = arith.cmpi slt, %sub3A_794, %lt3A_799 : vector<16xi32>
      %and3A_801 = arith.andi %ge3A_797, %lt3A_800 : vector<16xi1>
      %jit3A_802 = arith.constant 25000 : i32
      %broadcast_in_dim3A_803 = vector.broadcast %jit3A_802 : i32 to vector<16xi32>
      %select_n3A_804 = arith.select %and3A_801, %sub3A_794, %broadcast_in_dim3A_803 : vector<16xi1>, vector<16xi32>
      %swap3A_805 = arith.constant 4 : i32
      %swap3A_806 = arith.index_cast %swap3A_805 : i32 to index
      %swap3A_807 = arith.constant 0 : index
      %swap3A_808 = tpu.vector_load %arg10[%swap3A_806, %swap3A_807] {strides = array<i32>} : memref<8x128xi32, #tpu.memory_space<vmem>>, vector<16xi32>,
      tpu.vector_store %arg10[%swap3A_806, %swap3A_807], %select_n3A_804 {strides = array<i32>} : memref<8x128xi32, #tpu.memory_space<vmem>>, vector<16xi32>,
      %get3A_809 = arith.constant 4 : i32
      %get3A_810 = arith.index_cast %get3A_809 : i32 to index
      %get3A_811 = arith.constant 16 : index
      %get3A_812 = tpu.vector_load %arg9[%get3A_810, %get3A_811] {strides = array<i32>} : memref<8x128xi32, #tpu.memory_space<vmem>>, vector<16xi32>,
      %sub3A_813 = vector.broadcast %mul3A_0 : i32 to vector<16xi32>
      %sub3A_814 = arith.subi %get3A_812, %sub3A_813 : vector<16xi32>
      %ge3A_815 = arith.constant 0 : i32
      %ge3A_816 = vector.broadcast %ge3A_815 : i32 to vector<16xi32>
      %ge3A_817 = arith.cmpi sge, %sub3A_814, %ge3A_816 : vector<16xi32>
      %lt3A_818 = arith.constant 25000 : i32
      %lt3A_819 = vector.broadcast %lt3A_818 : i32 to vector<16xi32>
      %lt3A_820 = arith.cmpi slt, %sub3A_814, %lt3A_819 : vector<16xi32>
      %and3A_821 = arith.andi %ge3A_817, %lt3A_820 : vector<16xi1>
      %jit3A_822 = arith.constant 25000 : i32
      %broadcast_in_dim3A_823 = vector.broadcast %jit3A_822 : i32 to vector<16xi32>
      %select_n3A_824 = arith.select %and3A_821, %sub3A_814, %broadcast_in_dim3A_823 : vector<16xi1>, vector<16xi32>
      %swap3A_825 = arith.constant 4 : i32
      %swap3A_826 = arith.index_cast %swap3A_825 : i32 to index
      %swap3A_827 = arith.constant 16 : index
      %swap3A_828 = tpu.vector_load %arg10[%swap3A_826, %swap3A_827] {strides = array<i32>} : memref<8x128xi32, #tpu.memory_space<vmem>>, vector<16xi32>,
      tpu.vector_store %arg10[%swap3A_826, %swap3A_827], %select_n3A_824 {strides = array<i32>} : memref<8x128xi32, #tpu.memory_space<vmem>>, vector<16xi32>,
      %get3A_829 = arith.constant 4 : i32
      %get3A_830 = arith.index_cast %get3A_829 : i32 to index
      %get3A_831 = arith.constant 32 : index
      %get3A_832 = tpu.vector_load %arg9[%get3A_830, %get3A_831] {strides = array<i32>} : memref<8x128xi32, #tpu.memory_space<vmem>>, vector<16xi32>,
      %sub3A_833 = vector.broadcast %mul3A_0 : i32 to vector<16xi32>
      %sub3A_834 = arith.subi %get3A_832, %sub3A_833 : vector<16xi32>
      %ge3A_835 = arith.constant 0 : i32
      %ge3A_836 = vector.broadcast %ge3A_835 : i32 to vector<16xi32>
      %ge3A_837 = arith.cmpi sge, %sub3A_834, %ge3A_836 : vector<16xi32>
      %lt3A_838 = arith.constant 25000 : i32
      %lt3A_839 = vector.broadcast %lt3A_838 : i32 to vector<16xi32>
      %lt3A_840 = arith.cmpi slt, %sub3A_834, %lt3A_839 : vector<16xi32>
      %and3A_841 = arith.andi %ge3A_837, %lt3A_840 : vector<16xi1>
      %jit3A_842 = arith.constant 25000 : i32
      %broadcast_in_dim3A_843 = vector.broadcast %jit3A_842 : i32 to vector<16xi32>
      %select_n3A_844 = arith.select %and3A_841, %sub3A_834, %broadcast_in_dim3A_843 : vector<16xi1>, vector<16xi32>
      %swap3A_845 = arith.constant 4 : i32
      %swap3A_846 = arith.index_cast %swap3A_845 : i32 to index
      %swap3A_847 = arith.constant 32 : index
      %swap3A_848 = tpu.vector_load %arg10[%swap3A_846, %swap3A_847] {strides = array<i32>} : memref<8x128xi32, #tpu.memory_space<vmem>>, vector<16xi32>,
      tpu.vector_store %arg10[%swap3A_846, %swap3A_847], %select_n3A_844 {strides = array<i32>} : memref<8x128xi32, #tpu.memory_space<vmem>>, vector<16xi32>,
      %get3A_849 = arith.constant 4 : i32
      %get3A_850 = arith.index_cast %get3A_849 : i32 to index
      %get3A_851 = arith.constant 48 : index
      %get3A_852 = tpu.vector_load %arg9[%get3A_850, %get3A_851] {strides = array<i32>} : memref<8x128xi32, #tpu.memory_space<vmem>>, vector<16xi32>,
      %sub3A_853 = vector.broadcast %mul3A_0 : i32 to vector<16xi32>
      %sub3A_854 = arith.subi %get3A_852, %sub3A_853 : vector<16xi32>
      %ge3A_855 = arith.constant 0 : i32
      %ge3A_856 = vector.broadcast %ge3A_855 : i32 to vector<16xi32>
      %ge3A_857 = arith.cmpi sge, %sub3A_854, %ge3A_856 : vector<16xi32>
      %lt3A_858 = arith.constant 25000 : i32
      %lt3A_859 = vector.broadcast %lt3A_858 : i32 to vector<16xi32>
      %lt3A_860 = arith.cmpi slt, %sub3A_854, %lt3A_859 : vector<16xi32>
      %and3A_861 = arith.andi %ge3A_857, %lt3A_860 : vector<16xi1>
      %jit3A_862 = arith.constant 25000 : i32
      %broadcast_in_dim3A_863 = vector.broadcast %jit3A_862 : i32 to vector<16xi32>
      %select_n3A_864 = arith.select %and3A_861, %sub3A_854, %broadcast_in_dim3A_863 : vector<16xi1>, vector<16xi32>
      %swap3A_865 = arith.constant 4 : i32
      %swap3A_866 = arith.index_cast %swap3A_865 : i32 to index
      %swap3A_867 = arith.constant 48 : index
      %swap3A_868 = tpu.vector_load %arg10[%swap3A_866, %swap3A_867] {strides = array<i32>} : memref<8x128xi32, #tpu.memory_space<vmem>>, vector<16xi32>,
      tpu.vector_store %arg10[%swap3A_866, %swap3A_867], %select_n3A_864 {strides = array<i32>} : memref<8x128xi32, #tpu.memory_space<vmem>>, vector<16xi32>,
      %get3A_869 = arith.constant 4 : i32
      %get3A_870 = arith.index_cast %get3A_869 : i32 to index
      %get3A_871 = arith.constant 64 : index
      %get3A_872 = tpu.vector_load %arg9[%get3A_870, %get3A_871] {strides = array<i32>} : memref<8x128xi32, #tpu.memory_space<vmem>>, vector<16xi32>,
      %sub3A_873 = vector.broadcast %mul3A_0 : i32 to vector<16xi32>
      %sub3A_874 = arith.subi %get3A_872, %sub3A_873 : vector<16xi32>
      %ge3A_875 = arith.constant 0 : i32
      %ge3A_876 = vector.broadcast %ge3A_875 : i32 to vector<16xi32>
      %ge3A_877 = arith.cmpi sge, %sub3A_874, %ge3A_876 : vector<16xi32>
      %lt3A_878 = arith.constant 25000 : i32
      %lt3A_879 = vector.broadcast %lt3A_878 : i32 to vector<16xi32>
      %lt3A_880 = arith.cmpi slt, %sub3A_874, %lt3A_879 : vector<16xi32>
      %and3A_881 = arith.andi %ge3A_877, %lt3A_880 : vector<16xi1>
      %jit3A_882 = arith.constant 25000 : i32
      %broadcast_in_dim3A_883 = vector.broadcast %jit3A_882 : i32 to vector<16xi32>
      %select_n3A_884 = arith.select %and3A_881, %sub3A_874, %broadcast_in_dim3A_883 : vector<16xi1>, vector<16xi32>
      %swap3A_885 = arith.constant 4 : i32
      %swap3A_886 = arith.index_cast %swap3A_885 : i32 to index
      %swap3A_887 = arith.constant 64 : index
      %swap3A_888 = tpu.vector_load %arg10[%swap3A_886, %swap3A_887] {strides = array<i32>} : memref<8x128xi32, #tpu.memory_space<vmem>>, vector<16xi32>,
      tpu.vector_store %arg10[%swap3A_886, %swap3A_887], %select_n3A_884 {strides = array<i32>} : memref<8x128xi32, #tpu.memory_space<vmem>>, vector<16xi32>,
      %get3A_889 = arith.constant 4 : i32
      %get3A_890 = arith.index_cast %get3A_889 : i32 to index
      %get3A_891 = arith.constant 80 : index
      %get3A_892 = tpu.vector_load %arg9[%get3A_890, %get3A_891] {strides = array<i32>} : memref<8x128xi32, #tpu.memory_space<vmem>>, vector<16xi32>,
      %sub3A_893 = vector.broadcast %mul3A_0 : i32 to vector<16xi32>
      %sub3A_894 = arith.subi %get3A_892, %sub3A_893 : vector<16xi32>
      %ge3A_895 = arith.constant 0 : i32
      %ge3A_896 = vector.broadcast %ge3A_895 : i32 to vector<16xi32>
      %ge3A_897 = arith.cmpi sge, %sub3A_894, %ge3A_896 : vector<16xi32>
      %lt3A_898 = arith.constant 25000 : i32
      %lt3A_899 = vector.broadcast %lt3A_898 : i32 to vector<16xi32>
      %lt3A_900 = arith.cmpi slt, %sub3A_894, %lt3A_899 : vector<16xi32>
      %and3A_901 = arith.andi %ge3A_897, %lt3A_900 : vector<16xi1>
      %jit3A_902 = arith.constant 25000 : i32
      %broadcast_in_dim3A_903 = vector.broadcast %jit3A_902 : i32 to vector<16xi32>
      %select_n3A_904 = arith.select %and3A_901, %sub3A_894, %broadcast_in_dim3A_903 : vector<16xi1>, vector<16xi32>
      %swap3A_905 = arith.constant 4 : i32
      %swap3A_906 = arith.index_cast %swap3A_905 : i32 to index
      %swap3A_907 = arith.constant 80 : index
      %swap3A_908 = tpu.vector_load %arg10[%swap3A_906, %swap3A_907] {strides = array<i32>} : memref<8x128xi32, #tpu.memory_space<vmem>>, vector<16xi32>,
      tpu.vector_store %arg10[%swap3A_906, %swap3A_907], %select_n3A_904 {strides = array<i32>} : memref<8x128xi32, #tpu.memory_space<vmem>>, vector<16xi32>,
      %get3A_909 = arith.constant 4 : i32
      %get3A_910 = arith.index_cast %get3A_909 : i32 to index
      %get3A_911 = arith.constant 96 : index
      %get3A_912 = tpu.vector_load %arg9[%get3A_910, %get3A_911] {strides = array<i32>} : memref<8x128xi32, #tpu.memory_space<vmem>>, vector<16xi32>,
      %sub3A_913 = vector.broadcast %mul3A_0 : i32 to vector<16xi32>
      %sub3A_914 = arith.subi %get3A_912, %sub3A_913 : vector<16xi32>
      %ge3A_915 = arith.constant 0 : i32
      %ge3A_916 = vector.broadcast %ge3A_915 : i32 to vector<16xi32>
      %ge3A_917 = arith.cmpi sge, %sub3A_914, %ge3A_916 : vector<16xi32>
      %lt3A_918 = arith.constant 25000 : i32
      %lt3A_919 = vector.broadcast %lt3A_918 : i32 to vector<16xi32>
      %lt3A_920 = arith.cmpi slt, %sub3A_914, %lt3A_919 : vector<16xi32>
      %and3A_921 = arith.andi %ge3A_917, %lt3A_920 : vector<16xi1>
      %jit3A_922 = arith.constant 25000 : i32
      %broadcast_in_dim3A_923 = vector.broadcast %jit3A_922 : i32 to vector<16xi32>
      %select_n3A_924 = arith.select %and3A_921, %sub3A_914, %broadcast_in_dim3A_923 : vector<16xi1>, vector<16xi32>
      %swap3A_925 = arith.constant 4 : i32
      %swap3A_926 = arith.index_cast %swap3A_925 : i32 to index
      %swap3A_927 = arith.constant 96 : index
      %swap3A_928 = tpu.vector_load %arg10[%swap3A_926, %swap3A_927] {strides = array<i32>} : memref<8x128xi32, #tpu.memory_space<vmem>>, vector<16xi32>,
      tpu.vector_store %arg10[%swap3A_926, %swap3A_927], %select_n3A_924 {strides = array<i32>} : memref<8x128xi32, #tpu.memory_space<vmem>>, vector<16xi32>,
      %get3A_929 = arith.constant 4 : i32
      %get3A_930 = arith.index_cast %get3A_929 : i32 to index
      %get3A_931 = arith.constant 112 : index
      %get3A_932 = tpu.vector_load %arg9[%get3A_930, %get3A_931] {strides = array<i32>} : memref<8x128xi32, #tpu.memory_space<vmem>>, vector<16xi32>,
      %sub3A_933 = vector.broadcast %mul3A_0 : i32 to vector<16xi32>
      %sub3A_934 = arith.subi %get3A_932, %sub3A_933 : vector<16xi32>
      %ge3A_935 = arith.constant 0 : i32
      %ge3A_936 = vector.broadcast %ge3A_935 : i32 to vector<16xi32>
      %ge3A_937 = arith.cmpi sge, %sub3A_934, %ge3A_936 : vector<16xi32>
      %lt3A_938 = arith.constant 25000 : i32
      %lt3A_939 = vector.broadcast %lt3A_938 : i32 to vector<16xi32>
      %lt3A_940 = arith.cmpi slt, %sub3A_934, %lt3A_939 : vector<16xi32>
      %and3A_941 = arith.andi %ge3A_937, %lt3A_940 : vector<16xi1>
      %jit3A_942 = arith.constant 25000 : i32
      %broadcast_in_dim3A_943 = vector.broadcast %jit3A_942 : i32 to vector<16xi32>
      %select_n3A_944 = arith.select %and3A_941, %sub3A_934, %broadcast_in_dim3A_943 : vector<16xi1>, vector<16xi32>
      %swap3A_945 = arith.constant 4 : i32
      %swap3A_946 = arith.index_cast %swap3A_945 : i32 to index
      %swap3A_947 = arith.constant 112 : index
      %swap3A_948 = tpu.vector_load %arg10[%swap3A_946, %swap3A_947] {strides = array<i32>} : memref<8x128xi32, #tpu.memory_space<vmem>>, vector<16xi32>,
      tpu.vector_store %arg10[%swap3A_946, %swap3A_947], %select_n3A_944 {strides = array<i32>} : memref<8x128xi32, #tpu.memory_space<vmem>>, vector<16xi32>,
      %get3A_949 = arith.constant 5 : i32
      %get3A_950 = arith.index_cast %get3A_949 : i32 to index
      %get3A_951 = arith.constant 0 : index
      %get3A_952 = tpu.vector_load %arg9[%get3A_950, %get3A_951] {strides = array<i32>} : memref<8x128xi32, #tpu.memory_space<vmem>>, vector<16xi32>,
      %sub3A_953 = vector.broadcast %mul3A_0 : i32 to vector<16xi32>
      %sub3A_954 = arith.subi %get3A_952, %sub3A_953 : vector<16xi32>
      %ge3A_955 = arith.constant 0 : i32
      %ge3A_956 = vector.broadcast %ge3A_955 : i32 to vector<16xi32>
      %ge3A_957 = arith.cmpi sge, %sub3A_954, %ge3A_956 : vector<16xi32>
      %lt3A_958 = arith.constant 25000 : i32
      %lt3A_959 = vector.broadcast %lt3A_958 : i32 to vector<16xi32>
      %lt3A_960 = arith.cmpi slt, %sub3A_954, %lt3A_959 : vector<16xi32>
      %and3A_961 = arith.andi %ge3A_957, %lt3A_960 : vector<16xi1>
      %jit3A_962 = arith.constant 25000 : i32
      %broadcast_in_dim3A_963 = vector.broadcast %jit3A_962 : i32 to vector<16xi32>
      %select_n3A_964 = arith.select %and3A_961, %sub3A_954, %broadcast_in_dim3A_963 : vector<16xi1>, vector<16xi32>
      %swap3A_965 = arith.constant 5 : i32
      %swap3A_966 = arith.index_cast %swap3A_965 : i32 to index
      %swap3A_967 = arith.constant 0 : index
      %swap3A_968 = tpu.vector_load %arg10[%swap3A_966, %swap3A_967] {strides = array<i32>} : memref<8x128xi32, #tpu.memory_space<vmem>>, vector<16xi32>,
      tpu.vector_store %arg10[%swap3A_966, %swap3A_967], %select_n3A_964 {strides = array<i32>} : memref<8x128xi32, #tpu.memory_space<vmem>>, vector<16xi32>,
      %get3A_969 = arith.constant 5 : i32
      %get3A_970 = arith.index_cast %get3A_969 : i32 to index
      %get3A_971 = arith.constant 16 : index
      %get3A_972 = tpu.vector_load %arg9[%get3A_970, %get3A_971] {strides = array<i32>} : memref<8x128xi32, #tpu.memory_space<vmem>>, vector<16xi32>,
      %sub3A_973 = vector.broadcast %mul3A_0 : i32 to vector<16xi32>
      %sub3A_974 = arith.subi %get3A_972, %sub3A_973 : vector<16xi32>
      %ge3A_975 = arith.constant 0 : i32
      %ge3A_976 = vector.broadcast %ge3A_975 : i32 to vector<16xi32>
      %ge3A_977 = arith.cmpi sge, %sub3A_974, %ge3A_976 : vector<16xi32>
      %lt3A_978 = arith.constant 25000 : i32
      %lt3A_979 = vector.broadcast %lt3A_978 : i32 to vector<16xi32>
      %lt3A_980 = arith.cmpi slt, %sub3A_974, %lt3A_979 : vector<16xi32>
      %and3A_981 = arith.andi %ge3A_977, %lt3A_980 : vector<16xi1>
      %jit3A_982 = arith.constant 25000 : i32
      %broadcast_in_dim3A_983 = vector.broadcast %jit3A_982 : i32 to vector<16xi32>
      %select_n3A_984 = arith.select %and3A_981, %sub3A_974, %broadcast_in_dim3A_983 : vector<16xi1>, vector<16xi32>
      %swap3A_985 = arith.constant 5 : i32
      %swap3A_986 = arith.index_cast %swap3A_985 : i32 to index
      %swap3A_987 = arith.constant 16 : index
      %swap3A_988 = tpu.vector_load %arg10[%swap3A_986, %swap3A_987] {strides = array<i32>} : memref<8x128xi32, #tpu.memory_space<vmem>>, vector<16xi32>,
      tpu.vector_store %arg10[%swap3A_986, %swap3A_987], %select_n3A_984 {strides = array<i32>} : memref<8x128xi32, #tpu.memory_space<vmem>>, vector<16xi32>,
      %get3A_989 = arith.constant 5 : i32
      %get3A_990 = arith.index_cast %get3A_989 : i32 to index
      %get3A_991 = arith.constant 32 : index
      %get3A_992 = tpu.vector_load %arg9[%get3A_990, %get3A_991] {strides = array<i32>} : memref<8x128xi32, #tpu.memory_space<vmem>>, vector<16xi32>,
      %sub3A_993 = vector.broadcast %mul3A_0 : i32 to vector<16xi32>
      %sub3A_994 = arith.subi %get3A_992, %sub3A_993 : vector<16xi32>
      %ge3A_995 = arith.constant 0 : i32
      %ge3A_996 = vector.broadcast %ge3A_995 : i32 to vector<16xi32>
      %ge3A_997 = arith.cmpi sge, %sub3A_994, %ge3A_996 : vector<16xi32>
      %lt3A_998 = arith.constant 25000 : i32
      %lt3A_999 = vector.broadcast %lt3A_998 : i32 to vector<16xi32>
      %lt3A_1000 = arith.cmpi slt, %sub3A_994, %lt3A_999 : vector<16xi32>
      %and3A_1001 = arith.andi %ge3A_997, %lt3A_1000 : vector<16xi1>
      %jit3A_1002 = arith.constant 25000 : i32
      %broadcast_in_dim3A_1003 = vector.broadcast %jit3A_1002 : i32 to vector<16xi32>
      %select_n3A_1004 = arith.select %and3A_1001, %sub3A_994, %broadcast_in_dim3A_1003 : vector<16xi1>, vector<16xi32>
      %swap3A_1005 = arith.constant 5 : i32
      %swap3A_1006 = arith.index_cast %swap3A_1005 : i32 to index
      %swap3A_1007 = arith.constant 32 : index
      %swap3A_1008 = tpu.vector_load %arg10[%swap3A_1006, %swap3A_1007] {strides = array<i32>} : memref<8x128xi32, #tpu.memory_space<vmem>>, vector<16xi32>,
      tpu.vector_store %arg10[%swap3A_1006, %swap3A_1007], %select_n3A_1004 {strides = array<i32>} : memref<8x128xi32, #tpu.memory_space<vmem>>, vector<16xi32>,
      %get3A_1009 = arith.constant 5 : i32
      %get3A_1010 = arith.index_cast %get3A_1009 : i32 to index
      %get3A_1011 = arith.constant 48 : index
      %get3A_1012 = tpu.vector_load %arg9[%get3A_1010, %get3A_1011] {strides = array<i32>} : memref<8x128xi32, #tpu.memory_space<vmem>>, vector<16xi32>,
      %sub3A_1013 = vector.broadcast %mul3A_0 : i32 to vector<16xi32>
      %sub3A_1014 = arith.subi %get3A_1012, %sub3A_1013 : vector<16xi32>
      %ge3A_1015 = arith.constant 0 : i32
      %ge3A_1016 = vector.broadcast %ge3A_1015 : i32 to vector<16xi32>
      %ge3A_1017 = arith.cmpi sge, %sub3A_1014, %ge3A_1016 : vector<16xi32>
      %lt3A_1018 = arith.constant 25000 : i32
      %lt3A_1019 = vector.broadcast %lt3A_1018 : i32 to vector<16xi32>
      %lt3A_1020 = arith.cmpi slt, %sub3A_1014, %lt3A_1019 : vector<16xi32>
      %and3A_1021 = arith.andi %ge3A_1017, %lt3A_1020 : vector<16xi1>
      %jit3A_1022 = arith.constant 25000 : i32
      %broadcast_in_dim3A_1023 = vector.broadcast %jit3A_1022 : i32 to vector<16xi32>
      %select_n3A_1024 = arith.select %and3A_1021, %sub3A_1014, %broadcast_in_dim3A_1023 : vector<16xi1>, vector<16xi32>
      %swap3A_1025 = arith.constant 5 : i32
      %swap3A_1026 = arith.index_cast %swap3A_1025 : i32 to index
      %swap3A_1027 = arith.constant 48 : index
      %swap3A_1028 = tpu.vector_load %arg10[%swap3A_1026, %swap3A_1027] {strides = array<i32>} : memref<8x128xi32, #tpu.memory_space<vmem>>, vector<16xi32>,
      tpu.vector_store %arg10[%swap3A_1026, %swap3A_1027], %select_n3A_1024 {strides = array<i32>} : memref<8x128xi32, #tpu.memory_space<vmem>>, vector<16xi32>,
      %get3A_1029 = arith.constant 5 : i32
      %get3A_1030 = arith.index_cast %get3A_1029 : i32 to index
      %get3A_1031 = arith.constant 64 : index
      %get3A_1032 = tpu.vector_load %arg9[%get3A_1030, %get3A_1031] {strides = array<i32>} : memref<8x128xi32, #tpu.memory_space<vmem>>, vector<16xi32>,
      %sub3A_1033 = vector.broadcast %mul3A_0 : i32 to vector<16xi32>
      %sub3A_1034 = arith.subi %get3A_1032, %sub3A_1033 : vector<16xi32>
      %ge3A_1035 = arith.constant 0 : i32
      %ge3A_1036 = vector.broadcast %ge3A_1035 : i32 to vector<16xi32>
      %ge3A_1037 = arith.cmpi sge, %sub3A_1034, %ge3A_1036 : vector<16xi32>
      %lt3A_1038 = arith.constant 25000 : i32
      %lt3A_1039 = vector.broadcast %lt3A_1038 : i32 to vector<16xi32>
      %lt3A_1040 = arith.cmpi slt, %sub3A_1034, %lt3A_1039 : vector<16xi32>
      %and3A_1041 = arith.andi %ge3A_1037, %lt3A_1040 : vector<16xi1>
      %jit3A_1042 = arith.constant 25000 : i32
      %broadcast_in_dim3A_1043 = vector.broadcast %jit3A_1042 : i32 to vector<16xi32>
      %select_n3A_1044 = arith.select %and3A_1041, %sub3A_1034, %broadcast_in_dim3A_1043 : vector<16xi1>, vector<16xi32>
      %swap3A_1045 = arith.constant 5 : i32
      %swap3A_1046 = arith.index_cast %swap3A_1045 : i32 to index
      %swap3A_1047 = arith.constant 64 : index
      %swap3A_1048 = tpu.vector_load %arg10[%swap3A_1046, %swap3A_1047] {strides = array<i32>} : memref<8x128xi32, #tpu.memory_space<vmem>>, vector<16xi32>,
      tpu.vector_store %arg10[%swap3A_1046, %swap3A_1047], %select_n3A_1044 {strides = array<i32>} : memref<8x128xi32, #tpu.memory_space<vmem>>, vector<16xi32>,
      %get3A_1049 = arith.constant 5 : i32
      %get3A_1050 = arith.index_cast %get3A_1049 : i32 to index
      %get3A_1051 = arith.constant 80 : index
      %get3A_1052 = tpu.vector_load %arg9[%get3A_1050, %get3A_1051] {strides = array<i32>} : memref<8x128xi32, #tpu.memory_space<vmem>>, vector<16xi32>,
      %sub3A_1053 = vector.broadcast %mul3A_0 : i32 to vector<16xi32>
      %sub3A_1054 = arith.subi %get3A_1052, %sub3A_1053 : vector<16xi32>
      %ge3A_1055 = arith.constant 0 : i32
      %ge3A_1056 = vector.broadcast %ge3A_1055 : i32 to vector<16xi32>
      %ge3A_1057 = arith.cmpi sge, %sub3A_1054, %ge3A_1056 : vector<16xi32>
      %lt3A_1058 = arith.constant 25000 : i32
      %lt3A_1059 = vector.broadcast %lt3A_1058 : i32 to vector<16xi32>
      %lt3A_1060 = arith.cmpi slt, %sub3A_1054, %lt3A_1059 : vector<16xi32>
      %and3A_1061 = arith.andi %ge3A_1057, %lt3A_1060 : vector<16xi1>
      %jit3A_1062 = arith.constant 25000 : i32
      %broadcast_in_dim3A_1063 = vector.broadcast %jit3A_1062 : i32 to vector<16xi32>
      %select_n3A_1064 = arith.select %and3A_1061, %sub3A_1054, %broadcast_in_dim3A_1063 : vector<16xi1>, vector<16xi32>
      %swap3A_1065 = arith.constant 5 : i32
      %swap3A_1066 = arith.index_cast %swap3A_1065 : i32 to index
      %swap3A_1067 = arith.constant 80 : index
      %swap3A_1068 = tpu.vector_load %arg10[%swap3A_1066, %swap3A_1067] {strides = array<i32>} : memref<8x128xi32, #tpu.memory_space<vmem>>, vector<16xi32>,
      tpu.vector_store %arg10[%swap3A_1066, %swap3A_1067], %select_n3A_1064 {strides = array<i32>} : memref<8x128xi32, #tpu.memory_space<vmem>>, vector<16xi32>,
      %get3A_1069 = arith.constant 5 : i32
      %get3A_1070 = arith.index_cast %get3A_1069 : i32 to index
      %get3A_1071 = arith.constant 96 : index
      %get3A_1072 = tpu.vector_load %arg9[%get3A_1070, %get3A_1071] {strides = array<i32>} : memref<8x128xi32, #tpu.memory_space<vmem>>, vector<16xi32>,
      %sub3A_1073 = vector.broadcast %mul3A_0 : i32 to vector<16xi32>
      %sub3A_1074 = arith.subi %get3A_1072, %sub3A_1073 : vector<16xi32>
      %ge3A_1075 = arith.constant 0 : i32
      %ge3A_1076 = vector.broadcast %ge3A_1075 : i32 to vector<16xi32>
      %ge3A_1077 = arith.cmpi sge, %sub3A_1074, %ge3A_1076 : vector<16xi32>
      %lt3A_1078 = arith.constant 25000 : i32
      %lt3A_1079 = vector.broadcast %lt3A_1078 : i32 to vector<16xi32>
      %lt3A_1080 = arith.cmpi slt, %sub3A_1074, %lt3A_1079 : vector<16xi32>
      %and3A_1081 = arith.andi %ge3A_1077, %lt3A_1080 : vector<16xi1>
      %jit3A_1082 = arith.constant 25000 : i32
      %broadcast_in_dim3A_1083 = vector.broadcast %jit3A_1082 : i32 to vector<16xi32>
      %select_n3A_1084 = arith.select %and3A_1081, %sub3A_1074, %broadcast_in_dim3A_1083 : vector<16xi1>, vector<16xi32>
      %swap3A_1085 = arith.constant 5 : i32
      %swap3A_1086 = arith.index_cast %swap3A_1085 : i32 to index
      %swap3A_1087 = arith.constant 96 : index
      %swap3A_1088 = tpu.vector_load %arg10[%swap3A_1086, %swap3A_1087] {strides = array<i32>} : memref<8x128xi32, #tpu.memory_space<vmem>>, vector<16xi32>,
      tpu.vector_store %arg10[%swap3A_1086, %swap3A_1087], %select_n3A_1084 {strides = array<i32>} : memref<8x128xi32, #tpu.memory_space<vmem>>, vector<16xi32>,
      %get3A_1089 = arith.constant 5 : i32
      %get3A_1090 = arith.index_cast %get3A_1089 : i32 to index
      %get3A_1091 = arith.constant 112 : index
      %get3A_1092 = tpu.vector_load %arg9[%get3A_1090, %get3A_1091] {strides = array<i32>} : memref<8x128xi32, #tpu.memory_space<vmem>>, vector<16xi32>,
      %sub3A_1093 = vector.broadcast %mul3A_0 : i32 to vector<16xi32>
      %sub3A_1094 = arith.subi %get3A_1092, %sub3A_1093 : vector<16xi32>
      %ge3A_1095 = arith.constant 0 : i32
      %ge3A_1096 = vector.broadcast %ge3A_1095 : i32 to vector<16xi32>
      %ge3A_1097 = arith.cmpi sge, %sub3A_1094, %ge3A_1096 : vector<16xi32>
      %lt3A_1098 = arith.constant 25000 : i32
      %lt3A_1099 = vector.broadcast %lt3A_1098 : i32 to vector<16xi32>
      %lt3A_1100 = arith.cmpi slt, %sub3A_1094, %lt3A_1099 : vector<16xi32>
      %and3A_1101 = arith.andi %ge3A_1097, %lt3A_1100 : vector<16xi1>
      %jit3A_1102 = arith.constant 25000 : i32
      %broadcast_in_dim3A_1103 = vector.broadcast %jit3A_1102 : i32 to vector<16xi32>
      %select_n3A_1104 = arith.select %and3A_1101, %sub3A_1094, %broadcast_in_dim3A_1103 : vector<16xi1>, vector<16xi32>
      %swap3A_1105 = arith.constant 5 : i32
      %swap3A_1106 = arith.index_cast %swap3A_1105 : i32 to index
      %swap3A_1107 = arith.constant 112 : index
      %swap3A_1108 = tpu.vector_load %arg10[%swap3A_1106, %swap3A_1107] {strides = array<i32>} : memref<8x128xi32, #tpu.memory_space<vmem>>, vector<16xi32>,
      tpu.vector_store %arg10[%swap3A_1106, %swap3A_1107], %select_n3A_1104 {strides = array<i32>} : memref<8x128xi32, #tpu.memory_space<vmem>>, vector<16xi32>,
      %get3A_1109 = arith.constant 6 : i32
      %get3A_1110 = arith.index_cast %get3A_1109 : i32 to index
      %get3A_1111 = arith.constant 0 : index
      %get3A_1112 = tpu.vector_load %arg9[%get3A_1110, %get3A_1111] {strides = array<i32>} : memref<8x128xi32, #tpu.memory_space<vmem>>, vector<16xi32>,
      %sub3A_1113 = vector.broadcast %mul3A_0 : i32 to vector<16xi32>
      %sub3A_1114 = arith.subi %get3A_1112, %sub3A_1113 : vector<16xi32>
      %ge3A_1115 = arith.constant 0 : i32
      %ge3A_1116 = vector.broadcast %ge3A_1115 : i32 to vector<16xi32>
      %ge3A_1117 = arith.cmpi sge, %sub3A_1114, %ge3A_1116 : vector<16xi32>
      %lt3A_1118 = arith.constant 25000 : i32
      %lt3A_1119 = vector.broadcast %lt3A_1118 : i32 to vector<16xi32>
      %lt3A_1120 = arith.cmpi slt, %sub3A_1114, %lt3A_1119 : vector<16xi32>
      %and3A_1121 = arith.andi %ge3A_1117, %lt3A_1120 : vector<16xi1>
      %jit3A_1122 = arith.constant 25000 : i32
      %broadcast_in_dim3A_1123 = vector.broadcast %jit3A_1122 : i32 to vector<16xi32>
      %select_n3A_1124 = arith.select %and3A_1121, %sub3A_1114, %broadcast_in_dim3A_1123 : vector<16xi1>, vector<16xi32>
      %swap3A_1125 = arith.constant 6 : i32
      %swap3A_1126 = arith.index_cast %swap3A_1125 : i32 to index
      %swap3A_1127 = arith.constant 0 : index
      %swap3A_1128 = tpu.vector_load %arg10[%swap3A_1126, %swap3A_1127] {strides = array<i32>} : memref<8x128xi32, #tpu.memory_space<vmem>>, vector<16xi32>,
      tpu.vector_store %arg10[%swap3A_1126, %swap3A_1127], %select_n3A_1124 {strides = array<i32>} : memref<8x128xi32, #tpu.memory_space<vmem>>, vector<16xi32>,
      %get3A_1129 = arith.constant 6 : i32
      %get3A_1130 = arith.index_cast %get3A_1129 : i32 to index
      %get3A_1131 = arith.constant 16 : index
      %get3A_1132 = tpu.vector_load %arg9[%get3A_1130, %get3A_1131] {strides = array<i32>} : memref<8x128xi32, #tpu.memory_space<vmem>>, vector<16xi32>,
      %sub3A_1133 = vector.broadcast %mul3A_0 : i32 to vector<16xi32>
      %sub3A_1134 = arith.subi %get3A_1132, %sub3A_1133 : vector<16xi32>
      %ge3A_1135 = arith.constant 0 : i32
      %ge3A_1136 = vector.broadcast %ge3A_1135 : i32 to vector<16xi32>
      %ge3A_1137 = arith.cmpi sge, %sub3A_1134, %ge3A_1136 : vector<16xi32>
      %lt3A_1138 = arith.constant 25000 : i32
      %lt3A_1139 = vector.broadcast %lt3A_1138 : i32 to vector<16xi32>
      %lt3A_1140 = arith.cmpi slt, %sub3A_1134, %lt3A_1139 : vector<16xi32>
      %and3A_1141 = arith.andi %ge3A_1137, %lt3A_1140 : vector<16xi1>
      %jit3A_1142 = arith.constant 25000 : i32
      %broadcast_in_dim3A_1143 = vector.broadcast %jit3A_1142 : i32 to vector<16xi32>
      %select_n3A_1144 = arith.select %and3A_1141, %sub3A_1134, %broadcast_in_dim3A_1143 : vector<16xi1>, vector<16xi32>
      %swap3A_1145 = arith.constant 6 : i32
      %swap3A_1146 = arith.index_cast %swap3A_1145 : i32 to index
      %swap3A_1147 = arith.constant 16 : index
      %swap3A_1148 = tpu.vector_load %arg10[%swap3A_1146, %swap3A_1147] {strides = array<i32>} : memref<8x128xi32, #tpu.memory_space<vmem>>, vector<16xi32>,
      tpu.vector_store %arg10[%swap3A_1146, %swap3A_1147], %select_n3A_1144 {strides = array<i32>} : memref<8x128xi32, #tpu.memory_space<vmem>>, vector<16xi32>,
      %get3A_1149 = arith.constant 6 : i32
      %get3A_1150 = arith.index_cast %get3A_1149 : i32 to index
      %get3A_1151 = arith.constant 32 : index
      %get3A_1152 = tpu.vector_load %arg9[%get3A_1150, %get3A_1151] {strides = array<i32>} : memref<8x128xi32, #tpu.memory_space<vmem>>, vector<16xi32>,
      %sub3A_1153 = vector.broadcast %mul3A_0 : i32 to vector<16xi32>
      %sub3A_1154 = arith.subi %get3A_1152, %sub3A_1153 : vector<16xi32>
      %ge3A_1155 = arith.constant 0 : i32
      %ge3A_1156 = vector.broadcast %ge3A_1155 : i32 to vector<16xi32>
      %ge3A_1157 = arith.cmpi sge, %sub3A_1154, %ge3A_1156 : vector<16xi32>
      %lt3A_1158 = arith.constant 25000 : i32
      %lt3A_1159 = vector.broadcast %lt3A_1158 : i32 to vector<16xi32>
      %lt3A_1160 = arith.cmpi slt, %sub3A_1154, %lt3A_1159 : vector<16xi32>
      %and3A_1161 = arith.andi %ge3A_1157, %lt3A_1160 : vector<16xi1>
      %jit3A_1162 = arith.constant 25000 : i32
      %broadcast_in_dim3A_1163 = vector.broadcast %jit3A_1162 : i32 to vector<16xi32>
      %select_n3A_1164 = arith.select %and3A_1161, %sub3A_1154, %broadcast_in_dim3A_1163 : vector<16xi1>, vector<16xi32>
      %swap3A_1165 = arith.constant 6 : i32
      %swap3A_1166 = arith.index_cast %swap3A_1165 : i32 to index
      %swap3A_1167 = arith.constant 32 : index
      %swap3A_1168 = tpu.vector_load %arg10[%swap3A_1166, %swap3A_1167] {strides = array<i32>} : memref<8x128xi32, #tpu.memory_space<vmem>>, vector<16xi32>,
      tpu.vector_store %arg10[%swap3A_1166, %swap3A_1167], %select_n3A_1164 {strides = array<i32>} : memref<8x128xi32, #tpu.memory_space<vmem>>, vector<16xi32>,
      %get3A_1169 = arith.constant 6 : i32
      %get3A_1170 = arith.index_cast %get3A_1169 : i32 to index
      %get3A_1171 = arith.constant 48 : index
      %get3A_1172 = tpu.vector_load %arg9[%get3A_1170, %get3A_1171] {strides = array<i32>} : memref<8x128xi32, #tpu.memory_space<vmem>>, vector<16xi32>,
      %sub3A_1173 = vector.broadcast %mul3A_0 : i32 to vector<16xi32>
      %sub3A_1174 = arith.subi %get3A_1172, %sub3A_1173 : vector<16xi32>
      %ge3A_1175 = arith.constant 0 : i32
      %ge3A_1176 = vector.broadcast %ge3A_1175 : i32 to vector<16xi32>
      %ge3A_1177 = arith.cmpi sge, %sub3A_1174, %ge3A_1176 : vector<16xi32>
      %lt3A_1178 = arith.constant 25000 : i32
      %lt3A_1179 = vector.broadcast %lt3A_1178 : i32 to vector<16xi32>
      %lt3A_1180 = arith.cmpi slt, %sub3A_1174, %lt3A_1179 : vector<16xi32>
      %and3A_1181 = arith.andi %ge3A_1177, %lt3A_1180 : vector<16xi1>
      %jit3A_1182 = arith.constant 25000 : i32
      %broadcast_in_dim3A_1183 = vector.broadcast %jit3A_1182 : i32 to vector<16xi32>
      %select_n3A_1184 = arith.select %and3A_1181, %sub3A_1174, %broadcast_in_dim3A_1183 : vector<16xi1>, vector<16xi32>
      %swap3A_1185 = arith.constant 6 : i32
      %swap3A_1186 = arith.index_cast %swap3A_1185 : i32 to index
      %swap3A_1187 = arith.constant 48 : index
      %swap3A_1188 = tpu.vector_load %arg10[%swap3A_1186, %swap3A_1187] {strides = array<i32>} : memref<8x128xi32, #tpu.memory_space<vmem>>, vector<16xi32>,
      tpu.vector_store %arg10[%swap3A_1186, %swap3A_1187], %select_n3A_1184 {strides = array<i32>} : memref<8x128xi32, #tpu.memory_space<vmem>>, vector<16xi32>,
      %get3A_1189 = arith.constant 6 : i32
      %get3A_1190 = arith.index_cast %get3A_1189 : i32 to index
      %get3A_1191 = arith.constant 64 : index
      %get3A_1192 = tpu.vector_load %arg9[%get3A_1190, %get3A_1191] {strides = array<i32>} : memref<8x128xi32, #tpu.memory_space<vmem>>, vector<16xi32>,
      %sub3A_1193 = vector.broadcast %mul3A_0 : i32 to vector<16xi32>
      %sub3A_1194 = arith.subi %get3A_1192, %sub3A_1193 : vector<16xi32>
      %ge3A_1195 = arith.constant 0 : i32
      %ge3A_1196 = vector.broadcast %ge3A_1195 : i32 to vector<16xi32>
      %ge3A_1197 = arith.cmpi sge, %sub3A_1194, %ge3A_1196 : vector<16xi32>
      %lt3A_1198 = arith.constant 25000 : i32
      %lt3A_1199 = vector.broadcast %lt3A_1198 : i32 to vector<16xi32>
      %lt3A_1200 = arith.cmpi slt, %sub3A_1194, %lt3A_1199 : vector<16xi32>
      %and3A_1201 = arith.andi %ge3A_1197, %lt3A_1200 : vector<16xi1>
      %jit3A_1202 = arith.constant 25000 : i32
      %broadcast_in_dim3A_1203 = vector.broadcast %jit3A_1202 : i32 to vector<16xi32>
      %select_n3A_1204 = arith.select %and3A_1201, %sub3A_1194, %broadcast_in_dim3A_1203 : vector<16xi1>, vector<16xi32>
      %swap3A_1205 = arith.constant 6 : i32
      %swap3A_1206 = arith.index_cast %swap3A_1205 : i32 to index
      %swap3A_1207 = arith.constant 64 : index
      %swap3A_1208 = tpu.vector_load %arg10[%swap3A_1206, %swap3A_1207] {strides = array<i32>} : memref<8x128xi32, #tpu.memory_space<vmem>>, vector<16xi32>,
      tpu.vector_store %arg10[%swap3A_1206, %swap3A_1207], %select_n3A_1204 {strides = array<i32>} : memref<8x128xi32, #tpu.memory_space<vmem>>, vector<16xi32>,
      %get3A_1209 = arith.constant 6 : i32
      %get3A_1210 = arith.index_cast %get3A_1209 : i32 to index
      %get3A_1211 = arith.constant 80 : index
      %get3A_1212 = tpu.vector_load %arg9[%get3A_1210, %get3A_1211] {strides = array<i32>} : memref<8x128xi32, #tpu.memory_space<vmem>>, vector<16xi32>,
      %sub3A_1213 = vector.broadcast %mul3A_0 : i32 to vector<16xi32>
      %sub3A_1214 = arith.subi %get3A_1212, %sub3A_1213 : vector<16xi32>
      %ge3A_1215 = arith.constant 0 : i32
      %ge3A_1216 = vector.broadcast %ge3A_1215 : i32 to vector<16xi32>
      %ge3A_1217 = arith.cmpi sge, %sub3A_1214, %ge3A_1216 : vector<16xi32>
      %lt3A_1218 = arith.constant 25000 : i32
      %lt3A_1219 = vector.broadcast %lt3A_1218 : i32 to vector<16xi32>
      %lt3A_1220 = arith.cmpi slt, %sub3A_1214, %lt3A_1219 : vector<16xi32>
      %and3A_1221 = arith.andi %ge3A_1217, %lt3A_1220 : vector<16xi1>
      %jit3A_1222 = arith.constant 25000 : i32
      %broadcast_in_dim3A_1223 = vector.broadcast %jit3A_1222 : i32 to vector<16xi32>
      %select_n3A_1224 = arith.select %and3A_1221, %sub3A_1214, %broadcast_in_dim3A_1223 : vector<16xi1>, vector<16xi32>
      %swap3A_1225 = arith.constant 6 : i32
      %swap3A_1226 = arith.index_cast %swap3A_1225 : i32 to index
      %swap3A_1227 = arith.constant 80 : index
      %swap3A_1228 = tpu.vector_load %arg10[%swap3A_1226, %swap3A_1227] {strides = array<i32>} : memref<8x128xi32, #tpu.memory_space<vmem>>, vector<16xi32>,
      tpu.vector_store %arg10[%swap3A_1226, %swap3A_1227], %select_n3A_1224 {strides = array<i32>} : memref<8x128xi32, #tpu.memory_space<vmem>>, vector<16xi32>,
      %get3A_1229 = arith.constant 6 : i32
      %get3A_1230 = arith.index_cast %get3A_1229 : i32 to index
      %get3A_1231 = arith.constant 96 : index
      %get3A_1232 = tpu.vector_load %arg9[%get3A_1230, %get3A_1231] {strides = array<i32>} : memref<8x128xi32, #tpu.memory_space<vmem>>, vector<16xi32>,
      %sub3A_1233 = vector.broadcast %mul3A_0 : i32 to vector<16xi32>
      %sub3A_1234 = arith.subi %get3A_1232, %sub3A_1233 : vector<16xi32>
      %ge3A_1235 = arith.constant 0 : i32
      %ge3A_1236 = vector.broadcast %ge3A_1235 : i32 to vector<16xi32>
      %ge3A_1237 = arith.cmpi sge, %sub3A_1234, %ge3A_1236 : vector<16xi32>
      %lt3A_1238 = arith.constant 25000 : i32
      %lt3A_1239 = vector.broadcast %lt3A_1238 : i32 to vector<16xi32>
      %lt3A_1240 = arith.cmpi slt, %sub3A_1234, %lt3A_1239 : vector<16xi32>
      %and3A_1241 = arith.andi %ge3A_1237, %lt3A_1240 : vector<16xi1>
      %jit3A_1242 = arith.constant 25000 : i32
      %broadcast_in_dim3A_1243 = vector.broadcast %jit3A_1242 : i32 to vector<16xi32>
      %select_n3A_1244 = arith.select %and3A_1241, %sub3A_1234, %broadcast_in_dim3A_1243 : vector<16xi1>, vector<16xi32>
      %swap3A_1245 = arith.constant 6 : i32
      %swap3A_1246 = arith.index_cast %swap3A_1245 : i32 to index
      %swap3A_1247 = arith.constant 96 : index
      %swap3A_1248 = tpu.vector_load %arg10[%swap3A_1246, %swap3A_1247] {strides = array<i32>} : memref<8x128xi32, #tpu.memory_space<vmem>>, vector<16xi32>,
      tpu.vector_store %arg10[%swap3A_1246, %swap3A_1247], %select_n3A_1244 {strides = array<i32>} : memref<8x128xi32, #tpu.memory_space<vmem>>, vector<16xi32>,
      %get3A_1249 = arith.constant 6 : i32
      %get3A_1250 = arith.index_cast %get3A_1249 : i32 to index
      %get3A_1251 = arith.constant 112 : index
      %get3A_1252 = tpu.vector_load %arg9[%get3A_1250, %get3A_1251] {strides = array<i32>} : memref<8x128xi32, #tpu.memory_space<vmem>>, vector<16xi32>,
      %sub3A_1253 = vector.broadcast %mul3A_0 : i32 to vector<16xi32>
      %sub3A_1254 = arith.subi %get3A_1252, %sub3A_1253 : vector<16xi32>
      %ge3A_1255 = arith.constant 0 : i32
      %ge3A_1256 = vector.broadcast %ge3A_1255 : i32 to vector<16xi32>
      %ge3A_1257 = arith.cmpi sge, %sub3A_1254, %ge3A_1256 : vector<16xi32>
      %lt3A_1258 = arith.constant 25000 : i32
      %lt3A_1259 = vector.broadcast %lt3A_1258 : i32 to vector<16xi32>
      %lt3A_1260 = arith.cmpi slt, %sub3A_1254, %lt3A_1259 : vector<16xi32>
      %and3A_1261 = arith.andi %ge3A_1257, %lt3A_1260 : vector<16xi1>
      %jit3A_1262 = arith.constant 25000 : i32
      %broadcast_in_dim3A_1263 = vector.broadcast %jit3A_1262 : i32 to vector<16xi32>
      %select_n3A_1264 = arith.select %and3A_1261, %sub3A_1254, %broadcast_in_dim3A_1263 : vector<16xi1>, vector<16xi32>
      %swap3A_1265 = arith.constant 6 : i32
      %swap3A_1266 = arith.index_cast %swap3A_1265 : i32 to index
      %swap3A_1267 = arith.constant 112 : index
      %swap3A_1268 = tpu.vector_load %arg10[%swap3A_1266, %swap3A_1267] {strides = array<i32>} : memref<8x128xi32, #tpu.memory_space<vmem>>, vector<16xi32>,
      tpu.vector_store %arg10[%swap3A_1266, %swap3A_1267], %select_n3A_1264 {strides = array<i32>} : memref<8x128xi32, #tpu.memory_space<vmem>>, vector<16xi32>,
      %get3A_1269 = arith.constant 7 : i32
      %get3A_1270 = arith.index_cast %get3A_1269 : i32 to index
      %get3A_1271 = arith.constant 0 : index
      %get3A_1272 = tpu.vector_load %arg9[%get3A_1270, %get3A_1271] {strides = array<i32>} : memref<8x128xi32, #tpu.memory_space<vmem>>, vector<16xi32>,
      %sub3A_1273 = vector.broadcast %mul3A_0 : i32 to vector<16xi32>
      %sub3A_1274 = arith.subi %get3A_1272, %sub3A_1273 : vector<16xi32>
      %ge3A_1275 = arith.constant 0 : i32
      %ge3A_1276 = vector.broadcast %ge3A_1275 : i32 to vector<16xi32>
      %ge3A_1277 = arith.cmpi sge, %sub3A_1274, %ge3A_1276 : vector<16xi32>
      %lt3A_1278 = arith.constant 25000 : i32
      %lt3A_1279 = vector.broadcast %lt3A_1278 : i32 to vector<16xi32>
      %lt3A_1280 = arith.cmpi slt, %sub3A_1274, %lt3A_1279 : vector<16xi32>
      %and3A_1281 = arith.andi %ge3A_1277, %lt3A_1280 : vector<16xi1>
      %jit3A_1282 = arith.constant 25000 : i32
      %broadcast_in_dim3A_1283 = vector.broadcast %jit3A_1282 : i32 to vector<16xi32>
      %select_n3A_1284 = arith.select %and3A_1281, %sub3A_1274, %broadcast_in_dim3A_1283 : vector<16xi1>, vector<16xi32>
      %swap3A_1285 = arith.constant 7 : i32
      %swap3A_1286 = arith.index_cast %swap3A_1285 : i32 to index
      %swap3A_1287 = arith.constant 0 : index
      %swap3A_1288 = tpu.vector_load %arg10[%swap3A_1286, %swap3A_1287] {strides = array<i32>} : memref<8x128xi32, #tpu.memory_space<vmem>>, vector<16xi32>,
      tpu.vector_store %arg10[%swap3A_1286, %swap3A_1287], %select_n3A_1284 {strides = array<i32>} : memref<8x128xi32, #tpu.memory_space<vmem>>, vector<16xi32>,
      %get3A_1289 = arith.constant 7 : i32
      %get3A_1290 = arith.index_cast %get3A_1289 : i32 to index
      %get3A_1291 = arith.constant 16 : index
      %get3A_1292 = tpu.vector_load %arg9[%get3A_1290, %get3A_1291] {strides = array<i32>} : memref<8x128xi32, #tpu.memory_space<vmem>>, vector<16xi32>,
      %sub3A_1293 = vector.broadcast %mul3A_0 : i32 to vector<16xi32>
      %sub3A_1294 = arith.subi %get3A_1292, %sub3A_1293 : vector<16xi32>
      %ge3A_1295 = arith.constant 0 : i32
      %ge3A_1296 = vector.broadcast %ge3A_1295 : i32 to vector<16xi32>
      %ge3A_1297 = arith.cmpi sge, %sub3A_1294, %ge3A_1296 : vector<16xi32>
      %lt3A_1298 = arith.constant 25000 : i32
      %lt3A_1299 = vector.broadcast %lt3A_1298 : i32 to vector<16xi32>
      %lt3A_1300 = arith.cmpi slt, %sub3A_1294, %lt3A_1299 : vector<16xi32>
      %and3A_1301 = arith.andi %ge3A_1297, %lt3A_1300 : vector<16xi1>
      %jit3A_1302 = arith.constant 25000 : i32
      %broadcast_in_dim3A_1303 = vector.broadcast %jit3A_1302 : i32 to vector<16xi32>
      %select_n3A_1304 = arith.select %and3A_1301, %sub3A_1294, %broadcast_in_dim3A_1303 : vector<16xi1>, vector<16xi32>
      %swap3A_1305 = arith.constant 7 : i32
      %swap3A_1306 = arith.index_cast %swap3A_1305 : i32 to index
      %swap3A_1307 = arith.constant 16 : index
      %swap3A_1308 = tpu.vector_load %arg10[%swap3A_1306, %swap3A_1307] {strides = array<i32>} : memref<8x128xi32, #tpu.memory_space<vmem>>, vector<16xi32>,
      tpu.vector_store %arg10[%swap3A_1306, %swap3A_1307], %select_n3A_1304 {strides = array<i32>} : memref<8x128xi32, #tpu.memory_space<vmem>>, vector<16xi32>,
      %get3A_1309 = arith.constant 7 : i32
      %get3A_1310 = arith.index_cast %get3A_1309 : i32 to index
      %get3A_1311 = arith.constant 32 : index
      %get3A_1312 = tpu.vector_load %arg9[%get3A_1310, %get3A_1311] {strides = array<i32>} : memref<8x128xi32, #tpu.memory_space<vmem>>, vector<16xi32>,
      %sub3A_1313 = vector.broadcast %mul3A_0 : i32 to vector<16xi32>
      %sub3A_1314 = arith.subi %get3A_1312, %sub3A_1313 : vector<16xi32>
      %ge3A_1315 = arith.constant 0 : i32
      %ge3A_1316 = vector.broadcast %ge3A_1315 : i32 to vector<16xi32>
      %ge3A_1317 = arith.cmpi sge, %sub3A_1314, %ge3A_1316 : vector<16xi32>
      %lt3A_1318 = arith.constant 25000 : i32
      %lt3A_1319 = vector.broadcast %lt3A_1318 : i32 to vector<16xi32>
      %lt3A_1320 = arith.cmpi slt, %sub3A_1314, %lt3A_1319 : vector<16xi32>
      %and3A_1321 = arith.andi %ge3A_1317, %lt3A_1320 : vector<16xi1>
      %jit3A_1322 = arith.constant 25000 : i32
      %broadcast_in_dim3A_1323 = vector.broadcast %jit3A_1322 : i32 to vector<16xi32>
      %select_n3A_1324 = arith.select %and3A_1321, %sub3A_1314, %broadcast_in_dim3A_1323 : vector<16xi1>, vector<16xi32>
      %swap3A_1325 = arith.constant 7 : i32
      %swap3A_1326 = arith.index_cast %swap3A_1325 : i32 to index
      %swap3A_1327 = arith.constant 32 : index
      %swap3A_1328 = tpu.vector_load %arg10[%swap3A_1326, %swap3A_1327] {strides = array<i32>} : memref<8x128xi32, #tpu.memory_space<vmem>>, vector<16xi32>,
      tpu.vector_store %arg10[%swap3A_1326, %swap3A_1327], %select_n3A_1324 {strides = array<i32>} : memref<8x128xi32, #tpu.memory_space<vmem>>, vector<16xi32>,
      %get3A_1329 = arith.constant 7 : i32
      %get3A_1330 = arith.index_cast %get3A_1329 : i32 to index
      %get3A_1331 = arith.constant 48 : index
      %get3A_1332 = tpu.vector_load %arg9[%get3A_1330, %get3A_1331] {strides = array<i32>} : memref<8x128xi32, #tpu.memory_space<vmem>>, vector<16xi32>,
      %sub3A_1333 = vector.broadcast %mul3A_0 : i32 to vector<16xi32>
      %sub3A_1334 = arith.subi %get3A_1332, %sub3A_1333 : vector<16xi32>
      %ge3A_1335 = arith.constant 0 : i32
      %ge3A_1336 = vector.broadcast %ge3A_1335 : i32 to vector<16xi32>
      %ge3A_1337 = arith.cmpi sge, %sub3A_1334, %ge3A_1336 : vector<16xi32>
      %lt3A_1338 = arith.constant 25000 : i32
      %lt3A_1339 = vector.broadcast %lt3A_1338 : i32 to vector<16xi32>
      %lt3A_1340 = arith.cmpi slt, %sub3A_1334, %lt3A_1339 : vector<16xi32>
      %and3A_1341 = arith.andi %ge3A_1337, %lt3A_1340 : vector<16xi1>
      %jit3A_1342 = arith.constant 25000 : i32
      %broadcast_in_dim3A_1343 = vector.broadcast %jit3A_1342 : i32 to vector<16xi32>
      %select_n3A_1344 = arith.select %and3A_1341, %sub3A_1334, %broadcast_in_dim3A_1343 : vector<16xi1>, vector<16xi32>
      %swap3A_1345 = arith.constant 7 : i32
      %swap3A_1346 = arith.index_cast %swap3A_1345 : i32 to index
      %swap3A_1347 = arith.constant 48 : index
      %swap3A_1348 = tpu.vector_load %arg10[%swap3A_1346, %swap3A_1347] {strides = array<i32>} : memref<8x128xi32, #tpu.memory_space<vmem>>, vector<16xi32>,
      tpu.vector_store %arg10[%swap3A_1346, %swap3A_1347], %select_n3A_1344 {strides = array<i32>} : memref<8x128xi32, #tpu.memory_space<vmem>>, vector<16xi32>,
      %get3A_1349 = arith.constant 7 : i32
      %get3A_1350 = arith.index_cast %get3A_1349 : i32 to index
      %get3A_1351 = arith.constant 64 : index
      %get3A_1352 = tpu.vector_load %arg9[%get3A_1350, %get3A_1351] {strides = array<i32>} : memref<8x128xi32, #tpu.memory_space<vmem>>, vector<16xi32>,
      %sub3A_1353 = vector.broadcast %mul3A_0 : i32 to vector<16xi32>
      %sub3A_1354 = arith.subi %get3A_1352, %sub3A_1353 : vector<16xi32>
      %ge3A_1355 = arith.constant 0 : i32
      %ge3A_1356 = vector.broadcast %ge3A_1355 : i32 to vector<16xi32>
      %ge3A_1357 = arith.cmpi sge, %sub3A_1354, %ge3A_1356 : vector<16xi32>
      %lt3A_1358 = arith.constant 25000 : i32
      %lt3A_1359 = vector.broadcast %lt3A_1358 : i32 to vector<16xi32>
      %lt3A_1360 = arith.cmpi slt, %sub3A_1354, %lt3A_1359 : vector<16xi32>
      %and3A_1361 = arith.andi %ge3A_1357, %lt3A_1360 : vector<16xi1>
      %jit3A_1362 = arith.constant 25000 : i32
      %broadcast_in_dim3A_1363 = vector.broadcast %jit3A_1362 : i32 to vector<16xi32>
      %select_n3A_1364 = arith.select %and3A_1361, %sub3A_1354, %broadcast_in_dim3A_1363 : vector<16xi1>, vector<16xi32>
      %swap3A_1365 = arith.constant 7 : i32
      %swap3A_1366 = arith.index_cast %swap3A_1365 : i32 to index
      %swap3A_1367 = arith.constant 64 : index
      %swap3A_1368 = tpu.vector_load %arg10[%swap3A_1366, %swap3A_1367] {strides = array<i32>} : memref<8x128xi32, #tpu.memory_space<vmem>>, vector<16xi32>,
      tpu.vector_store %arg10[%swap3A_1366, %swap3A_1367], %select_n3A_1364 {strides = array<i32>} : memref<8x128xi32, #tpu.memory_space<vmem>>, vector<16xi32>,
      %get3A_1369 = arith.constant 7 : i32
      %get3A_1370 = arith.index_cast %get3A_1369 : i32 to index
      %get3A_1371 = arith.constant 80 : index
      %get3A_1372 = tpu.vector_load %arg9[%get3A_1370, %get3A_1371] {strides = array<i32>} : memref<8x128xi32, #tpu.memory_space<vmem>>, vector<16xi32>,
      %sub3A_1373 = vector.broadcast %mul3A_0 : i32 to vector<16xi32>
      %sub3A_1374 = arith.subi %get3A_1372, %sub3A_1373 : vector<16xi32>
      %ge3A_1375 = arith.constant 0 : i32
      %ge3A_1376 = vector.broadcast %ge3A_1375 : i32 to vector<16xi32>
      %ge3A_1377 = arith.cmpi sge, %sub3A_1374, %ge3A_1376 : vector<16xi32>
      %lt3A_1378 = arith.constant 25000 : i32
      %lt3A_1379 = vector.broadcast %lt3A_1378 : i32 to vector<16xi32>
      %lt3A_1380 = arith.cmpi slt, %sub3A_1374, %lt3A_1379 : vector<16xi32>
      %and3A_1381 = arith.andi %ge3A_1377, %lt3A_1380 : vector<16xi1>
      %jit3A_1382 = arith.constant 25000 : i32
      %broadcast_in_dim3A_1383 = vector.broadcast %jit3A_1382 : i32 to vector<16xi32>
      %select_n3A_1384 = arith.select %and3A_1381, %sub3A_1374, %broadcast_in_dim3A_1383 : vector<16xi1>, vector<16xi32>
      %swap3A_1385 = arith.constant 7 : i32
      %swap3A_1386 = arith.index_cast %swap3A_1385 : i32 to index
      %swap3A_1387 = arith.constant 80 : index
      %swap3A_1388 = tpu.vector_load %arg10[%swap3A_1386, %swap3A_1387] {strides = array<i32>} : memref<8x128xi32, #tpu.memory_space<vmem>>, vector<16xi32>,
      tpu.vector_store %arg10[%swap3A_1386, %swap3A_1387], %select_n3A_1384 {strides = array<i32>} : memref<8x128xi32, #tpu.memory_space<vmem>>, vector<16xi32>,
      %get3A_1389 = arith.constant 7 : i32
      %get3A_1390 = arith.index_cast %get3A_1389 : i32 to index
      %get3A_1391 = arith.constant 96 : index
      %get3A_1392 = tpu.vector_load %arg9[%get3A_1390, %get3A_1391] {strides = array<i32>} : memref<8x128xi32, #tpu.memory_space<vmem>>, vector<16xi32>,
      %sub3A_1393 = vector.broadcast %mul3A_0 : i32 to vector<16xi32>
      %sub3A_1394 = arith.subi %get3A_1392, %sub3A_1393 : vector<16xi32>
      %ge3A_1395 = arith.constant 0 : i32
      %ge3A_1396 = vector.broadcast %ge3A_1395 : i32 to vector<16xi32>
      %ge3A_1397 = arith.cmpi sge, %sub3A_1394, %ge3A_1396 : vector<16xi32>
      %lt3A_1398 = arith.constant 25000 : i32
      %lt3A_1399 = vector.broadcast %lt3A_1398 : i32 to vector<16xi32>
      %lt3A_1400 = arith.cmpi slt, %sub3A_1394, %lt3A_1399 : vector<16xi32>
      %and3A_1401 = arith.andi %ge3A_1397, %lt3A_1400 : vector<16xi1>
      %jit3A_1402 = arith.constant 25000 : i32
      %broadcast_in_dim3A_1403 = vector.broadcast %jit3A_1402 : i32 to vector<16xi32>
      %select_n3A_1404 = arith.select %and3A_1401, %sub3A_1394, %broadcast_in_dim3A_1403 : vector<16xi1>, vector<16xi32>
      %swap3A_1405 = arith.constant 7 : i32
      %swap3A_1406 = arith.index_cast %swap3A_1405 : i32 to index
      %swap3A_1407 = arith.constant 96 : index
      %swap3A_1408 = tpu.vector_load %arg10[%swap3A_1406, %swap3A_1407] {strides = array<i32>} : memref<8x128xi32, #tpu.memory_space<vmem>>, vector<16xi32>,
      tpu.vector_store %arg10[%swap3A_1406, %swap3A_1407], %select_n3A_1404 {strides = array<i32>} : memref<8x128xi32, #tpu.memory_space<vmem>>, vector<16xi32>,
      %get3A_1409 = arith.constant 7 : i32
      %get3A_1410 = arith.index_cast %get3A_1409 : i32 to index
      %get3A_1411 = arith.constant 112 : index
      %get3A_1412 = tpu.vector_load %arg9[%get3A_1410, %get3A_1411] {strides = array<i32>} : memref<8x128xi32, #tpu.memory_space<vmem>>, vector<16xi32>,
      %sub3A_1413 = vector.broadcast %mul3A_0 : i32 to vector<16xi32>
      %sub3A_1414 = arith.subi %get3A_1412, %sub3A_1413 : vector<16xi32>
      %ge3A_1415 = arith.constant 0 : i32
      %ge3A_1416 = vector.broadcast %ge3A_1415 : i32 to vector<16xi32>
      %ge3A_1417 = arith.cmpi sge, %sub3A_1414, %ge3A_1416 : vector<16xi32>
      %lt3A_1418 = arith.constant 25000 : i32
      %lt3A_1419 = vector.broadcast %lt3A_1418 : i32 to vector<16xi32>
      %lt3A_1420 = arith.cmpi slt, %sub3A_1414, %lt3A_1419 : vector<16xi32>
      %and3A_1421 = arith.andi %ge3A_1417, %lt3A_1420 : vector<16xi1>
      %jit3A_1422 = arith.constant 25000 : i32
      %broadcast_in_dim3A_1423 = vector.broadcast %jit3A_1422 : i32 to vector<16xi32>
      %select_n3A_1424 = arith.select %and3A_1421, %sub3A_1414, %broadcast_in_dim3A_1423 : vector<16xi1>, vector<16xi32>
      %swap3A_1425 = arith.constant 7 : i32
      %swap3A_1426 = arith.index_cast %swap3A_1425 : i32 to index
      %swap3A_1427 = arith.constant 112 : index
      %swap3A_1428 = tpu.vector_load %arg10[%swap3A_1426, %swap3A_1427] {strides = array<i32>} : memref<8x128xi32, #tpu.memory_space<vmem>>, vector<16xi32>,
      tpu.vector_store %arg10[%swap3A_1426, %swap3A_1427], %select_n3A_1424 {strides = array<i32>} : memref<8x128xi32, #tpu.memory_space<vmem>>, vector<16xi32>,
      %add3A_1429 = arith.constant 0 : i32
      %add3A_1430 = arith.addi %multiple_of3A_133, %add3A_1429 : i32
      "tpu.region"() ({
        %run_scoped3A_1461 = tpu.sem_alloc : memref<!tpu.dma_semaphore, #tpu.memory_space<semaphore_mem>>
        %dma_start3A = arith.constant 0 : i32
        %dma_start3A_1462 = tpu.memref_slice %arg2[%add3A_1430, %dma_start3A] : memref<819200x64xf32, #tpu.memory_space<hbm>> -> memref<128x64xf32, #tpu.memory_space<hbm>>
        %dma_start3A_1463 = arith.constant 0 : i32
        %dma_start3A_1464 = tpu.memref_slice %arg2[%add3A_1430, %dma_start3A_1463] : memref<819200x64xf32, #tpu.memory_space<hbm>> -> memref<128x64xf32, #tpu.memory_space<hbm>>
        tpu.enqueue_dma source(%dma_start3A_1464 : memref<128x64xf32, #tpu.memory_space<hbm>>) target(%arg8 : memref<128x64xf32, #tpu.memory_space<vmem>>) target_semaphore(%run_scoped3A_1461 : memref<!tpu.dma_semaphore, #tpu.memory_space<semaphore_mem>>)
        %dma_wait3A = arith.constant 0 : i32
        %dma_wait3A_1465 = tpu.memref_slice %arg2[%add3A_1430, %dma_wait3A] : memref<819200x64xf32, #tpu.memory_space<hbm>> -> memref<128x64xf32, #tpu.memory_space<hbm>>
        %dma_wait3A_1466 = arith.constant 0 : i32
        %dma_wait3A_1467 = tpu.memref_slice %arg2[%add3A_1430, %dma_wait3A_1466] : memref<819200x64xf32, #tpu.memory_space<hbm>> -> memref<128x64xf32, #tpu.memory_space<hbm>>
        tpu.wait_dma2 semaphore(%run_scoped3A_1461 : memref<!tpu.dma_semaphore, #tpu.memory_space<semaphore_mem>>) src(%dma_wait3A_1467 : memref<128x64xf32, #tpu.memory_space<hbm>>) dst(%arg8 : memref<128x64xf32, #tpu.memory_space<vmem>>)
        tpu.yield
      }) : () -> ()
      %run_scoped3A = arith.constant 0 : i32
      "tpu.region"() ({
        %run_scoped3A_1461 = tpu.sem_alloc : memref<!tpu.dma_semaphore, #tpu.memory_space<semaphore_mem>>
        %dma_start3A = arith.constant 0 : i32
        %dma_start3A_1462 = tpu.memref_slice %arg10[%run_scoped3A, %dma_start3A] : memref<8x128xi32, #tpu.memory_space<vmem>> -> memref<1x128xi32, #tpu.memory_space<vmem>>
        %dma_start3A_1463 = tpu.memref_squeeze %dma_start3A_1462 : memref<1x128xi32, #tpu.memory_space<vmem>> -> memref<128xi32, #tpu.memory_space<vmem>>
        %dma_start3A_1464 = arith.constant 0 : i32
        %dma_start3A_1465 = arith.constant 0 : i32
        %dma_start3A_1466 = tpu.memref_slice %arg12[%dma_start3A_1464, %dma_start3A_1465] : memref<25088x64xf32, #tpu.memory_space<vmem_shared>> -> memref<25088x64xf32, #tpu.memory_space<vmem_shared>>
        tpu.enqueue_indirect_dma source(%arg8 : memref<128x64xf32, #tpu.memory_space<vmem>>) target(%dma_start3A_1466 : memref<25088x64xf32, #tpu.memory_space<vmem_shared>>) offsets(%dma_start3A_1463 : memref<128xi32, #tpu.memory_space<vmem>>) semaphore(%run_scoped3A_1461 : memref<!tpu.dma_semaphore, #tpu.memory_space<semaphore_mem>>) {add = true}
        %dma_wait3A = arith.constant 0 : i32
        %dma_wait3A_1467 = tpu.memref_slice %arg10[%run_scoped3A, %dma_wait3A] : memref<8x128xi32, #tpu.memory_space<vmem>> -> memref<1x128xi32, #tpu.memory_space<vmem>>
        %dma_wait3A_1468 = tpu.memref_squeeze %dma_wait3A_1467 : memref<1x128xi32, #tpu.memory_space<vmem>> -> memref<128xi32, #tpu.memory_space<vmem>>
        %dma_wait3A_1469 = arith.constant 0 : i32
        %dma_wait3A_1470 = arith.constant 0 : i32
        %dma_wait3A_1471 = tpu.memref_slice %arg12[%dma_wait3A_1469, %dma_wait3A_1470] : memref<25088x64xf32, #tpu.memory_space<vmem_shared>> -> memref<25088x64xf32, #tpu.memory_space<vmem_shared>>
        tpu.wait_indirect_dma semaphore(%run_scoped3A_1461 : memref<!tpu.dma_semaphore, #tpu.memory_space<semaphore_mem>>) src(%arg8 : memref<128x64xf32, #tpu.memory_space<vmem>>) dst(%dma_wait3A_1471 : memref<25088x64xf32, #tpu.memory_space<vmem_shared>>)
        tpu.yield
      }) : () -> ()
      %run_scoped3A_1431 = arith.constant 0 : i32
      "tpu.region"() ({
        %run_scoped3A_1461 = tpu.sem_alloc : memref<!tpu.dma_semaphore, #tpu.memory_space<semaphore_mem>>
        %dma_start3A = arith.constant 0 : i32
        %dma_start3A_1462 = tpu.memref_slice %arg10[%run_scoped3A_1431, %dma_start3A] : memref<8x128xi32, #tpu.memory_space<vmem>> -> memref<1x128xi32, #tpu.memory_space<vmem>>
        %dma_start3A_1463 = tpu.memref_squeeze %dma_start3A_1462 : memref<1x128xi32, #tpu.memory_space<vmem>> -> memref<128xi32, #tpu.memory_space<vmem>>
        %dma_start3A_1464 = arith.constant 0 : i32
        %dma_start3A_1465 = arith.constant 0 : i32
        %dma_start3A_1466 = tpu.memref_slice %arg13[%dma_start3A_1464, %dma_start3A_1465] : memref<25088x8xf32, #tpu.memory_space<vmem_shared>> -> memref<25088x8xf32, #tpu.memory_space<vmem_shared>>
        tpu.enqueue_indirect_dma source(%arg11 : memref<128x8xf32, #tpu.memory_space<vmem>>) target(%dma_start3A_1466 : memref<25088x8xf32, #tpu.memory_space<vmem_shared>>) offsets(%dma_start3A_1463 : memref<128xi32, #tpu.memory_space<vmem>>) semaphore(%run_scoped3A_1461 : memref<!tpu.dma_semaphore, #tpu.memory_space<semaphore_mem>>) {add = true}
        %dma_wait3A = arith.constant 0 : i32
        %dma_wait3A_1467 = tpu.memref_slice %arg10[%run_scoped3A_1431, %dma_wait3A] : memref<8x128xi32, #tpu.memory_space<vmem>> -> memref<1x128xi32, #tpu.memory_space<vmem>>
        %dma_wait3A_1468 = tpu.memref_squeeze %dma_wait3A_1467 : memref<1x128xi32, #tpu.memory_space<vmem>> -> memref<128xi32, #tpu.memory_space<vmem>>
        %dma_wait3A_1469 = arith.constant 0 : i32
        %dma_wait3A_1470 = arith.constant 0 : i32
        %dma_wait3A_1471 = tpu.memref_slice %arg13[%dma_wait3A_1469, %dma_wait3A_1470] : memref<25088x8xf32, #tpu.memory_space<vmem_shared>> -> memref<25088x8xf32, #tpu.memory_space<vmem_shared>>
        tpu.wait_indirect_dma semaphore(%run_scoped3A_1461 : memref<!tpu.dma_semaphore, #tpu.memory_space<semaphore_mem>>) src(%arg11 : memref<128x8xf32, #tpu.memory_space<vmem>>) dst(%dma_wait3A_1471 : memref<25088x8xf32, #tpu.memory_space<vmem_shared>>)
        tpu.yield
      }) : () -> ()
      %add3A_1432 = arith.constant 128 : i32
      %add3A_1433 = arith.addi %multiple_of3A_133, %add3A_1432 : i32
      "tpu.region"() ({
        %run_scoped3A_1461 = tpu.sem_alloc : memref<!tpu.dma_semaphore, #tpu.memory_space<semaphore_mem>>
        %dma_start3A = arith.constant 0 : i32
        %dma_start3A_1462 = tpu.memref_slice %arg2[%add3A_1433, %dma_start3A] : memref<819200x64xf32, #tpu.memory_space<hbm>> -> memref<128x64xf32, #tpu.memory_space<hbm>>
        %dma_start3A_1463 = arith.constant 0 : i32
        %dma_start3A_1464 = tpu.memref_slice %arg2[%add3A_1433, %dma_start3A_1463] : memref<819200x64xf32, #tpu.memory_space<hbm>> -> memref<128x64xf32, #tpu.memory_space<hbm>>
        tpu.enqueue_dma source(%dma_start3A_1464 : memref<128x64xf32, #tpu.memory_space<hbm>>) target(%arg8 : memref<128x64xf32, #tpu.memory_space<vmem>>) target_semaphore(%run_scoped3A_1461 : memref<!tpu.dma_semaphore, #tpu.memory_space<semaphore_mem>>)
        %dma_wait3A = arith.constant 0 : i32
        %dma_wait3A_1465 = tpu.memref_slice %arg2[%add3A_1433, %dma_wait3A] : memref<819200x64xf32, #tpu.memory_space<hbm>> -> memref<128x64xf32, #tpu.memory_space<hbm>>
        %dma_wait3A_1466 = arith.constant 0 : i32
        %dma_wait3A_1467 = tpu.memref_slice %arg2[%add3A_1433, %dma_wait3A_1466] : memref<819200x64xf32, #tpu.memory_space<hbm>> -> memref<128x64xf32, #tpu.memory_space<hbm>>
        tpu.wait_dma2 semaphore(%run_scoped3A_1461 : memref<!tpu.dma_semaphore, #tpu.memory_space<semaphore_mem>>) src(%dma_wait3A_1467 : memref<128x64xf32, #tpu.memory_space<hbm>>) dst(%arg8 : memref<128x64xf32, #tpu.memory_space<vmem>>)
        tpu.yield
      }) : () -> ()
      %run_scoped3A_1434 = arith.constant 1 : i32
      "tpu.region"() ({
        %run_scoped3A_1461 = tpu.sem_alloc : memref<!tpu.dma_semaphore, #tpu.memory_space<semaphore_mem>>
        %dma_start3A = arith.constant 0 : i32
        %dma_start3A_1462 = tpu.memref_slice %arg10[%run_scoped3A_1434, %dma_start3A] : memref<8x128xi32, #tpu.memory_space<vmem>> -> memref<1x128xi32, #tpu.memory_space<vmem>>
        %dma_start3A_1463 = tpu.memref_squeeze %dma_start3A_1462 : memref<1x128xi32, #tpu.memory_space<vmem>> -> memref<128xi32, #tpu.memory_space<vmem>>
        %dma_start3A_1464 = arith.constant 0 : i32
        %dma_start3A_1465 = arith.constant 0 : i32
        %dma_start3A_1466 = tpu.memref_slice %arg12[%dma_start3A_1464, %dma_start3A_1465] : memref<25088x64xf32, #tpu.memory_space<vmem_shared>> -> memref<25088x64xf32, #tpu.memory_space<vmem_shared>>
        tpu.enqueue_indirect_dma source(%arg8 : memref<128x64xf32, #tpu.memory_space<vmem>>) target(%dma_start3A_1466 : memref<25088x64xf32, #tpu.memory_space<vmem_shared>>) offsets(%dma_start3A_1463 : memref<128xi32, #tpu.memory_space<vmem>>) semaphore(%run_scoped3A_1461 : memref<!tpu.dma_semaphore, #tpu.memory_space<semaphore_mem>>) {add = true}
        %dma_wait3A = arith.constant 0 : i32
        %dma_wait3A_1467 = tpu.memref_slice %arg10[%run_scoped3A_1434, %dma_wait3A] : memref<8x128xi32, #tpu.memory_space<vmem>> -> memref<1x128xi32, #tpu.memory_space<vmem>>
        %dma_wait3A_1468 = tpu.memref_squeeze %dma_wait3A_1467 : memref<1x128xi32, #tpu.memory_space<vmem>> -> memref<128xi32, #tpu.memory_space<vmem>>
        %dma_wait3A_1469 = arith.constant 0 : i32
        %dma_wait3A_1470 = arith.constant 0 : i32
        %dma_wait3A_1471 = tpu.memref_slice %arg12[%dma_wait3A_1469, %dma_wait3A_1470] : memref<25088x64xf32, #tpu.memory_space<vmem_shared>> -> memref<25088x64xf32, #tpu.memory_space<vmem_shared>>
        tpu.wait_indirect_dma semaphore(%run_scoped3A_1461 : memref<!tpu.dma_semaphore, #tpu.memory_space<semaphore_mem>>) src(%arg8 : memref<128x64xf32, #tpu.memory_space<vmem>>) dst(%dma_wait3A_1471 : memref<25088x64xf32, #tpu.memory_space<vmem_shared>>)
        tpu.yield
      }) : () -> ()
      %run_scoped3A_1435 = arith.constant 1 : i32
      "tpu.region"() ({
        %run_scoped3A_1461 = tpu.sem_alloc : memref<!tpu.dma_semaphore, #tpu.memory_space<semaphore_mem>>
        %dma_start3A = arith.constant 0 : i32
        %dma_start3A_1462 = tpu.memref_slice %arg10[%run_scoped3A_1435, %dma_start3A] : memref<8x128xi32, #tpu.memory_space<vmem>> -> memref<1x128xi32, #tpu.memory_space<vmem>>
        %dma_start3A_1463 = tpu.memref_squeeze %dma_start3A_1462 : memref<1x128xi32, #tpu.memory_space<vmem>> -> memref<128xi32, #tpu.memory_space<vmem>>
        %dma_start3A_1464 = arith.constant 0 : i32
        %dma_start3A_1465 = arith.constant 0 : i32
        %dma_start3A_1466 = tpu.memref_slice %arg13[%dma_start3A_1464, %dma_start3A_1465] : memref<25088x8xf32, #tpu.memory_space<vmem_shared>> -> memref<25088x8xf32, #tpu.memory_space<vmem_shared>>
        tpu.enqueue_indirect_dma source(%arg11 : memref<128x8xf32, #tpu.memory_space<vmem>>) target(%dma_start3A_1466 : memref<25088x8xf32, #tpu.memory_space<vmem_shared>>) offsets(%dma_start3A_1463 : memref<128xi32, #tpu.memory_space<vmem>>) semaphore(%run_scoped3A_1461 : memref<!tpu.dma_semaphore, #tpu.memory_space<semaphore_mem>>) {add = true}
        %dma_wait3A = arith.constant 0 : i32
        %dma_wait3A_1467 = tpu.memref_slice %arg10[%run_scoped3A_1435, %dma_wait3A] : memref<8x128xi32, #tpu.memory_space<vmem>> -> memref<1x128xi32, #tpu.memory_space<vmem>>
        %dma_wait3A_1468 = tpu.memref_squeeze %dma_wait3A_1467 : memref<1x128xi32, #tpu.memory_space<vmem>> -> memref<128xi32, #tpu.memory_space<vmem>>
        %dma_wait3A_1469 = arith.constant 0 : i32
        %dma_wait3A_1470 = arith.constant 0 : i32
        %dma_wait3A_1471 = tpu.memref_slice %arg13[%dma_wait3A_1469, %dma_wait3A_1470] : memref<25088x8xf32, #tpu.memory_space<vmem_shared>> -> memref<25088x8xf32, #tpu.memory_space<vmem_shared>>
        tpu.wait_indirect_dma semaphore(%run_scoped3A_1461 : memref<!tpu.dma_semaphore, #tpu.memory_space<semaphore_mem>>) src(%arg11 : memref<128x8xf32, #tpu.memory_space<vmem>>) dst(%dma_wait3A_1471 : memref<25088x8xf32, #tpu.memory_space<vmem_shared>>)
        tpu.yield
      }) : () -> ()
      %add3A_1436 = arith.constant 256 : i32
      %add3A_1437 = arith.addi %multiple_of3A_133, %add3A_1436 : i32
      "tpu.region"() ({
        %run_scoped3A_1461 = tpu.sem_alloc : memref<!tpu.dma_semaphore, #tpu.memory_space<semaphore_mem>>
        %dma_start3A = arith.constant 0 : i32
        %dma_start3A_1462 = tpu.memref_slice %arg2[%add3A_1437, %dma_start3A] : memref<819200x64xf32, #tpu.memory_space<hbm>> -> memref<128x64xf32, #tpu.memory_space<hbm>>
        %dma_start3A_1463 = arith.constant 0 : i32
        %dma_start3A_1464 = tpu.memref_slice %arg2[%add3A_1437, %dma_start3A_1463] : memref<819200x64xf32, #tpu.memory_space<hbm>> -> memref<128x64xf32, #tpu.memory_space<hbm>>
        tpu.enqueue_dma source(%dma_start3A_1464 : memref<128x64xf32, #tpu.memory_space<hbm>>) target(%arg8 : memref<128x64xf32, #tpu.memory_space<vmem>>) target_semaphore(%run_scoped3A_1461 : memref<!tpu.dma_semaphore, #tpu.memory_space<semaphore_mem>>)
        %dma_wait3A = arith.constant 0 : i32
        %dma_wait3A_1465 = tpu.memref_slice %arg2[%add3A_1437, %dma_wait3A] : memref<819200x64xf32, #tpu.memory_space<hbm>> -> memref<128x64xf32, #tpu.memory_space<hbm>>
        %dma_wait3A_1466 = arith.constant 0 : i32
        %dma_wait3A_1467 = tpu.memref_slice %arg2[%add3A_1437, %dma_wait3A_1466] : memref<819200x64xf32, #tpu.memory_space<hbm>> -> memref<128x64xf32, #tpu.memory_space<hbm>>
        tpu.wait_dma2 semaphore(%run_scoped3A_1461 : memref<!tpu.dma_semaphore, #tpu.memory_space<semaphore_mem>>) src(%dma_wait3A_1467 : memref<128x64xf32, #tpu.memory_space<hbm>>) dst(%arg8 : memref<128x64xf32, #tpu.memory_space<vmem>>)
        tpu.yield
      }) : () -> ()
      %run_scoped3A_1438 = arith.constant 2 : i32
      "tpu.region"() ({
        %run_scoped3A_1461 = tpu.sem_alloc : memref<!tpu.dma_semaphore, #tpu.memory_space<semaphore_mem>>
        %dma_start3A = arith.constant 0 : i32
        %dma_start3A_1462 = tpu.memref_slice %arg10[%run_scoped3A_1438, %dma_start3A] : memref<8x128xi32, #tpu.memory_space<vmem>> -> memref<1x128xi32, #tpu.memory_space<vmem>>
        %dma_start3A_1463 = tpu.memref_squeeze %dma_start3A_1462 : memref<1x128xi32, #tpu.memory_space<vmem>> -> memref<128xi32, #tpu.memory_space<vmem>>
        %dma_start3A_1464 = arith.constant 0 : i32
        %dma_start3A_1465 = arith.constant 0 : i32
        %dma_start3A_1466 = tpu.memref_slice %arg12[%dma_start3A_1464, %dma_start3A_1465] : memref<25088x64xf32, #tpu.memory_space<vmem_shared>> -> memref<25088x64xf32, #tpu.memory_space<vmem_shared>>
        tpu.enqueue_indirect_dma source(%arg8 : memref<128x64xf32, #tpu.memory_space<vmem>>) target(%dma_start3A_1466 : memref<25088x64xf32, #tpu.memory_space<vmem_shared>>) offsets(%dma_start3A_1463 : memref<128xi32, #tpu.memory_space<vmem>>) semaphore(%run_scoped3A_1461 : memref<!tpu.dma_semaphore, #tpu.memory_space<semaphore_mem>>) {add = true}
        %dma_wait3A = arith.constant 0 : i32
        %dma_wait3A_1467 = tpu.memref_slice %arg10[%run_scoped3A_1438, %dma_wait3A] : memref<8x128xi32, #tpu.memory_space<vmem>> -> memref<1x128xi32, #tpu.memory_space<vmem>>
        %dma_wait3A_1468 = tpu.memref_squeeze %dma_wait3A_1467 : memref<1x128xi32, #tpu.memory_space<vmem>> -> memref<128xi32, #tpu.memory_space<vmem>>
        %dma_wait3A_1469 = arith.constant 0 : i32
        %dma_wait3A_1470 = arith.constant 0 : i32
        %dma_wait3A_1471 = tpu.memref_slice %arg12[%dma_wait3A_1469, %dma_wait3A_1470] : memref<25088x64xf32, #tpu.memory_space<vmem_shared>> -> memref<25088x64xf32, #tpu.memory_space<vmem_shared>>
        tpu.wait_indirect_dma semaphore(%run_scoped3A_1461 : memref<!tpu.dma_semaphore, #tpu.memory_space<semaphore_mem>>) src(%arg8 : memref<128x64xf32, #tpu.memory_space<vmem>>) dst(%dma_wait3A_1471 : memref<25088x64xf32, #tpu.memory_space<vmem_shared>>)
        tpu.yield
      }) : () -> ()
      %run_scoped3A_1439 = arith.constant 2 : i32
      "tpu.region"() ({
        %run_scoped3A_1461 = tpu.sem_alloc : memref<!tpu.dma_semaphore, #tpu.memory_space<semaphore_mem>>
        %dma_start3A = arith.constant 0 : i32
        %dma_start3A_1462 = tpu.memref_slice %arg10[%run_scoped3A_1439, %dma_start3A] : memref<8x128xi32, #tpu.memory_space<vmem>> -> memref<1x128xi32, #tpu.memory_space<vmem>>
        %dma_start3A_1463 = tpu.memref_squeeze %dma_start3A_1462 : memref<1x128xi32, #tpu.memory_space<vmem>> -> memref<128xi32, #tpu.memory_space<vmem>>
        %dma_start3A_1464 = arith.constant 0 : i32
        %dma_start3A_1465 = arith.constant 0 : i32
        %dma_start3A_1466 = tpu.memref_slice %arg13[%dma_start3A_1464, %dma_start3A_1465] : memref<25088x8xf32, #tpu.memory_space<vmem_shared>> -> memref<25088x8xf32, #tpu.memory_space<vmem_shared>>
        tpu.enqueue_indirect_dma source(%arg11 : memref<128x8xf32, #tpu.memory_space<vmem>>) target(%dma_start3A_1466 : memref<25088x8xf32, #tpu.memory_space<vmem_shared>>) offsets(%dma_start3A_1463 : memref<128xi32, #tpu.memory_space<vmem>>) semaphore(%run_scoped3A_1461 : memref<!tpu.dma_semaphore, #tpu.memory_space<semaphore_mem>>) {add = true}
        %dma_wait3A = arith.constant 0 : i32
        %dma_wait3A_1467 = tpu.memref_slice %arg10[%run_scoped3A_1439, %dma_wait3A] : memref<8x128xi32, #tpu.memory_space<vmem>> -> memref<1x128xi32, #tpu.memory_space<vmem>>
        %dma_wait3A_1468 = tpu.memref_squeeze %dma_wait3A_1467 : memref<1x128xi32, #tpu.memory_space<vmem>> -> memref<128xi32, #tpu.memory_space<vmem>>
        %dma_wait3A_1469 = arith.constant 0 : i32
        %dma_wait3A_1470 = arith.constant 0 : i32
        %dma_wait3A_1471 = tpu.memref_slice %arg13[%dma_wait3A_1469, %dma_wait3A_1470] : memref<25088x8xf32, #tpu.memory_space<vmem_shared>> -> memref<25088x8xf32, #tpu.memory_space<vmem_shared>>
        tpu.wait_indirect_dma semaphore(%run_scoped3A_1461 : memref<!tpu.dma_semaphore, #tpu.memory_space<semaphore_mem>>) src(%arg11 : memref<128x8xf32, #tpu.memory_space<vmem>>) dst(%dma_wait3A_1471 : memref<25088x8xf32, #tpu.memory_space<vmem_shared>>)
        tpu.yield
      }) : () -> ()
      %add3A_1440 = arith.constant 384 : i32
      %add3A_1441 = arith.addi %multiple_of3A_133, %add3A_1440 : i32
      "tpu.region"() ({
        %run_scoped3A_1461 = tpu.sem_alloc : memref<!tpu.dma_semaphore, #tpu.memory_space<semaphore_mem>>
        %dma_start3A = arith.constant 0 : i32
        %dma_start3A_1462 = tpu.memref_slice %arg2[%add3A_1441, %dma_start3A] : memref<819200x64xf32, #tpu.memory_space<hbm>> -> memref<128x64xf32, #tpu.memory_space<hbm>>
        %dma_start3A_1463 = arith.constant 0 : i32
        %dma_start3A_1464 = tpu.memref_slice %arg2[%add3A_1441, %dma_start3A_1463] : memref<819200x64xf32, #tpu.memory_space<hbm>> -> memref<128x64xf32, #tpu.memory_space<hbm>>
        tpu.enqueue_dma source(%dma_start3A_1464 : memref<128x64xf32, #tpu.memory_space<hbm>>) target(%arg8 : memref<128x64xf32, #tpu.memory_space<vmem>>) target_semaphore(%run_scoped3A_1461 : memref<!tpu.dma_semaphore, #tpu.memory_space<semaphore_mem>>)
        %dma_wait3A = arith.constant 0 : i32
        %dma_wait3A_1465 = tpu.memref_slice %arg2[%add3A_1441, %dma_wait3A] : memref<819200x64xf32, #tpu.memory_space<hbm>> -> memref<128x64xf32, #tpu.memory_space<hbm>>
        %dma_wait3A_1466 = arith.constant 0 : i32
        %dma_wait3A_1467 = tpu.memref_slice %arg2[%add3A_1441, %dma_wait3A_1466] : memref<819200x64xf32, #tpu.memory_space<hbm>> -> memref<128x64xf32, #tpu.memory_space<hbm>>
        tpu.wait_dma2 semaphore(%run_scoped3A_1461 : memref<!tpu.dma_semaphore, #tpu.memory_space<semaphore_mem>>) src(%dma_wait3A_1467 : memref<128x64xf32, #tpu.memory_space<hbm>>) dst(%arg8 : memref<128x64xf32, #tpu.memory_space<vmem>>)
        tpu.yield
      }) : () -> ()
      %run_scoped3A_1442 = arith.constant 3 : i32
      "tpu.region"() ({
        %run_scoped3A_1461 = tpu.sem_alloc : memref<!tpu.dma_semaphore, #tpu.memory_space<semaphore_mem>>
        %dma_start3A = arith.constant 0 : i32
        %dma_start3A_1462 = tpu.memref_slice %arg10[%run_scoped3A_1442, %dma_start3A] : memref<8x128xi32, #tpu.memory_space<vmem>> -> memref<1x128xi32, #tpu.memory_space<vmem>>
        %dma_start3A_1463 = tpu.memref_squeeze %dma_start3A_1462 : memref<1x128xi32, #tpu.memory_space<vmem>> -> memref<128xi32, #tpu.memory_space<vmem>>
        %dma_start3A_1464 = arith.constant 0 : i32
        %dma_start3A_1465 = arith.constant 0 : i32
        %dma_start3A_1466 = tpu.memref_slice %arg12[%dma_start3A_1464, %dma_start3A_1465] : memref<25088x64xf32, #tpu.memory_space<vmem_shared>> -> memref<25088x64xf32, #tpu.memory_space<vmem_shared>>
        tpu.enqueue_indirect_dma source(%arg8 : memref<128x64xf32, #tpu.memory_space<vmem>>) target(%dma_start3A_1466 : memref<25088x64xf32, #tpu.memory_space<vmem_shared>>) offsets(%dma_start3A_1463 : memref<128xi32, #tpu.memory_space<vmem>>) semaphore(%run_scoped3A_1461 : memref<!tpu.dma_semaphore, #tpu.memory_space<semaphore_mem>>) {add = true}
        %dma_wait3A = arith.constant 0 : i32
        %dma_wait3A_1467 = tpu.memref_slice %arg10[%run_scoped3A_1442, %dma_wait3A] : memref<8x128xi32, #tpu.memory_space<vmem>> -> memref<1x128xi32, #tpu.memory_space<vmem>>
        %dma_wait3A_1468 = tpu.memref_squeeze %dma_wait3A_1467 : memref<1x128xi32, #tpu.memory_space<vmem>> -> memref<128xi32, #tpu.memory_space<vmem>>
        %dma_wait3A_1469 = arith.constant 0 : i32
        %dma_wait3A_1470 = arith.constant 0 : i32
        %dma_wait3A_1471 = tpu.memref_slice %arg12[%dma_wait3A_1469, %dma_wait3A_1470] : memref<25088x64xf32, #tpu.memory_space<vmem_shared>> -> memref<25088x64xf32, #tpu.memory_space<vmem_shared>>
        tpu.wait_indirect_dma semaphore(%run_scoped3A_1461 : memref<!tpu.dma_semaphore, #tpu.memory_space<semaphore_mem>>) src(%arg8 : memref<128x64xf32, #tpu.memory_space<vmem>>) dst(%dma_wait3A_1471 : memref<25088x64xf32, #tpu.memory_space<vmem_shared>>)
        tpu.yield
      }) : () -> ()
      %run_scoped3A_1443 = arith.constant 3 : i32
      "tpu.region"() ({
        %run_scoped3A_1461 = tpu.sem_alloc : memref<!tpu.dma_semaphore, #tpu.memory_space<semaphore_mem>>
        %dma_start3A = arith.constant 0 : i32
        %dma_start3A_1462 = tpu.memref_slice %arg10[%run_scoped3A_1443, %dma_start3A] : memref<8x128xi32, #tpu.memory_space<vmem>> -> memref<1x128xi32, #tpu.memory_space<vmem>>
        %dma_start3A_1463 = tpu.memref_squeeze %dma_start3A_1462 : memref<1x128xi32, #tpu.memory_space<vmem>> -> memref<128xi32, #tpu.memory_space<vmem>>
        %dma_start3A_1464 = arith.constant 0 : i32
        %dma_start3A_1465 = arith.constant 0 : i32
        %dma_start3A_1466 = tpu.memref_slice %arg13[%dma_start3A_1464, %dma_start3A_1465] : memref<25088x8xf32, #tpu.memory_space<vmem_shared>> -> memref<25088x8xf32, #tpu.memory_space<vmem_shared>>
        tpu.enqueue_indirect_dma source(%arg11 : memref<128x8xf32, #tpu.memory_space<vmem>>) target(%dma_start3A_1466 : memref<25088x8xf32, #tpu.memory_space<vmem_shared>>) offsets(%dma_start3A_1463 : memref<128xi32, #tpu.memory_space<vmem>>) semaphore(%run_scoped3A_1461 : memref<!tpu.dma_semaphore, #tpu.memory_space<semaphore_mem>>) {add = true}
        %dma_wait3A = arith.constant 0 : i32
        %dma_wait3A_1467 = tpu.memref_slice %arg10[%run_scoped3A_1443, %dma_wait3A] : memref<8x128xi32, #tpu.memory_space<vmem>> -> memref<1x128xi32, #tpu.memory_space<vmem>>
        %dma_wait3A_1468 = tpu.memref_squeeze %dma_wait3A_1467 : memref<1x128xi32, #tpu.memory_space<vmem>> -> memref<128xi32, #tpu.memory_space<vmem>>
        %dma_wait3A_1469 = arith.constant 0 : i32
        %dma_wait3A_1470 = arith.constant 0 : i32
        %dma_wait3A_1471 = tpu.memref_slice %arg13[%dma_wait3A_1469, %dma_wait3A_1470] : memref<25088x8xf32, #tpu.memory_space<vmem_shared>> -> memref<25088x8xf32, #tpu.memory_space<vmem_shared>>
        tpu.wait_indirect_dma semaphore(%run_scoped3A_1461 : memref<!tpu.dma_semaphore, #tpu.memory_space<semaphore_mem>>) src(%arg11 : memref<128x8xf32, #tpu.memory_space<vmem>>) dst(%dma_wait3A_1471 : memref<25088x8xf32, #tpu.memory_space<vmem_shared>>)
        tpu.yield
      }) : () -> ()
      %add3A_1444 = arith.constant 512 : i32
      %add3A_1445 = arith.addi %multiple_of3A_133, %add3A_1444 : i32
      "tpu.region"() ({
        %run_scoped3A_1461 = tpu.sem_alloc : memref<!tpu.dma_semaphore, #tpu.memory_space<semaphore_mem>>
        %dma_start3A = arith.constant 0 : i32
        %dma_start3A_1462 = tpu.memref_slice %arg2[%add3A_1445, %dma_start3A] : memref<819200x64xf32, #tpu.memory_space<hbm>> -> memref<128x64xf32, #tpu.memory_space<hbm>>
        %dma_start3A_1463 = arith.constant 0 : i32
        %dma_start3A_1464 = tpu.memref_slice %arg2[%add3A_1445, %dma_start3A_1463] : memref<819200x64xf32, #tpu.memory_space<hbm>> -> memref<128x64xf32, #tpu.memory_space<hbm>>
        tpu.enqueue_dma source(%dma_start3A_1464 : memref<128x64xf32, #tpu.memory_space<hbm>>) target(%arg8 : memref<128x64xf32, #tpu.memory_space<vmem>>) target_semaphore(%run_scoped3A_1461 : memref<!tpu.dma_semaphore, #tpu.memory_space<semaphore_mem>>)
        %dma_wait3A = arith.constant 0 : i32
        %dma_wait3A_1465 = tpu.memref_slice %arg2[%add3A_1445, %dma_wait3A] : memref<819200x64xf32, #tpu.memory_space<hbm>> -> memref<128x64xf32, #tpu.memory_space<hbm>>
        %dma_wait3A_1466 = arith.constant 0 : i32
        %dma_wait3A_1467 = tpu.memref_slice %arg2[%add3A_1445, %dma_wait3A_1466] : memref<819200x64xf32, #tpu.memory_space<hbm>> -> memref<128x64xf32, #tpu.memory_space<hbm>>
        tpu.wait_dma2 semaphore(%run_scoped3A_1461 : memref<!tpu.dma_semaphore, #tpu.memory_space<semaphore_mem>>) src(%dma_wait3A_1467 : memref<128x64xf32, #tpu.memory_space<hbm>>) dst(%arg8 : memref<128x64xf32, #tpu.memory_space<vmem>>)
        tpu.yield
      }) : () -> ()
      %run_scoped3A_1446 = arith.constant 4 : i32
      "tpu.region"() ({
        %run_scoped3A_1461 = tpu.sem_alloc : memref<!tpu.dma_semaphore, #tpu.memory_space<semaphore_mem>>
        %dma_start3A = arith.constant 0 : i32
        %dma_start3A_1462 = tpu.memref_slice %arg10[%run_scoped3A_1446, %dma_start3A] : memref<8x128xi32, #tpu.memory_space<vmem>> -> memref<1x128xi32, #tpu.memory_space<vmem>>
        %dma_start3A_1463 = tpu.memref_squeeze %dma_start3A_1462 : memref<1x128xi32, #tpu.memory_space<vmem>> -> memref<128xi32, #tpu.memory_space<vmem>>
        %dma_start3A_1464 = arith.constant 0 : i32
        %dma_start3A_1465 = arith.constant 0 : i32
        %dma_start3A_1466 = tpu.memref_slice %arg12[%dma_start3A_1464, %dma_start3A_1465] : memref<25088x64xf32, #tpu.memory_space<vmem_shared>> -> memref<25088x64xf32, #tpu.memory_space<vmem_shared>>
        tpu.enqueue_indirect_dma source(%arg8 : memref<128x64xf32, #tpu.memory_space<vmem>>) target(%dma_start3A_1466 : memref<25088x64xf32, #tpu.memory_space<vmem_shared>>) offsets(%dma_start3A_1463 : memref<128xi32, #tpu.memory_space<vmem>>) semaphore(%run_scoped3A_1461 : memref<!tpu.dma_semaphore, #tpu.memory_space<semaphore_mem>>) {add = true}
        %dma_wait3A = arith.constant 0 : i32
        %dma_wait3A_1467 = tpu.memref_slice %arg10[%run_scoped3A_1446, %dma_wait3A] : memref<8x128xi32, #tpu.memory_space<vmem>> -> memref<1x128xi32, #tpu.memory_space<vmem>>
        %dma_wait3A_1468 = tpu.memref_squeeze %dma_wait3A_1467 : memref<1x128xi32, #tpu.memory_space<vmem>> -> memref<128xi32, #tpu.memory_space<vmem>>
        %dma_wait3A_1469 = arith.constant 0 : i32
        %dma_wait3A_1470 = arith.constant 0 : i32
        %dma_wait3A_1471 = tpu.memref_slice %arg12[%dma_wait3A_1469, %dma_wait3A_1470] : memref<25088x64xf32, #tpu.memory_space<vmem_shared>> -> memref<25088x64xf32, #tpu.memory_space<vmem_shared>>
        tpu.wait_indirect_dma semaphore(%run_scoped3A_1461 : memref<!tpu.dma_semaphore, #tpu.memory_space<semaphore_mem>>) src(%arg8 : memref<128x64xf32, #tpu.memory_space<vmem>>) dst(%dma_wait3A_1471 : memref<25088x64xf32, #tpu.memory_space<vmem_shared>>)
        tpu.yield
      }) : () -> ()
      %run_scoped3A_1447 = arith.constant 4 : i32
      "tpu.region"() ({
        %run_scoped3A_1461 = tpu.sem_alloc : memref<!tpu.dma_semaphore, #tpu.memory_space<semaphore_mem>>
        %dma_start3A = arith.constant 0 : i32
        %dma_start3A_1462 = tpu.memref_slice %arg10[%run_scoped3A_1447, %dma_start3A] : memref<8x128xi32, #tpu.memory_space<vmem>> -> memref<1x128xi32, #tpu.memory_space<vmem>>
        %dma_start3A_1463 = tpu.memref_squeeze %dma_start3A_1462 : memref<1x128xi32, #tpu.memory_space<vmem>> -> memref<128xi32, #tpu.memory_space<vmem>>
        %dma_start3A_1464 = arith.constant 0 : i32
        %dma_start3A_1465 = arith.constant 0 : i32
        %dma_start3A_1466 = tpu.memref_slice %arg13[%dma_start3A_1464, %dma_start3A_1465] : memref<25088x8xf32, #tpu.memory_space<vmem_shared>> -> memref<25088x8xf32, #tpu.memory_space<vmem_shared>>
        tpu.enqueue_indirect_dma source(%arg11 : memref<128x8xf32, #tpu.memory_space<vmem>>) target(%dma_start3A_1466 : memref<25088x8xf32, #tpu.memory_space<vmem_shared>>) offsets(%dma_start3A_1463 : memref<128xi32, #tpu.memory_space<vmem>>) semaphore(%run_scoped3A_1461 : memref<!tpu.dma_semaphore, #tpu.memory_space<semaphore_mem>>) {add = true}
        %dma_wait3A = arith.constant 0 : i32
        %dma_wait3A_1467 = tpu.memref_slice %arg10[%run_scoped3A_1447, %dma_wait3A] : memref<8x128xi32, #tpu.memory_space<vmem>> -> memref<1x128xi32, #tpu.memory_space<vmem>>
        %dma_wait3A_1468 = tpu.memref_squeeze %dma_wait3A_1467 : memref<1x128xi32, #tpu.memory_space<vmem>> -> memref<128xi32, #tpu.memory_space<vmem>>
        %dma_wait3A_1469 = arith.constant 0 : i32
        %dma_wait3A_1470 = arith.constant 0 : i32
        %dma_wait3A_1471 = tpu.memref_slice %arg13[%dma_wait3A_1469, %dma_wait3A_1470] : memref<25088x8xf32, #tpu.memory_space<vmem_shared>> -> memref<25088x8xf32, #tpu.memory_space<vmem_shared>>
        tpu.wait_indirect_dma semaphore(%run_scoped3A_1461 : memref<!tpu.dma_semaphore, #tpu.memory_space<semaphore_mem>>) src(%arg11 : memref<128x8xf32, #tpu.memory_space<vmem>>) dst(%dma_wait3A_1471 : memref<25088x8xf32, #tpu.memory_space<vmem_shared>>)
        tpu.yield
      }) : () -> ()
      %add3A_1448 = arith.constant 640 : i32
      %add3A_1449 = arith.addi %multiple_of3A_133, %add3A_1448 : i32
      "tpu.region"() ({
        %run_scoped3A_1461 = tpu.sem_alloc : memref<!tpu.dma_semaphore, #tpu.memory_space<semaphore_mem>>
        %dma_start3A = arith.constant 0 : i32
        %dma_start3A_1462 = tpu.memref_slice %arg2[%add3A_1449, %dma_start3A] : memref<819200x64xf32, #tpu.memory_space<hbm>> -> memref<128x64xf32, #tpu.memory_space<hbm>>
        %dma_start3A_1463 = arith.constant 0 : i32
        %dma_start3A_1464 = tpu.memref_slice %arg2[%add3A_1449, %dma_start3A_1463] : memref<819200x64xf32, #tpu.memory_space<hbm>> -> memref<128x64xf32, #tpu.memory_space<hbm>>
        tpu.enqueue_dma source(%dma_start3A_1464 : memref<128x64xf32, #tpu.memory_space<hbm>>) target(%arg8 : memref<128x64xf32, #tpu.memory_space<vmem>>) target_semaphore(%run_scoped3A_1461 : memref<!tpu.dma_semaphore, #tpu.memory_space<semaphore_mem>>)
        %dma_wait3A = arith.constant 0 : i32
        %dma_wait3A_1465 = tpu.memref_slice %arg2[%add3A_1449, %dma_wait3A] : memref<819200x64xf32, #tpu.memory_space<hbm>> -> memref<128x64xf32, #tpu.memory_space<hbm>>
        %dma_wait3A_1466 = arith.constant 0 : i32
        %dma_wait3A_1467 = tpu.memref_slice %arg2[%add3A_1449, %dma_wait3A_1466] : memref<819200x64xf32, #tpu.memory_space<hbm>> -> memref<128x64xf32, #tpu.memory_space<hbm>>
        tpu.wait_dma2 semaphore(%run_scoped3A_1461 : memref<!tpu.dma_semaphore, #tpu.memory_space<semaphore_mem>>) src(%dma_wait3A_1467 : memref<128x64xf32, #tpu.memory_space<hbm>>) dst(%arg8 : memref<128x64xf32, #tpu.memory_space<vmem>>)
        tpu.yield
      }) : () -> ()
      %run_scoped3A_1450 = arith.constant 5 : i32
      "tpu.region"() ({
        %run_scoped3A_1461 = tpu.sem_alloc : memref<!tpu.dma_semaphore, #tpu.memory_space<semaphore_mem>>
        %dma_start3A = arith.constant 0 : i32
        %dma_start3A_1462 = tpu.memref_slice %arg10[%run_scoped3A_1450, %dma_start3A] : memref<8x128xi32, #tpu.memory_space<vmem>> -> memref<1x128xi32, #tpu.memory_space<vmem>>
        %dma_start3A_1463 = tpu.memref_squeeze %dma_start3A_1462 : memref<1x128xi32, #tpu.memory_space<vmem>> -> memref<128xi32, #tpu.memory_space<vmem>>
        %dma_start3A_1464 = arith.constant 0 : i32
        %dma_start3A_1465 = arith.constant 0 : i32
        %dma_start3A_1466 = tpu.memref_slice %arg12[%dma_start3A_1464, %dma_start3A_1465] : memref<25088x64xf32, #tpu.memory_space<vmem_shared>> -> memref<25088x64xf32, #tpu.memory_space<vmem_shared>>
        tpu.enqueue_indirect_dma source(%arg8 : memref<128x64xf32, #tpu.memory_space<vmem>>) target(%dma_start3A_1466 : memref<25088x64xf32, #tpu.memory_space<vmem_shared>>) offsets(%dma_start3A_1463 : memref<128xi32, #tpu.memory_space<vmem>>) semaphore(%run_scoped3A_1461 : memref<!tpu.dma_semaphore, #tpu.memory_space<semaphore_mem>>) {add = true}
        %dma_wait3A = arith.constant 0 : i32
        %dma_wait3A_1467 = tpu.memref_slice %arg10[%run_scoped3A_1450, %dma_wait3A] : memref<8x128xi32, #tpu.memory_space<vmem>> -> memref<1x128xi32, #tpu.memory_space<vmem>>
        %dma_wait3A_1468 = tpu.memref_squeeze %dma_wait3A_1467 : memref<1x128xi32, #tpu.memory_space<vmem>> -> memref<128xi32, #tpu.memory_space<vmem>>
        %dma_wait3A_1469 = arith.constant 0 : i32
        %dma_wait3A_1470 = arith.constant 0 : i32
        %dma_wait3A_1471 = tpu.memref_slice %arg12[%dma_wait3A_1469, %dma_wait3A_1470] : memref<25088x64xf32, #tpu.memory_space<vmem_shared>> -> memref<25088x64xf32, #tpu.memory_space<vmem_shared>>
        tpu.wait_indirect_dma semaphore(%run_scoped3A_1461 : memref<!tpu.dma_semaphore, #tpu.memory_space<semaphore_mem>>) src(%arg8 : memref<128x64xf32, #tpu.memory_space<vmem>>) dst(%dma_wait3A_1471 : memref<25088x64xf32, #tpu.memory_space<vmem_shared>>)
        tpu.yield
      }) : () -> ()
      %run_scoped3A_1451 = arith.constant 5 : i32
      "tpu.region"() ({
        %run_scoped3A_1461 = tpu.sem_alloc : memref<!tpu.dma_semaphore, #tpu.memory_space<semaphore_mem>>
        %dma_start3A = arith.constant 0 : i32
        %dma_start3A_1462 = tpu.memref_slice %arg10[%run_scoped3A_1451, %dma_start3A] : memref<8x128xi32, #tpu.memory_space<vmem>> -> memref<1x128xi32, #tpu.memory_space<vmem>>
        %dma_start3A_1463 = tpu.memref_squeeze %dma_start3A_1462 : memref<1x128xi32, #tpu.memory_space<vmem>> -> memref<128xi32, #tpu.memory_space<vmem>>
        %dma_start3A_1464 = arith.constant 0 : i32
        %dma_start3A_1465 = arith.constant 0 : i32
        %dma_start3A_1466 = tpu.memref_slice %arg13[%dma_start3A_1464, %dma_start3A_1465] : memref<25088x8xf32, #tpu.memory_space<vmem_shared>> -> memref<25088x8xf32, #tpu.memory_space<vmem_shared>>
        tpu.enqueue_indirect_dma source(%arg11 : memref<128x8xf32, #tpu.memory_space<vmem>>) target(%dma_start3A_1466 : memref<25088x8xf32, #tpu.memory_space<vmem_shared>>) offsets(%dma_start3A_1463 : memref<128xi32, #tpu.memory_space<vmem>>) semaphore(%run_scoped3A_1461 : memref<!tpu.dma_semaphore, #tpu.memory_space<semaphore_mem>>) {add = true}
        %dma_wait3A = arith.constant 0 : i32
        %dma_wait3A_1467 = tpu.memref_slice %arg10[%run_scoped3A_1451, %dma_wait3A] : memref<8x128xi32, #tpu.memory_space<vmem>> -> memref<1x128xi32, #tpu.memory_space<vmem>>
        %dma_wait3A_1468 = tpu.memref_squeeze %dma_wait3A_1467 : memref<1x128xi32, #tpu.memory_space<vmem>> -> memref<128xi32, #tpu.memory_space<vmem>>
        %dma_wait3A_1469 = arith.constant 0 : i32
        %dma_wait3A_1470 = arith.constant 0 : i32
        %dma_wait3A_1471 = tpu.memref_slice %arg13[%dma_wait3A_1469, %dma_wait3A_1470] : memref<25088x8xf32, #tpu.memory_space<vmem_shared>> -> memref<25088x8xf32, #tpu.memory_space<vmem_shared>>
        tpu.wait_indirect_dma semaphore(%run_scoped3A_1461 : memref<!tpu.dma_semaphore, #tpu.memory_space<semaphore_mem>>) src(%arg11 : memref<128x8xf32, #tpu.memory_space<vmem>>) dst(%dma_wait3A_1471 : memref<25088x8xf32, #tpu.memory_space<vmem_shared>>)
        tpu.yield
      }) : () -> ()
      %add3A_1452 = arith.constant 768 : i32
      %add3A_1453 = arith.addi %multiple_of3A_133, %add3A_1452 : i32
      "tpu.region"() ({
        %run_scoped3A_1461 = tpu.sem_alloc : memref<!tpu.dma_semaphore, #tpu.memory_space<semaphore_mem>>
        %dma_start3A = arith.constant 0 : i32
        %dma_start3A_1462 = tpu.memref_slice %arg2[%add3A_1453, %dma_start3A] : memref<819200x64xf32, #tpu.memory_space<hbm>> -> memref<128x64xf32, #tpu.memory_space<hbm>>
        %dma_start3A_1463 = arith.constant 0 : i32
        %dma_start3A_1464 = tpu.memref_slice %arg2[%add3A_1453, %dma_start3A_1463] : memref<819200x64xf32, #tpu.memory_space<hbm>> -> memref<128x64xf32, #tpu.memory_space<hbm>>
        tpu.enqueue_dma source(%dma_start3A_1464 : memref<128x64xf32, #tpu.memory_space<hbm>>) target(%arg8 : memref<128x64xf32, #tpu.memory_space<vmem>>) target_semaphore(%run_scoped3A_1461 : memref<!tpu.dma_semaphore, #tpu.memory_space<semaphore_mem>>)
        %dma_wait3A = arith.constant 0 : i32
        %dma_wait3A_1465 = tpu.memref_slice %arg2[%add3A_1453, %dma_wait3A] : memref<819200x64xf32, #tpu.memory_space<hbm>> -> memref<128x64xf32, #tpu.memory_space<hbm>>
        %dma_wait3A_1466 = arith.constant 0 : i32
        %dma_wait3A_1467 = tpu.memref_slice %arg2[%add3A_1453, %dma_wait3A_1466] : memref<819200x64xf32, #tpu.memory_space<hbm>> -> memref<128x64xf32, #tpu.memory_space<hbm>>
        tpu.wait_dma2 semaphore(%run_scoped3A_1461 : memref<!tpu.dma_semaphore, #tpu.memory_space<semaphore_mem>>) src(%dma_wait3A_1467 : memref<128x64xf32, #tpu.memory_space<hbm>>) dst(%arg8 : memref<128x64xf32, #tpu.memory_space<vmem>>)
        tpu.yield
      }) : () -> ()
      %run_scoped3A_1454 = arith.constant 6 : i32
      "tpu.region"() ({
        %run_scoped3A_1461 = tpu.sem_alloc : memref<!tpu.dma_semaphore, #tpu.memory_space<semaphore_mem>>
        %dma_start3A = arith.constant 0 : i32
        %dma_start3A_1462 = tpu.memref_slice %arg10[%run_scoped3A_1454, %dma_start3A] : memref<8x128xi32, #tpu.memory_space<vmem>> -> memref<1x128xi32, #tpu.memory_space<vmem>>
        %dma_start3A_1463 = tpu.memref_squeeze %dma_start3A_1462 : memref<1x128xi32, #tpu.memory_space<vmem>> -> memref<128xi32, #tpu.memory_space<vmem>>
        %dma_start3A_1464 = arith.constant 0 : i32
        %dma_start3A_1465 = arith.constant 0 : i32
        %dma_start3A_1466 = tpu.memref_slice %arg12[%dma_start3A_1464, %dma_start3A_1465] : memref<25088x64xf32, #tpu.memory_space<vmem_shared>> -> memref<25088x64xf32, #tpu.memory_space<vmem_shared>>
        tpu.enqueue_indirect_dma source(%arg8 : memref<128x64xf32, #tpu.memory_space<vmem>>) target(%dma_start3A_1466 : memref<25088x64xf32, #tpu.memory_space<vmem_shared>>) offsets(%dma_start3A_1463 : memref<128xi32, #tpu.memory_space<vmem>>) semaphore(%run_scoped3A_1461 : memref<!tpu.dma_semaphore, #tpu.memory_space<semaphore_mem>>) {add = true}
        %dma_wait3A = arith.constant 0 : i32
        %dma_wait3A_1467 = tpu.memref_slice %arg10[%run_scoped3A_1454, %dma_wait3A] : memref<8x128xi32, #tpu.memory_space<vmem>> -> memref<1x128xi32, #tpu.memory_space<vmem>>
        %dma_wait3A_1468 = tpu.memref_squeeze %dma_wait3A_1467 : memref<1x128xi32, #tpu.memory_space<vmem>> -> memref<128xi32, #tpu.memory_space<vmem>>
        %dma_wait3A_1469 = arith.constant 0 : i32
        %dma_wait3A_1470 = arith.constant 0 : i32
        %dma_wait3A_1471 = tpu.memref_slice %arg12[%dma_wait3A_1469, %dma_wait3A_1470] : memref<25088x64xf32, #tpu.memory_space<vmem_shared>> -> memref<25088x64xf32, #tpu.memory_space<vmem_shared>>
        tpu.wait_indirect_dma semaphore(%run_scoped3A_1461 : memref<!tpu.dma_semaphore, #tpu.memory_space<semaphore_mem>>) src(%arg8 : memref<128x64xf32, #tpu.memory_space<vmem>>) dst(%dma_wait3A_1471 : memref<25088x64xf32, #tpu.memory_space<vmem_shared>>)
        tpu.yield
      }) : () -> ()
      %run_scoped3A_1455 = arith.constant 6 : i32
      "tpu.region"() ({
        %run_scoped3A_1461 = tpu.sem_alloc : memref<!tpu.dma_semaphore, #tpu.memory_space<semaphore_mem>>
        %dma_start3A = arith.constant 0 : i32
        %dma_start3A_1462 = tpu.memref_slice %arg10[%run_scoped3A_1455, %dma_start3A] : memref<8x128xi32, #tpu.memory_space<vmem>> -> memref<1x128xi32, #tpu.memory_space<vmem>>
        %dma_start3A_1463 = tpu.memref_squeeze %dma_start3A_1462 : memref<1x128xi32, #tpu.memory_space<vmem>> -> memref<128xi32, #tpu.memory_space<vmem>>
        %dma_start3A_1464 = arith.constant 0 : i32
        %dma_start3A_1465 = arith.constant 0 : i32
        %dma_start3A_1466 = tpu.memref_slice %arg13[%dma_start3A_1464, %dma_start3A_1465] : memref<25088x8xf32, #tpu.memory_space<vmem_shared>> -> memref<25088x8xf32, #tpu.memory_space<vmem_shared>>
        tpu.enqueue_indirect_dma source(%arg11 : memref<128x8xf32, #tpu.memory_space<vmem>>) target(%dma_start3A_1466 : memref<25088x8xf32, #tpu.memory_space<vmem_shared>>) offsets(%dma_start3A_1463 : memref<128xi32, #tpu.memory_space<vmem>>) semaphore(%run_scoped3A_1461 : memref<!tpu.dma_semaphore, #tpu.memory_space<semaphore_mem>>) {add = true}
        %dma_wait3A = arith.constant 0 : i32
        %dma_wait3A_1467 = tpu.memref_slice %arg10[%run_scoped3A_1455, %dma_wait3A] : memref<8x128xi32, #tpu.memory_space<vmem>> -> memref<1x128xi32, #tpu.memory_space<vmem>>
        %dma_wait3A_1468 = tpu.memref_squeeze %dma_wait3A_1467 : memref<1x128xi32, #tpu.memory_space<vmem>> -> memref<128xi32, #tpu.memory_space<vmem>>
        %dma_wait3A_1469 = arith.constant 0 : i32
        %dma_wait3A_1470 = arith.constant 0 : i32
        %dma_wait3A_1471 = tpu.memref_slice %arg13[%dma_wait3A_1469, %dma_wait3A_1470] : memref<25088x8xf32, #tpu.memory_space<vmem_shared>> -> memref<25088x8xf32, #tpu.memory_space<vmem_shared>>
        tpu.wait_indirect_dma semaphore(%run_scoped3A_1461 : memref<!tpu.dma_semaphore, #tpu.memory_space<semaphore_mem>>) src(%arg11 : memref<128x8xf32, #tpu.memory_space<vmem>>) dst(%dma_wait3A_1471 : memref<25088x8xf32, #tpu.memory_space<vmem_shared>>)
        tpu.yield
      }) : () -> ()
      %add3A_1456 = arith.constant 896 : i32
      %add3A_1457 = arith.addi %multiple_of3A_133, %add3A_1456 : i32
      "tpu.region"() ({
        %run_scoped3A_1461 = tpu.sem_alloc : memref<!tpu.dma_semaphore, #tpu.memory_space<semaphore_mem>>
        %dma_start3A = arith.constant 0 : i32
        %dma_start3A_1462 = tpu.memref_slice %arg2[%add3A_1457, %dma_start3A] : memref<819200x64xf32, #tpu.memory_space<hbm>> -> memref<128x64xf32, #tpu.memory_space<hbm>>
        %dma_start3A_1463 = arith.constant 0 : i32
        %dma_start3A_1464 = tpu.memref_slice %arg2[%add3A_1457, %dma_start3A_1463] : memref<819200x64xf32, #tpu.memory_space<hbm>> -> memref<128x64xf32, #tpu.memory_space<hbm>>
        tpu.enqueue_dma source(%dma_start3A_1464 : memref<128x64xf32, #tpu.memory_space<hbm>>) target(%arg8 : memref<128x64xf32, #tpu.memory_space<vmem>>) target_semaphore(%run_scoped3A_1461 : memref<!tpu.dma_semaphore, #tpu.memory_space<semaphore_mem>>)
        %dma_wait3A = arith.constant 0 : i32
        %dma_wait3A_1465 = tpu.memref_slice %arg2[%add3A_1457, %dma_wait3A] : memref<819200x64xf32, #tpu.memory_space<hbm>> -> memref<128x64xf32, #tpu.memory_space<hbm>>
        %dma_wait3A_1466 = arith.constant 0 : i32
        %dma_wait3A_1467 = tpu.memref_slice %arg2[%add3A_1457, %dma_wait3A_1466] : memref<819200x64xf32, #tpu.memory_space<hbm>> -> memref<128x64xf32, #tpu.memory_space<hbm>>
        tpu.wait_dma2 semaphore(%run_scoped3A_1461 : memref<!tpu.dma_semaphore, #tpu.memory_space<semaphore_mem>>) src(%dma_wait3A_1467 : memref<128x64xf32, #tpu.memory_space<hbm>>) dst(%arg8 : memref<128x64xf32, #tpu.memory_space<vmem>>)
        tpu.yield
      }) : () -> ()
      %run_scoped3A_1458 = arith.constant 7 : i32
      "tpu.region"() ({
        %run_scoped3A_1461 = tpu.sem_alloc : memref<!tpu.dma_semaphore, #tpu.memory_space<semaphore_mem>>
        %dma_start3A = arith.constant 0 : i32
        %dma_start3A_1462 = tpu.memref_slice %arg10[%run_scoped3A_1458, %dma_start3A] : memref<8x128xi32, #tpu.memory_space<vmem>> -> memref<1x128xi32, #tpu.memory_space<vmem>>
        %dma_start3A_1463 = tpu.memref_squeeze %dma_start3A_1462 : memref<1x128xi32, #tpu.memory_space<vmem>> -> memref<128xi32, #tpu.memory_space<vmem>>
        %dma_start3A_1464 = arith.constant 0 : i32
        %dma_start3A_1465 = arith.constant 0 : i32
        %dma_start3A_1466 = tpu.memref_slice %arg12[%dma_start3A_1464, %dma_start3A_1465] : memref<25088x64xf32, #tpu.memory_space<vmem_shared>> -> memref<25088x64xf32, #tpu.memory_space<vmem_shared>>
        tpu.enqueue_indirect_dma source(%arg8 : memref<128x64xf32, #tpu.memory_space<vmem>>) target(%dma_start3A_1466 : memref<25088x64xf32, #tpu.memory_space<vmem_shared>>) offsets(%dma_start3A_1463 : memref<128xi32, #tpu.memory_space<vmem>>) semaphore(%run_scoped3A_1461 : memref<!tpu.dma_semaphore, #tpu.memory_space<semaphore_mem>>) {add = true}
        %dma_wait3A = arith.constant 0 : i32
        %dma_wait3A_1467 = tpu.memref_slice %arg10[%run_scoped3A_1458, %dma_wait3A] : memref<8x128xi32, #tpu.memory_space<vmem>> -> memref<1x128xi32, #tpu.memory_space<vmem>>
        %dma_wait3A_1468 = tpu.memref_squeeze %dma_wait3A_1467 : memref<1x128xi32, #tpu.memory_space<vmem>> -> memref<128xi32, #tpu.memory_space<vmem>>
        %dma_wait3A_1469 = arith.constant 0 : i32
        %dma_wait3A_1470 = arith.constant 0 : i32
        %dma_wait3A_1471 = tpu.memref_slice %arg12[%dma_wait3A_1469, %dma_wait3A_1470] : memref<25088x64xf32, #tpu.memory_space<vmem_shared>> -> memref<25088x64xf32, #tpu.memory_space<vmem_shared>>
        tpu.wait_indirect_dma semaphore(%run_scoped3A_1461 : memref<!tpu.dma_semaphore, #tpu.memory_space<semaphore_mem>>) src(%arg8 : memref<128x64xf32, #tpu.memory_space<vmem>>) dst(%dma_wait3A_1471 : memref<25088x64xf32, #tpu.memory_space<vmem_shared>>)
        tpu.yield
      }) : () -> ()
      %run_scoped3A_1459 = arith.constant 7 : i32
      "tpu.region"() ({
        %run_scoped3A_1461 = tpu.sem_alloc : memref<!tpu.dma_semaphore, #tpu.memory_space<semaphore_mem>>
        %dma_start3A = arith.constant 0 : i32
        %dma_start3A_1462 = tpu.memref_slice %arg10[%run_scoped3A_1459, %dma_start3A] : memref<8x128xi32, #tpu.memory_space<vmem>> -> memref<1x128xi32, #tpu.memory_space<vmem>>
        %dma_start3A_1463 = tpu.memref_squeeze %dma_start3A_1462 : memref<1x128xi32, #tpu.memory_space<vmem>> -> memref<128xi32, #tpu.memory_space<vmem>>
        %dma_start3A_1464 = arith.constant 0 : i32
        %dma_start3A_1465 = arith.constant 0 : i32
        %dma_start3A_1466 = tpu.memref_slice %arg13[%dma_start3A_1464, %dma_start3A_1465] : memref<25088x8xf32, #tpu.memory_space<vmem_shared>> -> memref<25088x8xf32, #tpu.memory_space<vmem_shared>>
        tpu.enqueue_indirect_dma source(%arg11 : memref<128x8xf32, #tpu.memory_space<vmem>>) target(%dma_start3A_1466 : memref<25088x8xf32, #tpu.memory_space<vmem_shared>>) offsets(%dma_start3A_1463 : memref<128xi32, #tpu.memory_space<vmem>>) semaphore(%run_scoped3A_1461 : memref<!tpu.dma_semaphore, #tpu.memory_space<semaphore_mem>>) {add = true}
        %dma_wait3A = arith.constant 0 : i32
        %dma_wait3A_1467 = tpu.memref_slice %arg10[%run_scoped3A_1459, %dma_wait3A] : memref<8x128xi32, #tpu.memory_space<vmem>> -> memref<1x128xi32, #tpu.memory_space<vmem>>
        %dma_wait3A_1468 = tpu.memref_squeeze %dma_wait3A_1467 : memref<1x128xi32, #tpu.memory_space<vmem>> -> memref<128xi32, #tpu.memory_space<vmem>>
        %dma_wait3A_1469 = arith.constant 0 : i32
        %dma_wait3A_1470 = arith.constant 0 : i32
        %dma_wait3A_1471 = tpu.memref_slice %arg13[%dma_wait3A_1469, %dma_wait3A_1470] : memref<25088x8xf32, #tpu.memory_space<vmem_shared>> -> memref<25088x8xf32, #tpu.memory_space<vmem_shared>>
        tpu.wait_indirect_dma semaphore(%run_scoped3A_1461 : memref<!tpu.dma_semaphore, #tpu.memory_space<semaphore_mem>>) src(%arg11 : memref<128x8xf32, #tpu.memory_space<vmem>>) dst(%dma_wait3A_1471 : memref<25088x8xf32, #tpu.memory_space<vmem_shared>>)
        tpu.yield
      }) : () -> ()
      %scan3A_1460 = arith.constant 0 : i32
      scf.yield %scan3A_1460 : i32
    }
    %scan3A_68 = arith.constant 50 : i32
    %barrier3A_69 = arith.constant 0 : index
    tpu.barrier barrier_id(%barrier3A_69)
    %mul3A_70 = arith.constant 25088 : i32
    %mul3A_71 = arith.muli %arg0, %mul3A_70 : i32
    %add3A_72 = arith.addi %mul3A_71, %multiple_of3A : i32
    %multiple_of3A_73 = tpu.assume_multiple %add3A_72, 32 : i32
    %add3A_74 = arith.constant 0 : i32
    %add3A_75 = arith.addi %multiple_of3A, %add3A_74 : i32
    %add3A_76 = arith.constant 0 : i32
    %add3A_77 = arith.addi %multiple_of3A_73, %add3A_76 : i32
    "tpu.region"() ({
      %run_scoped3A = tpu.sem_alloc : memref<!tpu.dma_semaphore, #tpu.memory_space<semaphore_mem>>
      %dma_start3A = arith.constant 0 : i32
      %dma_start3A_128 = tpu.memref_slice %arg6[%add3A_77, %dma_start3A] : memref<50176x64xf32, #tpu.memory_space<hbm>> -> memref<128x64xf32, #tpu.memory_space<hbm>>
      %dma_start3A_129 = arith.constant 0 : i32
      %dma_start3A_130 = tpu.memref_slice %arg12[%add3A_75, %dma_start3A_129] : memref<25088x64xf32, #tpu.memory_space<vmem_shared>> -> memref<128x64xf32, #tpu.memory_space<vmem_shared>>
      tpu.enqueue_dma source(%dma_start3A_130 : memref<128x64xf32, #tpu.memory_space<vmem_shared>>) target(%dma_start3A_128 : memref<128x64xf32, #tpu.memory_space<hbm>>) target_semaphore(%run_scoped3A : memref<!tpu.dma_semaphore, #tpu.memory_space<semaphore_mem>>)
      %dma_wait3A = arith.constant 0 : i32
      %dma_wait3A_131 = tpu.memref_slice %arg6[%add3A_77, %dma_wait3A] : memref<50176x64xf32, #tpu.memory_space<hbm>> -> memref<128x64xf32, #tpu.memory_space<hbm>>
      %dma_wait3A_132 = arith.constant 0 : i32
      %dma_wait3A_133 = tpu.memref_slice %arg12[%add3A_75, %dma_wait3A_132] : memref<25088x64xf32, #tpu.memory_space<vmem_shared>> -> memref<128x64xf32, #tpu.memory_space<vmem_shared>>
      tpu.wait_dma2 semaphore(%run_scoped3A : memref<!tpu.dma_semaphore, #tpu.memory_space<semaphore_mem>>) src(%dma_wait3A_133 : memref<128x64xf32, #tpu.memory_space<vmem_shared>>) dst(%dma_wait3A_131 : memref<128x64xf32, #tpu.memory_space<hbm>>)
      tpu.yield
    }) : () -> ()
    %add3A_78 = arith.constant 128 : i32
    %add3A_79 = arith.addi %multiple_of3A, %add3A_78 : i32
    %add3A_80 = arith.constant 128 : i32
    %add3A_81 = arith.addi %multiple_of3A_73, %add3A_80 : i32
    "tpu.region"() ({
      %run_scoped3A = tpu.sem_alloc : memref<!tpu.dma_semaphore, #tpu.memory_space<semaphore_mem>>
      %dma_start3A = arith.constant 0 : i32
      %dma_start3A_128 = tpu.memref_slice %arg6[%add3A_81, %dma_start3A] : memref<50176x64xf32, #tpu.memory_space<hbm>> -> memref<128x64xf32, #tpu.memory_space<hbm>>
      %dma_start3A_129 = arith.constant 0 : i32
      %dma_start3A_130 = tpu.memref_slice %arg12[%add3A_79, %dma_start3A_129] : memref<25088x64xf32, #tpu.memory_space<vmem_shared>> -> memref<128x64xf32, #tpu.memory_space<vmem_shared>>
      tpu.enqueue_dma source(%dma_start3A_130 : memref<128x64xf32, #tpu.memory_space<vmem_shared>>) target(%dma_start3A_128 : memref<128x64xf32, #tpu.memory_space<hbm>>) target_semaphore(%run_scoped3A : memref<!tpu.dma_semaphore, #tpu.memory_space<semaphore_mem>>)
      %dma_wait3A = arith.constant 0 : i32
      %dma_wait3A_131 = tpu.memref_slice %arg6[%add3A_81, %dma_wait3A] : memref<50176x64xf32, #tpu.memory_space<hbm>> -> memref<128x64xf32, #tpu.memory_space<hbm>>
      %dma_wait3A_132 = arith.constant 0 : i32
      %dma_wait3A_133 = tpu.memref_slice %arg12[%add3A_79, %dma_wait3A_132] : memref<25088x64xf32, #tpu.memory_space<vmem_shared>> -> memref<128x64xf32, #tpu.memory_space<vmem_shared>>
      tpu.wait_dma2 semaphore(%run_scoped3A : memref<!tpu.dma_semaphore, #tpu.memory_space<semaphore_mem>>) src(%dma_wait3A_133 : memref<128x64xf32, #tpu.memory_space<vmem_shared>>) dst(%dma_wait3A_131 : memref<128x64xf32, #tpu.memory_space<hbm>>)
      tpu.yield
    }) : () -> ()
    %add3A_82 = arith.constant 256 : i32
    %add3A_83 = arith.addi %multiple_of3A, %add3A_82 : i32
    %add3A_84 = arith.constant 256 : i32
    %add3A_85 = arith.addi %multiple_of3A_73, %add3A_84 : i32
    "tpu.region"() ({
      %run_scoped3A = tpu.sem_alloc : memref<!tpu.dma_semaphore, #tpu.memory_space<semaphore_mem>>
      %dma_start3A = arith.constant 0 : i32
      %dma_start3A_128 = tpu.memref_slice %arg6[%add3A_85, %dma_start3A] : memref<50176x64xf32, #tpu.memory_space<hbm>> -> memref<128x64xf32, #tpu.memory_space<hbm>>
      %dma_start3A_129 = arith.constant 0 : i32
      %dma_start3A_130 = tpu.memref_slice %arg12[%add3A_83, %dma_start3A_129] : memref<25088x64xf32, #tpu.memory_space<vmem_shared>> -> memref<128x64xf32, #tpu.memory_space<vmem_shared>>
      tpu.enqueue_dma source(%dma_start3A_130 : memref<128x64xf32, #tpu.memory_space<vmem_shared>>) target(%dma_start3A_128 : memref<128x64xf32, #tpu.memory_space<hbm>>) target_semaphore(%run_scoped3A : memref<!tpu.dma_semaphore, #tpu.memory_space<semaphore_mem>>)
      %dma_wait3A = arith.constant 0 : i32
      %dma_wait3A_131 = tpu.memref_slice %arg6[%add3A_85, %dma_wait3A] : memref<50176x64xf32, #tpu.memory_space<hbm>> -> memref<128x64xf32, #tpu.memory_space<hbm>>
      %dma_wait3A_132 = arith.constant 0 : i32
      %dma_wait3A_133 = tpu.memref_slice %arg12[%add3A_83, %dma_wait3A_132] : memref<25088x64xf32, #tpu.memory_space<vmem_shared>> -> memref<128x64xf32, #tpu.memory_space<vmem_shared>>
      tpu.wait_dma2 semaphore(%run_scoped3A : memref<!tpu.dma_semaphore, #tpu.memory_space<semaphore_mem>>) src(%dma_wait3A_133 : memref<128x64xf32, #tpu.memory_space<vmem_shared>>) dst(%dma_wait3A_131 : memref<128x64xf32, #tpu.memory_space<hbm>>)
      tpu.yield
    }) : () -> ()
    %add3A_86 = arith.constant 384 : i32
    %add3A_87 = arith.addi %multiple_of3A, %add3A_86 : i32
    %add3A_88 = arith.constant 384 : i32
    %add3A_89 = arith.addi %multiple_of3A_73, %add3A_88 : i32
    "tpu.region"() ({
      %run_scoped3A = tpu.sem_alloc : memref<!tpu.dma_semaphore, #tpu.memory_space<semaphore_mem>>
      %dma_start3A = arith.constant 0 : i32
      %dma_start3A_128 = tpu.memref_slice %arg6[%add3A_89, %dma_start3A] : memref<50176x64xf32, #tpu.memory_space<hbm>> -> memref<128x64xf32, #tpu.memory_space<hbm>>
      %dma_start3A_129 = arith.constant 0 : i32
      %dma_start3A_130 = tpu.memref_slice %arg12[%add3A_87, %dma_start3A_129] : memref<25088x64xf32, #tpu.memory_space<vmem_shared>> -> memref<128x64xf32, #tpu.memory_space<vmem_shared>>
      tpu.enqueue_dma source(%dma_start3A_130 : memref<128x64xf32, #tpu.memory_space<vmem_shared>>) target(%dma_start3A_128 : memref<128x64xf32, #tpu.memory_space<hbm>>) target_semaphore(%run_scoped3A : memref<!tpu.dma_semaphore, #tpu.memory_space<semaphore_mem>>)
      %dma_wait3A = arith.constant 0 : i32
      %dma_wait3A_131 = tpu.memref_slice %arg6[%add3A_89, %dma_wait3A] : memref<50176x64xf32, #tpu.memory_space<hbm>> -> memref<128x64xf32, #tpu.memory_space<hbm>>
      %dma_wait3A_132 = arith.constant 0 : i32
      %dma_wait3A_133 = tpu.memref_slice %arg12[%add3A_87, %dma_wait3A_132] : memref<25088x64xf32, #tpu.memory_space<vmem_shared>> -> memref<128x64xf32, #tpu.memory_space<vmem_shared>>
      tpu.wait_dma2 semaphore(%run_scoped3A : memref<!tpu.dma_semaphore, #tpu.memory_space<semaphore_mem>>) src(%dma_wait3A_133 : memref<128x64xf32, #tpu.memory_space<vmem_shared>>) dst(%dma_wait3A_131 : memref<128x64xf32, #tpu.memory_space<hbm>>)
      tpu.yield
    }) : () -> ()
    %add3A_90 = arith.constant 512 : i32
    %add3A_91 = arith.addi %multiple_of3A, %add3A_90 : i32
    %add3A_92 = arith.constant 512 : i32
    %add3A_93 = arith.addi %multiple_of3A_73, %add3A_92 : i32
    "tpu.region"() ({
      %run_scoped3A = tpu.sem_alloc : memref<!tpu.dma_semaphore, #tpu.memory_space<semaphore_mem>>
      %dma_start3A = arith.constant 0 : i32
      %dma_start3A_128 = tpu.memref_slice %arg6[%add3A_93, %dma_start3A] : memref<50176x64xf32, #tpu.memory_space<hbm>> -> memref<128x64xf32, #tpu.memory_space<hbm>>
      %dma_start3A_129 = arith.constant 0 : i32
      %dma_start3A_130 = tpu.memref_slice %arg12[%add3A_91, %dma_start3A_129] : memref<25088x64xf32, #tpu.memory_space<vmem_shared>> -> memref<128x64xf32, #tpu.memory_space<vmem_shared>>
      tpu.enqueue_dma source(%dma_start3A_130 : memref<128x64xf32, #tpu.memory_space<vmem_shared>>) target(%dma_start3A_128 : memref<128x64xf32, #tpu.memory_space<hbm>>) target_semaphore(%run_scoped3A : memref<!tpu.dma_semaphore, #tpu.memory_space<semaphore_mem>>)
      %dma_wait3A = arith.constant 0 : i32
      %dma_wait3A_131 = tpu.memref_slice %arg6[%add3A_93, %dma_wait3A] : memref<50176x64xf32, #tpu.memory_space<hbm>> -> memref<128x64xf32, #tpu.memory_space<hbm>>
      %dma_wait3A_132 = arith.constant 0 : i32
      %dma_wait3A_133 = tpu.memref_slice %arg12[%add3A_91, %dma_wait3A_132] : memref<25088x64xf32, #tpu.memory_space<vmem_shared>> -> memref<128x64xf32, #tpu.memory_space<vmem_shared>>
      tpu.wait_dma2 semaphore(%run_scoped3A : memref<!tpu.dma_semaphore, #tpu.memory_space<semaphore_mem>>) src(%dma_wait3A_133 : memref<128x64xf32, #tpu.memory_space<vmem_shared>>) dst(%dma_wait3A_131 : memref<128x64xf32, #tpu.memory_space<hbm>>)
      tpu.yield
    }) : () -> ()
    %add3A_94 = arith.constant 640 : i32
    %add3A_95 = arith.addi %multiple_of3A, %add3A_94 : i32
    %add3A_96 = arith.constant 640 : i32
    %add3A_97 = arith.addi %multiple_of3A_73, %add3A_96 : i32
    "tpu.region"() ({
      %run_scoped3A = tpu.sem_alloc : memref<!tpu.dma_semaphore, #tpu.memory_space<semaphore_mem>>
      %dma_start3A = arith.constant 0 : i32
      %dma_start3A_128 = tpu.memref_slice %arg6[%add3A_97, %dma_start3A] : memref<50176x64xf32, #tpu.memory_space<hbm>> -> memref<128x64xf32, #tpu.memory_space<hbm>>
      %dma_start3A_129 = arith.constant 0 : i32
      %dma_start3A_130 = tpu.memref_slice %arg12[%add3A_95, %dma_start3A_129] : memref<25088x64xf32, #tpu.memory_space<vmem_shared>> -> memref<128x64xf32, #tpu.memory_space<vmem_shared>>
      tpu.enqueue_dma source(%dma_start3A_130 : memref<128x64xf32, #tpu.memory_space<vmem_shared>>) target(%dma_start3A_128 : memref<128x64xf32, #tpu.memory_space<hbm>>) target_semaphore(%run_scoped3A : memref<!tpu.dma_semaphore, #tpu.memory_space<semaphore_mem>>)
      %dma_wait3A = arith.constant 0 : i32
      %dma_wait3A_131 = tpu.memref_slice %arg6[%add3A_97, %dma_wait3A] : memref<50176x64xf32, #tpu.memory_space<hbm>> -> memref<128x64xf32, #tpu.memory_space<hbm>>
      %dma_wait3A_132 = arith.constant 0 : i32
      %dma_wait3A_133 = tpu.memref_slice %arg12[%add3A_95, %dma_wait3A_132] : memref<25088x64xf32, #tpu.memory_space<vmem_shared>> -> memref<128x64xf32, #tpu.memory_space<vmem_shared>>
      tpu.wait_dma2 semaphore(%run_scoped3A : memref<!tpu.dma_semaphore, #tpu.memory_space<semaphore_mem>>) src(%dma_wait3A_133 : memref<128x64xf32, #tpu.memory_space<vmem_shared>>) dst(%dma_wait3A_131 : memref<128x64xf32, #tpu.memory_space<hbm>>)
      tpu.yield
    }) : () -> ()
    %add3A_98 = arith.constant 768 : i32
    %add3A_99 = arith.addi %multiple_of3A, %add3A_98 : i32
    %add3A_100 = arith.constant 768 : i32
    %add3A_101 = arith.addi %multiple_of3A_73, %add3A_100 : i32
    "tpu.region"() ({
      %run_scoped3A = tpu.sem_alloc : memref<!tpu.dma_semaphore, #tpu.memory_space<semaphore_mem>>
      %dma_start3A = arith.constant 0 : i32
      %dma_start3A_128 = tpu.memref_slice %arg6[%add3A_101, %dma_start3A] : memref<50176x64xf32, #tpu.memory_space<hbm>> -> memref<128x64xf32, #tpu.memory_space<hbm>>
      %dma_start3A_129 = arith.constant 0 : i32
      %dma_start3A_130 = tpu.memref_slice %arg12[%add3A_99, %dma_start3A_129] : memref<25088x64xf32, #tpu.memory_space<vmem_shared>> -> memref<128x64xf32, #tpu.memory_space<vmem_shared>>
      tpu.enqueue_dma source(%dma_start3A_130 : memref<128x64xf32, #tpu.memory_space<vmem_shared>>) target(%dma_start3A_128 : memref<128x64xf32, #tpu.memory_space<hbm>>) target_semaphore(%run_scoped3A : memref<!tpu.dma_semaphore, #tpu.memory_space<semaphore_mem>>)
      %dma_wait3A = arith.constant 0 : i32
      %dma_wait3A_131 = tpu.memref_slice %arg6[%add3A_101, %dma_wait3A] : memref<50176x64xf32, #tpu.memory_space<hbm>> -> memref<128x64xf32, #tpu.memory_space<hbm>>
      %dma_wait3A_132 = arith.constant 0 : i32
      %dma_wait3A_133 = tpu.memref_slice %arg12[%add3A_99, %dma_wait3A_132] : memref<25088x64xf32, #tpu.memory_space<vmem_shared>> -> memref<128x64xf32, #tpu.memory_space<vmem_shared>>
      tpu.wait_dma2 semaphore(%run_scoped3A : memref<!tpu.dma_semaphore, #tpu.memory_space<semaphore_mem>>) src(%dma_wait3A_133 : memref<128x64xf32, #tpu.memory_space<vmem_shared>>) dst(%dma_wait3A_131 : memref<128x64xf32, #tpu.memory_space<hbm>>)
      tpu.yield
    }) : () -> ()
    %add3A_102 = arith.constant 896 : i32
    %add3A_103 = arith.addi %multiple_of3A, %add3A_102 : i32
    %add3A_104 = arith.constant 896 : i32
    %add3A_105 = arith.addi %multiple_of3A_73, %add3A_104 : i32
    "tpu.region"() ({
      %run_scoped3A = tpu.sem_alloc : memref<!tpu.dma_semaphore, #tpu.memory_space<semaphore_mem>>
      %dma_start3A = arith.constant 0 : i32
      %dma_start3A_128 = tpu.memref_slice %arg6[%add3A_105, %dma_start3A] : memref<50176x64xf32, #tpu.memory_space<hbm>> -> memref<128x64xf32, #tpu.memory_space<hbm>>
      %dma_start3A_129 = arith.constant 0 : i32
      %dma_start3A_130 = tpu.memref_slice %arg12[%add3A_103, %dma_start3A_129] : memref<25088x64xf32, #tpu.memory_space<vmem_shared>> -> memref<128x64xf32, #tpu.memory_space<vmem_shared>>
      tpu.enqueue_dma source(%dma_start3A_130 : memref<128x64xf32, #tpu.memory_space<vmem_shared>>) target(%dma_start3A_128 : memref<128x64xf32, #tpu.memory_space<hbm>>) target_semaphore(%run_scoped3A : memref<!tpu.dma_semaphore, #tpu.memory_space<semaphore_mem>>)
      %dma_wait3A = arith.constant 0 : i32
      %dma_wait3A_131 = tpu.memref_slice %arg6[%add3A_105, %dma_wait3A] : memref<50176x64xf32, #tpu.memory_space<hbm>> -> memref<128x64xf32, #tpu.memory_space<hbm>>
      %dma_wait3A_132 = arith.constant 0 : i32
      %dma_wait3A_133 = tpu.memref_slice %arg12[%add3A_103, %dma_wait3A_132] : memref<25088x64xf32, #tpu.memory_space<vmem_shared>> -> memref<128x64xf32, #tpu.memory_space<vmem_shared>>
      tpu.wait_dma2 semaphore(%run_scoped3A : memref<!tpu.dma_semaphore, #tpu.memory_space<semaphore_mem>>) src(%dma_wait3A_133 : memref<128x64xf32, #tpu.memory_space<vmem_shared>>) dst(%dma_wait3A_131 : memref<128x64xf32, #tpu.memory_space<hbm>>)
      tpu.yield
    }) : () -> ()
    %add3A_106 = arith.constant 1024 : i32
    %add3A_107 = arith.addi %multiple_of3A, %add3A_106 : i32
    %add3A_108 = arith.constant 1024 : i32
    %add3A_109 = arith.addi %multiple_of3A_73, %add3A_108 : i32
    "tpu.region"() ({
      %run_scoped3A = tpu.sem_alloc : memref<!tpu.dma_semaphore, #tpu.memory_space<semaphore_mem>>
      %dma_start3A = arith.constant 0 : i32
      %dma_start3A_128 = tpu.memref_slice %arg6[%add3A_109, %dma_start3A] : memref<50176x64xf32, #tpu.memory_space<hbm>> -> memref<128x64xf32, #tpu.memory_space<hbm>>
      %dma_start3A_129 = arith.constant 0 : i32
      %dma_start3A_130 = tpu.memref_slice %arg12[%add3A_107, %dma_start3A_129] : memref<25088x64xf32, #tpu.memory_space<vmem_shared>> -> memref<128x64xf32, #tpu.memory_space<vmem_shared>>
      tpu.enqueue_dma source(%dma_start3A_130 : memref<128x64xf32, #tpu.memory_space<vmem_shared>>) target(%dma_start3A_128 : memref<128x64xf32, #tpu.memory_space<hbm>>) target_semaphore(%run_scoped3A : memref<!tpu.dma_semaphore, #tpu.memory_space<semaphore_mem>>)
      %dma_wait3A = arith.constant 0 : i32
      %dma_wait3A_131 = tpu.memref_slice %arg6[%add3A_109, %dma_wait3A] : memref<50176x64xf32, #tpu.memory_space<hbm>> -> memref<128x64xf32, #tpu.memory_space<hbm>>
      %dma_wait3A_132 = arith.constant 0 : i32
      %dma_wait3A_133 = tpu.memref_slice %arg12[%add3A_107, %dma_wait3A_132] : memref<25088x64xf32, #tpu.memory_space<vmem_shared>> -> memref<128x64xf32, #tpu.memory_space<vmem_shared>>
      tpu.wait_dma2 semaphore(%run_scoped3A : memref<!tpu.dma_semaphore, #tpu.memory_space<semaphore_mem>>) src(%dma_wait3A_133 : memref<128x64xf32, #tpu.memory_space<vmem_shared>>) dst(%dma_wait3A_131 : memref<128x64xf32, #tpu.memory_space<hbm>>)
      tpu.yield
    }) : () -> ()
    %add3A_110 = arith.constant 1152 : i32
    %add3A_111 = arith.addi %multiple_of3A, %add3A_110 : i32
    %add3A_112 = arith.constant 1152 : i32
    %add3A_113 = arith.addi %multiple_of3A_73, %add3A_112 : i32
    "tpu.region"() ({
      %run_scoped3A = tpu.sem_alloc : memref<!tpu.dma_semaphore, #tpu.memory_space<semaphore_mem>>
      %dma_start3A = arith.constant 0 : i32
      %dma_start3A_128 = tpu.memref_slice %arg6[%add3A_113, %dma_start3A] : memref<50176x64xf32, #tpu.memory_space<hbm>> -> memref<128x64xf32, #tpu.memory_space<hbm>>
      %dma_start3A_129 = arith.constant 0 : i32
      %dma_start3A_130 = tpu.memref_slice %arg12[%add3A_111, %dma_start3A_129] : memref<25088x64xf32, #tpu.memory_space<vmem_shared>> -> memref<128x64xf32, #tpu.memory_space<vmem_shared>>
      tpu.enqueue_dma source(%dma_start3A_130 : memref<128x64xf32, #tpu.memory_space<vmem_shared>>) target(%dma_start3A_128 : memref<128x64xf32, #tpu.memory_space<hbm>>) target_semaphore(%run_scoped3A : memref<!tpu.dma_semaphore, #tpu.memory_space<semaphore_mem>>)
      %dma_wait3A = arith.constant 0 : i32
      %dma_wait3A_131 = tpu.memref_slice %arg6[%add3A_113, %dma_wait3A] : memref<50176x64xf32, #tpu.memory_space<hbm>> -> memref<128x64xf32, #tpu.memory_space<hbm>>
      %dma_wait3A_132 = arith.constant 0 : i32
      %dma_wait3A_133 = tpu.memref_slice %arg12[%add3A_111, %dma_wait3A_132] : memref<25088x64xf32, #tpu.memory_space<vmem_shared>> -> memref<128x64xf32, #tpu.memory_space<vmem_shared>>
      tpu.wait_dma2 semaphore(%run_scoped3A : memref<!tpu.dma_semaphore, #tpu.memory_space<semaphore_mem>>) src(%dma_wait3A_133 : memref<128x64xf32, #tpu.memory_space<vmem_shared>>) dst(%dma_wait3A_131 : memref<128x64xf32, #tpu.memory_space<hbm>>)
      tpu.yield
    }) : () -> ()
    %add3A_114 = arith.constant 1280 : i32
    %add3A_115 = arith.addi %multiple_of3A, %add3A_114 : i32
    %add3A_116 = arith.constant 1280 : i32
    %add3A_117 = arith.addi %multiple_of3A_73, %add3A_116 : i32
    "tpu.region"() ({
      %run_scoped3A = tpu.sem_alloc : memref<!tpu.dma_semaphore, #tpu.memory_space<semaphore_mem>>
      %dma_start3A = arith.constant 0 : i32
      %dma_start3A_128 = tpu.memref_slice %arg6[%add3A_117, %dma_start3A] : memref<50176x64xf32, #tpu.memory_space<hbm>> -> memref<128x64xf32, #tpu.memory_space<hbm>>
      %dma_start3A_129 = arith.constant 0 : i32
      %dma_start3A_130 = tpu.memref_slice %arg12[%add3A_115, %dma_start3A_129] : memref<25088x64xf32, #tpu.memory_space<vmem_shared>> -> memref<128x64xf32, #tpu.memory_space<vmem_shared>>
      tpu.enqueue_dma source(%dma_start3A_130 : memref<128x64xf32, #tpu.memory_space<vmem_shared>>) target(%dma_start3A_128 : memref<128x64xf32, #tpu.memory_space<hbm>>) target_semaphore(%run_scoped3A : memref<!tpu.dma_semaphore, #tpu.memory_space<semaphore_mem>>)
      %dma_wait3A = arith.constant 0 : i32
      %dma_wait3A_131 = tpu.memref_slice %arg6[%add3A_117, %dma_wait3A] : memref<50176x64xf32, #tpu.memory_space<hbm>> -> memref<128x64xf32, #tpu.memory_space<hbm>>
      %dma_wait3A_132 = arith.constant 0 : i32
      %dma_wait3A_133 = tpu.memref_slice %arg12[%add3A_115, %dma_wait3A_132] : memref<25088x64xf32, #tpu.memory_space<vmem_shared>> -> memref<128x64xf32, #tpu.memory_space<vmem_shared>>
      tpu.wait_dma2 semaphore(%run_scoped3A : memref<!tpu.dma_semaphore, #tpu.memory_space<semaphore_mem>>) src(%dma_wait3A_133 : memref<128x64xf32, #tpu.memory_space<vmem_shared>>) dst(%dma_wait3A_131 : memref<128x64xf32, #tpu.memory_space<hbm>>)
      tpu.yield
    }) : () -> ()
    %add3A_118 = arith.constant 1408 : i32
    %add3A_119 = arith.addi %multiple_of3A, %add3A_118 : i32
    %add3A_120 = arith.constant 1408 : i32
    %add3A_121 = arith.addi %multiple_of3A_73, %add3A_120 : i32
    "tpu.region"() ({
      %run_scoped3A = tpu.sem_alloc : memref<!tpu.dma_semaphore, #tpu.memory_space<semaphore_mem>>
      %dma_start3A = arith.constant 0 : i32
      %dma_start3A_128 = tpu.memref_slice %arg6[%add3A_121, %dma_start3A] : memref<50176x64xf32, #tpu.memory_space<hbm>> -> memref<128x64xf32, #tpu.memory_space<hbm>>
      %dma_start3A_129 = arith.constant 0 : i32
      %dma_start3A_130 = tpu.memref_slice %arg12[%add3A_119, %dma_start3A_129] : memref<25088x64xf32, #tpu.memory_space<vmem_shared>> -> memref<128x64xf32, #tpu.memory_space<vmem_shared>>
      tpu.enqueue_dma source(%dma_start3A_130 : memref<128x64xf32, #tpu.memory_space<vmem_shared>>) target(%dma_start3A_128 : memref<128x64xf32, #tpu.memory_space<hbm>>) target_semaphore(%run_scoped3A : memref<!tpu.dma_semaphore, #tpu.memory_space<semaphore_mem>>)
      %dma_wait3A = arith.constant 0 : i32
      %dma_wait3A_131 = tpu.memref_slice %arg6[%add3A_121, %dma_wait3A] : memref<50176x64xf32, #tpu.memory_space<hbm>> -> memref<128x64xf32, #tpu.memory_space<hbm>>
      %dma_wait3A_132 = arith.constant 0 : i32
      %dma_wait3A_133 = tpu.memref_slice %arg12[%add3A_119, %dma_wait3A_132] : memref<25088x64xf32, #tpu.memory_space<vmem_shared>> -> memref<128x64xf32, #tpu.memory_space<vmem_shared>>
      tpu.wait_dma2 semaphore(%run_scoped3A : memref<!tpu.dma_semaphore, #tpu.memory_space<semaphore_mem>>) src(%dma_wait3A_133 : memref<128x64xf32, #tpu.memory_space<vmem_shared>>) dst(%dma_wait3A_131 : memref<128x64xf32, #tpu.memory_space<hbm>>)
      tpu.yield
    }) : () -> ()
    %add3A_122 = arith.constant 1536 : i32
    %add3A_123 = arith.addi %multiple_of3A, %add3A_122 : i32
    %add3A_124 = arith.constant 1536 : i32
    %add3A_125 = arith.addi %multiple_of3A_73, %add3A_124 : i32
    "tpu.region"() ({
      %run_scoped3A = tpu.sem_alloc : memref<!tpu.dma_semaphore, #tpu.memory_space<semaphore_mem>>
      %dma_start3A = arith.constant 0 : i32
      %dma_start3A_128 = tpu.memref_slice %arg6[%add3A_125, %dma_start3A] : memref<50176x64xf32, #tpu.memory_space<hbm>> -> memref<32x64xf32, #tpu.memory_space<hbm>>
      %dma_start3A_129 = arith.constant 0 : i32
      %dma_start3A_130 = tpu.memref_slice %arg12[%add3A_123, %dma_start3A_129] : memref<25088x64xf32, #tpu.memory_space<vmem_shared>> -> memref<32x64xf32, #tpu.memory_space<vmem_shared>>
      tpu.enqueue_dma source(%dma_start3A_130 : memref<32x64xf32, #tpu.memory_space<vmem_shared>>) target(%dma_start3A_128 : memref<32x64xf32, #tpu.memory_space<hbm>>) target_semaphore(%run_scoped3A : memref<!tpu.dma_semaphore, #tpu.memory_space<semaphore_mem>>)
      %dma_wait3A = arith.constant 0 : i32
      %dma_wait3A_131 = tpu.memref_slice %arg6[%add3A_125, %dma_wait3A] : memref<50176x64xf32, #tpu.memory_space<hbm>> -> memref<32x64xf32, #tpu.memory_space<hbm>>
      %dma_wait3A_132 = arith.constant 0 : i32
      %dma_wait3A_133 = tpu.memref_slice %arg12[%add3A_123, %dma_wait3A_132] : memref<25088x64xf32, #tpu.memory_space<vmem_shared>> -> memref<32x64xf32, #tpu.memory_space<vmem_shared>>
      tpu.wait_dma2 semaphore(%run_scoped3A : memref<!tpu.dma_semaphore, #tpu.memory_space<semaphore_mem>>) src(%dma_wait3A_133 : memref<32x64xf32, #tpu.memory_space<vmem_shared>>) dst(%dma_wait3A_131 : memref<32x64xf32, #tpu.memory_space<hbm>>)
      tpu.yield
    }) : () -> ()
    %eq3A = arith.constant 0 : i32
    %eq3A_126 = arith.cmpi eq, %arg1, %eq3A : i32
    %convert_element_type3A = arith.extui %eq3A_126 : i1 to i32
    %cond3A = arith.constant 0 : i32
    %cond3A_127 = arith.cmpi ne, %convert_element_type3A, %cond3A : i32
    scf.if %cond3A_127 {
      %mul3A_128 = arith.constant 25088 : i32
      %mul3A_129 = arith.muli %arg0, %mul3A_128 : i32
      %multiple_of3A_130 = tpu.assume_multiple %mul3A_129, 32 : i32
      "tpu.region"() ({
        %run_scoped3A = tpu.sem_alloc : memref<!tpu.dma_semaphore, #tpu.memory_space<semaphore_mem>>
        %dma_start3A = arith.constant 0 : i32
        %dma_start3A_131 = tpu.memref_slice %arg7[%multiple_of3A_130, %dma_start3A] : memref<50176x8xf32, #tpu.memory_space<hbm>> -> memref<25088x8xf32, #tpu.memory_space<hbm>>
        tpu.enqueue_dma source(%arg13 : memref<25088x8xf32, #tpu.memory_space<vmem_shared>>) target(%dma_start3A_131 : memref<25088x8xf32, #tpu.memory_space<hbm>>) target_semaphore(%run_scoped3A : memref<!tpu.dma_semaphore, #tpu.memory_space<semaphore_mem>>)
        %dma_wait3A = arith.constant 0 : i32
        %dma_wait3A_132 = tpu.memref_slice %arg7[%multiple_of3A_130, %dma_wait3A] : memref<50176x8xf32, #tpu.memory_space<hbm>> -> memref<25088x8xf32, #tpu.memory_space<hbm>>
        tpu.wait_dma2 semaphore(%run_scoped3A : memref<!tpu.dma_semaphore, #tpu.memory_space<semaphore_mem>>) src(%arg13 : memref<25088x8xf32, #tpu.memory_space<vmem_shared>>) dst(%dma_wait3A_132 : memref<25088x8xf32, #tpu.memory_space<hbm>>)
        tpu.yield
      }) : () -> ()
    } else {
    }
    return
  }
}

module attributes {stable_mosaic.version = 14 : i64} {
  func.func @_pq_body(%arg0: i32, %arg1: memref<1000x128xf32, #tpu.memory_space<vmem>>, %arg2: memref<1000x128xf32, #tpu.memory_space<vmem>>, %arg3: memref<128x128xf32, #tpu.memory_space<vmem>>, %arg4: memref<128x128xf32, #tpu.memory_space<vmem>>, %arg5: memref<128x128xf32, #tpu.memory_space<vmem>>, %arg6: memref<1x128xf32, #tpu.memory_space<vmem>>, %arg7: memref<1000x128xf32, #tpu.memory_space<vmem>>, %arg8: memref<1000x128xf32, #tpu.memory_space<vmem>>) attributes {dimension_semantics = [#tpu.dimension_semantics<arbitrary>], iteration_bounds = array<i64: 25>, scalar_prefetch = 0 : i64, scratch_operands = 0 : i64, tpu.core_type = #tpu.core_type<tc>, window_params = [{transform_indices = @transform_0, window_bounds = array<i64: 1000, 128>}, {transform_indices = @transform_1, window_bounds = array<i64: 1000, 128>}, {pipeline_mode = #tpu.pipeline_mode<synchronous>, transform_indices = @transform_2, window_bounds = array<i64: 128, 128>}, {pipeline_mode = #tpu.pipeline_mode<synchronous>, transform_indices = @transform_3, window_bounds = array<i64: 128, 128>}, {pipeline_mode = #tpu.pipeline_mode<synchronous>, transform_indices = @transform_4, window_bounds = array<i64: 128, 128>}, {pipeline_mode = #tpu.pipeline_mode<synchronous>, transform_indices = @transform_5, window_bounds = array<i64: 1, 128>}, {transform_indices = @transform_6, window_bounds = array<i64: 1000, 128>}, {transform_indices = @transform_7, window_bounds = array<i64: 1000, 128>}]} {
    %get3A = arith.constant 0 : index
    %get3A_0 = arith.constant 0 : index
    %get3A_1 = vector.load %arg1[%get3A, %get3A_0] : memref<1000x128xf32, #tpu.memory_space<vmem>>, vector<1000x128xf32>
    %get3A_2 = arith.constant 0 : index
    %get3A_3 = arith.constant 0 : index
    %get3A_4 = vector.load %arg2[%get3A_2, %get3A_3] : memref<1000x128xf32, #tpu.memory_space<vmem>>, vector<1000x128xf32>
    %get3A_5 = arith.constant 0 : index
    %get3A_6 = arith.constant 0 : index
    %get3A_7 = vector.load %arg5[%get3A_5, %get3A_6] : memref<128x128xf32, #tpu.memory_space<vmem>>, vector<128x128xf32>
    %dot_general3A = arith.constant dense<0.000000e+00> : vector<1000x128xf32>
    %dot_general3A_8 = tpu.matmul %get3A_4, %get3A_7, %dot_general3A {dimension_numbers = #tpu.dot_dimension_numbers<[1], [0], [0], [1], [0, 0, 1, 1], [], []>, transpose_lhs_hint = false} : vector<1000x128xf32>, vector<128x128xf32>, vector<1000x128xf32> -> vector<1000x128xf32>
    %get3A_9 = arith.constant 0 : index
    %get3A_10 = arith.constant 0 : index
    %get3A_11 = vector.load %arg3[%get3A_9, %get3A_10] : memref<128x128xf32, #tpu.memory_space<vmem>>, vector<128x128xf32>
    %dot_general3A_12 = arith.constant dense<0.000000e+00> : vector<1000x128xf32>
    %dot_general3A_13 = tpu.matmul %get3A_1, %get3A_11, %dot_general3A_12 {dimension_numbers = #tpu.dot_dimension_numbers<[1], [0], [0], [1], [0, 0, 1, 1], [], []>, transpose_lhs_hint = false} : vector<1000x128xf32>, vector<128x128xf32>, vector<1000x128xf32> -> vector<1000x128xf32>
    %add3A = arith.addf %dot_general3A_13, %dot_general3A_8 : vector<1000x128xf32>
    %get3A_14 = arith.constant 0 : index
    %get3A_15 = arith.constant 0 : index
    %get3A_16 = vector.load %arg6[%get3A_14, %get3A_15] : memref<1x128xf32, #tpu.memory_space<vmem>>, vector<1x128xf32>
    %add3A_17 = vector.broadcast %get3A_16 : vector<1x128xf32> to vector<1000x128xf32>
    %add3A_18 = arith.addf %add3A, %add3A_17 : vector<1000x128xf32>
    %swap3A = arith.constant 0 : index
    %swap3A_19 = arith.constant 0 : index
    %swap3A_20 = vector.load %arg7[%swap3A, %swap3A_19] : memref<1000x128xf32, #tpu.memory_space<vmem>>, vector<1000x128xf32>
    tpu.vector_store %arg7[%swap3A, %swap3A_19], %add3A_18 {strides = array<i32>} : memref<1000x128xf32, #tpu.memory_space<vmem>>, vector<1000x128xf32>,
    %get3A_21 = arith.constant 0 : index
    %get3A_22 = arith.constant 0 : index
    %get3A_23 = vector.load %arg4[%get3A_21, %get3A_22] : memref<128x128xf32, #tpu.memory_space<vmem>>, vector<128x128xf32>
    %dot_general3A_24 = arith.constant dense<0.000000e+00> : vector<1000x128xf32>
    %dot_general3A_25 = tpu.matmul %get3A_1, %get3A_23, %dot_general3A_24 {dimension_numbers = #tpu.dot_dimension_numbers<[1], [0], [0], [1], [0, 0, 1, 1], [], []>, transpose_lhs_hint = false} : vector<1000x128xf32>, vector<128x128xf32>, vector<1000x128xf32> -> vector<1000x128xf32>
    %sub3A = arith.subf %dot_general3A_25, %dot_general3A_8 : vector<1000x128xf32>
    %swap3A_26 = arith.constant 0 : index
    %swap3A_27 = arith.constant 0 : index
    %swap3A_28 = vector.load %arg8[%swap3A_26, %swap3A_27] : memref<1000x128xf32, #tpu.memory_space<vmem>>, vector<1000x128xf32>
    tpu.vector_store %arg8[%swap3A_26, %swap3A_27], %sub3A {strides = array<i32>} : memref<1000x128xf32, #tpu.memory_space<vmem>>, vector<1000x128xf32>,
    return
  }
  func.func @transform_0(%arg0: i32) -> (i32, i32) {
    %c0_i32 = arith.constant 0 : i32
    %c0_i32_0 = arith.constant 0 : i32
    return %arg0, %c0_i32 : i32, i32
  }
  func.func @transform_1(%arg0: i32) -> (i32, i32) {
    %c0_i32 = arith.constant 0 : i32
    %c0_i32_0 = arith.constant 0 : i32
    return %arg0, %c0_i32 : i32, i32
  }
  func.func @transform_2(%arg0: i32) -> (i32, i32) {
    %c0_i32 = arith.constant 0 : i32
    %c0_i32_0 = arith.constant 0 : i32
    %c0_i32_1 = arith.constant 0 : i32
    return %c0_i32, %c0_i32_0 : i32, i32
  }
  func.func @transform_3(%arg0: i32) -> (i32, i32) {
    %c0_i32 = arith.constant 0 : i32
    %c0_i32_0 = arith.constant 0 : i32
    %c0_i32_1 = arith.constant 0 : i32
    return %c0_i32, %c0_i32_0 : i32, i32
  }
  func.func @transform_4(%arg0: i32) -> (i32, i32) {
    %c0_i32 = arith.constant 0 : i32
    %c0_i32_0 = arith.constant 0 : i32
    %c0_i32_1 = arith.constant 0 : i32
    return %c0_i32, %c0_i32_0 : i32, i32
  }
  func.func @transform_5(%arg0: i32) -> (i32, i32) {
    %c0_i32 = arith.constant 0 : i32
    %c0_i32_0 = arith.constant 0 : i32
    %c0_i32_1 = arith.constant 0 : i32
    return %c0_i32, %c0_i32_0 : i32, i32
  }
  func.func @transform_6(%arg0: i32) -> (i32, i32) {
    %c0_i32 = arith.constant 0 : i32
    %c0_i32_0 = arith.constant 0 : i32
    return %arg0, %c0_i32 : i32, i32
  }
  func.func @transform_7(%arg0: i32) -> (i32, i32) {
    %c0_i32 = arith.constant 0 : i32
    %c0_i32_0 = arith.constant 0 : i32
    return %arg0, %c0_i32 : i32, i32
  }
}

module attributes {stable_mosaic.version = 14 : i64} {
  func.func @_edge_mlp_body(%arg0: i32, %arg1: memref<1024x128xf32, #tpu.memory_space<vmem>>, %arg2: memref<128x128xf32, #tpu.memory_space<vmem>>, %arg3: memref<1x128xf32, #tpu.memory_space<vmem>>, %arg4: memref<1024x128xf32, #tpu.memory_space<vmem>>) attributes {dimension_semantics = [#tpu.dimension_semantics<arbitrary>], iteration_bounds = array<i64: 400>, scalar_prefetch = 0 : i64, scratch_operands = 0 : i64, tpu.core_type = #tpu.core_type<tc>, window_params = [{transform_indices = @transform_0, window_bounds = array<i64: 1024, 128>}, {pipeline_mode = #tpu.pipeline_mode<synchronous>, transform_indices = @transform_1, window_bounds = array<i64: 128, 128>}, {pipeline_mode = #tpu.pipeline_mode<synchronous>, transform_indices = @transform_2, window_bounds = array<i64: 1, 128>}, {transform_indices = @transform_3, window_bounds = array<i64: 1024, 128>}]} {
    %get3A = arith.constant 0 : index
    %get3A_0 = arith.constant 0 : index
    %get3A_1 = vector.load %arg1[%get3A, %get3A_0] : memref<1024x128xf32, #tpu.memory_space<vmem>>, vector<1024x128xf32>
    %get3A_2 = arith.constant 0 : index
    %get3A_3 = arith.constant 0 : index
    %get3A_4 = vector.load %arg2[%get3A_2, %get3A_3] : memref<128x128xf32, #tpu.memory_space<vmem>>, vector<128x128xf32>
    %dot_general3A = arith.constant dense<0.000000e+00> : vector<1024x128xf32>
    %dot_general3A_5 = tpu.matmul %get3A_1, %get3A_4, %dot_general3A {dimension_numbers = #tpu.dot_dimension_numbers<[1], [0], [0], [1], [0, 0, 1, 1], [], []>, transpose_lhs_hint = false} : vector<1024x128xf32>, vector<128x128xf32>, vector<1024x128xf32> -> vector<1024x128xf32>
    %get3A_6 = arith.constant 0 : index
    %get3A_7 = arith.constant 0 : index
    %get3A_8 = vector.load %arg3[%get3A_6, %get3A_7] : memref<1x128xf32, #tpu.memory_space<vmem>>, vector<1x128xf32>
    %add3A = vector.broadcast %get3A_8 : vector<1x128xf32> to vector<1024x128xf32>
    %add3A_9 = arith.addf %dot_general3A_5, %add3A : vector<1024x128xf32>
    %max3A = arith.constant 0.000000e+00 : f32
    %max3A_10 = vector.broadcast %max3A : f32 to vector<1024x128xf32>
    %max3A_11 = arith.maximumf %add3A_9, %max3A_10 : vector<1024x128xf32>
    %swap3A = arith.constant 0 : index
    %swap3A_12 = arith.constant 0 : index
    %swap3A_13 = vector.load %arg4[%swap3A, %swap3A_12] : memref<1024x128xf32, #tpu.memory_space<vmem>>, vector<1024x128xf32>
    tpu.vector_store %arg4[%swap3A, %swap3A_12], %max3A_11 {strides = array<i32>} : memref<1024x128xf32, #tpu.memory_space<vmem>>, vector<1024x128xf32>,
    return
  }
  func.func @transform_0(%arg0: i32) -> (i32, i32) {
    %c0_i32 = arith.constant 0 : i32
    %c0_i32_0 = arith.constant 0 : i32
    return %arg0, %c0_i32 : i32, i32
  }
  func.func @transform_1(%arg0: i32) -> (i32, i32) {
    %c0_i32 = arith.constant 0 : i32
    %c0_i32_0 = arith.constant 0 : i32
    %c0_i32_1 = arith.constant 0 : i32
    return %c0_i32, %c0_i32_0 : i32, i32
  }
  func.func @transform_2(%arg0: i32) -> (i32, i32) {
    %c0_i32 = arith.constant 0 : i32
    %c0_i32_0 = arith.constant 0 : i32
    %c0_i32_1 = arith.constant 0 : i32
    return %c0_i32, %c0_i32_0 : i32, i32
  }
  func.func @transform_3(%arg0: i32) -> (i32, i32) {
    %c0_i32 = arith.constant 0 : i32
    %c0_i32_0 = arith.constant 0 : i32
    return %arg0, %c0_i32 : i32, i32
  }
}

module attributes {stable_mosaic.version = 14 : i64} {
  func.func @_out_body(%arg0: i32, %arg1: memref<1000x128xf32, #tpu.memory_space<vmem>>, %arg2: memref<1000x16xf32, #tpu.memory_space<vmem>>, %arg3: memref<1000x128xf32, #tpu.memory_space<vmem>>, %arg4: memref<128x128xf32, #tpu.memory_space<vmem>>, %arg5: memref<1x128xf32, #tpu.memory_space<vmem>>, %arg6: memref<128x128xf32, #tpu.memory_space<vmem>>, %arg7: memref<1x128xf32, #tpu.memory_space<vmem>>, %arg8: memref<1000x128xf32, #tpu.memory_space<vmem>>) attributes {dimension_semantics = [#tpu.dimension_semantics<arbitrary>], iteration_bounds = array<i64: 25>, scalar_prefetch = 0 : i64, scratch_operands = 0 : i64, tpu.core_type = #tpu.core_type<tc>, window_params = [{transform_indices = @transform_0, window_bounds = array<i64: 1000, 128>}, {transform_indices = @transform_1, window_bounds = array<i64: 1000, 16>}, {transform_indices = @transform_2, window_bounds = array<i64: 1000, 128>}, {pipeline_mode = #tpu.pipeline_mode<synchronous>, transform_indices = @transform_3, window_bounds = array<i64: 128, 128>}, {pipeline_mode = #tpu.pipeline_mode<synchronous>, transform_indices = @transform_4, window_bounds = array<i64: 1, 128>}, {pipeline_mode = #tpu.pipeline_mode<synchronous>, transform_indices = @transform_5, window_bounds = array<i64: 128, 128>}, {pipeline_mode = #tpu.pipeline_mode<synchronous>, transform_indices = @transform_6, window_bounds = array<i64: 1, 128>}, {transform_indices = @transform_7, window_bounds = array<i64: 1000, 128>}]} {
    %get3A = arith.constant 0 : index
    %get3A_0 = arith.constant 0 : index
    %get3A_1 = vector.load %arg1[%get3A, %get3A_0] : memref<1000x128xf32, #tpu.memory_space<vmem>>, vector<1000x128xf32>
    %get3A_2 = arith.constant 0 : index
    %get3A_3 = arith.constant 0 : index
    %get3A_4 = vector.load %arg2[%get3A_2, %get3A_3] : memref<1000x16xf32, #tpu.memory_space<vmem>>, vector<1000x16xf32>
    %slice3A = vector.extract_strided_slice %get3A_4 {offsets = [0, 0], sizes = [1000, 1], strides = [1, 1]} : vector<1000x16xf32> to vector<1000x1xf32>
    %max3A = arith.constant 1.000000e+00 : f32
    %max3A_5 = vector.broadcast %max3A : f32 to vector<1000x1xf32>
    %max3A_6 = arith.maximumf %slice3A, %max3A_5 : vector<1000x1xf32>
    %slice3A_7 = vector.extract_strided_slice %get3A_4 {offsets = [0, 8], sizes = [1000, 1], strides = [1, 1]} : vector<1000x16xf32> to vector<1000x1xf32>
    %max3A_8 = arith.constant 1.000000e+00 : f32
    %max3A_9 = vector.broadcast %max3A_8 : f32 to vector<1000x1xf32>
    %max3A_10 = arith.maximumf %slice3A_7, %max3A_9 : vector<1000x1xf32>
    %broadcast_in_dim3A = vector.shape_cast %max3A_6 : vector<1000x1xf32> to vector<1000x1xf32>
    %broadcast_in_dim3A_11 = vector.broadcast %broadcast_in_dim3A : vector<1000x1xf32> to vector<1000x64xf32>
    %broadcast_in_dim3A_12 = vector.shape_cast %max3A_10 : vector<1000x1xf32> to vector<1000x1xf32>
    %broadcast_in_dim3A_13 = vector.broadcast %broadcast_in_dim3A_12 : vector<1000x1xf32> to vector<1000x64xf32>
    %concatenate3A = tpu.concatenate %broadcast_in_dim3A_11, %broadcast_in_dim3A_13 in 1 : vector<1000x64xf32>, vector<1000x64xf32> -> vector<1000x128xf32>
    %div3A = arith.divf %get3A_1, %concatenate3A : vector<1000x128xf32>
    %get3A_14 = arith.constant 0 : index
    %get3A_15 = arith.constant 0 : index
    %get3A_16 = vector.load %arg4[%get3A_14, %get3A_15] : memref<128x128xf32, #tpu.memory_space<vmem>>, vector<128x128xf32>
    %dot_general3A = arith.constant dense<0.000000e+00> : vector<1000x128xf32>
    %dot_general3A_17 = tpu.matmul %div3A, %get3A_16, %dot_general3A {dimension_numbers = #tpu.dot_dimension_numbers<[1], [0], [0], [1], [0, 0, 1, 1], [], []>, transpose_lhs_hint = false} : vector<1000x128xf32>, vector<128x128xf32>, vector<1000x128xf32> -> vector<1000x128xf32>
    %get3A_18 = arith.constant 0 : index
    %get3A_19 = arith.constant 0 : index
    %get3A_20 = vector.load %arg5[%get3A_18, %get3A_19] : memref<1x128xf32, #tpu.memory_space<vmem>>, vector<1x128xf32>
    %add3A = vector.broadcast %get3A_20 : vector<1x128xf32> to vector<1000x128xf32>
    %add3A_21 = arith.addf %dot_general3A_17, %add3A : vector<1000x128xf32>
    %max3A_22 = arith.constant 0.000000e+00 : f32
    %max3A_23 = vector.broadcast %max3A_22 : f32 to vector<1000x128xf32>
    %max3A_24 = arith.maximumf %add3A_21, %max3A_23 : vector<1000x128xf32>
    %get3A_25 = arith.constant 0 : index
    %get3A_26 = arith.constant 0 : index
    %get3A_27 = vector.load %arg6[%get3A_25, %get3A_26] : memref<128x128xf32, #tpu.memory_space<vmem>>, vector<128x128xf32>
    %dot_general3A_28 = arith.constant dense<0.000000e+00> : vector<1000x128xf32>
    %dot_general3A_29 = tpu.matmul %max3A_24, %get3A_27, %dot_general3A_28 {dimension_numbers = #tpu.dot_dimension_numbers<[1], [0], [0], [1], [0, 0, 1, 1], [], []>, transpose_lhs_hint = false} : vector<1000x128xf32>, vector<128x128xf32>, vector<1000x128xf32> -> vector<1000x128xf32>
    %get3A_30 = arith.constant 0 : index
    %get3A_31 = arith.constant 0 : index
    %get3A_32 = vector.load %arg7[%get3A_30, %get3A_31] : memref<1x128xf32, #tpu.memory_space<vmem>>, vector<1x128xf32>
    %add3A_33 = vector.broadcast %get3A_32 : vector<1x128xf32> to vector<1000x128xf32>
    %add3A_34 = arith.addf %dot_general3A_29, %add3A_33 : vector<1000x128xf32>
    %max3A_35 = arith.constant 0.000000e+00 : f32
    %max3A_36 = vector.broadcast %max3A_35 : f32 to vector<1000x128xf32>
    %max3A_37 = arith.maximumf %add3A_34, %max3A_36 : vector<1000x128xf32>
    %get3A_38 = arith.constant 0 : index
    %get3A_39 = arith.constant 0 : index
    %get3A_40 = vector.load %arg3[%get3A_38, %get3A_39] : memref<1000x128xf32, #tpu.memory_space<vmem>>, vector<1000x128xf32>
    %add3A_41 = arith.addf %max3A_37, %get3A_40 : vector<1000x128xf32>
    %swap3A = arith.constant 0 : index
    %swap3A_42 = arith.constant 0 : index
    %swap3A_43 = vector.load %arg8[%swap3A, %swap3A_42] : memref<1000x128xf32, #tpu.memory_space<vmem>>, vector<1000x128xf32>
    tpu.vector_store %arg8[%swap3A, %swap3A_42], %add3A_41 {strides = array<i32>} : memref<1000x128xf32, #tpu.memory_space<vmem>>, vector<1000x128xf32>,
    return
  }
  func.func @transform_0(%arg0: i32) -> (i32, i32) {
    %c0_i32 = arith.constant 0 : i32
    %c0_i32_0 = arith.constant 0 : i32
    return %arg0, %c0_i32 : i32, i32
  }
  func.func @transform_1(%arg0: i32) -> (i32, i32) {
    %c0_i32 = arith.constant 0 : i32
    %c0_i32_0 = arith.constant 0 : i32
    return %arg0, %c0_i32 : i32, i32
  }
  func.func @transform_2(%arg0: i32) -> (i32, i32) {
    %c0_i32 = arith.constant 0 : i32
    %c0_i32_0 = arith.constant 0 : i32
    return %arg0, %c0_i32 : i32, i32
  }
  func.func @transform_3(%arg0: i32) -> (i32, i32) {
    %c0_i32 = arith.constant 0 : i32
    %c0_i32_0 = arith.constant 0 : i32
    %c0_i32_1 = arith.constant 0 : i32
    return %c0_i32, %c0_i32_0 : i32, i32
  }
  func.func @transform_4(%arg0: i32) -> (i32, i32) {
    %c0_i32 = arith.constant 0 : i32
    %c0_i32_0 = arith.constant 0 : i32
    %c0_i32_1 = arith.constant 0 : i32
    return %c0_i32, %c0_i32_0 : i32, i32
  }
  func.func @transform_5(%arg0: i32) -> (i32, i32) {
    %c0_i32 = arith.constant 0 : i32
    %c0_i32_0 = arith.constant 0 : i32
    %c0_i32_1 = arith.constant 0 : i32
    return %c0_i32, %c0_i32_0 : i32, i32
  }
  func.func @transform_6(%arg0: i32) -> (i32, i32) {
    %c0_i32 = arith.constant 0 : i32
    %c0_i32_0 = arith.constant 0 : i32
    %c0_i32_1 = arith.constant 0 : i32
    return %c0_i32, %c0_i32_0 : i32, i32
  }
  func.func @transform_7(%arg0: i32) -> (i32, i32) {
    %c0_i32 = arith.constant 0 : i32
    %c0_i32_0 = arith.constant 0 : i32
    return %arg0, %c0_i32 : i32, i32
  }
}

</mosaic_0001>

<sc_bundles>
// kernel: kernel.10.cloned.1.call-start
scs
__scs_entry_jumppad:
0x0: {  	(pc) =	sbr.rel $0x88, $3  }
0x1: {  	(tag) =	ssettag $0x0;
	lr =	simm.s32 $0x1  }
0x2: {  	[smem:$0x3F96] =	sst lr;
	_ =	strace $0xD0000000  }
0x3: {  	_ = 	snop  }
0x4: {  	_ = 	snop  }
0x5: {  	_ = 	snop  }
0x6: {  	_ = 	snop  }
0x7: {  	_ = 	snop  }
__scs_overlays_trampoline_lowered:
0x8: {  	[smem:$0x3FA5] =	sst s0  }
0x9: {  	[smem:$0x3FA6] =	sst s1  }
0xa: {  	[smem:$0x3FA7] =	sst s2  }
0xb: {  	[smem:$0x3FA8] =	sst s3  }
0xc: {  	[smem:$0x3FA9] =	sst s4  }
0xd: {  	[smem:$0x3FAA] =	sst s5  }
0xe: {  	[smem:$0x3FAB] =	sst s6  }
0xf: {  	[smem:$0x3FAC] =	sst s7  }
0x10: {  	[smem:$0x3FAD] =	sst s8  }
0x11: {  	[smem:$0x3FAE] =	sst s9;
	s0 =	simm.s32 @!p0 $0x0  }
0x12: {  	s1 =	sld [smem:$0x3F94];
	s0 =	simm.s32 @p0 $0x1  }
0x13: {  	[smem:$0x3FAF] =	sst s0;
	s0 =	simm.s32 @!p1 $0x0  }
0x14: {  	s2 =	sld [smem:$0x3F93];
	s0 =	simm.s32 @p1 $0x1  }
0x15: {  	[smem:$0x3FB0] =	sst s0;
	s0 =	simm.s32 @!p2 $0x0  }
0x16: {  	s3 =	sld [smem:$0x3FDB];
	s0 =	simm.s32 @p2 $0x1  }
0x17: {  	s4 =	simm.s32 $0x1BF5;
	[smem:$0x3FB2] =	sst s0  }
0x18: {  	s0 =	sld [smem:$0x3F95];
	_ =	swait.ge [sflag:s4], $0x0  }
0x19: {  	s7 =	sld [smem:$0x3F96]  }
0x1a: {  	s8 =	sadd.s32 $0xFFFFE003, lr  }
0x1b: {  	s9 =	sadd.s32 $0xFFFFFEF7, lr;
	s5 =	simm.s32 $0xFFFFFFFF;
	p2 =	slt.u32 s8, $0xFFFFF086  }
0x1c: {  	p1 =	slt.u32 s9, $0xF7A;
	s5 =	simm.s32 @!p2 $0x0  }
0x1d: {  	s5 =	simm.s32 @p1 $0x1;
	p0 =	seq.s32 s7, s2  }
0x1e: {  	s7 =	smul.u32 @!p0 $0xF7A, s2;
	p2 =	seq.s32 @!p0 s5, $0x0  }
0x1f: {  	s9 =	smul.u32 $0xF7A, s1;
	s8 =	simm.s32 @!p0 $0x1BF5;
	p2 =	por !p2, p0  }
0x20: {  	[sflag:s8] =	ssyncset.s32 @!p0 $0xFFFFF086;
	s6 =	sadd.s32 @!p0 s3, s7;
	s7 =	simm.s32 @!p0 $0x108  }
0x21: {  	s3 =	sadd.s32 s3, s9;
	s6 =	sadd.s32 @!p0 $0x88, s6;
	s7 =	simm.s32 @p2 $0x1082  }
0x22: {  	[simem:s7], [sflag:s8] =	dma.local @!p0 [hbm:s6], $0xF7A  }
0x23: {  	s9 =	sor.u32 $0xD0000000, s2;
	s6 =	simm.s32 $0x108;
	_ =	swait.ge @!p0 [sflag:s8], $0x0  }
0x24: {  	s3 =	sadd.s32 $0x88, s3;
	s6 =	simm.s32 @!p1 $0x1082;
	[sflag:s4] =	ssyncset.s32 $0xFFFFF086  }
0x25: {  	[simem:s6], [sflag:s4] =	dma.local [hbm:s3], $0xF7A  }
0x26: {  	[smem:$0x3F96] =	sst s1;
	(tag) =	ssettag s2;
	_ =	strace s9  }
0x27: {  	s1 =	sld [smem:$0x3FA6]  }
0x28: {  	s2 =	sld [smem:$0x3FA7]  }
0x29: {  	s4 =	sld [smem:$0x3FA9]  }
0x2a: {  	p0 =	seq.s32 s5, $0x0;
	s5 =	sld [smem:$0x3FAA]  }
0x2b: {  	s6 =	sld [smem:$0x3FAB]  }
0x2c: {  	s7 =	sld [smem:$0x3FAC]  }
0x2d: {  	s3 =	simm.s32 $0x108;
	s8 =	sld [smem:$0x3FAD]  }
0x2e: {  	s3 =	simm.s32 @!p0 $0x1082;
	s9 =	sld [smem:$0x3FAE]  }
0x2f: {  	lr =	sadd.s32 s0, s3;
	s0 =	sld [smem:$0x3FA5]  }
0x30: {  	s3 =	sld [smem:$0x3FA8]  }
0x31: {  	[smem:$0x3FB1] =	sst s10  }
0x32: {  	s10 =	sld [smem:$0x3FAF];
	_ =	sdelay $0x3  }
0x33: {  	p0 =	seq.s32 s10, $0x1;
	s10 =	sld [smem:$0x3FB1];
	_ =	sdelay $0x3  }
0x34: {  	[smem:$0x3FB1] =	sst s10  }
0x35: {  	s10 =	sld [smem:$0x3FB0];
	_ =	sdelay $0x3  }
0x36: {  	p1 =	seq.s32 s10, $0x1;
	s10 =	sld [smem:$0x3FB1];
	_ =	sdelay $0x3  }
0x37: {  	[smem:$0x3FB1] =	sst s10  }
0x38: {  	s10 =	sld [smem:$0x3FB2]  }
0x39: {  	_ = 	snop;
	(pc) =	sbr.ind lr, $3  }
0x3a: {  	_ = 	snop  }
0x3b: {  	_ = 	snop  }
0x3c: {  	p2 =	seq.s32 s10, $0x1;
	s10 =	sld [smem:$0x3FB1]  }
0x3d: {  	_ =	shalt  }
0x3e: {  	_ =	shalt  }
0x3f: {  	_ =	shalt  }
0x40: {  	_ =	shalt  }
0x41: {  	_ =	shalt  }
0x42: {  	_ =	shalt  }
0x43: {  	_ =	shalt  }
0x44: {  	_ =	shalt  }
0x45: {  	_ =	shalt  }
0x46: {  	_ =	shalt  }
0x47: {  	_ =	shalt  }
0x48: {  	_ =	shalt  }
0x49: {  	_ =	shalt  }
0x4a: {  	_ =	shalt  }
0x4b: {  	_ =	shalt  }
0x4c: {  	_ =	shalt  }
0x4d: {  	_ =	shalt  }
0x4e: {  	_ =	shalt  }
0x4f: {  	_ =	shalt  }
0x50: {  	_ =	shalt  }
0x51: {  	_ =	shalt  }
0x52: {  	_ =	shalt  }
0x53: {  	_ =	shalt  }
0x54: {  	_ =	shalt  }
0x55: {  	_ =	shalt  }
0x56: {  	_ =	shalt  }
0x57: {  	_ =	shalt  }
0x58: {  	_ =	shalt  }
0x59: {  	_ =	shalt  }
0x5a: {  	_ =	shalt  }
0x5b: {  	_ =	shalt  }
0x5c: {  	_ =	shalt  }
0x5d: {  	_ =	shalt  }
0x5e: {  	_ =	shalt  }
0x5f: {  	_ =	shalt  }
0x60: {  	_ =	shalt  }
0x61: {  	_ =	shalt  }
0x62: {  	_ =	shalt  }
0x63: {  	_ =	shalt  }
0x64: {  	_ =	shalt  }
0x65: {  	_ =	shalt  }
0x66: {  	_ =	shalt  }
0x67: {  	_ =	shalt  }
0x68: {  	_ =	shalt  }
0x69: {  	_ =	shalt  }
0x6a: {  	_ =	shalt  }
0x6b: {  	_ =	shalt  }
0x6c: {  	_ =	shalt  }
0x6d: {  	_ =	shalt  }
0x6e: {  	_ =	shalt  }
0x6f: {  	_ =	shalt  }
0x70: {  	_ =	shalt  }
0x71: {  	_ =	shalt  }
0x72: {  	_ =	shalt  }
0x73: {  	_ =	shalt  }
0x74: {  	_ =	shalt  }
0x75: {  	_ =	shalt  }
0x76: {  	_ =	shalt  }
0x77: {  	_ =	shalt  }
0x78: {  	_ =	shalt  }
0x79: {  	_ =	shalt  }
0x7a: {  	_ =	shalt  }
0x7b: {  	_ =	shalt  }
0x7c: {  	_ =	shalt  }
0x7d: {  	_ =	shalt  }
0x7e: {  	_ =	shalt  }
0x7f: {  	_ =	shalt  }
0x80: {  	_ =	shalt  }
0x81: {  	_ =	shalt  }
0x82: {  	_ =	shalt  }
0x83: {  	_ =	shalt  }
0x84: {  	_ =	shalt  }
0x85: {  	_ =	shalt  }
0x86: {  	_ =	shalt  }
0x87: {  	_ =	shalt  }
.Lfunc_end0:
.L_simem_size_0:
called_computation.1_lowered:
.L_overlay_start_0:
0x88: {  	s2 =	sld [smem:$0x3FD9]  }
0x89: {  	s3 =	sld [smem:$0x3FFE];
	_ =	sdelay $0x1  }
0x8a: {  	s1 =	srdreg.scid  }
0x8b: {  	s0 =	sand.u32 $0x1, s1  }
0x8c: {  	s17 =	sshll.u32 s0, $0xA;
	s2 =	sadd.s32 s3, s2  }
0x8d: {  	s2 =	sadd.s32 s2, s17  }
0x8e: {  	[smem:$0x3FBD] =	sst s2  }
0x8f: {  	_ = 	snop  }
0x90: {  	s2 =	sld [smem:$0x3FD0];
	(tm) =	ssettm $0x1  }
0x91: {  	s18 =	sld [smem:$0x3FFB];
	_ =	sdelay $0x3  }
0x92: {  	_ =	strace s18  }
0x93: {  	s3 =	sld [smem:$0x3FFC];
	_ =	sdelay $0x3  }
0x94: {  	_ =	strace s3  }
0x95: {  	s3 =	sld [smem:$0x3FFD];
	_ =	sdelay $0x3  }
0x96: {  	_ =	strace s3  }
0x97: {  	_ =	strace $0x8FFFFFFF  }
0x98: {  	s19 =	sld [smem:$0x3FDB];
	_ =	sdelay $0x1  }
0x99: {  	s4 =	simm.s32 $_scs_section_size  }
0x9a: {  	s5 =	simm.s32 $_size__tile_overlayer_lowered;
	s6 =	simm.s32 $_tile_overlayer_lowered  }
0x9b: {  	s22 =	simm.s32 $0x1BFF;
	s21 =	sshll.u32 s6, $0x1;
	s3 =	sadd.s32 s4, s19  }
0x9c: {  	s7 =	simm.s32 $0x0;
	s20 =	sshll.u32 s5, $0x1;
	s5 =	sadd.s32 s21, s3  }
0x9d: {  	[timem:s7], [sflag:s22] =	dma.local [hbm:s5], s20  }
0x9e: {  	_ =	swait.ge [sflag:s22], s20  }
0x9f: {  	s4 =	ssub.s32 $0x0, s20;
	[sflag:s22] =	ssyncset.done $0x0  }
0xa0: {  	[sflag:s22] =	ssyncadd.s32 s4;
	_ =	sdelay $0x1  }
0xa1: {  	s23 =	simm.s32 $0x1B8B  }
0xa2: {  	_ =	swait.ge [sflag:s23], $0x1  }
0xa3: {  	[sflag:s23] =	ssyncset.done $0x0  }
0xa4: {  	s25 =	simm.s32 $0x1B8E;
	s24 =	sld [smem:$0x3FFE];
	[sflag:s23] =	ssyncadd.s32 $0xFFFFFFFF  }
0xa5: {  	s26 =	simm.s32 $execute0_lowered;
	[smem:$0x3FD2] =	sst s25  }
0xa6: {  	s5 =	sshll.u32 s26, $0x1;
	_ =	strace $0x80000049;
	[dreg:$0x1] =	wrdreg $0xFFFFFFFF  }
0xa7: {  	s28 =	simm.s32 $_size_execute0_lowered;
	s3 =	sadd.s32 s3, s5;
	[dreg:$0x0] =	wrdreg $0x0  }
0xa8: {  	s5 =	sshll.u32 s28, $0x1;
	[dreg:$0x2] =	wrdreg s3  }
0xa9: {  	[dreg:$0x3] =	wrdreg s5  }
0xaa: {  	[dreg:$0x4] =	wrdreg $0xC0  }
0xab: {  	_ =	task [dreg:s7], $0x5FFFF  }
0xac: {  	[dreg:$0x1] =	wrdreg $0xFFFFFFFF  }
0xad: {  	[dreg:$0x0] =	wrdreg $0x60  }
0xae: {  	[dreg:$0x2] =	wrdreg s24  }
0xaf: {  	[dreg:$0x3] =	wrdreg s2  }
0xb0: {  	[dreg:$0x4] =	wrdreg $0x2C000  }
0xb1: {  	[dreg:$0x5] =	wrdreg $0x1B4000  }
0xb2: {  	[dreg:$0x6] =	wrdreg $0x9  }
0xb3: {  	_ =	task.clear_ibuf [dreg:s7], $0x7FFFF;
	_ =	strace $0x90000049  }
0xb4: {  	s29 =	simm.s32 $0x9;
	_ =	strace $0x8000004B  }
0xb5: {  	_ =	swait.ge [sflag:s29], $0x1  }
0xb6: {  	[sflag:s29] =	ssyncadd.s32 $0xFFFFFFFF  }
0xb7: {  	_ =	strace $0x9000004B  }
0xb8: {  	_ =	sfence  }
0xb9: {  	s30 =	sld [smem:$0x0];
	_ =	sdelay $0x2  }
0xba: {  	s31 =	sshll.u32 s1, $0xD;
	s1 =	sshrl.u32 s1, $0x2  }
0xbb: {  	s3 =	sand.u32 $0x4000, s31;
	s1 =	sadd.s32 s1, s30  }
0xbc: {  	s0 =	sor.u32 s3, s0;
	s1 =	sshll.u32 s1, $0x11  }
0xbd: {  	s0 =	sor.u32 s1, s0  }
0xbe: {  	s0 =	sadd.s32 $0x8F2B, s0  }
0xbf: {  	[sflag:s0] =	ssyncadd.remote.s32 $0x1  }
0xc0: {  	_ =	sfence.sel $0xFFFF  }
0xc1: {  	[dreg:$0x0] =	wrdreg $0xFFFFFFFF;
	(pc) =	sbr.abs _section_cstart, $3  }
0xc2: {  	[dreg:$0x1] =	wrdreg $0xFFFFFFFF  }
0xc3: {  	_ =	task.clear_ibuf [dreg:s7], $0x2FFFF;
	_ =	strace $0x9FFFFFFF  }
0xc4: {  	(tm) =	ssettm $0x7FFFFFFF  }
0xc5: {  	_ =	shalt  }
tec
execute0_lowered:
.L_overlay_start_1:
0x0: {  	(tag) =	ssettag $0x1  }
0x1: {  	s5 =	rddreg [dreg:$0x0]  }
0x2: {  	s13 =	rddreg [dreg:$0x1];
	s21 =	stileid.u32  }
0x3: {  	s1 =	rddreg [dreg:$0x2];
	s0 =	smul.u32 $0x64000, s21  }
0x4: {  	s2 =	rddreg [dreg:$0x3];
	s3 =	smul.u32 $0x1900, s21  }
0x5: {  	s4 =	simm.s32 $0x0;
	s6 =	srdreg.scid;
	s10 =	smul.u32 $0x620, s21  }
0x6: {  	[smem:$0x7FF] =	sst s4;
	s9 =	sand.u32 $0x1, s6;
	s11 =	smul.u32 $0x62000, s21  }
0x7: {  	s22 =	sadd.s32 $0x7DE00, s5;
	s6 =	sadd.s32 $0x7DC00, s5;
	s15 =	smul.u32 $0xC400, s21  }
0x8: {  	_ =	strace $0x8000004A;
	s14 =	smul.u32 $0x6200, s9;
	[dreg:$0x5] =	wrdreg s22  }
0x9: {  	s8 =	ssub.s32 $0x2, s9;
	s0 =	sadd.s32 s0, s5;
	s20 =	sadd.s32 s3, s5  }
0xa: {  	s12 =	sshrl.u32 s8, $0x1;
	s23 =	sshrl.u32 s11, $0x2;
	s24 =	sshrl.u32 s15, $0x2  }
0xb: {  	s25 =	sadd.s32 $0x80, s10;
	s17 =	sadd.s32 $0x100, s10;
	[smem:$0x7F5] =	sst s0  }
0xc: {  	[smem:$0x7F4] =	sst s20;
	s7 =	sadd.s32 s10, s14;
	s8 =	ssub.s32 s8, s12  }
0xd: {  	s26 =	sadd.s32 s23, s1;
	s3 =	sshll.u32 s25, $0x6;
	s16 =	sshll.u32 s25, $0x3  }
0xe: {  	s18 =	sshll.u32 s17, $0x6;
	s20 =	sadd.s32 $0x180, s10;
	s0 =	sadd.s32 $0x380, s10  }
0xf: {  	s7 =	sshll.u32 s7, $0x3;
	[dreg:$0x6] =	wrdreg s26;
	s15 =	sadd.s32 s3, s1  }
0x10: {  	s12 =	sadd.s32 s16, s2;
	s19 =	sadd.s32 s18, s1;
	s22 =	sshll.u32 s20, $0x6  }
0x11: {  	s11 =	sshll.u32 s20, $0x3;
	s16 =	sadd.s32 $0x200, s10;
	s26 =	sadd.s32 $0x280, s10  }
0x12: {  	s7 =	sadd.s32 s7, s5;
	s5 =	smul.u32 $0x61A8, s9;
	[dreg:$0x7] =	wrdreg s15  }
0x13: {  	s9 =	sadd.s32 s24, s2;
	s15 =	sshll.u32 s17, $0x3;
	[dreg:$0x8] =	wrdreg s19  }
0x14: {  	s23 =	sadd.s32 s22, s1;
	s24 =	sshll.u32 s16, $0x6;
	s25 =	sshll.u32 s16, $0x3  }
0x15: {  	s17 =	sadd.s32 s13, s14;
	s18 =	sshll.u32 s26, $0x6;
	s20 =	sshll.u32 s26, $0x3  }
0x16: {  	s22 =	sadd.s32 $0x300, s10;
	s13 =	sshll.u32 s0, $0x6;
	s3 =	sadd.s32 s15, s2  }
0x17: {  	[dreg:$0x9] =	wrdreg s23;
	s23 =	sadd.s32 s11, s2;
	s11 =	sadd.s32 s24, s1  }
0x18: {  	s24 =	sadd.s32 s25, s2;
	[dreg:$0xa] =	wrdreg s17;
	s19 =	sadd.s32 s18, s1  }
0x19: {  	s25 =	sadd.s32 s20, s2;
	s26 =	sshll.u32 s22, $0x6;
	s15 =	sshll.u32 s22, $0x3  }
0x1a: {  	s17 =	sshll.u32 s0, $0x3;
	s18 =	sadd.s32 $0x400, s10;
	s22 =	sadd.s32 $0x480, s10  }
0x1b: {  	s9 =	sshrl.u32 s9, $0x3;
	[dreg:$0xb] =	wrdreg s19;
	s14 =	sadd.s32 s26, s1  }
0x1c: {  	s26 =	sadd.s32 s15, s2;
	s15 =	sadd.s32 s13, s1;
	s28 =	sadd.s32 s17, s2  }
0x1d: {  	s19 =	sshll.u32 s18, $0x6;
	s20 =	sshll.u32 s18, $0x3;
	s0 =	sshll.u32 s22, $0x6  }
0x1e: {  	s18 =	sshll.u32 s22, $0x3;
	s13 =	sadd.s32 $0x500, s10;
	s22 =	sadd.s32 $0x580, s10  }
0x1f: {  	s10 =	sadd.s32 $0x600, s10;
	[dreg:$0x1b] =	wrdreg s9;
	s3 =	sshrl.u32 s3, $0x3  }
0x20: {  	s9 =	sshrl.u32 s25, $0x3;
	s16 =	sadd.s32 s19, s1;
	s29 =	sadd.s32 s20, s2  }
0x21: {  	s17 =	sadd.s32 s0, s1;
	s30 =	sadd.s32 s18, s2;
	s19 =	sshll.u32 s13, $0x6  }
0x22: {  	s20 =	sshll.u32 s13, $0x3;
	s0 =	sshll.u32 s22, $0x3;
	[dreg:$0x1d] =	wrdreg s3  }
0x23: {  	s13 =	sshll.u32 s10, $0x6;
	[smem:$0x7F6] =	sst s9;
	s18 =	sadd.s32 s19, s1  }
0x24: {  	s31 =	sadd.s32 s20, s2;
	s20 =	sshll.u32 s22, $0x6;
	s22 =	sadd.s32 $0x7E000, s7  }
0x25: {  	s19 =	sadd.s32 s20, s1;
	s20 =	sadd.s32 s13, s1;
	[dreg:$0xc] =	wrdreg s22  }
0x26: {  	s22 =	sadd.s32 $0x7E400, s7;
	s13 =	smax.u32 s8, $0x1;
	s8 =	sld [smem:$0x7F5]  }
0x27: {  	[dreg:$0xd] =	wrdreg s22  }
0x28: {  	s0 =	sadd.s32 s0, s2;
	s25 =	sshrl.u32 s31, $0x3;
	[dreg:$0x19] =	wrdreg s13  }
0x29: {  	s0 =	sshrl.u32 s0, $0x3;
	[smem:$0x7FB] =	sst s25  }
0x2a: {  	s22 =	sadd.s32 $0x7E800, s7;
	[smem:$0x7FC] =	sst s0  }
0x2b: {  	s13 =	sshrl.u32 s12, $0x3;
	[dreg:$0xe] =	wrdreg s22  }
0x2c: {  	s12 =	sshrl.u32 s26, $0x3;
	[dreg:$0x1c] =	wrdreg s13  }
0x2d: {  	s22 =	sadd.s32 $0x7EC00, s7;
	[smem:$0x7F7] =	sst s12  }
0x2e: {  	[dreg:$0xf] =	wrdreg s22;
	s22 =	sadd.s32 $0x7F000, s7  }
0x2f: {  	[dreg:$0x10] =	wrdreg s22;
	s22 =	sadd.s32 $0x7F400, s7  }
0x30: {  	[dreg:$0x11] =	wrdreg s22;
	s22 =	sadd.s32 $0x7F800, s7  }
0x31: {  	p0 =	sne.s32 s21, $0x0;
	[dreg:$0x12] =	wrdreg s22;
	s22 =	sadd.s32 $0x7FC00, s7  }
0x32: {  	s21 =	simm.s32 $0x2400;
	[dreg:$0x13] =	wrdreg s22;
	s22 =	sadd.s32 $0x80000, s7  }
0x33: {  	v0 =	vmov s5;
	s5 =	simm.s32 $0x2700;
	[dreg:$0x14] =	wrdreg s22;
	s22 =	sadd.s32 $0x80400, s7  }
0x34: {  	s10 =	sshll.u32 s10, $0x3;
	[dreg:$0x15] =	wrdreg s22;
	s22 =	sadd.s32 $0x80800, s7  }
0x35: {  	s3 =	simm.s32 $0x2680;
	[dreg:$0x16] =	wrdreg s22;
	s22 =	sadd.s32 $0x80C00, s7  }
0x36: {  	s10 =	sadd.s32 s10, s2;
	s31 =	simm.s32 $0x2580;
	[dreg:$0x17] =	wrdreg s22  }
0x37: {  	s26 =	sshrl.u32 s10, $0x3;
	s25 =	simm.s32 $0x1;
	s22 =	sld [smem:$0x7F4]  }
0x38: {  	s0 =	simm.s32 $0x2600;
	s13 =	sshrl.u32 s28, $0x3;
	[smem:$0x7FD] =	sst s26  }
0x39: {  	s26 =	simm.s32 $0x2000;
	[smem:$0x7F8] =	sst s13;
	s7 =	sadd.s32 $0x81000, s7  }
0x3a: {  	s28 =	simm.s32 $0x80;
	[dreg:$0x18] =	wrdreg s7;
	s7 =	sadd.s32 $0x64A00, s22  }
0x3b: {  	s22 =	sadd.s32 $0x79AE00, s8;
	s8 =	sshrl.u32 s24, $0x3;
	[dreg:$0x1a] =	wrdreg s7  }
0x3c: {  	s12 =	simm.s32 $0x2780;
	s24 =	sshrl.u32 s30, $0x3;
	[dreg:$0x1f] =	wrdreg s8  }
0x3d: {  	s30 =	simm.s32 $0x2500;
	s7 =	sshrl.u32 s23, $0x3;
	[smem:$0x7FA] =	sst s24  }
0x3e: {  	s23 =	sshrl.u32 s29, $0x3;
	s24 =	simm.s32 $0x2800;
	[dreg:$0x1e] =	wrdreg s7  }
0x3f: {  	v1 =	vimm.f32 $0.0e+00;
	s29 =	simm.s32 $0x2480;
	[smem:$0x7F9] =	sst s23;
	s23 =	simm.s32 $0x0  }
.LBB2_1:
0x40: {  	s7 =	rddreg [dreg:$0x5]  }
0x41: {  	[tilespmem:s24], [sflag:$0x1] =	stream.linear.gather [hbm4b:s7+s4], $0x400, $0x38;
	[tilespmem:$0x1E500] =	vst v63  }
0x42: {  	_ =	swait.ge [sflag:s25], $0x400  }
0x43: {  	[sflag:s25] =	ssyncset.done $0x0  }
0x44: {  	s8 =	simm.s32 $0x100;
	s7 =	simm.s32 $0x0;
	[sflag:s25] =	ssyncadd.s32 $0xFFFFFC00  }
.LBB2_2:
0x45: {  	p1 =	sne.s32 s8, $0x7F00;
	[tilespmem:s7+$0x30] =	vst v1;
	s9 =	smov.u32 s8;
	s8 =	sadd.s32 $0x100, s8  }
.Ltmp0:
0x46: {  	[tilespmem:s7+$0x20] =	vst v1;
	(pc) =	sbr.rel @p1 .LBB2_2-.Ltmp0, $3  }
0x47: {  	[tilespmem:s7+$0x0] =	vst v1  }
0x48: {  	[tilespmem:s7+$0x10] =	vst v1;
	_ =	sdelay $0x1  }
0x49: {  	s7 =	sshra.s32 s9, $0x2  }
0x4a: {  	[tilespmem:s7+$0x30] =	vst v1  }
0x4b: {  	[tilespmem:s7+$0x20] =	vst v1  }
0x4c: {  	[tilespmem:s7+$0x0] =	vst v1  }
0x4d: {  	[tilespmem:s7+$0x10] =	vst v1;
	s8 =	simm.s32 $0x0;
	s13 =	rddreg [dreg:$0x6]  }
0x4e: {  	[spmem:s13] =	stream.linear.scatter [tilespmem:s8], [sflag:$0x1], $0x2000, $0x38;
	[tilespmem:$0x1E500] =	vst v63  }
0x4f: {  	s9 =	stileid.u32;
	_ =	swait.ge [sflag:s25], $0x2000  }
0x50: {  	s7 =	sshll.u32 s9, $0x6;
	[sflag:s25] =	ssyncset.done $0x0  }
0x51: {  	s7 =	sor.u32 $0x1C01, s7;
	s9 =	rddreg [dreg:$0x1b];
	[sflag:s25] =	ssyncadd.s32 $0xFFFFE000  }
0x52: {  	[spmem:s9], [sflag:s7] =	dma.local [hbm:s6], $0x80  }
0x53: {  	_ =	swait.ge [sflag:s25], $0x80  }
0x54: {  	[sflag:s25] =	ssyncset.done $0x0  }
0x55: {  	s10 =	rddreg [dreg:$0x7];
	[sflag:s25] =	ssyncadd.s32 $0xFFFFFF80  }
0x56: {  	[spmem:s10] =	stream.linear.scatter [tilespmem:s8], [sflag:$0x1], $0x2000, $0x38;
	[tilespmem:$0x1E500] =	vst v63  }
0x57: {  	_ =	swait.ge [sflag:s25], $0x2000  }
0x58: {  	[sflag:s25] =	ssyncset.done $0x0  }
0x59: {  	s13 =	rddreg [dreg:$0x1c];
	[sflag:s25] =	ssyncadd.s32 $0xFFFFE000  }
0x5a: {  	[spmem:s13], [sflag:s7] =	dma.local [hbm:s6], $0x80  }
0x5b: {  	_ =	swait.ge [sflag:s25], $0x80  }
0x5c: {  	[sflag:s25] =	ssyncset.done $0x0  }
0x5d: {  	s10 =	rddreg [dreg:$0x8];
	[sflag:s25] =	ssyncadd.s32 $0xFFFFFF80  }
0x5e: {  	[spmem:s10] =	stream.linear.scatter [tilespmem:s8], [sflag:$0x1], $0x2000, $0x38;
	[tilespmem:$0x1E500] =	vst v63  }
0x5f: {  	_ =	swait.ge [sflag:s25], $0x2000  }
0x60: {  	[sflag:s25] =	ssyncset.done $0x0  }
0x61: {  	s13 =	rddreg [dreg:$0x1d];
	[sflag:s25] =	ssyncadd.s32 $0xFFFFE000  }
0x62: {  	[spmem:s13], [sflag:s7] =	dma.local [hbm:s6], $0x80  }
0x63: {  	_ =	swait.ge [sflag:s25], $0x80  }
0x64: {  	[sflag:s25] =	ssyncset.done $0x0  }
0x65: {  	s10 =	rddreg [dreg:$0x9];
	[sflag:s25] =	ssyncadd.s32 $0xFFFFFF80  }
0x66: {  	[spmem:s10] =	stream.linear.scatter [tilespmem:s8], [sflag:$0x1], $0x2000, $0x38;
	[tilespmem:$0x1E500] =	vst v63  }
0x67: {  	_ =	swait.ge [sflag:s25], $0x2000  }
0x68: {  	[sflag:s25] =	ssyncset.done $0x0  }
0x69: {  	s13 =	rddreg [dreg:$0x1e];
	[sflag:s25] =	ssyncadd.s32 $0xFFFFE000  }
0x6a: {  	[spmem:s13], [sflag:s7] =	dma.local [hbm:s6], $0x80  }
0x6b: {  	_ =	swait.ge [sflag:s25], $0x80  }
0x6c: {  	[sflag:s25] =	ssyncset.done $0x0  }
0x6d: {  	[sflag:s25] =	ssyncadd.s32 $0xFFFFFF80  }
0x6e: {  	[spmem:s11] =	stream.linear.scatter [tilespmem:s8], [sflag:$0x1], $0x2000, $0x38;
	[tilespmem:$0x1E500] =	vst v63  }
0x6f: {  	_ =	swait.ge [sflag:s25], $0x2000  }
0x70: {  	[sflag:s25] =	ssyncset.done $0x0  }
0x71: {  	s10 =	rddreg [dreg:$0x1f];
	[sflag:s25] =	ssyncadd.s32 $0xFFFFE000  }
0x72: {  	[spmem:s10], [sflag:s7] =	dma.local [hbm:s6], $0x80  }
0x73: {  	_ =	swait.ge [sflag:s25], $0x80  }
0x74: {  	[sflag:s25] =	ssyncset.done $0x0  }
0x75: {  	s13 =	smov.u32 s11;
	s11 =	rddreg [dreg:$0xb];
	[sflag:s25] =	ssyncadd.s32 $0xFFFFFF80  }
0x76: {  	[spmem:s11] =	stream.linear.scatter [tilespmem:s8], [sflag:$0x1], $0x2000, $0x38;
	[tilespmem:$0x1E500] =	vst v63  }
0x77: {  	_ =	swait.ge [sflag:s25], $0x2000  }
0x78: {  	s10 =	sld [smem:$0x7F6]  }
0x79: {  	[sflag:s25] =	ssyncset.done $0x0  }
0x7a: {  	[sflag:s25] =	ssyncadd.s32 $0xFFFFE000  }
0x7b: {  	[spmem:s10], [sflag:s7] =	dma.local [hbm:s6], $0x80  }
0x7c: {  	_ =	swait.ge [sflag:s25], $0x80  }
0x7d: {  	[sflag:s25] =	ssyncset.done $0x0  }
0x7e: {  	[sflag:s25] =	ssyncadd.s32 $0xFFFFFF80  }
0x7f: {  	[spmem:s14] =	stream.linear.scatter [tilespmem:s8], [sflag:$0x1], $0x2000, $0x38;
	[tilespmem:$0x1E500] =	vst v63  }
0x80: {  	_ =	swait.ge [sflag:s25], $0x2000  }
0x81: {  	s11 =	sld [smem:$0x7F7]  }
0x82: {  	[sflag:s25] =	ssyncset.done $0x0  }
0x83: {  	[sflag:s25] =	ssyncadd.s32 $0xFFFFE000  }
0x84: {  	[spmem:s11], [sflag:s7] =	dma.local [hbm:s6], $0x80  }
0x85: {  	_ =	swait.ge [sflag:s25], $0x80  }
0x86: {  	[sflag:s25] =	ssyncset.done $0x0  }
0x87: {  	[sflag:s25] =	ssyncadd.s32 $0xFFFFFF80  }
0x88: {  	[spmem:s15] =	stream.linear.scatter [tilespmem:s8], [sflag:$0x1], $0x2000, $0x38;
	[tilespmem:$0x1E500] =	vst v63  }
0x89: {  	_ =	swait.ge [sflag:s25], $0x2000  }
0x8a: {  	s10 =	sld [smem:$0x7F8]  }
0x8b: {  	[sflag:s25] =	ssyncset.done $0x0  }
0x8c: {  	[sflag:s25] =	ssyncadd.s32 $0xFFFFE000  }
0x8d: {  	[spmem:s10], [sflag:s7] =	dma.local [hbm:s6], $0x80  }
0x8e: {  	_ =	swait.ge [sflag:s25], $0x80  }
0x8f: {  	[sflag:s25] =	ssyncset.done $0x0  }
0x90: {  	[sflag:s25] =	ssyncadd.s32 $0xFFFFFF80  }
0x91: {  	[spmem:s16] =	stream.linear.scatter [tilespmem:s8], [sflag:$0x1], $0x2000, $0x38;
	[tilespmem:$0x1E500] =	vst v63  }
0x92: {  	_ =	swait.ge [sflag:s25], $0x2000  }
0x93: {  	s11 =	sld [smem:$0x7F9]  }
0x94: {  	[sflag:s25] =	ssyncset.done $0x0  }
0x95: {  	[sflag:s25] =	ssyncadd.s32 $0xFFFFE000  }
0x96: {  	[spmem:s11], [sflag:s7] =	dma.local [hbm:s6], $0x80  }
0x97: {  	_ =	swait.ge [sflag:s25], $0x80  }
0x98: {  	[sflag:s25] =	ssyncset.done $0x0  }
0x99: {  	[sflag:s25] =	ssyncadd.s32 $0xFFFFFF80  }
0x9a: {  	[spmem:s17] =	stream.linear.scatter [tilespmem:s8], [sflag:$0x1], $0x2000, $0x38;
	[tilespmem:$0x1E500] =	vst v63  }
0x9b: {  	_ =	swait.ge [sflag:s25], $0x2000  }
0x9c: {  	s10 =	sld [smem:$0x7FA]  }
0x9d: {  	[sflag:s25] =	ssyncset.done $0x0  }
0x9e: {  	[sflag:s25] =	ssyncadd.s32 $0xFFFFE000  }
0x9f: {  	[spmem:s10], [sflag:s7] =	dma.local [hbm:s6], $0x80  }
0xa0: {  	_ =	swait.ge [sflag:s25], $0x80  }
0xa1: {  	[sflag:s25] =	ssyncset.done $0x0  }
0xa2: {  	[sflag:s25] =	ssyncadd.s32 $0xFFFFFF80  }
0xa3: {  	[spmem:s18] =	stream.linear.scatter [tilespmem:s8], [sflag:$0x1], $0x2000, $0x38;
	[tilespmem:$0x1E500] =	vst v63  }
0xa4: {  	_ =	swait.ge [sflag:s25], $0x2000  }
0xa5: {  	s11 =	sld [smem:$0x7FB]  }
0xa6: {  	[sflag:s25] =	ssyncset.done $0x0  }
0xa7: {  	[sflag:s25] =	ssyncadd.s32 $0xFFFFE000  }
0xa8: {  	[spmem:s11], [sflag:s7] =	dma.local [hbm:s6], $0x80  }
0xa9: {  	_ =	swait.ge [sflag:s25], $0x80  }
0xaa: {  	[sflag:s25] =	ssyncset.done $0x0  }
0xab: {  	[sflag:s25] =	ssyncadd.s32 $0xFFFFFF80  }
0xac: {  	[spmem:s19] =	stream.linear.scatter [tilespmem:s8], [sflag:$0x1], $0x2000, $0x38;
	[tilespmem:$0x1E500] =	vst v63  }
0xad: {  	_ =	swait.ge [sflag:s25], $0x2000  }
0xae: {  	s10 =	sld [smem:$0x7FC]  }
0xaf: {  	[sflag:s25] =	ssyncset.done $0x0  }
0xb0: {  	[sflag:s25] =	ssyncadd.s32 $0xFFFFE000  }
0xb1: {  	[spmem:s10], [sflag:s7] =	dma.local [hbm:s6], $0x80  }
0xb2: {  	_ =	swait.ge [sflag:s25], $0x80  }
0xb3: {  	[sflag:s25] =	ssyncset.done $0x0  }
0xb4: {  	[sflag:s25] =	ssyncadd.s32 $0xFFFFFF80  }
0xb5: {  	[spmem:s20] =	stream.linear.scatter [tilespmem:s8], [sflag:$0x1], $0x800, $0x38;
	[tilespmem:$0x1E500] =	vst v63  }
0xb6: {  	_ =	swait.ge [sflag:s25], $0x800  }
0xb7: {  	s11 =	sld [smem:$0x7FD]  }
0xb8: {  	[sflag:s25] =	ssyncset.done $0x0  }
0xb9: {  	[sflag:s25] =	ssyncadd.s32 $0xFFFFF800  }
0xba: {  	[spmem:s11], [sflag:s7] =	dma.local [hbm:s6], $0x20  }
0xbb: {  	_ =	swait.ge [sflag:s25], $0x20  }
0xbc: {  	[sflag:s25] =	ssyncset.done $0x0  }
0xbd: {  	[sflag:s25] =	ssyncadd.s32 $0xFFFFFFE0  }
0xbe: {  	[bflag:$0x0] =	sbarrier.arrive $0xFFFF  }
0xbf: {  	s9 =	rddreg [dreg:$0x1a]  }
.LBB2_4:
0xc0: {  	[tilespmem:s26], [sflag:$0x1] =	stream.linear.gather [hbm4b:s9+s4], $0x400, $0x38;
	[tilespmem:$0x1E500] =	vst v63  }
0xc1: {  	_ =	swait.ge [sflag:s25], $0x400  }
0xc2: {  	[sflag:s25] =	ssyncset.done $0x0  }
0xc3: {  	[sflag:s25] =	ssyncadd.s32 $0xFFFFFC00  }
0xc4: {  	v2 =	vld [tilespmem:$0x2000]  }
0xc5: {  	v3 =	vld [tilespmem:$0x2010]  }
0xc6: {  	v4 =	vld [tilespmem:$0x2020]  }
0xc7: {  	v5 =	vld [tilespmem:$0x2030]  }
0xc8: {  	v6 =	vld [tilespmem:$0x2040]  }
0xc9: {  	v7 =	vld [tilespmem:$0x2050];
	v2 =	vsub.s32 v2, v0  }
0xca: {  	v8 =	vld [tilespmem:$0x2060];
	v3 =	vsub.s32 v3, v0;
	v2 =	vmin.u32 v2, $0x61A8  }
0xcb: {  	v59 =	vld [tilespmem:$0x2070];
	[tilespmem:$0x2400] =	vst v2;
	v2 =	vmin.u32 v3, $0x61A8;
	v3 =	vsub.s32 v4, v0  }
0xcc: {  	v60 =	vld [tilespmem:$0x2080];
	[tilespmem:$0x2410] =	vst v2;
	v2 =	vmin.u32 v3, $0x61A8;
	v3 =	vsub.s32 v5, v0  }
0xcd: {  	v61 =	vld [tilespmem:$0x2090];
	[tilespmem:$0x2420] =	vst v2;
	v2 =	vmin.u32 v3, $0x61A8;
	v3 =	vsub.s32 v6, v0  }
0xce: {  	v62 =	vld [tilespmem:$0x20A0];
	[tilespmem:$0x2430] =	vst v2;
	v2 =	vmin.u32 v3, $0x61A8;
	v3 =	vsub.s32 v7, v0  }
0xcf: {  	v63 =	vld [tilespmem:$0x20B0];
	[tilespmem:$0x2440] =	vst v2;
	v2 =	vmin.u32 v3, $0x61A8;
	v3 =	vsub.s32 v8, v0  }
0xd0: {  	v12 =	vld [tilespmem:$0x20C0];
	[tilespmem:$0x2450] =	vst v2;
	v2 =	vmin.u32 v3, $0x61A8;
	v3 =	vsub.s32 v59, v0  }
0xd1: {  	v13 =	vld [tilespmem:$0x20D0];
	[tilespmem:$0x2460] =	vst v2;
	v2 =	vmin.u32 v3, $0x61A8;
	v3 =	vsub.s32 v60, v0  }
0xd2: {  	v14 =	vld [tilespmem:$0x20E0];
	[tilespmem:$0x2470] =	vst v2;
	v2 =	vmin.u32 v3, $0x61A8;
	v3 =	vsub.s32 v61, v0  }
0xd3: {  	v15 =	vld [tilespmem:$0x20F0];
	[tilespmem:$0x2480] =	vst v2;
	v2 =	vmin.u32 v3, $0x61A8;
	v3 =	vsub.s32 v62, v0  }
0xd4: {  	v16 =	vld [tilespmem:$0x2100];
	[tilespmem:$0x2490] =	vst v2;
	v2 =	vmin.u32 v3, $0x61A8;
	v3 =	vsub.s32 v63, v0  }
0xd5: {  	v17 =	vld [tilespmem:$0x2110];
	[tilespmem:$0x24A0] =	vst v2;
	v2 =	vmin.u32 v3, $0x61A8;
	v3 =	vsub.s32 v12, v0  }
0xd6: {  	v18 =	vld [tilespmem:$0x2120];
	[tilespmem:$0x24B0] =	vst v2;
	v2 =	vmin.u32 v3, $0x61A8;
	v3 =	vsub.s32 v13, v0  }
0xd7: {  	v19 =	vld [tilespmem:$0x2130];
	[tilespmem:$0x24C0] =	vst v2;
	v2 =	vmin.u32 v3, $0x61A8;
	v3 =	vsub.s32 v14, v0  }
0xd8: {  	v20 =	vld [tilespmem:$0x2140];
	[tilespmem:$0x24D0] =	vst v2;
	v2 =	vmin.u32 v3, $0x61A8;
	v3 =	vsub.s32 v15, v0  }
0xd9: {  	v21 =	vld [tilespmem:$0x2150];
	[tilespmem:$0x24E0] =	vst v2;
	v2 =	vmin.u32 v3, $0x61A8;
	v3 =	vsub.s32 v16, v0  }
0xda: {  	v22 =	vld [tilespmem:$0x2160];
	[tilespmem:$0x24F0] =	vst v2;
	v2 =	vmin.u32 v3, $0x61A8;
	v3 =	vsub.s32 v17, v0  }
0xdb: {  	v23 =	vld [tilespmem:$0x2170];
	[tilespmem:$0x2500] =	vst v2;
	v2 =	vmin.u32 v3, $0x61A8;
	v3 =	vsub.s32 v18, v0  }
0xdc: {  	v24 =	vld [tilespmem:$0x2180];
	[tilespmem:$0x2510] =	vst v2;
	v2 =	vmin.u32 v3, $0x61A8;
	v3 =	vsub.s32 v19, v0  }
0xdd: {  	v25 =	vld [tilespmem:$0x2190];
	[tilespmem:$0x2520] =	vst v2;
	v2 =	vmin.u32 v3, $0x61A8;
	v3 =	vsub.s32 v20, v0  }
0xde: {  	v26 =	vld [tilespmem:$0x21A0];
	[tilespmem:$0x2530] =	vst v2;
	v2 =	vmin.u32 v3, $0x61A8;
	v3 =	vsub.s32 v21, v0  }
0xdf: {  	v27 =	vld [tilespmem:$0x21B0];
	[tilespmem:$0x2540] =	vst v2;
	v2 =	vmin.u32 v3, $0x61A8;
	v3 =	vsub.s32 v22, v0  }
0xe0: {  	v28 =	vld [tilespmem:$0x21C0];
	[tilespmem:$0x2550] =	vst v2;
	v2 =	vmin.u32 v3, $0x61A8;
	v3 =	vsub.s32 v23, v0  }
0xe1: {  	v29 =	vld [tilespmem:$0x21D0];
	[tilespmem:$0x2560] =	vst v2;
	v2 =	vmin.u32 v3, $0x61A8;
	v3 =	vsub.s32 v24, v0  }
0xe2: {  	v30 =	vld [tilespmem:$0x21E0];
	[tilespmem:$0x2570] =	vst v2;
	v2 =	vmin.u32 v3, $0x61A8;
	v3 =	vsub.s32 v25, v0  }
0xe3: {  	v31 =	vld [tilespmem:$0x21F0];
	[tilespmem:$0x2580] =	vst v2;
	v2 =	vmin.u32 v3, $0x61A8;
	v3 =	vsub.s32 v26, v0  }
0xe4: {  	v32 =	vld [tilespmem:$0x2200];
	[tilespmem:$0x2590] =	vst v2;
	v2 =	vmin.u32 v3, $0x61A8;
	v3 =	vsub.s32 v27, v0  }
0xe5: {  	v33 =	vld [tilespmem:$0x2210];
	[tilespmem:$0x25A0] =	vst v2;
	v2 =	vmin.u32 v3, $0x61A8;
	v3 =	vsub.s32 v28, v0  }
0xe6: {  	v34 =	vld [tilespmem:$0x2220];
	[tilespmem:$0x25B0] =	vst v2;
	v2 =	vmin.u32 v3, $0x61A8;
	v3 =	vsub.s32 v29, v0  }
0xe7: {  	v35 =	vld [tilespmem:$0x2230];
	[tilespmem:$0x25C0] =	vst v2;
	v2 =	vmin.u32 v3, $0x61A8;
	v3 =	vsub.s32 v30, v0  }
0xe8: {  	v36 =	vld [tilespmem:$0x2240];
	[tilespmem:$0x25D0] =	vst v2;
	v2 =	vmin.u32 v3, $0x61A8;
	v3 =	vsub.s32 v31, v0  }
0xe9: {  	v37 =	vld [tilespmem:$0x2250];
	[tilespmem:$0x25E0] =	vst v2;
	v2 =	vmin.u32 v3, $0x61A8;
	v3 =	vsub.s32 v32, v0  }
0xea: {  	v38 =	vld [tilespmem:$0x2260];
	[tilespmem:$0x25F0] =	vst v2;
	v2 =	vmin.u32 v3, $0x61A8;
	v3 =	vsub.s32 v33, v0  }
0xeb: {  	v39 =	vld [tilespmem:$0x2270];
	[tilespmem:$0x2600] =	vst v2;
	v2 =	vmin.u32 v3, $0x61A8;
	v3 =	vsub.s32 v34, v0  }
0xec: {  	v40 =	vld [tilespmem:$0x2280];
	[tilespmem:$0x2610] =	vst v2;
	v2 =	vmin.u32 v3, $0x61A8;
	v3 =	vsub.s32 v35, v0  }
0xed: {  	v41 =	vld [tilespmem:$0x2290];
	[tilespmem:$0x2620] =	vst v2;
	v2 =	vmin.u32 v3, $0x61A8;
	v3 =	vsub.s32 v36, v0  }
0xee: {  	v42 =	vld [tilespmem:$0x22A0];
	[tilespmem:$0x2630] =	vst v2;
	v2 =	vmin.u32 v3, $0x61A8;
	v3 =	vsub.s32 v37, v0  }
0xef: {  	v43 =	vld [tilespmem:$0x22B0];
	[tilespmem:$0x2640] =	vst v2;
	v2 =	vmin.u32 v3, $0x61A8;
	v3 =	vsub.s32 v38, v0  }
0xf0: {  	v44 =	vld [tilespmem:$0x22C0];
	[tilespmem:$0x2650] =	vst v2;
	v2 =	vmin.u32 v3, $0x61A8;
	v3 =	vsub.s32 v39, v0  }
0xf1: {  	v45 =	vld [tilespmem:$0x22D0];
	[tilespmem:$0x2660] =	vst v2;
	v2 =	vmin.u32 v3, $0x61A8;
	v3 =	vsub.s32 v40, v0  }
0xf2: {  	v46 =	vld [tilespmem:$0x22E0];
	[tilespmem:$0x2670] =	vst v2;
	v2 =	vmin.u32 v3, $0x61A8;
	v3 =	vsub.s32 v41, v0  }
0xf3: {  	v47 =	vld [tilespmem:$0x22F0];
	[tilespmem:$0x2680] =	vst v2;
	v2 =	vmin.u32 v3, $0x61A8;
	v3 =	vsub.s32 v42, v0  }
0xf4: {  	v48 =	vld [tilespmem:$0x2300];
	[tilespmem:$0x2690] =	vst v2;
	v2 =	vmin.u32 v3, $0x61A8;
	v3 =	vsub.s32 v43, v0  }
0xf5: {  	v49 =	vld [tilespmem:$0x2310];
	[tilespmem:$0x26A0] =	vst v2;
	v2 =	vmin.u32 v3, $0x61A8;
	v3 =	vsub.s32 v44, v0  }
0xf6: {  	v50 =	vld [tilespmem:$0x2320];
	[tilespmem:$0x26B0] =	vst v2;
	v2 =	vmin.u32 v3, $0x61A8;
	v3 =	vsub.s32 v45, v0  }
0xf7: {  	v51 =	vld [tilespmem:$0x2330];
	[tilespmem:$0x26C0] =	vst v2;
	v2 =	vmin.u32 v3, $0x61A8;
	v3 =	vsub.s32 v46, v0  }
0xf8: {  	v52 =	vld [tilespmem:$0x2340];
	[tilespmem:$0x26D0] =	vst v2;
	v2 =	vmin.u32 v3, $0x61A8;
	v3 =	vsub.s32 v47, v0  }
0xf9: {  	v53 =	vld [tilespmem:$0x2350];
	[tilespmem:$0x26E0] =	vst v2;
	v2 =	vmin.u32 v3, $0x61A8;
	v3 =	vsub.s32 v48, v0  }
0xfa: {  	v54 =	vld [tilespmem:$0x2360];
	[tilespmem:$0x26F0] =	vst v2;
	v2 =	vmin.u32 v3, $0x61A8;
	v3 =	vsub.s32 v49, v0  }
0xfb: {  	v55 =	vld [tilespmem:$0x2370];
	[tilespmem:$0x2700] =	vst v2;
	v2 =	vmin.u32 v3, $0x61A8;
	v3 =	vsub.s32 v50, v0  }
0xfc: {  	v56 =	vld [tilespmem:$0x2380];
	[tilespmem:$0x2710] =	vst v2;
	v2 =	vmin.u32 v3, $0x61A8;
	v3 =	vsub.s32 v51, v0  }
0xfd: {  	v57 =	vld [tilespmem:$0x2390];
	[tilespmem:$0x2720] =	vst v2;
	v2 =	vmin.u32 v3, $0x61A8;
	v3 =	vsub.s32 v52, v0  }
0xfe: {  	v58 =	vld [tilespmem:$0x23A0];
	[tilespmem:$0x2730] =	vst v2;
	v2 =	vmin.u32 v3, $0x61A8;
	v3 =	vsub.s32 v53, v0  }
0xff: {  	v59 =	vld [tilespmem:$0x23B0];
	[tilespmem:$0x2740] =	vst v2;
	v2 =	vmin.u32 v3, $0x61A8;
	v3 =	vsub.s32 v54, v0  }
0x100: {  	v60 =	vld [tilespmem:$0x23C0];
	[tilespmem:$0x2750] =	vst v2;
	v2 =	vmin.u32 v3, $0x61A8;
	v3 =	vsub.s32 v55, v0  }
0x101: {  	v61 =	vld [tilespmem:$0x23D0];
	[tilespmem:$0x2760] =	vst v2;
	v2 =	vmin.u32 v3, $0x61A8;
	v3 =	vsub.s32 v56, v0  }
0x102: {  	v62 =	vld [tilespmem:$0x23E0];
	[tilespmem:$0x2770] =	vst v2;
	v2 =	vmin.u32 v3, $0x61A8;
	v3 =	vsub.s32 v57, v0  }
0x103: {  	v63 =	vld [tilespmem:$0x23F0];
	[tilespmem:$0x2780] =	vst v2;
	v2 =	vmin.u32 v3, $0x61A8;
	v3 =	vsub.s32 v58, v0  }
0x104: {  	[tilespmem:$0x2790] =	vst v2;
	v2 =	vmin.u32 v3, $0x61A8;
	v3 =	vsub.s32 v59, v0  }
0x105: {  	[tilespmem:$0x27A0] =	vst v2;
	v2 =	vmin.u32 v3, $0x61A8;
	v3 =	vsub.s32 v60, v0  }
0x106: {  	[tilespmem:$0x27B0] =	vst v2;
	v2 =	vmin.u32 v3, $0x61A8;
	v3 =	vsub.s32 v61, v0  }
0x107: {  	[tilespmem:$0x27C0] =	vst v2;
	v2 =	vmin.u32 v3, $0x61A8;
	v3 =	vsub.s32 v62, v0  }
0x108: {  	[tilespmem:$0x27D0] =	vst v2;
	v2 =	vmin.u32 v3, $0x61A8;
	v3 =	vsub.s32 v63, v0  }
0x109: {  	[tilespmem:$0x27E0] =	vst v2;
	v2 =	vmin.u32 v3, $0x61A8  }
0x10a: {  	s10 =	sadd.s32 s8, s22;
	[tilespmem:$0x27F0] =	vst v2  }
0x10b: {  	[tilespmem:s4], [sflag:$0x1] =	stream.linear.gather [hbm4b:s10+s4], $0x2000, $0x38;
	[tilespmem:$0x1E500] =	vst v63  }
0x10c: {  	_ =	swait.ge [sflag:s25], $0x2000  }
0x10d: {  	[sflag:s25] =	ssyncset.done $0x0  }
0x10e: {  	[sflag:s25] =	ssyncadd.s32 $0xFFFFE000  }
0x10f: {  	[spmem:s1] =	stream.indirect.scatter.add.f32 [tilespmem:s4], [sflag:$0x1], $0x40, s21, s28, $0xb8;
	[tilespmem:$0x1E500] =	vst v63  }
0x110: {  	_ =	swait.ge [sflag:s25], $0x2000  }
0x111: {  	[sflag:s25] =	ssyncset.done $0x0  }
0x112: {  	[sflag:s25] =	ssyncadd.s32 $0xFFFFE000  }
0x113: {  	[spmem:s2] =	stream.indirect.scatter.add.f32 [tilespmem:s24], [sflag:$0x1], $0x8, s21, s28, $0xb8;
	[tilespmem:$0x1E500] =	vst v63  }
0x114: {  	_ =	swait.ge [sflag:s25], $0x400  }
0x115: {  	[sflag:s25] =	ssyncset.done $0x0  }
0x116: {  	s11 =	sadd.s32 $0x400, s10;
	[sflag:s25] =	ssyncadd.s32 $0xFFFFFC00  }
0x117: {  	[tilespmem:s4], [sflag:$0x1] =	stream.linear.gather [hbm4b:s11+s4], $0x2000, $0x38;
	[tilespmem:$0x1E500] =	vst v63  }
0x118: {  	_ =	swait.ge [sflag:s25], $0x2000  }
0x119: {  	[sflag:s25] =	ssyncset.done $0x0  }
0x11a: {  	[sflag:s25] =	ssyncadd.s32 $0xFFFFE000  }
0x11b: {  	[spmem:s1] =	stream.indirect.scatter.add.f32 [tilespmem:s4], [sflag:$0x1], $0x40, s29, s28, $0xb8;
	[tilespmem:$0x1E500] =	vst v63  }
0x11c: {  	_ =	swait.ge [sflag:s25], $0x2000  }
0x11d: {  	[sflag:s25] =	ssyncset.done $0x0  }
0x11e: {  	[sflag:s25] =	ssyncadd.s32 $0xFFFFE000  }
0x11f: {  	[spmem:s2] =	stream.indirect.scatter.add.f32 [tilespmem:s24], [sflag:$0x1], $0x8, s29, s28, $0xb8;
	[tilespmem:$0x1E500] =	vst v63  }
0x120: {  	_ =	swait.ge [sflag:s25], $0x400  }
0x121: {  	[sflag:s25] =	ssyncset.done $0x0  }
0x122: {  	s11 =	sadd.s32 $0x800, s10;
	[sflag:s25] =	ssyncadd.s32 $0xFFFFFC00  }
0x123: {  	[tilespmem:s4], [sflag:$0x1] =	stream.linear.gather [hbm4b:s11+s4], $0x2000, $0x38;
	[tilespmem:$0x1E500] =	vst v63  }
0x124: {  	_ =	swait.ge [sflag:s25], $0x2000  }
0x125: {  	[sflag:s25] =	ssyncset.done $0x0  }
0x126: {  	[sflag:s25] =	ssyncadd.s32 $0xFFFFE000  }
0x127: {  	[spmem:s1] =	stream.indirect.scatter.add.f32 [tilespmem:s4], [sflag:$0x1], $0x40, s30, s28, $0xb8;
	[tilespmem:$0x1E500] =	vst v63  }
0x128: {  	_ =	swait.ge [sflag:s25], $0x2000  }
0x129: {  	[sflag:s25] =	ssyncset.done $0x0  }
0x12a: {  	[sflag:s25] =	ssyncadd.s32 $0xFFFFE000  }
0x12b: {  	[spmem:s2] =	stream.indirect.scatter.add.f32 [tilespmem:s24], [sflag:$0x1], $0x8, s30, s28, $0xb8;
	[tilespmem:$0x1E500] =	vst v63  }
0x12c: {  	_ =	swait.ge [sflag:s25], $0x400  }
0x12d: {  	[sflag:s25] =	ssyncset.done $0x0  }
0x12e: {  	s11 =	sadd.s32 $0xC00, s10;
	[sflag:s25] =	ssyncadd.s32 $0xFFFFFC00  }
0x12f: {  	[tilespmem:s4], [sflag:$0x1] =	stream.linear.gather [hbm4b:s11+s4], $0x2000, $0x38;
	[tilespmem:$0x1E500] =	vst v63  }
0x130: {  	_ =	swait.ge [sflag:s25], $0x2000  }
0x131: {  	[sflag:s25] =	ssyncset.done $0x0  }
0x132: {  	[sflag:s25] =	ssyncadd.s32 $0xFFFFE000  }
0x133: {  	[spmem:s1] =	stream.indirect.scatter.add.f32 [tilespmem:s4], [sflag:$0x1], $0x40, s31, s28, $0xb8;
	[tilespmem:$0x1E500] =	vst v63  }
0x134: {  	_ =	swait.ge [sflag:s25], $0x2000  }
0x135: {  	[sflag:s25] =	ssyncset.done $0x0  }
0x136: {  	[sflag:s25] =	ssyncadd.s32 $0xFFFFE000  }
0x137: {  	[spmem:s2] =	stream.indirect.scatter.add.f32 [tilespmem:s24], [sflag:$0x1], $0x8, s31, s28, $0xb8;
	[tilespmem:$0x1E500] =	vst v63  }
0x138: {  	_ =	swait.ge [sflag:s25], $0x400  }
0x139: {  	[sflag:s25] =	ssyncset.done $0x0  }
0x13a: {  	s11 =	sadd.s32 $0x1000, s10;
	[sflag:s25] =	ssyncadd.s32 $0xFFFFFC00  }
0x13b: {  	[tilespmem:s4], [sflag:$0x1] =	stream.linear.gather [hbm4b:s11+s4], $0x2000, $0x38;
	[tilespmem:$0x1E500] =	vst v63  }
0x13c: {  	_ =	swait.ge [sflag:s25], $0x2000  }
0x13d: {  	[sflag:s25] =	ssyncset.done $0x0  }
0x13e: {  	[sflag:s25] =	ssyncadd.s32 $0xFFFFE000  }
0x13f: {  	[spmem:s1] =	stream.indirect.scatter.add.f32 [tilespmem:s4], [sflag:$0x1], $0x40, s0, s28, $0xb8;
	[tilespmem:$0x1E500] =	vst v63  }
0x140: {  	_ =	swait.ge [sflag:s25], $0x2000  }
0x141: {  	[sflag:s25] =	ssyncset.done $0x0  }
0x142: {  	[sflag:s25] =	ssyncadd.s32 $0xFFFFE000  }
0x143: {  	[spmem:s2] =	stream.indirect.scatter.add.f32 [tilespmem:s24], [sflag:$0x1], $0x8, s0, s28, $0xb8;
	[tilespmem:$0x1E500] =	vst v63  }
0x144: {  	_ =	swait.ge [sflag:s25], $0x400  }
0x145: {  	[sflag:s25] =	ssyncset.done $0x0  }
0x146: {  	s11 =	sadd.s32 $0x1400, s10;
	[sflag:s25] =	ssyncadd.s32 $0xFFFFFC00  }
0x147: {  	[tilespmem:s4], [sflag:$0x1] =	stream.linear.gather [hbm4b:s11+s4], $0x2000, $0x38;
	[tilespmem:$0x1E500] =	vst v63  }
0x148: {  	_ =	swait.ge [sflag:s25], $0x2000  }
0x149: {  	[sflag:s25] =	ssyncset.done $0x0  }
0x14a: {  	[sflag:s25] =	ssyncadd.s32 $0xFFFFE000  }
0x14b: {  	[spmem:s1] =	stream.indirect.scatter.add.f32 [tilespmem:s4], [sflag:$0x1], $0x40, s3, s28, $0xb8;
	[tilespmem:$0x1E500] =	vst v63  }
0x14c: {  	_ =	swait.ge [sflag:s25], $0x2000  }
0x14d: {  	[sflag:s25] =	ssyncset.done $0x0  }
0x14e: {  	[sflag:s25] =	ssyncadd.s32 $0xFFFFE000  }
0x14f: {  	[spmem:s2] =	stream.indirect.scatter.add.f32 [tilespmem:s24], [sflag:$0x1], $0x8, s3, s28, $0xb8;
	[tilespmem:$0x1E500] =	vst v63  }
0x150: {  	_ =	swait.ge [sflag:s25], $0x400  }
0x151: {  	[sflag:s25] =	ssyncset.done $0x0  }
0x152: {  	s11 =	sadd.s32 $0x1800, s10;
	[sflag:s25] =	ssyncadd.s32 $0xFFFFFC00  }
0x153: {  	[tilespmem:s4], [sflag:$0x1] =	stream.linear.gather [hbm4b:s11+s4], $0x2000, $0x38;
	[tilespmem:$0x1E500] =	vst v63  }
0x154: {  	_ =	swait.ge [sflag:s25], $0x2000  }
0x155: {  	[sflag:s25] =	ssyncset.done $0x0  }
0x156: {  	[sflag:s25] =	ssyncadd.s32 $0xFFFFE000  }
0x157: {  	[spmem:s1] =	stream.indirect.scatter.add.f32 [tilespmem:s4], [sflag:$0x1], $0x40, s5, s28, $0xb8;
	[tilespmem:$0x1E500] =	vst v63  }
0x158: {  	_ =	swait.ge [sflag:s25], $0x2000  }
0x159: {  	[sflag:s25] =	ssyncset.done $0x0  }
0x15a: {  	[sflag:s25] =	ssyncadd.s32 $0xFFFFE000  }
0x15b: {  	[spmem:s2] =	stream.indirect.scatter.add.f32 [tilespmem:s24], [sflag:$0x1], $0x8, s5, s28, $0xb8;
	[tilespmem:$0x1E500] =	vst v63  }
0x15c: {  	_ =	swait.ge [sflag:s25], $0x400  }
0x15d: {  	[sflag:s25] =	ssyncset.done $0x0  }
0x15e: {  	s10 =	sadd.s32 $0x1C00, s10;
	[sflag:s25] =	ssyncadd.s32 $0xFFFFFC00  }
0x15f: {  	[tilespmem:s4], [sflag:$0x1] =	stream.linear.gather [hbm4b:s10+s4], $0x2000, $0x38;
	[tilespmem:$0x1E500] =	vst v63  }
0x160: {  	_ =	swait.ge [sflag:s25], $0x2000  }
0x161: {  	[sflag:s25] =	ssyncset.done $0x0  }
0x162: {  	[sflag:s25] =	ssyncadd.s32 $0xFFFFE000  }
0x163: {  	[spmem:s1] =	stream.indirect.scatter.add.f32 [tilespmem:s4], [sflag:$0x1], $0x40, s12, s28, $0xb8;
	[tilespmem:$0x1E500] =	vst v63  }
0x164: {  	_ =	swait.ge [sflag:s25], $0x2000  }
0x165: {  	p1 =	sne.s32 s8, $0x62000;
	[sflag:s25] =	ssyncset.done $0x0  }
.Ltmp1:
0x166: {  	[sflag:s25] =	ssyncadd.s32 $0xFFFFE000;
	(pc) =	sbr.rel @p1 .LBB2_4-.Ltmp1, $4  }
0x167: {  	[spmem:s2] =	stream.indirect.scatter.add.f32 [tilespmem:s24], [sflag:$0x1], $0x8, s12, s28, $0xb8;
	[tilespmem:$0x1E500] =	vst v63  }
0x168: {  	_ =	swait.ge [sflag:s25], $0x400  }
0x169: {  	[sflag:s25] =	ssyncset.done $0x0  }
0x16a: {  	s9 =	sadd.s32 $0x80, s9;
	s8 =	sadd.s32 $0x2000, s8;
	[sflag:s25] =	ssyncadd.s32 $0xFFFFFC00  }
0x16b: {  	[bflag:$0x0] =	sbarrier.arrive $0xFFFF  }
0x16c: {  	s8 =	rddreg [dreg:$0x6]  }
0x16d: {  	s9 =	rddreg [dreg:$0xc];
	s8 =	sshrl.u32 s8, $0x3  }
0x16e: {  	[hbm:s9], [sflag:s7] =	dma.local [spmem:s8], $0x400  }
0x16f: {  	_ =	swait.ge [sflag:s25], $0x400  }
0x170: {  	[sflag:s25] =	ssyncset.done $0x0;
	s10 =	rddreg [dreg:$0x7]  }
0x171: {  	s11 =	rddreg [dreg:$0xd];
	[sflag:s25] =	ssyncadd.s32 $0xFFFFFC00;
	s8 =	sshrl.u32 s10, $0x3  }
0x172: {  	[hbm:s11], [sflag:s7] =	dma.local [spmem:s8], $0x400  }
0x173: {  	_ =	swait.ge [sflag:s25], $0x400  }
0x174: {  	[sflag:s25] =	ssyncset.done $0x0;
	s10 =	rddreg [dreg:$0x8]  }
0x175: {  	s11 =	rddreg [dreg:$0xe];
	[sflag:s25] =	ssyncadd.s32 $0xFFFFFC00;
	s8 =	sshrl.u32 s10, $0x3  }
0x176: {  	[hbm:s11], [sflag:s7] =	dma.local [spmem:s8], $0x400  }
0x177: {  	_ =	swait.ge [sflag:s25], $0x400  }
0x178: {  	[sflag:s25] =	ssyncset.done $0x0;
	s10 =	rddreg [dreg:$0x9]  }
0x179: {  	s11 =	rddreg [dreg:$0xf];
	[sflag:s25] =	ssyncadd.s32 $0xFFFFFC00;
	s8 =	sshrl.u32 s10, $0x3  }
0x17a: {  	[hbm:s11], [sflag:s7] =	dma.local [spmem:s8], $0x400  }
0x17b: {  	_ =	swait.ge [sflag:s25], $0x400  }
0x17c: {  	s10 =	sshrl.u32 s13, $0x3;
	[sflag:s25] =	ssyncset.done $0x0  }
0x17d: {  	s11 =	smov.u32 s13;
	s13 =	rddreg [dreg:$0x10];
	[sflag:s25] =	ssyncadd.s32 $0xFFFFFC00  }
0x17e: {  	[hbm:s13], [sflag:s7] =	dma.local [spmem:s10], $0x400  }
0x17f: {  	_ =	swait.ge [sflag:s25], $0x400  }
0x180: {  	[sflag:s25] =	ssyncset.done $0x0;
	s10 =	rddreg [dreg:$0xb]  }
0x181: {  	s13 =	rddreg [dreg:$0x11];
	[sflag:s25] =	ssyncadd.s32 $0xFFFFFC00;
	s8 =	sshrl.u32 s10, $0x3  }
0x182: {  	[hbm:s13], [sflag:s7] =	dma.local [spmem:s8], $0x400  }
0x183: {  	_ =	swait.ge [sflag:s25], $0x400  }
0x184: {  	[sflag:s25] =	ssyncset.done $0x0  }
0x185: {  	s10 =	sshrl.u32 s14, $0x3;
	s13 =	rddreg [dreg:$0x12];
	[sflag:s25] =	ssyncadd.s32 $0xFFFFFC00  }
0x186: {  	[hbm:s13], [sflag:s7] =	dma.local [spmem:s10], $0x400  }
0x187: {  	_ =	swait.ge [sflag:s25], $0x400  }
0x188: {  	[sflag:s25] =	ssyncset.done $0x0  }
0x189: {  	s10 =	sshrl.u32 s15, $0x3;
	s13 =	rddreg [dreg:$0x13];
	[sflag:s25] =	ssyncadd.s32 $0xFFFFFC00  }
0x18a: {  	[hbm:s13], [sflag:s7] =	dma.local [spmem:s10], $0x400  }
0x18b: {  	_ =	swait.ge [sflag:s25], $0x400  }
0x18c: {  	[sflag:s25] =	ssyncset.done $0x0  }
0x18d: {  	s10 =	sshrl.u32 s16, $0x3;
	s13 =	rddreg [dreg:$0x14];
	[sflag:s25] =	ssyncadd.s32 $0xFFFFFC00  }
0x18e: {  	[hbm:s13], [sflag:s7] =	dma.local [spmem:s10], $0x400  }
0x18f: {  	_ =	swait.ge [sflag:s25], $0x400  }
0x190: {  	[sflag:s25] =	ssyncset.done $0x0  }
0x191: {  	s10 =	sshrl.u32 s17, $0x3;
	s13 =	rddreg [dreg:$0x15];
	[sflag:s25] =	ssyncadd.s32 $0xFFFFFC00  }
0x192: {  	[hbm:s13], [sflag:s7] =	dma.local [spmem:s10], $0x400  }
0x193: {  	_ =	swait.ge [sflag:s25], $0x400  }
0x194: {  	[sflag:s25] =	ssyncset.done $0x0  }
0x195: {  	s10 =	sshrl.u32 s18, $0x3;
	s13 =	rddreg [dreg:$0x16];
	[sflag:s25] =	ssyncadd.s32 $0xFFFFFC00  }
0x196: {  	[hbm:s13], [sflag:s7] =	dma.local [spmem:s10], $0x400  }
0x197: {  	_ =	swait.ge [sflag:s25], $0x400  }
0x198: {  	[sflag:s25] =	ssyncset.done $0x0  }
0x199: {  	s10 =	sshrl.u32 s19, $0x3;
	s13 =	rddreg [dreg:$0x17];
	[sflag:s25] =	ssyncadd.s32 $0xFFFFFC00  }
0x19a: {  	[hbm:s13], [sflag:s7] =	dma.local [spmem:s10], $0x400  }
0x19b: {  	_ =	swait.ge [sflag:s25], $0x400  }
0x19c: {  	[sflag:s25] =	ssyncset.done $0x0  }
0x19d: {  	s9 =	sshrl.u32 s20, $0x3;
	s10 =	rddreg [dreg:$0x18];
	[sflag:s25] =	ssyncadd.s32 $0xFFFFFC00  }
0x19e: {  	[hbm:s10], [sflag:s7] =	dma.local [spmem:s9], $0x100  }
0x19f: {  	_ =	swait.ge [sflag:s25], $0x100  }
0x1a0: {  	[sflag:s25] =	ssyncset.done $0x0  }
0x1a1: {  	s8 =	sshrl.u32 @!p0 s2, $0x3;
	s9 =	rddreg [dreg:$0xa];
	[sflag:s25] =	ssyncadd.s32 $0xFFFFFF00  }
0x1a2: {  	[hbm:s9], [sflag:s7] =	dma.local @!p0 [spmem:s8], $0x6200  }
0x1a3: {  	s7 =	simm.s32 @!p0 $0x1  }
0x1a4: {  	_ =	swait.ge @!p0 [sflag:s7], $0x6200  }
0x1a5: {  	s23 =	sadd.s32 $0x1, s23;
	s13 =	rddreg [dreg:$0x19]  }
0x1a6: {  	p1 =	sne.s32 s23, s13  }
.Ltmp2:
0x1a7: {  	_ = 	snop;
	(pc) =	sbr.rel @p1 .LBB2_1-.Ltmp2, $3  }
0x1a8: {  	_ =	sdelay $0x1  }
0x1a9: {  	[sflag:s7] =	ssyncset.done @!p0 $0x0  }
0x1aa: {  	[sflag:s7] =	ssyncadd.s32 @!p0 $0xFFFF9E00  }
0x1ab: {  	_ =	sfence.sel $0x180000  }
0x1ac: {  	[bflag:$0x0] =	sbarrier.arrive $0xFFFF  }
0x1ad: {  	_ =	strace $0x9000004A  }
0x1ae: {  	[bflag:$0x2] =	sbarrier.arrive $0xFFFF  }
0x1af: {  	s0 =	rddreg [dreg:$0x4]  }
0x1b0: {  	s0 =	sadd.s32 @!p0 $0x100000, s0  }
0x1b1: {  	[sflag:s0] =	ssyncadd.tile.s32 @!p0 $0x1;
	_ =	shalt  }
.Lfunc_end2:
_tile_overlayer_lowered:
.L_overlay_start_2:
0x1b2: {  	(tag) =	ssettag $0x2  }
0x1b3: {  	s0 =	rddreg [dreg:$0x0];
	s2 =	stileid.u32  }
0x1b4: {  	s1 =	rddreg [dreg:$0x1];
	p0 =	sne.s32 s2, $0x0  }
0x1b5: {  	s3 =	rddreg [dreg:$0x2];
	[bflag:$0x3] =	sbarrier.arrive $0xFFFF;
	s2 =	simm.s32 @!p0 $0x1C01  }
0x1b6: {  	[timem:s3], [sflag:s2] =	dma.local @!p0 [hbm:s0], s1  }
0x1b7: {  	s0 =	simm.s32 @!p0 $0x1  }
0x1b8: {  	_ =	swait.ge @!p0 [sflag:s0], s1  }
0x1b9: {  	s1 =	ssub.s32 @!p0 $0x0, s1;
	[sflag:s0] =	ssyncset.done @!p0 $0x0  }
0x1ba: {  	[sflag:s0] =	ssyncadd.s32 @!p0 s1  }
0x1bb: {  	[bflag:$0x3] =	sbarrier.arrive $0xFFFF  }
0x1bc: {  	_ =	shalt  }

// kernel: kernel.7.cloned.1.call-start
scs
__scs_entry_jumppad:
0x0: {  	(pc) =	sbr.rel $0x88, $3  }
0x1: {  	(tag) =	ssettag $0x0;
	lr =	simm.s32 $0x1  }
0x2: {  	[smem:$0x3F96] =	sst lr;
	_ =	strace $0xD0000000  }
0x3: {  	_ = 	snop  }
0x4: {  	_ = 	snop  }
0x5: {  	_ = 	snop  }
0x6: {  	_ = 	snop  }
0x7: {  	_ = 	snop  }
__scs_overlays_trampoline_lowered:
0x8: {  	[smem:$0x3FA5] =	sst s0  }
0x9: {  	[smem:$0x3FA6] =	sst s1  }
0xa: {  	[smem:$0x3FA7] =	sst s2  }
0xb: {  	[smem:$0x3FA8] =	sst s3  }
0xc: {  	[smem:$0x3FA9] =	sst s4  }
0xd: {  	[smem:$0x3FAA] =	sst s5  }
0xe: {  	[smem:$0x3FAB] =	sst s6  }
0xf: {  	[smem:$0x3FAC] =	sst s7  }
0x10: {  	[smem:$0x3FAD] =	sst s8  }
0x11: {  	[smem:$0x3FAE] =	sst s9;
	s0 =	simm.s32 @!p0 $0x0  }
0x12: {  	s1 =	sld [smem:$0x3F94];
	s0 =	simm.s32 @p0 $0x1  }
0x13: {  	[smem:$0x3FAF] =	sst s0;
	s0 =	simm.s32 @!p1 $0x0  }
0x14: {  	s2 =	sld [smem:$0x3F93];
	s0 =	simm.s32 @p1 $0x1  }
0x15: {  	[smem:$0x3FB0] =	sst s0;
	s0 =	simm.s32 @!p2 $0x0  }
0x16: {  	s3 =	sld [smem:$0x3FDB];
	s0 =	simm.s32 @p2 $0x1  }
0x17: {  	s4 =	simm.s32 $0x1BF5;
	[smem:$0x3FB2] =	sst s0  }
0x18: {  	s0 =	sld [smem:$0x3F95];
	_ =	swait.ge [sflag:s4], $0x0  }
0x19: {  	s7 =	sld [smem:$0x3F96]  }
0x1a: {  	s8 =	sadd.s32 $0xFFFFE003, lr  }
0x1b: {  	s9 =	sadd.s32 $0xFFFFFEF7, lr;
	s5 =	simm.s32 $0xFFFFFFFF;
	p2 =	slt.u32 s8, $0xFFFFF086  }
0x1c: {  	p1 =	slt.u32 s9, $0xF7A;
	s5 =	simm.s32 @!p2 $0x0  }
0x1d: {  	s5 =	simm.s32 @p1 $0x1;
	p0 =	seq.s32 s7, s2  }
0x1e: {  	s7 =	smul.u32 @!p0 $0xF7A, s2;
	p2 =	seq.s32 @!p0 s5, $0x0  }
0x1f: {  	s9 =	smul.u32 $0xF7A, s1;
	s8 =	simm.s32 @!p0 $0x1BF5;
	p2 =	por !p2, p0  }
0x20: {  	[sflag:s8] =	ssyncset.s32 @!p0 $0xFFFFF086;
	s6 =	sadd.s32 @!p0 s3, s7;
	s7 =	simm.s32 @!p0 $0x108  }
0x21: {  	s3 =	sadd.s32 s3, s9;
	s6 =	sadd.s32 @!p0 $0x88, s6;
	s7 =	simm.s32 @p2 $0x1082  }
0x22: {  	[simem:s7], [sflag:s8] =	dma.local @!p0 [hbm:s6], $0xF7A  }
0x23: {  	s9 =	sor.u32 $0xD0000000, s2;
	s6 =	simm.s32 $0x108;
	_ =	swait.ge @!p0 [sflag:s8], $0x0  }
0x24: {  	s3 =	sadd.s32 $0x88, s3;
	s6 =	simm.s32 @!p1 $0x1082;
	[sflag:s4] =	ssyncset.s32 $0xFFFFF086  }
0x25: {  	[simem:s6], [sflag:s4] =	dma.local [hbm:s3], $0xF7A  }
0x26: {  	[smem:$0x3F96] =	sst s1;
	(tag) =	ssettag s2;
	_ =	strace s9  }
0x27: {  	s1 =	sld [smem:$0x3FA6]  }
0x28: {  	s2 =	sld [smem:$0x3FA7]  }
0x29: {  	s4 =	sld [smem:$0x3FA9]  }
0x2a: {  	p0 =	seq.s32 s5, $0x0;
	s5 =	sld [smem:$0x3FAA]  }
0x2b: {  	s6 =	sld [smem:$0x3FAB]  }
0x2c: {  	s7 =	sld [smem:$0x3FAC]  }
0x2d: {  	s3 =	simm.s32 $0x108;
	s8 =	sld [smem:$0x3FAD]  }
0x2e: {  	s3 =	simm.s32 @!p0 $0x1082;
	s9 =	sld [smem:$0x3FAE]  }
0x2f: {  	lr =	sadd.s32 s0, s3;
	s0 =	sld [smem:$0x3FA5]  }
0x30: {  	s3 =	sld [smem:$0x3FA8]  }
0x31: {  	[smem:$0x3FB1] =	sst s10  }
0x32: {  	s10 =	sld [smem:$0x3FAF];
	_ =	sdelay $0x3  }
0x33: {  	p0 =	seq.s32 s10, $0x1;
	s10 =	sld [smem:$0x3FB1];
	_ =	sdelay $0x3  }
0x34: {  	[smem:$0x3FB1] =	sst s10  }
0x35: {  	s10 =	sld [smem:$0x3FB0];
	_ =	sdelay $0x3  }
0x36: {  	p1 =	seq.s32 s10, $0x1;
	s10 =	sld [smem:$0x3FB1];
	_ =	sdelay $0x3  }
0x37: {  	[smem:$0x3FB1] =	sst s10  }
0x38: {  	s10 =	sld [smem:$0x3FB2]  }
0x39: {  	_ = 	snop;
	(pc) =	sbr.ind lr, $3  }
0x3a: {  	_ = 	snop  }
0x3b: {  	_ = 	snop  }
0x3c: {  	p2 =	seq.s32 s10, $0x1;
	s10 =	sld [smem:$0x3FB1]  }
0x3d: {  	_ =	shalt  }
0x3e: {  	_ =	shalt  }
0x3f: {  	_ =	shalt  }
0x40: {  	_ =	shalt  }
0x41: {  	_ =	shalt  }
0x42: {  	_ =	shalt  }
0x43: {  	_ =	shalt  }
0x44: {  	_ =	shalt  }
0x45: {  	_ =	shalt  }
0x46: {  	_ =	shalt  }
0x47: {  	_ =	shalt  }
0x48: {  	_ =	shalt  }
0x49: {  	_ =	shalt  }
0x4a: {  	_ =	shalt  }
0x4b: {  	_ =	shalt  }
0x4c: {  	_ =	shalt  }
0x4d: {  	_ =	shalt  }
0x4e: {  	_ =	shalt  }
0x4f: {  	_ =	shalt  }
0x50: {  	_ =	shalt  }
0x51: {  	_ =	shalt  }
0x52: {  	_ =	shalt  }
0x53: {  	_ =	shalt  }
0x54: {  	_ =	shalt  }
0x55: {  	_ =	shalt  }
0x56: {  	_ =	shalt  }
0x57: {  	_ =	shalt  }
0x58: {  	_ =	shalt  }
0x59: {  	_ =	shalt  }
0x5a: {  	_ =	shalt  }
0x5b: {  	_ =	shalt  }
0x5c: {  	_ =	shalt  }
0x5d: {  	_ =	shalt  }
0x5e: {  	_ =	shalt  }
0x5f: {  	_ =	shalt  }
0x60: {  	_ =	shalt  }
0x61: {  	_ =	shalt  }
0x62: {  	_ =	shalt  }
0x63: {  	_ =	shalt  }
0x64: {  	_ =	shalt  }
0x65: {  	_ =	shalt  }
0x66: {  	_ =	shalt  }
0x67: {  	_ =	shalt  }
0x68: {  	_ =	shalt  }
0x69: {  	_ =	shalt  }
0x6a: {  	_ =	shalt  }
0x6b: {  	_ =	shalt  }
0x6c: {  	_ =	shalt  }
0x6d: {  	_ =	shalt  }
0x6e: {  	_ =	shalt  }
0x6f: {  	_ =	shalt  }
0x70: {  	_ =	shalt  }
0x71: {  	_ =	shalt  }
0x72: {  	_ =	shalt  }
0x73: {  	_ =	shalt  }
0x74: {  	_ =	shalt  }
0x75: {  	_ =	shalt  }
0x76: {  	_ =	shalt  }
0x77: {  	_ =	shalt  }
0x78: {  	_ =	shalt  }
0x79: {  	_ =	shalt  }
0x7a: {  	_ =	shalt  }
0x7b: {  	_ =	shalt  }
0x7c: {  	_ =	shalt  }
0x7d: {  	_ =	shalt  }
0x7e: {  	_ =	shalt  }
0x7f: {  	_ =	shalt  }
0x80: {  	_ =	shalt  }
0x81: {  	_ =	shalt  }
0x82: {  	_ =	shalt  }
0x83: {  	_ =	shalt  }
0x84: {  	_ =	shalt  }
0x85: {  	_ =	shalt  }
0x86: {  	_ =	shalt  }
0x87: {  	_ =	shalt  }
.Lfunc_end0:
.L_simem_size_0:
called_computation_lowered:
.L_overlay_start_0:
0x88: {  	s2 =	sld [smem:$0x3FD9]  }
0x89: {  	s3 =	sld [smem:$0x3FFE];
	_ =	sdelay $0x1  }
0x8a: {  	s1 =	srdreg.scid  }
0x8b: {  	s0 =	sand.u32 $0x1, s1  }
0x8c: {  	s16 =	sshll.u32 s0, $0xA;
	s2 =	sadd.s32 s3, s2  }
0x8d: {  	s2 =	sadd.s32 s2, s16  }
0x8e: {  	[smem:$0x3FBD] =	sst s2  }
0x8f: {  	_ = 	snop  }
0x90: {  	(tm) =	ssettm $0x1  }
0x91: {  	s17 =	sld [smem:$0x3FFB];
	_ =	sdelay $0x3  }
0x92: {  	_ =	strace s17  }
0x93: {  	s2 =	sld [smem:$0x3FFC];
	_ =	sdelay $0x3  }
0x94: {  	_ =	strace s2  }
0x95: {  	s2 =	sld [smem:$0x3FFD];
	_ =	sdelay $0x3  }
0x96: {  	_ =	strace s2  }
0x97: {  	_ =	strace $0x8FFFFFFF  }
0x98: {  	s18 =	sld [smem:$0x3FDB];
	_ =	sdelay $0x1  }
0x99: {  	s19 =	simm.s32 $_scs_section_size  }
0x9a: {  	s4 =	simm.s32 $_size__tile_overlayer_lowered;
	s5 =	simm.s32 $_tile_overlayer_lowered  }
0x9b: {  	s22 =	simm.s32 $0x1BFF;
	s21 =	sshll.u32 s5, $0x1;
	s2 =	sadd.s32 s19, s18  }
0x9c: {  	s6 =	simm.s32 $0x0;
	s20 =	sshll.u32 s4, $0x1;
	s4 =	sadd.s32 s21, s2  }
0x9d: {  	[timem:s6], [sflag:s22] =	dma.local [hbm:s4], s20  }
0x9e: {  	_ =	swait.ge [sflag:s22], s20  }
0x9f: {  	s3 =	ssub.s32 $0x0, s20;
	[sflag:s22] =	ssyncset.done $0x0  }
0xa0: {  	[sflag:s22] =	ssyncadd.s32 s3;
	_ =	sdelay $0x1  }
0xa1: {  	s23 =	simm.s32 $0x1B8B  }
0xa2: {  	_ =	swait.ge [sflag:s23], $0x1  }
0xa3: {  	[sflag:s23] =	ssyncset.done $0x0  }
0xa4: {  	s25 =	simm.s32 $0x1B8E;
	s24 =	sld [smem:$0x3FFE];
	[sflag:s23] =	ssyncadd.s32 $0xFFFFFFFF  }
0xa5: {  	s26 =	simm.s32 $execute0_lowered;
	[smem:$0x3FD2] =	sst s25  }
0xa6: {  	s4 =	sshll.u32 s26, $0x1;
	_ =	strace $0x80000046;
	[dreg:$0x1] =	wrdreg $0xFFFFFFFF  }
0xa7: {  	s28 =	simm.s32 $_size_execute0_lowered;
	s2 =	sadd.s32 s2, s4;
	[dreg:$0x0] =	wrdreg $0x0  }
0xa8: {  	s4 =	sshll.u32 s28, $0x1;
	[dreg:$0x2] =	wrdreg s2  }
0xa9: {  	[dreg:$0x3] =	wrdreg s4  }
0xaa: {  	[dreg:$0x4] =	wrdreg $0xC0  }
0xab: {  	_ =	task [dreg:s6], $0x5FFFF  }
0xac: {  	[dreg:$0x1] =	wrdreg $0xFFFFFFFF  }
0xad: {  	[dreg:$0x0] =	wrdreg $0x60  }
0xae: {  	[dreg:$0x2] =	wrdreg s24  }
0xaf: {  	[dreg:$0x3] =	wrdreg $0x9  }
0xb0: {  	_ =	task.clear_ibuf [dreg:s6], $0x4FFFF;
	_ =	strace $0x90000046  }
0xb1: {  	s29 =	simm.s32 $0x9;
	_ =	strace $0x80000048  }
0xb2: {  	_ =	swait.ge [sflag:s29], $0x1  }
0xb3: {  	[sflag:s29] =	ssyncadd.s32 $0xFFFFFFFF  }
0xb4: {  	_ =	strace $0x90000048  }
0xb5: {  	_ =	sfence  }
0xb6: {  	s30 =	sld [smem:$0x0];
	_ =	sdelay $0x2  }
0xb7: {  	s31 =	sshll.u32 s1, $0xD;
	s1 =	sshrl.u32 s1, $0x2  }
0xb8: {  	s3 =	sand.u32 $0x4000, s31;
	s1 =	sadd.s32 s1, s30  }
0xb9: {  	s0 =	sor.u32 s3, s0;
	s1 =	sshll.u32 s1, $0x11  }
0xba: {  	s0 =	sor.u32 s1, s0  }
0xbb: {  	s0 =	sadd.s32 $0x8F2B, s0  }
0xbc: {  	[sflag:s0] =	ssyncadd.remote.s32 $0x1  }
0xbd: {  	_ =	sfence.sel $0xFFFF  }
0xbe: {  	[dreg:$0x0] =	wrdreg $0xFFFFFFFF;
	(pc) =	sbr.abs _section_cstart, $3  }
0xbf: {  	[dreg:$0x1] =	wrdreg $0xFFFFFFFF  }
0xc0: {  	_ =	task.clear_ibuf [dreg:s6], $0x2FFFF;
	_ =	strace $0x9FFFFFFF  }
0xc1: {  	(tm) =	ssettm $0x7FFFFFFF  }
tec
execute0_lowered:
.L_overlay_start_1:
0x0: {  	(tag) =	ssettag $0x1  }
0x1: {  	s5 =	rddreg [dreg:$0x0]  }
0x2: {  	s0 =	rddreg [dreg:$0x1]  }
0x3: {  	s3 =	srdreg.scid;
	s1 =	stileid.u32;
	s2 =	simm.s32 $0x0  }
0x4: {  	s10 =	simm.s32 $0x2;
	s11 =	simm.s32 $0x6400;
	s12 =	simm.s32 $0x80  }
0x5: {  	s13 =	simm.s32 $0xC800;
	s14 =	simm.s32 $0x14800;
	s15 =	simm.s32 $0xE800  }
0x6: {  	s16 =	simm.s32 $0x16800;
	s17 =	simm.s32 $0x10800;
	s18 =	simm.s32 $0x18800  }
0x7: {  	s19 =	simm.s32 $0x12800;
	s20 =	simm.s32 $0x1A800;
	s21 =	simm.s32 $0x1  }
0x8: {  	s22 =	simm.s32 $0x0;
	s6 =	sand.u32 $0x1, s3;
	s31 =	sshll.u32 s1, $0x1  }
0x9: {  	[smem:$0x7FF] =	sst s2;
	s3 =	sadd.s32 $0x96E00, s5;
	s8 =	sor.u32 s6, s31  }
0xa: {  	s4 =	sadd.s32 $0xF8E00, s5;
	s6 =	ssub.s32 $0x2, s6;
	s7 =	smul.u32 $0xC80, s8  }
0xb: {  	_ =	strace $0x80000047;
	s9 =	sshrl.u32 s6, $0x1;
	s8 =	smul.u32 $0x190000, s8  }
0xc: {  	s9 =	ssub.s32 s6, s9;
	s7 =	sadd.s32 s7, s5;
	s5 =	sadd.s32 $0x15AE00, s5  }
0xd: {  	s9 =	smax.u32 s9, $0x1;
	s6 =	sadd.s32 $0x7DC00, s7;
	s7 =	sadd.s32 $0x64A00, s7  }
.LBB2_1:
0xe: {  	[tilespmem:s2], [sflag:$0x2] =	stream.linear.gather [hbm4b:s6+s2], $0x6400, $0x38;
	[tilespmem:$0x1C800] =	vst v63  }
0xf: {  	_ =	swait.ge [sflag:s10], $0x6400  }
0x10: {  	[sflag:s10] =	ssyncset.done $0x0  }
0x11: {  	[sflag:s10] =	ssyncadd.s32 $0xFFFF9C00  }
0x12: {  	[tilespmem:s11], [sflag:$0x2] =	stream.linear.gather [hbm4b:s7+s2], $0x6400, $0x38;
	[tilespmem:$0x1C800] =	vst v63  }
0x13: {  	_ =	swait.ge [sflag:s10], $0x6400  }
0x14: {  	[sflag:s10] =	ssyncset.done $0x0  }
0x15: {  	s23 =	simm.s32 $0x0;
	[sflag:s10] =	ssyncadd.s32 $0xFFFF9C00  }
.LBB2_2:
0x16: {  	s24 =	sshll.u32 s23, $0x9  }
0x17: {  	[tilespmem:s13], [sflag:$0x1] =	stream.indirect.gather [hbm4b:s3+s12], $0x40, s24, s12, $0xb8;
	[tilespmem:$0x1C800] =	vst v63  }
0x18: {  	s25 =	sadd.s32 $0x6400, s24  }
0x19: {  	[tilespmem:s14], [sflag:$0x1] =	stream.indirect.gather [hbm4b:s4+s12], $0x40, s25, s12, $0xb8;
	[tilespmem:$0x1C800] =	vst v63  }
0x1a: {  	s26 =	sor.u32 $0x80, s24  }
0x1b: {  	[tilespmem:s15], [sflag:$0x1] =	stream.indirect.gather [hbm4b:s3+s12], $0x40, s26, s12, $0xb8;
	[tilespmem:$0x1C800] =	vst v63  }
0x1c: {  	s28 =	sadd.s32 $0x6480, s24  }
0x1d: {  	[tilespmem:s16], [sflag:$0x1] =	stream.indirect.gather [hbm4b:s4+s12], $0x40, s28, s12, $0xb8;
	[tilespmem:$0x1C800] =	vst v63  }
0x1e: {  	s29 =	sor.u32 $0x100, s24  }
0x1f: {  	[tilespmem:s17], [sflag:$0x1] =	stream.indirect.gather [hbm4b:s3+s12], $0x40, s29, s12, $0xb8;
	[tilespmem:$0x1C800] =	vst v63  }
0x20: {  	s30 =	sadd.s32 $0x6500, s24  }
0x21: {  	[tilespmem:s18], [sflag:$0x1] =	stream.indirect.gather [hbm4b:s4+s12], $0x40, s30, s12, $0xb8;
	[tilespmem:$0x1C800] =	vst v63  }
0x22: {  	s31 =	sor.u32 $0x180, s24  }
0x23: {  	[tilespmem:s19], [sflag:$0x1] =	stream.indirect.gather [hbm4b:s3+s12], $0x40, s31, s12, $0xb8;
	[tilespmem:$0x1C800] =	vst v63  }
0x24: {  	s24 =	sadd.s32 $0x6580, s24  }
0x25: {  	[tilespmem:s20], [sflag:$0x1] =	stream.indirect.gather [hbm4b:s4+s12], $0x40, s24, s12, $0xb8;
	[tilespmem:$0x1C800] =	vst v63  }
0x26: {  	_ =	swait.ge [sflag:s21], $0x2000  }
0x27: {  	[sflag:s21] =	ssyncset.done $0x0  }
0x28: {  	[sflag:s21] =	ssyncadd.s32 $0xFFFFE000  }
0x29: {  	_ =	swait.ge [sflag:s21], $0x2000  }
0x2a: {  	[sflag:s21] =	ssyncset.done $0x0  }
0x2b: {  	[sflag:s21] =	ssyncadd.s32 $0xFFFFE000  }
0x2c: {  	_ =	swait.ge [sflag:s21], $0x2000  }
0x2d: {  	[sflag:s21] =	ssyncset.done $0x0  }
0x2e: {  	[sflag:s21] =	ssyncadd.s32 $0xFFFFE000  }
0x2f: {  	_ =	swait.ge [sflag:s21], $0x2000  }
0x30: {  	[sflag:s21] =	ssyncset.done $0x0  }
0x31: {  	[sflag:s21] =	ssyncadd.s32 $0xFFFFE000  }
0x32: {  	_ =	swait.ge [sflag:s21], $0x2000  }
0x33: {  	[sflag:s21] =	ssyncset.done $0x0  }
0x34: {  	[sflag:s21] =	ssyncadd.s32 $0xFFFFE000  }
0x35: {  	_ =	swait.ge [sflag:s21], $0x2000  }
0x36: {  	[sflag:s21] =	ssyncset.done $0x0  }
0x37: {  	[sflag:s21] =	ssyncadd.s32 $0xFFFFE000  }
0x38: {  	_ =	swait.ge [sflag:s21], $0x2000  }
0x39: {  	[sflag:s21] =	ssyncset.done $0x0  }
0x3a: {  	[sflag:s21] =	ssyncadd.s32 $0xFFFFE000  }
0x3b: {  	_ =	swait.ge [sflag:s21], $0x2000  }
0x3c: {  	[sflag:s21] =	ssyncset.done $0x0  }
0x3d: {  	s24 =	simm.s32 $0x0;
	[sflag:s21] =	ssyncadd.s32 $0xFFFFE000  }
0x3e: {  	v2 =	vld [tilespmem:s24+$0x14800]  }
0x3f: {  	v3 =	vld [tilespmem:s24+$0x14810]  }
0x40: {  	v1 =	vld [tilespmem:s24+$0x14820]  }
0x41: {  	v0 =	vld [tilespmem:s24+$0x14830]  }
0x42: {  	v4 =	vld [tilespmem:s24+$0xC800]  }
0x43: {  	v6 =	vld [tilespmem:s24+$0xC810]  }
0x44: {  	s25 =	simm.s32 $0x100;
	v5 =	vld [tilespmem:s24+$0xC820]  }
.LBB2_3:
0x45: {  	p0 =	sne.s32 s25, $0x1FF00;
	v7 =	vld [tilespmem:s24+$0xC830]  }
0x46: {  	s26 =	sshra.s32 s25, $0x2  }
0x47: {  	v4 =	vadd.f32 v2, v4;
	v2 =	vld [tilespmem:s26+$0x14800]  }
0x48: {  	v6 =	vadd.f32 v3, v6;
	v3 =	vld [tilespmem:s26+$0x14810]  }
.Ltmp0:
0x49: {  	v4 =	vmax.f32 v4, $0.0e+00;
	v5 =	vadd.f32 v1, v5;
	v1 =	vld [tilespmem:s26+$0x14820];
	(pc) =	sbr.rel @p0 .LBB2_3-.Ltmp0, $4  }
0x4a: {  	[tilespmem:s24+$0xC800] =	vst v4;
	v6 =	vmax.f32 v6, $0.0e+00;
	v7 =	vadd.f32 v0, v7;
	v0 =	vld [tilespmem:s26+$0x14830]  }
0x4b: {  	v4 =	vld [tilespmem:s26+$0xC800];
	[tilespmem:s24+$0xC810] =	vst v6;
	v5 =	vmax.f32 v5, $0.0e+00  }
0x4c: {  	v6 =	vld [tilespmem:s26+$0xC810];
	[tilespmem:s24+$0xC820] =	vst v5;
	v7 =	vmax.f32 v7, $0.0e+00  }
0x4d: {  	s25 =	sadd.s32 $0x100, s25;
	v5 =	vld [tilespmem:s26+$0xC820];
	[tilespmem:s24+$0xC830] =	vst v7;
	s24 =	smov.u32 s26  }
0x4e: {  	v7 =	vld [tilespmem:s24+$0xC830];
	_ =	sdelay $0x1  }
0x4f: {  	v2 =	vadd.f32 v2, v4  }
0x50: {  	v3 =	vadd.f32 v3, v6  }
0x51: {  	v2 =	vmax.f32 v2, $0.0e+00;
	v1 =	vadd.f32 v1, v5  }
0x52: {  	s25 =	sshll.u32 s23, $0xF;
	[tilespmem:s24+$0xC800] =	vst v2;
	v63 =	vmax.f32 v3, $0.0e+00;
	v0 =	vadd.f32 v0, v7  }
0x53: {  	s23 =	sadd.s32 $0x1, s23;
	s25 =	sadd.s32 s8, s25;
	[tilespmem:s24+$0xC810] =	vst v63;
	v1 =	vmax.f32 v1, $0.0e+00  }
0x54: {  	p0 =	sne.s32 s23, $0x32;
	s25 =	sshrl.u32 s25, $0x3;
	[tilespmem:s24+$0xC820] =	vst v1;
	v0 =	vmax.f32 v0, $0.0e+00  }
.Ltmp1:
0x55: {  	s31 =	sadd.s32 s5, s25;
	[tilespmem:s24+$0xC830] =	vst v0;
	(pc) =	sbr.rel @p0 .LBB2_2-.Ltmp1, $4  }
0x56: {  	[hbm4b:s31+s2] =	stream.linear.scatter [tilespmem:s13], [sflag:$0x2], $0x8000, $0x38;
	[tilespmem:$0x1C800] =	vst v63  }
0x57: {  	_ =	swait.ge [sflag:s10], $0x8000  }
0x58: {  	[sflag:s10] =	ssyncset.done $0x0  }
0x59: {  	[sflag:s10] =	ssyncadd.s32 $0xFFFF8000  }
0x5a: {  	s22 =	sadd.s32 $0x1, s22  }
0x5b: {  	p0 =	sne.s32 s22, s9  }
.Ltmp2:
0x5c: {  	_ = 	snop;
	(pc) =	sbr.rel @p0 .LBB2_1-.Ltmp2, $1  }
0x5d: {  	_ =	sdelay $0x3  }
0x5e: {  	_ =	sfence.sel $0x180000  }
0x5f: {  	[bflag:$0x0] =	sbarrier.arrive $0xFFFF  }
0x60: {  	p0 =	sne.s32 s1, $0x0;
	_ =	strace $0x90000047  }
0x61: {  	s0 =	sadd.s32 @!p0 $0x100000, s0;
	[bflag:$0x2] =	sbarrier.arrive $0xFFFF  }
0x62: {  	[sflag:s0] =	ssyncadd.tile.s32 @!p0 $0x1;
	_ =	shalt  }
.Lfunc_end2:
_tile_overlayer_lowered:
.L_overlay_start_2:
0x63: {  	(tag) =	ssettag $0x2  }
0x64: {  	s0 =	rddreg [dreg:$0x0];
	s2 =	stileid.u32  }
0x65: {  	s1 =	rddreg [dreg:$0x1];
	p0 =	sne.s32 s2, $0x0  }
0x66: {  	s3 =	rddreg [dreg:$0x2];
	[bflag:$0x3] =	sbarrier.arrive $0xFFFF;
	s2 =	simm.s32 @!p0 $0x1C02  }
0x67: {  	[timem:s3], [sflag:s2] =	dma.local @!p0 [hbm:s0], s1  }
0x68: {  	s0 =	simm.s32 @!p0 $0x2  }
0x69: {  	_ =	swait.ge @!p0 [sflag:s0], s1  }
0x6a: {  	s1 =	ssub.s32 @!p0 $0x0, s1;
	[sflag:s0] =	ssyncset.done @!p0 $0x0  }
0x6b: {  	[sflag:s0] =	ssyncadd.s32 @!p0 s1  }
0x6c: {  	[bflag:$0x3] =	sbarrier.arrive $0xFFFF  }
0x6d: {  	_ =	shalt  }

</sc_bundles>
